<compile_context>
chip_gen: v7x
topology: tpu7x:2x2x1
jax: 0.10.2.dev20260603
libtpu: 0.0.44.dev20260713+nightly
codegen_flags: <defaults>
</compile_context>

<pallas_src>
import jax
import jax.numpy as jnp
from jax import lax
from jax.experimental import pallas as pl
from jax.experimental.pallas import tpu as pltpu
from jax.experimental.pallas import tpu_sc as plsc

N_NODES = 10000
N_EDGES = 320000
DIM = 128

NC = 2
NS = 16
NW = NC * NS

EC = 64
CHUNKS_PER_W = 157
N_CHUNKS = NW * CHUNKS_PER_W
E_PAD = N_CHUNKS * EC
N_TAB = 10112
ROWS_PER_SUB = N_TAB // NS


def _proj_body(x_ref, we_ref, be_ref, ps_ref, pd_ref):
    xv = x_ref[...]
    ps_ref[...] = jnp.dot(xv, we_ref[0:DIM, :], preferred_element_type=jnp.float32)
    pd_ref[...] = (
        jnp.dot(xv, we_ref[DIM : 2 * DIM, :], preferred_element_type=jnp.float32)
        + be_ref[...]
    )


def _project(x_pad, W_edge, b_edge):
    return pl.pallas_call(
        _proj_body,
        out_shape=[
            jax.ShapeDtypeStruct((N_TAB, DIM), jnp.float32),
            jax.ShapeDtypeStruct((N_TAB, DIM), jnp.float32),
        ],
    )(x_pad, W_edge, b_edge.reshape(1, DIM))


def _sc_body(ps_hbm, pd_hbm, ei_hbm, out_hbm,
             idx, rows_a, rows_b, rows_m, agg,
             gsem0, gsem1, ssem0, ssem1, isem):
    cid = lax.axis_index("c")
    sid = lax.axis_index("s")
    wid = sid * NC + cid
    gsems = (gsem0, gsem1)
    ssems = (ssem0, ssem1)

    @pl.loop(0, EC)
    def _zero_rows(j):
        for i in range(DIM // 16):
            rows_m[0, j, pl.ds(i * 16, 16)] = jnp.zeros((16,), jnp.float32)

    row0 = sid * ROWS_PER_SUB
    for r in range(ROWS_PER_SUB // EC):
        pltpu.sync_copy(rows_m.at[0], agg.at[pl.ds(row0 + r * EC, EC)])
    rem = ROWS_PER_SUB % EC
    if rem:
        pltpu.sync_copy(rows_m.at[0, pl.ds(0, rem)],
                        agg.at[pl.ds(row0 + ROWS_PER_SUB - rem, rem)])
    plsc.subcore_barrier()

    def _issue_idx(t, q):
        pltpu.async_copy(ei_hbm.at[wid * CHUNKS_PER_W + t], idx.at[q], isem)

    def _wait_idx(q):
        pltpu.make_async_copy(ei_hbm.at[0], idx.at[q], isem).wait()

    def _issue_gathers(p, q):
        pltpu.async_copy(ps_hbm.at[idx.at[q, 0]], rows_a.at[p], gsems[p])
        pltpu.async_copy(pd_hbm.at[idx.at[q, 1]], rows_b.at[p], gsems[p])

    def _wait_gathers(p, q):
        pltpu.make_async_copy(ps_hbm.at[idx.at[q, 0]], rows_a.at[p], gsems[p]).wait()
        pltpu.make_async_copy(pd_hbm.at[idx.at[q, 1]], rows_b.at[p], gsems[p]).wait()

    def _issue_scatter(p, q):
        pltpu.async_copy(rows_m.at[p], agg.at[idx.at[q, 1]], ssems[p], add=True)

    def _wait_scatter(p, q):
        pltpu.make_async_copy(rows_m.at[p], agg.at[idx.at[q, 1]], ssems[p]).wait()

    def _compute(p):
        @plsc.parallel_loop(0, EC, unroll=4)
        def _relu_add(j):
            for i in range(DIM // 16):
                a = rows_a[p, j, pl.ds(i * 16, 16)]
                b = rows_b[p, j, pl.ds(i * 16, 16)]
                rows_m[p, j, pl.ds(i * 16, 16)] = jnp.maximum(a + b, 0.0)

    def _process(t, p, first=False, last=False):
        q = t % 4
        qn = (t + 2) % 4
        _wait_gathers(p, q)
        if not first:
            _wait_scatter(p, qn)
        if not last:
            _issue_idx(t + 2, qn)
        _compute(p)
        _issue_scatter(p, q)
        if not last:
            _wait_idx(qn)
            _issue_gathers(p, qn)

    _issue_idx(0, 0)
    _issue_idx(1, 1)
    _wait_idx(0)
    _issue_gathers(0, 0)
    _wait_idx(1)
    _issue_gathers(1, 1)
    _process(0, 0, first=True)
    _process(1, 1, first=True)

    @pl.loop(2, CHUNKS_PER_W - 3, step=2)
    def _pair(t):
        _process(t, 0)
        _process(t + 1, 1)

    _process(CHUNKS_PER_W - 3, 0)
    _process(CHUNKS_PER_W - 2, 1, last=True)
    _process(CHUNKS_PER_W - 1, 0, last=True)
    _wait_scatter((CHUNKS_PER_W - 2) % 2, (CHUNKS_PER_W - 2) % 4)
    _wait_scatter((CHUNKS_PER_W - 1) % 2, (CHUNKS_PER_W - 1) % 4)
    plsc.subcore_barrier()

    for r in range(ROWS_PER_SUB // EC):
        off = row0 + r * EC
        pltpu.sync_copy(agg.at[pl.ds(off, EC)],
                        out_hbm.at[pl.ds(cid * N_TAB + off, EC)])
    if rem:
        off = row0 + ROWS_PER_SUB - rem
        pltpu.sync_copy(agg.at[pl.ds(off, rem)],
                        out_hbm.at[pl.ds(cid * N_TAB + off, rem)])


def _sc_edge_stage(ps, pd, ei_blocks):
    mesh = plsc.VectorSubcoreMesh(
        core_axis_name="c", subcore_axis_name="s", num_cores=NC, num_subcores=NS
    )
    return pl.kernel(
        _sc_body,
        out_type=jax.ShapeDtypeStruct((NC * N_TAB, DIM), jnp.float32),
        mesh=mesh,
        scratch_types=[
            pltpu.VMEM((4, 2, EC), jnp.int32),
            pltpu.VMEM((2, EC, DIM), jnp.float32),
            pltpu.VMEM((2, EC, DIM), jnp.float32),
            pltpu.VMEM((2, EC, DIM), jnp.float32),
            pltpu.VMEM_SHARED((N_TAB, DIM), jnp.float32),
            pltpu.SemaphoreType.DMA,
            pltpu.SemaphoreType.DMA,
            pltpu.SemaphoreType.DMA,
            pltpu.SemaphoreType.DMA,
            pltpu.SemaphoreType.DMA,
        ],
    )(ps, pd, ei_blocks)


def _final_body(x_ref, agg_ref, wn_ref, bn_ref, o_ref):
    a = agg_ref[0:N_NODES, :] + agg_ref[N_TAB : N_TAB + N_NODES, :]
    o_ref[...] = (
        jnp.dot(x_ref[...], wn_ref[0:DIM, :], preferred_element_type=jnp.float32)
        + jnp.dot(a, wn_ref[DIM : 2 * DIM, :], preferred_element_type=jnp.float32)
        + bn_ref[...]
    )


def _final(x, agg2, W_node, b_node):
    return pl.pallas_call(
        _final_body,
        out_shape=jax.ShapeDtypeStruct((N_NODES, DIM), jnp.float32),
    )(x, agg2, W_node, b_node.reshape(1, DIM))


def kernel(x, edge_index, W_edge, b_edge, W_node, b_node):
    src = edge_index[0].astype(jnp.int32)
    dst = edge_index[1].astype(jnp.int32)
    n_dummy = E_PAD - N_EDGES
    ar = jnp.arange(n_dummy, dtype=jnp.int32)
    src_p = jnp.concatenate([src, ar % N_NODES])
    dst_p = jnp.concatenate([dst, N_NODES + ar % (N_TAB - N_NODES)])
    ei_blocks = jnp.stack(
        [src_p.reshape(N_CHUNKS, EC), dst_p.reshape(N_CHUNKS, EC)], axis=1
    )
    x_pad = jnp.pad(x, ((0, N_TAB - N_NODES), (0, 0)))

    ps, pd = _project(x_pad, W_edge, b_edge)
    agg2 = _sc_edge_stage(ps, pd, ei_blocks)
    return _final(x, agg2, W_node, b_node)

# --- scband reference (transcript-rebuilt; emitter-appended) ---
"""Pipeline reference for scband-gnblock-80642305950055 (READ-ONLY COPY).

The authoritative reference and input builder live on the scoring server;
editing this copy changes nothing except your own understanding.
"""

import jax, jax.numpy as jnp
import numpy as np

N_NODES = 10000
N_EDGES = 320000
IN_DIM = 128
OUT_DIM = 128


def setup_inputs(seed: int = 0) -> dict:
    key = jax.random.key(seed)
    k_x, k_ei, k_we, k_be, k_wn, k_bn = jax.random.split(key, 6)
    x = jax.random.normal(k_x, (N_NODES, IN_DIM), dtype=jnp.float32)
    edge_index = jax.random.randint(k_ei, (2, N_EDGES), 0, N_NODES, dtype=jnp.int64)
    # GNLayer(indim, hidden=outdim, outdim, edgedim=0) parameters:
    # edge/message MLP: Linear(2*indim + edgedim, hidden)
    # node update MLP:  Linear(indim + hidden, outdim)
    s_e = 1.0 / np.sqrt(2 * IN_DIM)
    s_n = 1.0 / np.sqrt(IN_DIM + OUT_DIM)
    W_edge = jax.random.uniform(k_we, (2 * IN_DIM, OUT_DIM), dtype=jnp.float32, minval=-s_e, maxval=s_e)
    b_edge = jax.random.uniform(k_be, (OUT_DIM,), dtype=jnp.float32, minval=-s_e, maxval=s_e)
    W_node = jax.random.uniform(k_wn, (IN_DIM + OUT_DIM, OUT_DIM), dtype=jnp.float32, minval=-s_n, maxval=s_n)
    b_node = jax.random.uniform(k_bn, (OUT_DIM,), dtype=jnp.float32, minval=-s_n, maxval=s_n)
    return {"x": x, "edge_index": edge_index, "W_edge": W_edge, "b_edge": b_edge, "W_node": W_node, "b_node": b_node}


def reference(x, edge_index, W_edge, b_edge, W_node, b_node):
    src = edge_index[0]
    dst = edge_index[1]
    # message: MLP over concatenated endpoint features (edgedim=0, no edge_attr)
    h_src = jnp.take(x, src, axis=0)
    h_dst = jnp.take(x, dst, axis=0)
    msg_in = jnp.concatenate([h_src, h_dst], axis=-1)
    msg = jax.nn.relu(msg_in @ W_edge + b_edge)
    # aggregate: scatter-add messages to destination nodes
    agg = jax.ops.segment_sum(msg, dst, num_segments=N_NODES)
    # node update MLP; act=None, norm=None in GNBlock, so output is linear
    node_in = jnp.concatenate([x, agg], axis=-1)
    out = node_in @ W_node + b_node
    return out

if __name__ == "__main__":
    import jax
    _d = setup_inputs()
    print(jax.jit(kernel)(*tuple(_d.values())))

</pallas_src>

<mosaic_0001>
#map = affine_map<(d0, d1) -> (0, 0)>
#map1 = affine_map<(d0, d1) -> (0, 0, 0)>
module attributes {stable_mosaic.version = 14 : i64} {
  func.func @_sc_body(%arg0: i32, %arg1: i32, %arg2: memref<10112x128xf32, #tpu.memory_space<hbm>>, %arg3: memref<10112x128xf32, #tpu.memory_space<hbm>>, %arg4: memref<5024x2x64xi32, #tpu.memory_space<hbm>>, %arg5: memref<20224x128xf32, #tpu.memory_space<hbm>>, %arg6: memref<4x2x64xi32, #tpu.memory_space<vmem>>, %arg7: memref<2x64x128xf32, #tpu.memory_space<vmem>>, %arg8: memref<2x64x128xf32, #tpu.memory_space<vmem>>, %arg9: memref<2x64x128xf32, #tpu.memory_space<vmem>>, %arg10: memref<10112x128xf32, #tpu.memory_space<vmem_shared>>, %arg11: memref<!tpu.dma_semaphore, #tpu.memory_space<semaphore_mem>>, %arg12: memref<!tpu.dma_semaphore, #tpu.memory_space<semaphore_mem>>, %arg13: memref<!tpu.dma_semaphore, #tpu.memory_space<semaphore_mem>>, %arg14: memref<!tpu.dma_semaphore, #tpu.memory_space<semaphore_mem>>, %arg15: memref<!tpu.dma_semaphore, #tpu.memory_space<semaphore_mem>>) attributes {dimension_semantics = [#tpu.dimension_semantics<core_parallel>, #tpu.dimension_semantics<subcore_parallel>], iteration_bounds = array<i64: 2, 16>, scalar_prefetch = 0 : i64, scratch_operands = 10 : i64, tpu.core_type = #tpu.core_type<sc_vector_subcore>, window_params = [{transform_indices = #map}, {transform_indices = #map}, {transform_indices = #map1}, {transform_indices = #map}]} {
    %mul3A = arith.constant 2 : i32
    %mul3A_0 = arith.muli %arg1, %mul3A : i32
    %add3A = arith.addi %mul3A_0, %arg0 : i32
    %scan3A = arith.constant 0 : i32
    %scan3A_1 = arith.constant 64 : i32
    %scan3A_2 = arith.addi %scan3A, %scan3A_1 : i32
    %scan3A_3 = arith.constant 1 : i32
    scf.for %scan3A_692 = %scan3A to %scan3A_2 step %scan3A_3  : i32 {
      %mul3A_693 = arith.constant 1 : i32
      %mul3A_694 = arith.muli %scan3A_692, %mul3A_693 : i32
      %add3A_695 = arith.constant 0 : i32
      %add3A_696 = arith.addi %add3A_695, %mul3A_694 : i32
      %broadcast_in_dim3A = arith.constant 0.000000e+00 : f32
      %broadcast_in_dim3A_697 = vector.broadcast %broadcast_in_dim3A : f32 to vector<16xf32>
      %swap3A = arith.constant 0 : i32
      %swap3A_698 = arith.index_cast %swap3A : i32 to index
      %swap3A_699 = arith.index_cast %add3A_696 : i32 to index
      %swap3A_700 = arith.constant 0 : index
      %swap3A_701 = tpu.vector_load %arg9[%swap3A_698, %swap3A_699, %swap3A_700] {strides = array<i32>} : memref<2x64x128xf32, #tpu.memory_space<vmem>>, vector<1x1x16xf32>,
      %swap3A_702 = vector.shape_cast %swap3A_701 : vector<1x1x16xf32> to vector<16xf32>
      %swap3A_703 = vector.shape_cast %broadcast_in_dim3A_697 : vector<16xf32> to vector<1x1x16xf32>
      tpu.vector_store %arg9[%swap3A_698, %swap3A_699, %swap3A_700], %swap3A_703 {strides = array<i32>} : memref<2x64x128xf32, #tpu.memory_space<vmem>>, vector<1x1x16xf32>,
      %broadcast_in_dim3A_704 = arith.constant 0.000000e+00 : f32
      %broadcast_in_dim3A_705 = vector.broadcast %broadcast_in_dim3A_704 : f32 to vector<16xf32>
      %swap3A_706 = arith.constant 0 : i32
      %swap3A_707 = arith.index_cast %swap3A_706 : i32 to index
      %swap3A_708 = arith.index_cast %add3A_696 : i32 to index
      %swap3A_709 = arith.constant 16 : index
      %swap3A_710 = tpu.vector_load %arg9[%swap3A_707, %swap3A_708, %swap3A_709] {strides = array<i32>} : memref<2x64x128xf32, #tpu.memory_space<vmem>>, vector<1x1x16xf32>,
      %swap3A_711 = vector.shape_cast %swap3A_710 : vector<1x1x16xf32> to vector<16xf32>
      %swap3A_712 = vector.shape_cast %broadcast_in_dim3A_705 : vector<16xf32> to vector<1x1x16xf32>
      tpu.vector_store %arg9[%swap3A_707, %swap3A_708, %swap3A_709], %swap3A_712 {strides = array<i32>} : memref<2x64x128xf32, #tpu.memory_space<vmem>>, vector<1x1x16xf32>,
      %broadcast_in_dim3A_713 = arith.constant 0.000000e+00 : f32
      %broadcast_in_dim3A_714 = vector.broadcast %broadcast_in_dim3A_713 : f32 to vector<16xf32>
      %swap3A_715 = arith.constant 0 : i32
      %swap3A_716 = arith.index_cast %swap3A_715 : i32 to index
      %swap3A_717 = arith.index_cast %add3A_696 : i32 to index
      %swap3A_718 = arith.constant 32 : index
      %swap3A_719 = tpu.vector_load %arg9[%swap3A_716, %swap3A_717, %swap3A_718] {strides = array<i32>} : memref<2x64x128xf32, #tpu.memory_space<vmem>>, vector<1x1x16xf32>,
      %swap3A_720 = vector.shape_cast %swap3A_719 : vector<1x1x16xf32> to vector<16xf32>
      %swap3A_721 = vector.shape_cast %broadcast_in_dim3A_714 : vector<16xf32> to vector<1x1x16xf32>
      tpu.vector_store %arg9[%swap3A_716, %swap3A_717, %swap3A_718], %swap3A_721 {strides = array<i32>} : memref<2x64x128xf32, #tpu.memory_space<vmem>>, vector<1x1x16xf32>,
      %broadcast_in_dim3A_722 = arith.constant 0.000000e+00 : f32
      %broadcast_in_dim3A_723 = vector.broadcast %broadcast_in_dim3A_722 : f32 to vector<16xf32>
      %swap3A_724 = arith.constant 0 : i32
      %swap3A_725 = arith.index_cast %swap3A_724 : i32 to index
      %swap3A_726 = arith.index_cast %add3A_696 : i32 to index
      %swap3A_727 = arith.constant 48 : index
      %swap3A_728 = tpu.vector_load %arg9[%swap3A_725, %swap3A_726, %swap3A_727] {strides = array<i32>} : memref<2x64x128xf32, #tpu.memory_space<vmem>>, vector<1x1x16xf32>,
      %swap3A_729 = vector.shape_cast %swap3A_728 : vector<1x1x16xf32> to vector<16xf32>
      %swap3A_730 = vector.shape_cast %broadcast_in_dim3A_723 : vector<16xf32> to vector<1x1x16xf32>
      tpu.vector_store %arg9[%swap3A_725, %swap3A_726, %swap3A_727], %swap3A_730 {strides = array<i32>} : memref<2x64x128xf32, #tpu.memory_space<vmem>>, vector<1x1x16xf32>,
      %broadcast_in_dim3A_731 = arith.constant 0.000000e+00 : f32
      %broadcast_in_dim3A_732 = vector.broadcast %broadcast_in_dim3A_731 : f32 to vector<16xf32>
      %swap3A_733 = arith.constant 0 : i32
      %swap3A_734 = arith.index_cast %swap3A_733 : i32 to index
      %swap3A_735 = arith.index_cast %add3A_696 : i32 to index
      %swap3A_736 = arith.constant 64 : index
      %swap3A_737 = tpu.vector_load %arg9[%swap3A_734, %swap3A_735, %swap3A_736] {strides = array<i32>} : memref<2x64x128xf32, #tpu.memory_space<vmem>>, vector<1x1x16xf32>,
      %swap3A_738 = vector.shape_cast %swap3A_737 : vector<1x1x16xf32> to vector<16xf32>
      %swap3A_739 = vector.shape_cast %broadcast_in_dim3A_732 : vector<16xf32> to vector<1x1x16xf32>
      tpu.vector_store %arg9[%swap3A_734, %swap3A_735, %swap3A_736], %swap3A_739 {strides = array<i32>} : memref<2x64x128xf32, #tpu.memory_space<vmem>>, vector<1x1x16xf32>,
      %broadcast_in_dim3A_740 = arith.constant 0.000000e+00 : f32
      %broadcast_in_dim3A_741 = vector.broadcast %broadcast_in_dim3A_740 : f32 to vector<16xf32>
      %swap3A_742 = arith.constant 0 : i32
      %swap3A_743 = arith.index_cast %swap3A_742 : i32 to index
      %swap3A_744 = arith.index_cast %add3A_696 : i32 to index
      %swap3A_745 = arith.constant 80 : index
      %swap3A_746 = tpu.vector_load %arg9[%swap3A_743, %swap3A_744, %swap3A_745] {strides = array<i32>} : memref<2x64x128xf32, #tpu.memory_space<vmem>>, vector<1x1x16xf32>,
      %swap3A_747 = vector.shape_cast %swap3A_746 : vector<1x1x16xf32> to vector<16xf32>
      %swap3A_748 = vector.shape_cast %broadcast_in_dim3A_741 : vector<16xf32> to vector<1x1x16xf32>
      tpu.vector_store %arg9[%swap3A_743, %swap3A_744, %swap3A_745], %swap3A_748 {strides = array<i32>} : memref<2x64x128xf32, #tpu.memory_space<vmem>>, vector<1x1x16xf32>,
      %broadcast_in_dim3A_749 = arith.constant 0.000000e+00 : f32
      %broadcast_in_dim3A_750 = vector.broadcast %broadcast_in_dim3A_749 : f32 to vector<16xf32>
      %swap3A_751 = arith.constant 0 : i32
      %swap3A_752 = arith.index_cast %swap3A_751 : i32 to index
      %swap3A_753 = arith.index_cast %add3A_696 : i32 to index
      %swap3A_754 = arith.constant 96 : index
      %swap3A_755 = tpu.vector_load %arg9[%swap3A_752, %swap3A_753, %swap3A_754] {strides = array<i32>} : memref<2x64x128xf32, #tpu.memory_space<vmem>>, vector<1x1x16xf32>,
      %swap3A_756 = vector.shape_cast %swap3A_755 : vector<1x1x16xf32> to vector<16xf32>
      %swap3A_757 = vector.shape_cast %broadcast_in_dim3A_750 : vector<16xf32> to vector<1x1x16xf32>
      tpu.vector_store %arg9[%swap3A_752, %swap3A_753, %swap3A_754], %swap3A_757 {strides = array<i32>} : memref<2x64x128xf32, #tpu.memory_space<vmem>>, vector<1x1x16xf32>,
      %broadcast_in_dim3A_758 = arith.constant 0.000000e+00 : f32
      %broadcast_in_dim3A_759 = vector.broadcast %broadcast_in_dim3A_758 : f32 to vector<16xf32>
      %swap3A_760 = arith.constant 0 : i32
      %swap3A_761 = arith.index_cast %swap3A_760 : i32 to index
      %swap3A_762 = arith.index_cast %add3A_696 : i32 to index
      %swap3A_763 = arith.constant 112 : index
      %swap3A_764 = tpu.vector_load %arg9[%swap3A_761, %swap3A_762, %swap3A_763] {strides = array<i32>} : memref<2x64x128xf32, #tpu.memory_space<vmem>>, vector<1x1x16xf32>,
      %swap3A_765 = vector.shape_cast %swap3A_764 : vector<1x1x16xf32> to vector<16xf32>
      %swap3A_766 = vector.shape_cast %broadcast_in_dim3A_759 : vector<16xf32> to vector<1x1x16xf32>
      tpu.vector_store %arg9[%swap3A_761, %swap3A_762, %swap3A_763], %swap3A_766 {strides = array<i32>} : memref<2x64x128xf32, #tpu.memory_space<vmem>>, vector<1x1x16xf32>,
    }
    %scan3A_4 = arith.constant 64 : i32
    %mul3A_5 = arith.constant 632 : i32
    %mul3A_6 = arith.muli %arg1, %mul3A_5 : i32
    %add3A_7 = arith.constant 0 : i32
    %add3A_8 = arith.addi %mul3A_6, %add3A_7 : i32
    %run_scoped3A = arith.constant 0 : i32
    "tpu.region"() ({
      %run_scoped3A_692 = tpu.sem_alloc : memref<!tpu.dma_semaphore, #tpu.memory_space<semaphore_mem>>
      %dma_start3A_693 = arith.constant 0 : i32
      %dma_start3A_694 = arith.constant 0 : i32
      %dma_start3A_695 = tpu.memref_slice %arg9[%run_scoped3A, %dma_start3A_693, %dma_start3A_694] : memref<2x64x128xf32, #tpu.memory_space<vmem>> -> memref<1x64x128xf32, #tpu.memory_space<vmem>>
      %dma_start3A_696 = tpu.memref_squeeze %dma_start3A_695 : memref<1x64x128xf32, #tpu.memory_space<vmem>> -> memref<64x128xf32, #tpu.memory_space<vmem>>
      %dma_start3A_697 = arith.constant 0 : i32
      %dma_start3A_698 = tpu.memref_slice %arg10[%add3A_8, %dma_start3A_697] : memref<10112x128xf32, #tpu.memory_space<vmem_shared>> -> memref<64x128xf32, #tpu.memory_space<vmem_shared>>
      %dma_start3A_699 = arith.constant 0 : i32
      %dma_start3A_700 = tpu.memref_slice %arg10[%add3A_8, %dma_start3A_699] : memref<10112x128xf32, #tpu.memory_space<vmem_shared>> -> memref<64x128xf32, #tpu.memory_space<vmem_shared>>
      %dma_start3A_701 = arith.constant 0 : i32
      %dma_start3A_702 = arith.constant 0 : i32
      %dma_start3A_703 = tpu.memref_slice %arg9[%run_scoped3A, %dma_start3A_701, %dma_start3A_702] : memref<2x64x128xf32, #tpu.memory_space<vmem>> -> memref<1x64x128xf32, #tpu.memory_space<vmem>>
      %dma_start3A_704 = tpu.memref_squeeze %dma_start3A_703 : memref<1x64x128xf32, #tpu.memory_space<vmem>> -> memref<64x128xf32, #tpu.memory_space<vmem>>
      tpu.enqueue_dma source(%dma_start3A_704 : memref<64x128xf32, #tpu.memory_space<vmem>>) target(%dma_start3A_700 : memref<64x128xf32, #tpu.memory_space<vmem_shared>>) target_semaphore(%run_scoped3A_692 : memref<!tpu.dma_semaphore, #tpu.memory_space<semaphore_mem>>)
      %dma_wait3A_705 = arith.constant 0 : i32
      %dma_wait3A_706 = arith.constant 0 : i32
      %dma_wait3A_707 = tpu.memref_slice %arg9[%run_scoped3A, %dma_wait3A_705, %dma_wait3A_706] : memref<2x64x128xf32, #tpu.memory_space<vmem>> -> memref<1x64x128xf32, #tpu.memory_space<vmem>>
      %dma_wait3A_708 = tpu.memref_squeeze %dma_wait3A_707 : memref<1x64x128xf32, #tpu.memory_space<vmem>> -> memref<64x128xf32, #tpu.memory_space<vmem>>
      %dma_wait3A_709 = arith.constant 0 : i32
      %dma_wait3A_710 = tpu.memref_slice %arg10[%add3A_8, %dma_wait3A_709] : memref<10112x128xf32, #tpu.memory_space<vmem_shared>> -> memref<64x128xf32, #tpu.memory_space<vmem_shared>>
      %dma_wait3A_711 = arith.constant 0 : i32
      %dma_wait3A_712 = tpu.memref_slice %arg10[%add3A_8, %dma_wait3A_711] : memref<10112x128xf32, #tpu.memory_space<vmem_shared>> -> memref<64x128xf32, #tpu.memory_space<vmem_shared>>
      %dma_wait3A_713 = arith.constant 0 : i32
      %dma_wait3A_714 = arith.constant 0 : i32
      %dma_wait3A_715 = tpu.memref_slice %arg9[%run_scoped3A, %dma_wait3A_713, %dma_wait3A_714] : memref<2x64x128xf32, #tpu.memory_space<vmem>> -> memref<1x64x128xf32, #tpu.memory_space<vmem>>
      %dma_wait3A_716 = tpu.memref_squeeze %dma_wait3A_715 : memref<1x64x128xf32, #tpu.memory_space<vmem>> -> memref<64x128xf32, #tpu.memory_space<vmem>>
      tpu.wait_dma2 semaphore(%run_scoped3A_692 : memref<!tpu.dma_semaphore, #tpu.memory_space<semaphore_mem>>) src(%dma_wait3A_716 : memref<64x128xf32, #tpu.memory_space<vmem>>) dst(%dma_wait3A_712 : memref<64x128xf32, #tpu.memory_space<vmem_shared>>)
      tpu.yield
    }) : () -> ()
    %add3A_9 = arith.constant 64 : i32
    %add3A_10 = arith.addi %mul3A_6, %add3A_9 : i32
    %run_scoped3A_11 = arith.constant 0 : i32
    "tpu.region"() ({
      %run_scoped3A_692 = tpu.sem_alloc : memref<!tpu.dma_semaphore, #tpu.memory_space<semaphore_mem>>
      %dma_start3A_693 = arith.constant 0 : i32
      %dma_start3A_694 = arith.constant 0 : i32
      %dma_start3A_695 = tpu.memref_slice %arg9[%run_scoped3A_11, %dma_start3A_693, %dma_start3A_694] : memref<2x64x128xf32, #tpu.memory_space<vmem>> -> memref<1x64x128xf32, #tpu.memory_space<vmem>>
      %dma_start3A_696 = tpu.memref_squeeze %dma_start3A_695 : memref<1x64x128xf32, #tpu.memory_space<vmem>> -> memref<64x128xf32, #tpu.memory_space<vmem>>
      %dma_start3A_697 = arith.constant 0 : i32
      %dma_start3A_698 = tpu.memref_slice %arg10[%add3A_10, %dma_start3A_697] : memref<10112x128xf32, #tpu.memory_space<vmem_shared>> -> memref<64x128xf32, #tpu.memory_space<vmem_shared>>
      %dma_start3A_699 = arith.constant 0 : i32
      %dma_start3A_700 = tpu.memref_slice %arg10[%add3A_10, %dma_start3A_699] : memref<10112x128xf32, #tpu.memory_space<vmem_shared>> -> memref<64x128xf32, #tpu.memory_space<vmem_shared>>
      %dma_start3A_701 = arith.constant 0 : i32
      %dma_start3A_702 = arith.constant 0 : i32
      %dma_start3A_703 = tpu.memref_slice %arg9[%run_scoped3A_11, %dma_start3A_701, %dma_start3A_702] : memref<2x64x128xf32, #tpu.memory_space<vmem>> -> memref<1x64x128xf32, #tpu.memory_space<vmem>>
      %dma_start3A_704 = tpu.memref_squeeze %dma_start3A_703 : memref<1x64x128xf32, #tpu.memory_space<vmem>> -> memref<64x128xf32, #tpu.memory_space<vmem>>
      tpu.enqueue_dma source(%dma_start3A_704 : memref<64x128xf32, #tpu.memory_space<vmem>>) target(%dma_start3A_700 : memref<64x128xf32, #tpu.memory_space<vmem_shared>>) target_semaphore(%run_scoped3A_692 : memref<!tpu.dma_semaphore, #tpu.memory_space<semaphore_mem>>)
      %dma_wait3A_705 = arith.constant 0 : i32
      %dma_wait3A_706 = arith.constant 0 : i32
      %dma_wait3A_707 = tpu.memref_slice %arg9[%run_scoped3A_11, %dma_wait3A_705, %dma_wait3A_706] : memref<2x64x128xf32, #tpu.memory_space<vmem>> -> memref<1x64x128xf32, #tpu.memory_space<vmem>>
      %dma_wait3A_708 = tpu.memref_squeeze %dma_wait3A_707 : memref<1x64x128xf32, #tpu.memory_space<vmem>> -> memref<64x128xf32, #tpu.memory_space<vmem>>
      %dma_wait3A_709 = arith.constant 0 : i32
      %dma_wait3A_710 = tpu.memref_slice %arg10[%add3A_10, %dma_wait3A_709] : memref<10112x128xf32, #tpu.memory_space<vmem_shared>> -> memref<64x128xf32, #tpu.memory_space<vmem_shared>>
      %dma_wait3A_711 = arith.constant 0 : i32
      %dma_wait3A_712 = tpu.memref_slice %arg10[%add3A_10, %dma_wait3A_711] : memref<10112x128xf32, #tpu.memory_space<vmem_shared>> -> memref<64x128xf32, #tpu.memory_space<vmem_shared>>
      %dma_wait3A_713 = arith.constant 0 : i32
      %dma_wait3A_714 = arith.constant 0 : i32
      %dma_wait3A_715 = tpu.memref_slice %arg9[%run_scoped3A_11, %dma_wait3A_713, %dma_wait3A_714] : memref<2x64x128xf32, #tpu.memory_space<vmem>> -> memref<1x64x128xf32, #tpu.memory_space<vmem>>
      %dma_wait3A_716 = tpu.memref_squeeze %dma_wait3A_715 : memref<1x64x128xf32, #tpu.memory_space<vmem>> -> memref<64x128xf32, #tpu.memory_space<vmem>>
      tpu.wait_dma2 semaphore(%run_scoped3A_692 : memref<!tpu.dma_semaphore, #tpu.memory_space<semaphore_mem>>) src(%dma_wait3A_716 : memref<64x128xf32, #tpu.memory_space<vmem>>) dst(%dma_wait3A_712 : memref<64x128xf32, #tpu.memory_space<vmem_shared>>)
      tpu.yield
    }) : () -> ()
    %add3A_12 = arith.constant 128 : i32
    %add3A_13 = arith.addi %mul3A_6, %add3A_12 : i32
    %run_scoped3A_14 = arith.constant 0 : i32
    "tpu.region"() ({
      %run_scoped3A_692 = tpu.sem_alloc : memref<!tpu.dma_semaphore, #tpu.memory_space<semaphore_mem>>
      %dma_start3A_693 = arith.constant 0 : i32
      %dma_start3A_694 = arith.constant 0 : i32
      %dma_start3A_695 = tpu.memref_slice %arg9[%run_scoped3A_14, %dma_start3A_693, %dma_start3A_694] : memref<2x64x128xf32, #tpu.memory_space<vmem>> -> memref<1x64x128xf32, #tpu.memory_space<vmem>>
      %dma_start3A_696 = tpu.memref_squeeze %dma_start3A_695 : memref<1x64x128xf32, #tpu.memory_space<vmem>> -> memref<64x128xf32, #tpu.memory_space<vmem>>
      %dma_start3A_697 = arith.constant 0 : i32
      %dma_start3A_698 = tpu.memref_slice %arg10[%add3A_13, %dma_start3A_697] : memref<10112x128xf32, #tpu.memory_space<vmem_shared>> -> memref<64x128xf32, #tpu.memory_space<vmem_shared>>
      %dma_start3A_699 = arith.constant 0 : i32
      %dma_start3A_700 = tpu.memref_slice %arg10[%add3A_13, %dma_start3A_699] : memref<10112x128xf32, #tpu.memory_space<vmem_shared>> -> memref<64x128xf32, #tpu.memory_space<vmem_shared>>
      %dma_start3A_701 = arith.constant 0 : i32
      %dma_start3A_702 = arith.constant 0 : i32
      %dma_start3A_703 = tpu.memref_slice %arg9[%run_scoped3A_14, %dma_start3A_701, %dma_start3A_702] : memref<2x64x128xf32, #tpu.memory_space<vmem>> -> memref<1x64x128xf32, #tpu.memory_space<vmem>>
      %dma_start3A_704 = tpu.memref_squeeze %dma_start3A_703 : memref<1x64x128xf32, #tpu.memory_space<vmem>> -> memref<64x128xf32, #tpu.memory_space<vmem>>
      tpu.enqueue_dma source(%dma_start3A_704 : memref<64x128xf32, #tpu.memory_space<vmem>>) target(%dma_start3A_700 : memref<64x128xf32, #tpu.memory_space<vmem_shared>>) target_semaphore(%run_scoped3A_692 : memref<!tpu.dma_semaphore, #tpu.memory_space<semaphore_mem>>)
      %dma_wait3A_705 = arith.constant 0 : i32
      %dma_wait3A_706 = arith.constant 0 : i32
      %dma_wait3A_707 = tpu.memref_slice %arg9[%run_scoped3A_14, %dma_wait3A_705, %dma_wait3A_706] : memref<2x64x128xf32, #tpu.memory_space<vmem>> -> memref<1x64x128xf32, #tpu.memory_space<vmem>>
      %dma_wait3A_708 = tpu.memref_squeeze %dma_wait3A_707 : memref<1x64x128xf32, #tpu.memory_space<vmem>> -> memref<64x128xf32, #tpu.memory_space<vmem>>
      %dma_wait3A_709 = arith.constant 0 : i32
      %dma_wait3A_710 = tpu.memref_slice %arg10[%add3A_13, %dma_wait3A_709] : memref<10112x128xf32, #tpu.memory_space<vmem_shared>> -> memref<64x128xf32, #tpu.memory_space<vmem_shared>>
      %dma_wait3A_711 = arith.constant 0 : i32
      %dma_wait3A_712 = tpu.memref_slice %arg10[%add3A_13, %dma_wait3A_711] : memref<10112x128xf32, #tpu.memory_space<vmem_shared>> -> memref<64x128xf32, #tpu.memory_space<vmem_shared>>
      %dma_wait3A_713 = arith.constant 0 : i32
      %dma_wait3A_714 = arith.constant 0 : i32
      %dma_wait3A_715 = tpu.memref_slice %arg9[%run_scoped3A_14, %dma_wait3A_713, %dma_wait3A_714] : memref<2x64x128xf32, #tpu.memory_space<vmem>> -> memref<1x64x128xf32, #tpu.memory_space<vmem>>
      %dma_wait3A_716 = tpu.memref_squeeze %dma_wait3A_715 : memref<1x64x128xf32, #tpu.memory_space<vmem>> -> memref<64x128xf32, #tpu.memory_space<vmem>>
      tpu.wait_dma2 semaphore(%run_scoped3A_692 : memref<!tpu.dma_semaphore, #tpu.memory_space<semaphore_mem>>) src(%dma_wait3A_716 : memref<64x128xf32, #tpu.memory_space<vmem>>) dst(%dma_wait3A_712 : memref<64x128xf32, #tpu.memory_space<vmem_shared>>)
      tpu.yield
    }) : () -> ()
    %add3A_15 = arith.constant 192 : i32
    %add3A_16 = arith.addi %mul3A_6, %add3A_15 : i32
    %run_scoped3A_17 = arith.constant 0 : i32
    "tpu.region"() ({
      %run_scoped3A_692 = tpu.sem_alloc : memref<!tpu.dma_semaphore, #tpu.memory_space<semaphore_mem>>
      %dma_start3A_693 = arith.constant 0 : i32
      %dma_start3A_694 = arith.constant 0 : i32
      %dma_start3A_695 = tpu.memref_slice %arg9[%run_scoped3A_17, %dma_start3A_693, %dma_start3A_694] : memref<2x64x128xf32, #tpu.memory_space<vmem>> -> memref<1x64x128xf32, #tpu.memory_space<vmem>>
      %dma_start3A_696 = tpu.memref_squeeze %dma_start3A_695 : memref<1x64x128xf32, #tpu.memory_space<vmem>> -> memref<64x128xf32, #tpu.memory_space<vmem>>
      %dma_start3A_697 = arith.constant 0 : i32
      %dma_start3A_698 = tpu.memref_slice %arg10[%add3A_16, %dma_start3A_697] : memref<10112x128xf32, #tpu.memory_space<vmem_shared>> -> memref<64x128xf32, #tpu.memory_space<vmem_shared>>
      %dma_start3A_699 = arith.constant 0 : i32
      %dma_start3A_700 = tpu.memref_slice %arg10[%add3A_16, %dma_start3A_699] : memref<10112x128xf32, #tpu.memory_space<vmem_shared>> -> memref<64x128xf32, #tpu.memory_space<vmem_shared>>
      %dma_start3A_701 = arith.constant 0 : i32
      %dma_start3A_702 = arith.constant 0 : i32
      %dma_start3A_703 = tpu.memref_slice %arg9[%run_scoped3A_17, %dma_start3A_701, %dma_start3A_702] : memref<2x64x128xf32, #tpu.memory_space<vmem>> -> memref<1x64x128xf32, #tpu.memory_space<vmem>>
      %dma_start3A_704 = tpu.memref_squeeze %dma_start3A_703 : memref<1x64x128xf32, #tpu.memory_space<vmem>> -> memref<64x128xf32, #tpu.memory_space<vmem>>
      tpu.enqueue_dma source(%dma_start3A_704 : memref<64x128xf32, #tpu.memory_space<vmem>>) target(%dma_start3A_700 : memref<64x128xf32, #tpu.memory_space<vmem_shared>>) target_semaphore(%run_scoped3A_692 : memref<!tpu.dma_semaphore, #tpu.memory_space<semaphore_mem>>)
      %dma_wait3A_705 = arith.constant 0 : i32
      %dma_wait3A_706 = arith.constant 0 : i32
      %dma_wait3A_707 = tpu.memref_slice %arg9[%run_scoped3A_17, %dma_wait3A_705, %dma_wait3A_706] : memref<2x64x128xf32, #tpu.memory_space<vmem>> -> memref<1x64x128xf32, #tpu.memory_space<vmem>>
      %dma_wait3A_708 = tpu.memref_squeeze %dma_wait3A_707 : memref<1x64x128xf32, #tpu.memory_space<vmem>> -> memref<64x128xf32, #tpu.memory_space<vmem>>
      %dma_wait3A_709 = arith.constant 0 : i32
      %dma_wait3A_710 = tpu.memref_slice %arg10[%add3A_16, %dma_wait3A_709] : memref<10112x128xf32, #tpu.memory_space<vmem_shared>> -> memref<64x128xf32, #tpu.memory_space<vmem_shared>>
      %dma_wait3A_711 = arith.constant 0 : i32
      %dma_wait3A_712 = tpu.memref_slice %arg10[%add3A_16, %dma_wait3A_711] : memref<10112x128xf32, #tpu.memory_space<vmem_shared>> -> memref<64x128xf32, #tpu.memory_space<vmem_shared>>
      %dma_wait3A_713 = arith.constant 0 : i32
      %dma_wait3A_714 = arith.constant 0 : i32
      %dma_wait3A_715 = tpu.memref_slice %arg9[%run_scoped3A_17, %dma_wait3A_713, %dma_wait3A_714] : memref<2x64x128xf32, #tpu.memory_space<vmem>> -> memref<1x64x128xf32, #tpu.memory_space<vmem>>
      %dma_wait3A_716 = tpu.memref_squeeze %dma_wait3A_715 : memref<1x64x128xf32, #tpu.memory_space<vmem>> -> memref<64x128xf32, #tpu.memory_space<vmem>>
      tpu.wait_dma2 semaphore(%run_scoped3A_692 : memref<!tpu.dma_semaphore, #tpu.memory_space<semaphore_mem>>) src(%dma_wait3A_716 : memref<64x128xf32, #tpu.memory_space<vmem>>) dst(%dma_wait3A_712 : memref<64x128xf32, #tpu.memory_space<vmem_shared>>)
      tpu.yield
    }) : () -> ()
    %add3A_18 = arith.constant 256 : i32
    %add3A_19 = arith.addi %mul3A_6, %add3A_18 : i32
    %run_scoped3A_20 = arith.constant 0 : i32
    "tpu.region"() ({
      %run_scoped3A_692 = tpu.sem_alloc : memref<!tpu.dma_semaphore, #tpu.memory_space<semaphore_mem>>
      %dma_start3A_693 = arith.constant 0 : i32
      %dma_start3A_694 = arith.constant 0 : i32
      %dma_start3A_695 = tpu.memref_slice %arg9[%run_scoped3A_20, %dma_start3A_693, %dma_start3A_694] : memref<2x64x128xf32, #tpu.memory_space<vmem>> -> memref<1x64x128xf32, #tpu.memory_space<vmem>>
      %dma_start3A_696 = tpu.memref_squeeze %dma_start3A_695 : memref<1x64x128xf32, #tpu.memory_space<vmem>> -> memref<64x128xf32, #tpu.memory_space<vmem>>
      %dma_start3A_697 = arith.constant 0 : i32
      %dma_start3A_698 = tpu.memref_slice %arg10[%add3A_19, %dma_start3A_697] : memref<10112x128xf32, #tpu.memory_space<vmem_shared>> -> memref<64x128xf32, #tpu.memory_space<vmem_shared>>
      %dma_start3A_699 = arith.constant 0 : i32
      %dma_start3A_700 = tpu.memref_slice %arg10[%add3A_19, %dma_start3A_699] : memref<10112x128xf32, #tpu.memory_space<vmem_shared>> -> memref<64x128xf32, #tpu.memory_space<vmem_shared>>
      %dma_start3A_701 = arith.constant 0 : i32
      %dma_start3A_702 = arith.constant 0 : i32
      %dma_start3A_703 = tpu.memref_slice %arg9[%run_scoped3A_20, %dma_start3A_701, %dma_start3A_702] : memref<2x64x128xf32, #tpu.memory_space<vmem>> -> memref<1x64x128xf32, #tpu.memory_space<vmem>>
      %dma_start3A_704 = tpu.memref_squeeze %dma_start3A_703 : memref<1x64x128xf32, #tpu.memory_space<vmem>> -> memref<64x128xf32, #tpu.memory_space<vmem>>
      tpu.enqueue_dma source(%dma_start3A_704 : memref<64x128xf32, #tpu.memory_space<vmem>>) target(%dma_start3A_700 : memref<64x128xf32, #tpu.memory_space<vmem_shared>>) target_semaphore(%run_scoped3A_692 : memref<!tpu.dma_semaphore, #tpu.memory_space<semaphore_mem>>)
      %dma_wait3A_705 = arith.constant 0 : i32
      %dma_wait3A_706 = arith.constant 0 : i32
      %dma_wait3A_707 = tpu.memref_slice %arg9[%run_scoped3A_20, %dma_wait3A_705, %dma_wait3A_706] : memref<2x64x128xf32, #tpu.memory_space<vmem>> -> memref<1x64x128xf32, #tpu.memory_space<vmem>>
      %dma_wait3A_708 = tpu.memref_squeeze %dma_wait3A_707 : memref<1x64x128xf32, #tpu.memory_space<vmem>> -> memref<64x128xf32, #tpu.memory_space<vmem>>
      %dma_wait3A_709 = arith.constant 0 : i32
      %dma_wait3A_710 = tpu.memref_slice %arg10[%add3A_19, %dma_wait3A_709] : memref<10112x128xf32, #tpu.memory_space<vmem_shared>> -> memref<64x128xf32, #tpu.memory_space<vmem_shared>>
      %dma_wait3A_711 = arith.constant 0 : i32
      %dma_wait3A_712 = tpu.memref_slice %arg10[%add3A_19, %dma_wait3A_711] : memref<10112x128xf32, #tpu.memory_space<vmem_shared>> -> memref<64x128xf32, #tpu.memory_space<vmem_shared>>
      %dma_wait3A_713 = arith.constant 0 : i32
      %dma_wait3A_714 = arith.constant 0 : i32
      %dma_wait3A_715 = tpu.memref_slice %arg9[%run_scoped3A_20, %dma_wait3A_713, %dma_wait3A_714] : memref<2x64x128xf32, #tpu.memory_space<vmem>> -> memref<1x64x128xf32, #tpu.memory_space<vmem>>
      %dma_wait3A_716 = tpu.memref_squeeze %dma_wait3A_715 : memref<1x64x128xf32, #tpu.memory_space<vmem>> -> memref<64x128xf32, #tpu.memory_space<vmem>>
      tpu.wait_dma2 semaphore(%run_scoped3A_692 : memref<!tpu.dma_semaphore, #tpu.memory_space<semaphore_mem>>) src(%dma_wait3A_716 : memref<64x128xf32, #tpu.memory_space<vmem>>) dst(%dma_wait3A_712 : memref<64x128xf32, #tpu.memory_space<vmem_shared>>)
      tpu.yield
    }) : () -> ()
    %add3A_21 = arith.constant 320 : i32
    %add3A_22 = arith.addi %mul3A_6, %add3A_21 : i32
    %run_scoped3A_23 = arith.constant 0 : i32
    "tpu.region"() ({
      %run_scoped3A_692 = tpu.sem_alloc : memref<!tpu.dma_semaphore, #tpu.memory_space<semaphore_mem>>
      %dma_start3A_693 = arith.constant 0 : i32
      %dma_start3A_694 = arith.constant 0 : i32
      %dma_start3A_695 = tpu.memref_slice %arg9[%run_scoped3A_23, %dma_start3A_693, %dma_start3A_694] : memref<2x64x128xf32, #tpu.memory_space<vmem>> -> memref<1x64x128xf32, #tpu.memory_space<vmem>>
      %dma_start3A_696 = tpu.memref_squeeze %dma_start3A_695 : memref<1x64x128xf32, #tpu.memory_space<vmem>> -> memref<64x128xf32, #tpu.memory_space<vmem>>
      %dma_start3A_697 = arith.constant 0 : i32
      %dma_start3A_698 = tpu.memref_slice %arg10[%add3A_22, %dma_start3A_697] : memref<10112x128xf32, #tpu.memory_space<vmem_shared>> -> memref<64x128xf32, #tpu.memory_space<vmem_shared>>
      %dma_start3A_699 = arith.constant 0 : i32
      %dma_start3A_700 = tpu.memref_slice %arg10[%add3A_22, %dma_start3A_699] : memref<10112x128xf32, #tpu.memory_space<vmem_shared>> -> memref<64x128xf32, #tpu.memory_space<vmem_shared>>
      %dma_start3A_701 = arith.constant 0 : i32
      %dma_start3A_702 = arith.constant 0 : i32
      %dma_start3A_703 = tpu.memref_slice %arg9[%run_scoped3A_23, %dma_start3A_701, %dma_start3A_702] : memref<2x64x128xf32, #tpu.memory_space<vmem>> -> memref<1x64x128xf32, #tpu.memory_space<vmem>>
      %dma_start3A_704 = tpu.memref_squeeze %dma_start3A_703 : memref<1x64x128xf32, #tpu.memory_space<vmem>> -> memref<64x128xf32, #tpu.memory_space<vmem>>
      tpu.enqueue_dma source(%dma_start3A_704 : memref<64x128xf32, #tpu.memory_space<vmem>>) target(%dma_start3A_700 : memref<64x128xf32, #tpu.memory_space<vmem_shared>>) target_semaphore(%run_scoped3A_692 : memref<!tpu.dma_semaphore, #tpu.memory_space<semaphore_mem>>)
      %dma_wait3A_705 = arith.constant 0 : i32
      %dma_wait3A_706 = arith.constant 0 : i32
      %dma_wait3A_707 = tpu.memref_slice %arg9[%run_scoped3A_23, %dma_wait3A_705, %dma_wait3A_706] : memref<2x64x128xf32, #tpu.memory_space<vmem>> -> memref<1x64x128xf32, #tpu.memory_space<vmem>>
      %dma_wait3A_708 = tpu.memref_squeeze %dma_wait3A_707 : memref<1x64x128xf32, #tpu.memory_space<vmem>> -> memref<64x128xf32, #tpu.memory_space<vmem>>
      %dma_wait3A_709 = arith.constant 0 : i32
      %dma_wait3A_710 = tpu.memref_slice %arg10[%add3A_22, %dma_wait3A_709] : memref<10112x128xf32, #tpu.memory_space<vmem_shared>> -> memref<64x128xf32, #tpu.memory_space<vmem_shared>>
      %dma_wait3A_711 = arith.constant 0 : i32
      %dma_wait3A_712 = tpu.memref_slice %arg10[%add3A_22, %dma_wait3A_711] : memref<10112x128xf32, #tpu.memory_space<vmem_shared>> -> memref<64x128xf32, #tpu.memory_space<vmem_shared>>
      %dma_wait3A_713 = arith.constant 0 : i32
      %dma_wait3A_714 = arith.constant 0 : i32
      %dma_wait3A_715 = tpu.memref_slice %arg9[%run_scoped3A_23, %dma_wait3A_713, %dma_wait3A_714] : memref<2x64x128xf32, #tpu.memory_space<vmem>> -> memref<1x64x128xf32, #tpu.memory_space<vmem>>
      %dma_wait3A_716 = tpu.memref_squeeze %dma_wait3A_715 : memref<1x64x128xf32, #tpu.memory_space<vmem>> -> memref<64x128xf32, #tpu.memory_space<vmem>>
      tpu.wait_dma2 semaphore(%run_scoped3A_692 : memref<!tpu.dma_semaphore, #tpu.memory_space<semaphore_mem>>) src(%dma_wait3A_716 : memref<64x128xf32, #tpu.memory_space<vmem>>) dst(%dma_wait3A_712 : memref<64x128xf32, #tpu.memory_space<vmem_shared>>)
      tpu.yield
    }) : () -> ()
    %add3A_24 = arith.constant 384 : i32
    %add3A_25 = arith.addi %mul3A_6, %add3A_24 : i32
    %run_scoped3A_26 = arith.constant 0 : i32
    "tpu.region"() ({
      %run_scoped3A_692 = tpu.sem_alloc : memref<!tpu.dma_semaphore, #tpu.memory_space<semaphore_mem>>
      %dma_start3A_693 = arith.constant 0 : i32
      %dma_start3A_694 = arith.constant 0 : i32
      %dma_start3A_695 = tpu.memref_slice %arg9[%run_scoped3A_26, %dma_start3A_693, %dma_start3A_694] : memref<2x64x128xf32, #tpu.memory_space<vmem>> -> memref<1x64x128xf32, #tpu.memory_space<vmem>>
      %dma_start3A_696 = tpu.memref_squeeze %dma_start3A_695 : memref<1x64x128xf32, #tpu.memory_space<vmem>> -> memref<64x128xf32, #tpu.memory_space<vmem>>
      %dma_start3A_697 = arith.constant 0 : i32
      %dma_start3A_698 = tpu.memref_slice %arg10[%add3A_25, %dma_start3A_697] : memref<10112x128xf32, #tpu.memory_space<vmem_shared>> -> memref<64x128xf32, #tpu.memory_space<vmem_shared>>
      %dma_start3A_699 = arith.constant 0 : i32
      %dma_start3A_700 = tpu.memref_slice %arg10[%add3A_25, %dma_start3A_699] : memref<10112x128xf32, #tpu.memory_space<vmem_shared>> -> memref<64x128xf32, #tpu.memory_space<vmem_shared>>
      %dma_start3A_701 = arith.constant 0 : i32
      %dma_start3A_702 = arith.constant 0 : i32
      %dma_start3A_703 = tpu.memref_slice %arg9[%run_scoped3A_26, %dma_start3A_701, %dma_start3A_702] : memref<2x64x128xf32, #tpu.memory_space<vmem>> -> memref<1x64x128xf32, #tpu.memory_space<vmem>>
      %dma_start3A_704 = tpu.memref_squeeze %dma_start3A_703 : memref<1x64x128xf32, #tpu.memory_space<vmem>> -> memref<64x128xf32, #tpu.memory_space<vmem>>
      tpu.enqueue_dma source(%dma_start3A_704 : memref<64x128xf32, #tpu.memory_space<vmem>>) target(%dma_start3A_700 : memref<64x128xf32, #tpu.memory_space<vmem_shared>>) target_semaphore(%run_scoped3A_692 : memref<!tpu.dma_semaphore, #tpu.memory_space<semaphore_mem>>)
      %dma_wait3A_705 = arith.constant 0 : i32
      %dma_wait3A_706 = arith.constant 0 : i32
      %dma_wait3A_707 = tpu.memref_slice %arg9[%run_scoped3A_26, %dma_wait3A_705, %dma_wait3A_706] : memref<2x64x128xf32, #tpu.memory_space<vmem>> -> memref<1x64x128xf32, #tpu.memory_space<vmem>>
      %dma_wait3A_708 = tpu.memref_squeeze %dma_wait3A_707 : memref<1x64x128xf32, #tpu.memory_space<vmem>> -> memref<64x128xf32, #tpu.memory_space<vmem>>
      %dma_wait3A_709 = arith.constant 0 : i32
      %dma_wait3A_710 = tpu.memref_slice %arg10[%add3A_25, %dma_wait3A_709] : memref<10112x128xf32, #tpu.memory_space<vmem_shared>> -> memref<64x128xf32, #tpu.memory_space<vmem_shared>>
      %dma_wait3A_711 = arith.constant 0 : i32
      %dma_wait3A_712 = tpu.memref_slice %arg10[%add3A_25, %dma_wait3A_711] : memref<10112x128xf32, #tpu.memory_space<vmem_shared>> -> memref<64x128xf32, #tpu.memory_space<vmem_shared>>
      %dma_wait3A_713 = arith.constant 0 : i32
      %dma_wait3A_714 = arith.constant 0 : i32
      %dma_wait3A_715 = tpu.memref_slice %arg9[%run_scoped3A_26, %dma_wait3A_713, %dma_wait3A_714] : memref<2x64x128xf32, #tpu.memory_space<vmem>> -> memref<1x64x128xf32, #tpu.memory_space<vmem>>
      %dma_wait3A_716 = tpu.memref_squeeze %dma_wait3A_715 : memref<1x64x128xf32, #tpu.memory_space<vmem>> -> memref<64x128xf32, #tpu.memory_space<vmem>>
      tpu.wait_dma2 semaphore(%run_scoped3A_692 : memref<!tpu.dma_semaphore, #tpu.memory_space<semaphore_mem>>) src(%dma_wait3A_716 : memref<64x128xf32, #tpu.memory_space<vmem>>) dst(%dma_wait3A_712 : memref<64x128xf32, #tpu.memory_space<vmem_shared>>)
      tpu.yield
    }) : () -> ()
    %add3A_27 = arith.constant 448 : i32
    %add3A_28 = arith.addi %mul3A_6, %add3A_27 : i32
    %run_scoped3A_29 = arith.constant 0 : i32
    "tpu.region"() ({
      %run_scoped3A_692 = tpu.sem_alloc : memref<!tpu.dma_semaphore, #tpu.memory_space<semaphore_mem>>
      %dma_start3A_693 = arith.constant 0 : i32
      %dma_start3A_694 = arith.constant 0 : i32
      %dma_start3A_695 = tpu.memref_slice %arg9[%run_scoped3A_29, %dma_start3A_693, %dma_start3A_694] : memref<2x64x128xf32, #tpu.memory_space<vmem>> -> memref<1x64x128xf32, #tpu.memory_space<vmem>>
      %dma_start3A_696 = tpu.memref_squeeze %dma_start3A_695 : memref<1x64x128xf32, #tpu.memory_space<vmem>> -> memref<64x128xf32, #tpu.memory_space<vmem>>
      %dma_start3A_697 = arith.constant 0 : i32
      %dma_start3A_698 = tpu.memref_slice %arg10[%add3A_28, %dma_start3A_697] : memref<10112x128xf32, #tpu.memory_space<vmem_shared>> -> memref<64x128xf32, #tpu.memory_space<vmem_shared>>
      %dma_start3A_699 = arith.constant 0 : i32
      %dma_start3A_700 = tpu.memref_slice %arg10[%add3A_28, %dma_start3A_699] : memref<10112x128xf32, #tpu.memory_space<vmem_shared>> -> memref<64x128xf32, #tpu.memory_space<vmem_shared>>
      %dma_start3A_701 = arith.constant 0 : i32
      %dma_start3A_702 = arith.constant 0 : i32
      %dma_start3A_703 = tpu.memref_slice %arg9[%run_scoped3A_29, %dma_start3A_701, %dma_start3A_702] : memref<2x64x128xf32, #tpu.memory_space<vmem>> -> memref<1x64x128xf32, #tpu.memory_space<vmem>>
      %dma_start3A_704 = tpu.memref_squeeze %dma_start3A_703 : memref<1x64x128xf32, #tpu.memory_space<vmem>> -> memref<64x128xf32, #tpu.memory_space<vmem>>
      tpu.enqueue_dma source(%dma_start3A_704 : memref<64x128xf32, #tpu.memory_space<vmem>>) target(%dma_start3A_700 : memref<64x128xf32, #tpu.memory_space<vmem_shared>>) target_semaphore(%run_scoped3A_692 : memref<!tpu.dma_semaphore, #tpu.memory_space<semaphore_mem>>)
      %dma_wait3A_705 = arith.constant 0 : i32
      %dma_wait3A_706 = arith.constant 0 : i32
      %dma_wait3A_707 = tpu.memref_slice %arg9[%run_scoped3A_29, %dma_wait3A_705, %dma_wait3A_706] : memref<2x64x128xf32, #tpu.memory_space<vmem>> -> memref<1x64x128xf32, #tpu.memory_space<vmem>>
      %dma_wait3A_708 = tpu.memref_squeeze %dma_wait3A_707 : memref<1x64x128xf32, #tpu.memory_space<vmem>> -> memref<64x128xf32, #tpu.memory_space<vmem>>
      %dma_wait3A_709 = arith.constant 0 : i32
      %dma_wait3A_710 = tpu.memref_slice %arg10[%add3A_28, %dma_wait3A_709] : memref<10112x128xf32, #tpu.memory_space<vmem_shared>> -> memref<64x128xf32, #tpu.memory_space<vmem_shared>>
      %dma_wait3A_711 = arith.constant 0 : i32
      %dma_wait3A_712 = tpu.memref_slice %arg10[%add3A_28, %dma_wait3A_711] : memref<10112x128xf32, #tpu.memory_space<vmem_shared>> -> memref<64x128xf32, #tpu.memory_space<vmem_shared>>
      %dma_wait3A_713 = arith.constant 0 : i32
      %dma_wait3A_714 = arith.constant 0 : i32
      %dma_wait3A_715 = tpu.memref_slice %arg9[%run_scoped3A_29, %dma_wait3A_713, %dma_wait3A_714] : memref<2x64x128xf32, #tpu.memory_space<vmem>> -> memref<1x64x128xf32, #tpu.memory_space<vmem>>
      %dma_wait3A_716 = tpu.memref_squeeze %dma_wait3A_715 : memref<1x64x128xf32, #tpu.memory_space<vmem>> -> memref<64x128xf32, #tpu.memory_space<vmem>>
      tpu.wait_dma2 semaphore(%run_scoped3A_692 : memref<!tpu.dma_semaphore, #tpu.memory_space<semaphore_mem>>) src(%dma_wait3A_716 : memref<64x128xf32, #tpu.memory_space<vmem>>) dst(%dma_wait3A_712 : memref<64x128xf32, #tpu.memory_space<vmem_shared>>)
      tpu.yield
    }) : () -> ()
    %add3A_30 = arith.constant 512 : i32
    %add3A_31 = arith.addi %mul3A_6, %add3A_30 : i32
    %run_scoped3A_32 = arith.constant 0 : i32
    "tpu.region"() ({
      %run_scoped3A_692 = tpu.sem_alloc : memref<!tpu.dma_semaphore, #tpu.memory_space<semaphore_mem>>
      %dma_start3A_693 = arith.constant 0 : i32
      %dma_start3A_694 = arith.constant 0 : i32
      %dma_start3A_695 = tpu.memref_slice %arg9[%run_scoped3A_32, %dma_start3A_693, %dma_start3A_694] : memref<2x64x128xf32, #tpu.memory_space<vmem>> -> memref<1x64x128xf32, #tpu.memory_space<vmem>>
      %dma_start3A_696 = tpu.memref_squeeze %dma_start3A_695 : memref<1x64x128xf32, #tpu.memory_space<vmem>> -> memref<64x128xf32, #tpu.memory_space<vmem>>
      %dma_start3A_697 = arith.constant 0 : i32
      %dma_start3A_698 = tpu.memref_slice %arg10[%add3A_31, %dma_start3A_697] : memref<10112x128xf32, #tpu.memory_space<vmem_shared>> -> memref<64x128xf32, #tpu.memory_space<vmem_shared>>
      %dma_start3A_699 = arith.constant 0 : i32
      %dma_start3A_700 = tpu.memref_slice %arg10[%add3A_31, %dma_start3A_699] : memref<10112x128xf32, #tpu.memory_space<vmem_shared>> -> memref<64x128xf32, #tpu.memory_space<vmem_shared>>
      %dma_start3A_701 = arith.constant 0 : i32
      %dma_start3A_702 = arith.constant 0 : i32
      %dma_start3A_703 = tpu.memref_slice %arg9[%run_scoped3A_32, %dma_start3A_701, %dma_start3A_702] : memref<2x64x128xf32, #tpu.memory_space<vmem>> -> memref<1x64x128xf32, #tpu.memory_space<vmem>>
      %dma_start3A_704 = tpu.memref_squeeze %dma_start3A_703 : memref<1x64x128xf32, #tpu.memory_space<vmem>> -> memref<64x128xf32, #tpu.memory_space<vmem>>
      tpu.enqueue_dma source(%dma_start3A_704 : memref<64x128xf32, #tpu.memory_space<vmem>>) target(%dma_start3A_700 : memref<64x128xf32, #tpu.memory_space<vmem_shared>>) target_semaphore(%run_scoped3A_692 : memref<!tpu.dma_semaphore, #tpu.memory_space<semaphore_mem>>)
      %dma_wait3A_705 = arith.constant 0 : i32
      %dma_wait3A_706 = arith.constant 0 : i32
      %dma_wait3A_707 = tpu.memref_slice %arg9[%run_scoped3A_32, %dma_wait3A_705, %dma_wait3A_706] : memref<2x64x128xf32, #tpu.memory_space<vmem>> -> memref<1x64x128xf32, #tpu.memory_space<vmem>>
      %dma_wait3A_708 = tpu.memref_squeeze %dma_wait3A_707 : memref<1x64x128xf32, #tpu.memory_space<vmem>> -> memref<64x128xf32, #tpu.memory_space<vmem>>
      %dma_wait3A_709 = arith.constant 0 : i32
      %dma_wait3A_710 = tpu.memref_slice %arg10[%add3A_31, %dma_wait3A_709] : memref<10112x128xf32, #tpu.memory_space<vmem_shared>> -> memref<64x128xf32, #tpu.memory_space<vmem_shared>>
      %dma_wait3A_711 = arith.constant 0 : i32
      %dma_wait3A_712 = tpu.memref_slice %arg10[%add3A_31, %dma_wait3A_711] : memref<10112x128xf32, #tpu.memory_space<vmem_shared>> -> memref<64x128xf32, #tpu.memory_space<vmem_shared>>
      %dma_wait3A_713 = arith.constant 0 : i32
      %dma_wait3A_714 = arith.constant 0 : i32
      %dma_wait3A_715 = tpu.memref_slice %arg9[%run_scoped3A_32, %dma_wait3A_713, %dma_wait3A_714] : memref<2x64x128xf32, #tpu.memory_space<vmem>> -> memref<1x64x128xf32, #tpu.memory_space<vmem>>
      %dma_wait3A_716 = tpu.memref_squeeze %dma_wait3A_715 : memref<1x64x128xf32, #tpu.memory_space<vmem>> -> memref<64x128xf32, #tpu.memory_space<vmem>>
      tpu.wait_dma2 semaphore(%run_scoped3A_692 : memref<!tpu.dma_semaphore, #tpu.memory_space<semaphore_mem>>) src(%dma_wait3A_716 : memref<64x128xf32, #tpu.memory_space<vmem>>) dst(%dma_wait3A_712 : memref<64x128xf32, #tpu.memory_space<vmem_shared>>)
      tpu.yield
    }) : () -> ()
    %add3A_33 = arith.constant 632 : i32
    %add3A_34 = arith.addi %mul3A_6, %add3A_33 : i32
    %sub3A = arith.constant 56 : i32
    %sub3A_35 = arith.subi %add3A_34, %sub3A : i32
    %run_scoped3A_36 = arith.constant 0 : i32
    "tpu.region"() ({
      %run_scoped3A_692 = tpu.sem_alloc : memref<!tpu.dma_semaphore, #tpu.memory_space<semaphore_mem>>
      %dma_start3A_693 = arith.constant 0 : i32
      %dma_start3A_694 = arith.constant 0 : i32
      %dma_start3A_695 = tpu.memref_slice %arg9[%run_scoped3A_36, %dma_start3A_693, %dma_start3A_694] : memref<2x64x128xf32, #tpu.memory_space<vmem>> -> memref<1x56x128xf32, #tpu.memory_space<vmem>>
      %dma_start3A_696 = tpu.memref_squeeze %dma_start3A_695 : memref<1x56x128xf32, #tpu.memory_space<vmem>> -> memref<56x128xf32, #tpu.memory_space<vmem>>
      %dma_start3A_697 = arith.constant 0 : i32
      %dma_start3A_698 = tpu.memref_slice %arg10[%sub3A_35, %dma_start3A_697] : memref<10112x128xf32, #tpu.memory_space<vmem_shared>> -> memref<56x128xf32, #tpu.memory_space<vmem_shared>>
      %dma_start3A_699 = arith.constant 0 : i32
      %dma_start3A_700 = tpu.memref_slice %arg10[%sub3A_35, %dma_start3A_699] : memref<10112x128xf32, #tpu.memory_space<vmem_shared>> -> memref<56x128xf32, #tpu.memory_space<vmem_shared>>
      %dma_start3A_701 = arith.constant 0 : i32
      %dma_start3A_702 = arith.constant 0 : i32
      %dma_start3A_703 = tpu.memref_slice %arg9[%run_scoped3A_36, %dma_start3A_701, %dma_start3A_702] : memref<2x64x128xf32, #tpu.memory_space<vmem>> -> memref<1x56x128xf32, #tpu.memory_space<vmem>>
      %dma_start3A_704 = tpu.memref_squeeze %dma_start3A_703 : memref<1x56x128xf32, #tpu.memory_space<vmem>> -> memref<56x128xf32, #tpu.memory_space<vmem>>
      tpu.enqueue_dma source(%dma_start3A_704 : memref<56x128xf32, #tpu.memory_space<vmem>>) target(%dma_start3A_700 : memref<56x128xf32, #tpu.memory_space<vmem_shared>>) target_semaphore(%run_scoped3A_692 : memref<!tpu.dma_semaphore, #tpu.memory_space<semaphore_mem>>)
      %dma_wait3A_705 = arith.constant 0 : i32
      %dma_wait3A_706 = arith.constant 0 : i32
      %dma_wait3A_707 = tpu.memref_slice %arg9[%run_scoped3A_36, %dma_wait3A_705, %dma_wait3A_706] : memref<2x64x128xf32, #tpu.memory_space<vmem>> -> memref<1x56x128xf32, #tpu.memory_space<vmem>>
      %dma_wait3A_708 = tpu.memref_squeeze %dma_wait3A_707 : memref<1x56x128xf32, #tpu.memory_space<vmem>> -> memref<56x128xf32, #tpu.memory_space<vmem>>
      %dma_wait3A_709 = arith.constant 0 : i32
      %dma_wait3A_710 = tpu.memref_slice %arg10[%sub3A_35, %dma_wait3A_709] : memref<10112x128xf32, #tpu.memory_space<vmem_shared>> -> memref<56x128xf32, #tpu.memory_space<vmem_shared>>
      %dma_wait3A_711 = arith.constant 0 : i32
      %dma_wait3A_712 = tpu.memref_slice %arg10[%sub3A_35, %dma_wait3A_711] : memref<10112x128xf32, #tpu.memory_space<vmem_shared>> -> memref<56x128xf32, #tpu.memory_space<vmem_shared>>
      %dma_wait3A_713 = arith.constant 0 : i32
      %dma_wait3A_714 = arith.constant 0 : i32
      %dma_wait3A_715 = tpu.memref_slice %arg9[%run_scoped3A_36, %dma_wait3A_713, %dma_wait3A_714] : memref<2x64x128xf32, #tpu.memory_space<vmem>> -> memref<1x56x128xf32, #tpu.memory_space<vmem>>
      %dma_wait3A_716 = tpu.memref_squeeze %dma_wait3A_715 : memref<1x56x128xf32, #tpu.memory_space<vmem>> -> memref<56x128xf32, #tpu.memory_space<vmem>>
      tpu.wait_dma2 semaphore(%run_scoped3A_692 : memref<!tpu.dma_semaphore, #tpu.memory_space<semaphore_mem>>) src(%dma_wait3A_716 : memref<56x128xf32, #tpu.memory_space<vmem>>) dst(%dma_wait3A_712 : memref<56x128xf32, #tpu.memory_space<vmem_shared>>)
      tpu.yield
    }) : () -> ()
    %barrier3A = arith.constant 0 : index
    tpu.barrier barrier_id(%barrier3A)
    %mul3A_37 = arith.constant 157 : i32
    %mul3A_38 = arith.muli %add3A, %mul3A_37 : i32
    %add3A_39 = arith.constant 0 : i32
    %add3A_40 = arith.addi %mul3A_38, %add3A_39 : i32
    %dma_start3A = arith.constant 0 : i32
    %dma_start3A_41 = arith.constant 0 : i32
    %dma_start3A_42 = arith.constant 0 : i32
    %dma_start3A_43 = tpu.memref_slice %arg6[%dma_start3A, %dma_start3A_41, %dma_start3A_42] : memref<4x2x64xi32, #tpu.memory_space<vmem>> -> memref<1x2x64xi32, #tpu.memory_space<vmem>>
    %dma_start3A_44 = tpu.memref_squeeze %dma_start3A_43 : memref<1x2x64xi32, #tpu.memory_space<vmem>> -> memref<2x64xi32, #tpu.memory_space<vmem>>
    %dma_start3A_45 = arith.constant 0 : i32
    %dma_start3A_46 = arith.constant 0 : i32
    %dma_start3A_47 = tpu.memref_slice %arg4[%add3A_40, %dma_start3A_45, %dma_start3A_46] : memref<5024x2x64xi32, #tpu.memory_space<hbm>> -> memref<1x2x64xi32, #tpu.memory_space<hbm>>
    %dma_start3A_48 = tpu.memref_squeeze %dma_start3A_47 : memref<1x2x64xi32, #tpu.memory_space<hbm>> -> memref<2x64xi32, #tpu.memory_space<hbm>>
    %dma_start3A_49 = arith.constant 0 : i32
    %dma_start3A_50 = arith.constant 0 : i32
    %dma_start3A_51 = tpu.memref_slice %arg6[%dma_start3A, %dma_start3A_49, %dma_start3A_50] : memref<4x2x64xi32, #tpu.memory_space<vmem>> -> memref<1x2x64xi32, #tpu.memory_space<vmem>>
    %dma_start3A_52 = tpu.memref_squeeze %dma_start3A_51 : memref<1x2x64xi32, #tpu.memory_space<vmem>> -> memref<2x64xi32, #tpu.memory_space<vmem>>
    %dma_start3A_53 = arith.constant 0 : i32
    %dma_start3A_54 = arith.constant 0 : i32
    %dma_start3A_55 = tpu.memref_slice %arg4[%add3A_40, %dma_start3A_53, %dma_start3A_54] : memref<5024x2x64xi32, #tpu.memory_space<hbm>> -> memref<1x2x64xi32, #tpu.memory_space<hbm>>
    %dma_start3A_56 = tpu.memref_squeeze %dma_start3A_55 : memref<1x2x64xi32, #tpu.memory_space<hbm>> -> memref<2x64xi32, #tpu.memory_space<hbm>>
    tpu.enqueue_dma source(%dma_start3A_56 : memref<2x64xi32, #tpu.memory_space<hbm>>) target(%dma_start3A_52 : memref<2x64xi32, #tpu.memory_space<vmem>>) target_semaphore(%arg15 : memref<!tpu.dma_semaphore, #tpu.memory_space<semaphore_mem>>)
    %mul3A_57 = arith.constant 157 : i32
    %mul3A_58 = arith.muli %add3A, %mul3A_57 : i32
    %add3A_59 = arith.constant 1 : i32
    %add3A_60 = arith.addi %mul3A_58, %add3A_59 : i32
    %dma_start3A_61 = arith.constant 1 : i32
    %dma_start3A_62 = arith.constant 0 : i32
    %dma_start3A_63 = arith.constant 0 : i32
    %dma_start3A_64 = tpu.memref_slice %arg6[%dma_start3A_61, %dma_start3A_62, %dma_start3A_63] : memref<4x2x64xi32, #tpu.memory_space<vmem>> -> memref<1x2x64xi32, #tpu.memory_space<vmem>>
    %dma_start3A_65 = tpu.memref_squeeze %dma_start3A_64 : memref<1x2x64xi32, #tpu.memory_space<vmem>> -> memref<2x64xi32, #tpu.memory_space<vmem>>
    %dma_start3A_66 = arith.constant 0 : i32
    %dma_start3A_67 = arith.constant 0 : i32
    %dma_start3A_68 = tpu.memref_slice %arg4[%add3A_60, %dma_start3A_66, %dma_start3A_67] : memref<5024x2x64xi32, #tpu.memory_space<hbm>> -> memref<1x2x64xi32, #tpu.memory_space<hbm>>
    %dma_start3A_69 = tpu.memref_squeeze %dma_start3A_68 : memref<1x2x64xi32, #tpu.memory_space<hbm>> -> memref<2x64xi32, #tpu.memory_space<hbm>>
    %dma_start3A_70 = arith.constant 0 : i32
    %dma_start3A_71 = arith.constant 0 : i32
    %dma_start3A_72 = tpu.memref_slice %arg6[%dma_start3A_61, %dma_start3A_70, %dma_start3A_71] : memref<4x2x64xi32, #tpu.memory_space<vmem>> -> memref<1x2x64xi32, #tpu.memory_space<vmem>>
    %dma_start3A_73 = tpu.memref_squeeze %dma_start3A_72 : memref<1x2x64xi32, #tpu.memory_space<vmem>> -> memref<2x64xi32, #tpu.memory_space<vmem>>
    %dma_start3A_74 = arith.constant 0 : i32
    %dma_start3A_75 = arith.constant 0 : i32
    %dma_start3A_76 = tpu.memref_slice %arg4[%add3A_60, %dma_start3A_74, %dma_start3A_75] : memref<5024x2x64xi32, #tpu.memory_space<hbm>> -> memref<1x2x64xi32, #tpu.memory_space<hbm>>
    %dma_start3A_77 = tpu.memref_squeeze %dma_start3A_76 : memref<1x2x64xi32, #tpu.memory_space<hbm>> -> memref<2x64xi32, #tpu.memory_space<hbm>>
    tpu.enqueue_dma source(%dma_start3A_77 : memref<2x64xi32, #tpu.memory_space<hbm>>) target(%dma_start3A_73 : memref<2x64xi32, #tpu.memory_space<vmem>>) target_semaphore(%arg15 : memref<!tpu.dma_semaphore, #tpu.memory_space<semaphore_mem>>)
    %dma_wait3A = arith.constant 0 : i32
    %dma_wait3A_78 = arith.constant 0 : i32
    %dma_wait3A_79 = arith.constant 0 : i32
    %dma_wait3A_80 = arith.constant 0 : i32
    %dma_wait3A_81 = tpu.memref_slice %arg6[%dma_wait3A_78, %dma_wait3A_79, %dma_wait3A_80] : memref<4x2x64xi32, #tpu.memory_space<vmem>> -> memref<1x2x64xi32, #tpu.memory_space<vmem>>
    %dma_wait3A_82 = tpu.memref_squeeze %dma_wait3A_81 : memref<1x2x64xi32, #tpu.memory_space<vmem>> -> memref<2x64xi32, #tpu.memory_space<vmem>>
    %dma_wait3A_83 = arith.constant 0 : i32
    %dma_wait3A_84 = arith.constant 0 : i32
    %dma_wait3A_85 = tpu.memref_slice %arg4[%dma_wait3A, %dma_wait3A_83, %dma_wait3A_84] : memref<5024x2x64xi32, #tpu.memory_space<hbm>> -> memref<1x2x64xi32, #tpu.memory_space<hbm>>
    %dma_wait3A_86 = tpu.memref_squeeze %dma_wait3A_85 : memref<1x2x64xi32, #tpu.memory_space<hbm>> -> memref<2x64xi32, #tpu.memory_space<hbm>>
    %dma_wait3A_87 = arith.constant 0 : i32
    %dma_wait3A_88 = arith.constant 0 : i32
    %dma_wait3A_89 = tpu.memref_slice %arg6[%dma_wait3A_78, %dma_wait3A_87, %dma_wait3A_88] : memref<4x2x64xi32, #tpu.memory_space<vmem>> -> memref<1x2x64xi32, #tpu.memory_space<vmem>>
    %dma_wait3A_90 = tpu.memref_squeeze %dma_wait3A_89 : memref<1x2x64xi32, #tpu.memory_space<vmem>> -> memref<2x64xi32, #tpu.memory_space<vmem>>
    %dma_wait3A_91 = arith.constant 0 : i32
    %dma_wait3A_92 = arith.constant 0 : i32
    %dma_wait3A_93 = tpu.memref_slice %arg4[%dma_wait3A, %dma_wait3A_91, %dma_wait3A_92] : memref<5024x2x64xi32, #tpu.memory_space<hbm>> -> memref<1x2x64xi32, #tpu.memory_space<hbm>>
    %dma_wait3A_94 = tpu.memref_squeeze %dma_wait3A_93 : memref<1x2x64xi32, #tpu.memory_space<hbm>> -> memref<2x64xi32, #tpu.memory_space<hbm>>
    tpu.wait_dma2 semaphore(%arg15 : memref<!tpu.dma_semaphore, #tpu.memory_space<semaphore_mem>>) src(%dma_wait3A_94 : memref<2x64xi32, #tpu.memory_space<hbm>>) dst(%dma_wait3A_90 : memref<2x64xi32, #tpu.memory_space<vmem>>)
    %dma_start3A_95 = arith.constant 0 : i32
    %dma_start3A_96 = arith.constant 0 : i32
    %dma_start3A_97 = arith.constant 0 : i32
    %dma_start3A_98 = arith.constant 0 : i32
    %dma_start3A_99 = arith.constant 0 : i32
    %dma_start3A_100 = tpu.memref_slice %arg7[%dma_start3A_97, %dma_start3A_98, %dma_start3A_99] : memref<2x64x128xf32, #tpu.memory_space<vmem>> -> memref<1x64x128xf32, #tpu.memory_space<vmem>>
    %dma_start3A_101 = tpu.memref_squeeze %dma_start3A_100 : memref<1x64x128xf32, #tpu.memory_space<vmem>> -> memref<64x128xf32, #tpu.memory_space<vmem>>
    %dma_start3A_102 = arith.constant 0 : i32
    %dma_start3A_103 = tpu.memref_slice %arg6[%dma_start3A_95, %dma_start3A_96, %dma_start3A_102] : memref<4x2x64xi32, #tpu.memory_space<vmem>> -> memref<1x1x64xi32, #tpu.memory_space<vmem>>
    %dma_start3A_104 = tpu.memref_squeeze %dma_start3A_103 : memref<1x1x64xi32, #tpu.memory_space<vmem>> -> memref<64xi32, #tpu.memory_space<vmem>>
    %dma_start3A_105 = arith.constant 0 : i32
    %dma_start3A_106 = arith.constant 0 : i32
    %dma_start3A_107 = tpu.memref_slice %arg2[%dma_start3A_105, %dma_start3A_106] : memref<10112x128xf32, #tpu.memory_space<hbm>> -> memref<10112x128xf32, #tpu.memory_space<hbm>>
    tpu.enqueue_indirect_dma source(%dma_start3A_107 : memref<10112x128xf32, #tpu.memory_space<hbm>>) target(%dma_start3A_101 : memref<64x128xf32, #tpu.memory_space<vmem>>) offsets(%dma_start3A_104 : memref<64xi32, #tpu.memory_space<vmem>>) semaphore(%arg11 : memref<!tpu.dma_semaphore, #tpu.memory_space<semaphore_mem>>)
    %dma_start3A_108 = arith.constant 0 : i32
    %dma_start3A_109 = arith.constant 1 : i32
    %dma_start3A_110 = arith.constant 0 : i32
    %dma_start3A_111 = arith.constant 0 : i32
    %dma_start3A_112 = arith.constant 0 : i32
    %dma_start3A_113 = tpu.memref_slice %arg8[%dma_start3A_110, %dma_start3A_111, %dma_start3A_112] : memref<2x64x128xf32, #tpu.memory_space<vmem>> -> memref<1x64x128xf32, #tpu.memory_space<vmem>>
    %dma_start3A_114 = tpu.memref_squeeze %dma_start3A_113 : memref<1x64x128xf32, #tpu.memory_space<vmem>> -> memref<64x128xf32, #tpu.memory_space<vmem>>
    %dma_start3A_115 = arith.constant 0 : i32
    %dma_start3A_116 = tpu.memref_slice %arg6[%dma_start3A_108, %dma_start3A_109, %dma_start3A_115] : memref<4x2x64xi32, #tpu.memory_space<vmem>> -> memref<1x1x64xi32, #tpu.memory_space<vmem>>
    %dma_start3A_117 = tpu.memref_squeeze %dma_start3A_116 : memref<1x1x64xi32, #tpu.memory_space<vmem>> -> memref<64xi32, #tpu.memory_space<vmem>>
    %dma_start3A_118 = arith.constant 0 : i32
    %dma_start3A_119 = arith.constant 0 : i32
    %dma_start3A_120 = tpu.memref_slice %arg3[%dma_start3A_118, %dma_start3A_119] : memref<10112x128xf32, #tpu.memory_space<hbm>> -> memref<10112x128xf32, #tpu.memory_space<hbm>>
    tpu.enqueue_indirect_dma source(%dma_start3A_120 : memref<10112x128xf32, #tpu.memory_space<hbm>>) target(%dma_start3A_114 : memref<64x128xf32, #tpu.memory_space<vmem>>) offsets(%dma_start3A_117 : memref<64xi32, #tpu.memory_space<vmem>>) semaphore(%arg11 : memref<!tpu.dma_semaphore, #tpu.memory_space<semaphore_mem>>)
    %dma_wait3A_121 = arith.constant 0 : i32
    %dma_wait3A_122 = arith.constant 1 : i32
    %dma_wait3A_123 = arith.constant 0 : i32
    %dma_wait3A_124 = arith.constant 0 : i32
    %dma_wait3A_125 = tpu.memref_slice %arg6[%dma_wait3A_122, %dma_wait3A_123, %dma_wait3A_124] : memref<4x2x64xi32, #tpu.memory_space<vmem>> -> memref<1x2x64xi32, #tpu.memory_space<vmem>>
    %dma_wait3A_126 = tpu.memref_squeeze %dma_wait3A_125 : memref<1x2x64xi32, #tpu.memory_space<vmem>> -> memref<2x64xi32, #tpu.memory_space<vmem>>
    %dma_wait3A_127 = arith.constant 0 : i32
    %dma_wait3A_128 = arith.constant 0 : i32
    %dma_wait3A_129 = tpu.memref_slice %arg4[%dma_wait3A_121, %dma_wait3A_127, %dma_wait3A_128] : memref<5024x2x64xi32, #tpu.memory_space<hbm>> -> memref<1x2x64xi32, #tpu.memory_space<hbm>>
    %dma_wait3A_130 = tpu.memref_squeeze %dma_wait3A_129 : memref<1x2x64xi32, #tpu.memory_space<hbm>> -> memref<2x64xi32, #tpu.memory_space<hbm>>
    %dma_wait3A_131 = arith.constant 0 : i32
    %dma_wait3A_132 = arith.constant 0 : i32
    %dma_wait3A_133 = tpu.memref_slice %arg6[%dma_wait3A_122, %dma_wait3A_131, %dma_wait3A_132] : memref<4x2x64xi32, #tpu.memory_space<vmem>> -> memref<1x2x64xi32, #tpu.memory_space<vmem>>
    %dma_wait3A_134 = tpu.memref_squeeze %dma_wait3A_133 : memref<1x2x64xi32, #tpu.memory_space<vmem>> -> memref<2x64xi32, #tpu.memory_space<vmem>>
    %dma_wait3A_135 = arith.constant 0 : i32
    %dma_wait3A_136 = arith.constant 0 : i32
    %dma_wait3A_137 = tpu.memref_slice %arg4[%dma_wait3A_121, %dma_wait3A_135, %dma_wait3A_136] : memref<5024x2x64xi32, #tpu.memory_space<hbm>> -> memref<1x2x64xi32, #tpu.memory_space<hbm>>
    %dma_wait3A_138 = tpu.memref_squeeze %dma_wait3A_137 : memref<1x2x64xi32, #tpu.memory_space<hbm>> -> memref<2x64xi32, #tpu.memory_space<hbm>>
    tpu.wait_dma2 semaphore(%arg15 : memref<!tpu.dma_semaphore, #tpu.memory_space<semaphore_mem>>) src(%dma_wait3A_138 : memref<2x64xi32, #tpu.memory_space<hbm>>) dst(%dma_wait3A_134 : memref<2x64xi32, #tpu.memory_space<vmem>>)
    %dma_start3A_139 = arith.constant 1 : i32
    %dma_start3A_140 = arith.constant 0 : i32
    %dma_start3A_141 = arith.constant 1 : i32
    %dma_start3A_142 = arith.constant 0 : i32
    %dma_start3A_143 = arith.constant 0 : i32
    %dma_start3A_144 = tpu.memref_slice %arg7[%dma_start3A_141, %dma_start3A_142, %dma_start3A_143] : memref<2x64x128xf32, #tpu.memory_space<vmem>> -> memref<1x64x128xf32, #tpu.memory_space<vmem>>
    %dma_start3A_145 = tpu.memref_squeeze %dma_start3A_144 : memref<1x64x128xf32, #tpu.memory_space<vmem>> -> memref<64x128xf32, #tpu.memory_space<vmem>>
    %dma_start3A_146 = arith.constant 0 : i32
    %dma_start3A_147 = tpu.memref_slice %arg6[%dma_start3A_139, %dma_start3A_140, %dma_start3A_146] : memref<4x2x64xi32, #tpu.memory_space<vmem>> -> memref<1x1x64xi32, #tpu.memory_space<vmem>>
    %dma_start3A_148 = tpu.memref_squeeze %dma_start3A_147 : memref<1x1x64xi32, #tpu.memory_space<vmem>> -> memref<64xi32, #tpu.memory_space<vmem>>
    %dma_start3A_149 = arith.constant 0 : i32
    %dma_start3A_150 = arith.constant 0 : i32
    %dma_start3A_151 = tpu.memref_slice %arg2[%dma_start3A_149, %dma_start3A_150] : memref<10112x128xf32, #tpu.memory_space<hbm>> -> memref<10112x128xf32, #tpu.memory_space<hbm>>
    tpu.enqueue_indirect_dma source(%dma_start3A_151 : memref<10112x128xf32, #tpu.memory_space<hbm>>) target(%dma_start3A_145 : memref<64x128xf32, #tpu.memory_space<vmem>>) offsets(%dma_start3A_148 : memref<64xi32, #tpu.memory_space<vmem>>) semaphore(%arg12 : memref<!tpu.dma_semaphore, #tpu.memory_space<semaphore_mem>>)
    %dma_start3A_152 = arith.constant 1 : i32
    %dma_start3A_153 = arith.constant 1 : i32
    %dma_start3A_154 = arith.constant 1 : i32
    %dma_start3A_155 = arith.constant 0 : i32
    %dma_start3A_156 = arith.constant 0 : i32
    %dma_start3A_157 = tpu.memref_slice %arg8[%dma_start3A_154, %dma_start3A_155, %dma_start3A_156] : memref<2x64x128xf32, #tpu.memory_space<vmem>> -> memref<1x64x128xf32, #tpu.memory_space<vmem>>
    %dma_start3A_158 = tpu.memref_squeeze %dma_start3A_157 : memref<1x64x128xf32, #tpu.memory_space<vmem>> -> memref<64x128xf32, #tpu.memory_space<vmem>>
    %dma_start3A_159 = arith.constant 0 : i32
    %dma_start3A_160 = tpu.memref_slice %arg6[%dma_start3A_152, %dma_start3A_153, %dma_start3A_159] : memref<4x2x64xi32, #tpu.memory_space<vmem>> -> memref<1x1x64xi32, #tpu.memory_space<vmem>>
    %dma_start3A_161 = tpu.memref_squeeze %dma_start3A_160 : memref<1x1x64xi32, #tpu.memory_space<vmem>> -> memref<64xi32, #tpu.memory_space<vmem>>
    %dma_start3A_162 = arith.constant 0 : i32
    %dma_start3A_163 = arith.constant 0 : i32
    %dma_start3A_164 = tpu.memref_slice %arg3[%dma_start3A_162, %dma_start3A_163] : memref<10112x128xf32, #tpu.memory_space<hbm>> -> memref<10112x128xf32, #tpu.memory_space<hbm>>
    tpu.enqueue_indirect_dma source(%dma_start3A_164 : memref<10112x128xf32, #tpu.memory_space<hbm>>) target(%dma_start3A_158 : memref<64x128xf32, #tpu.memory_space<vmem>>) offsets(%dma_start3A_161 : memref<64xi32, #tpu.memory_space<vmem>>) semaphore(%arg12 : memref<!tpu.dma_semaphore, #tpu.memory_space<semaphore_mem>>)
    %dma_wait3A_165 = arith.constant 0 : i32
    %dma_wait3A_166 = arith.constant 0 : i32
    %dma_wait3A_167 = arith.constant 0 : i32
    %dma_wait3A_168 = arith.constant 0 : i32
    %dma_wait3A_169 = arith.constant 0 : i32
    %dma_wait3A_170 = tpu.memref_slice %arg7[%dma_wait3A_167, %dma_wait3A_168, %dma_wait3A_169] : memref<2x64x128xf32, #tpu.memory_space<vmem>> -> memref<1x64x128xf32, #tpu.memory_space<vmem>>
    %dma_wait3A_171 = tpu.memref_squeeze %dma_wait3A_170 : memref<1x64x128xf32, #tpu.memory_space<vmem>> -> memref<64x128xf32, #tpu.memory_space<vmem>>
    %dma_wait3A_172 = arith.constant 0 : i32
    %dma_wait3A_173 = tpu.memref_slice %arg6[%dma_wait3A_165, %dma_wait3A_166, %dma_wait3A_172] : memref<4x2x64xi32, #tpu.memory_space<vmem>> -> memref<1x1x64xi32, #tpu.memory_space<vmem>>
    %dma_wait3A_174 = tpu.memref_squeeze %dma_wait3A_173 : memref<1x1x64xi32, #tpu.memory_space<vmem>> -> memref<64xi32, #tpu.memory_space<vmem>>
    %dma_wait3A_175 = arith.constant 0 : i32
    %dma_wait3A_176 = arith.constant 0 : i32
    %dma_wait3A_177 = tpu.memref_slice %arg2[%dma_wait3A_175, %dma_wait3A_176] : memref<10112x128xf32, #tpu.memory_space<hbm>> -> memref<10112x128xf32, #tpu.memory_space<hbm>>
    tpu.wait_indirect_dma semaphore(%arg11 : memref<!tpu.dma_semaphore, #tpu.memory_space<semaphore_mem>>) src(%dma_wait3A_177 : memref<10112x128xf32, #tpu.memory_space<hbm>>) dst(%dma_wait3A_171 : memref<64x128xf32, #tpu.memory_space<vmem>>)
    %dma_wait3A_178 = arith.constant 0 : i32
    %dma_wait3A_179 = arith.constant 1 : i32
    %dma_wait3A_180 = arith.constant 0 : i32
    %dma_wait3A_181 = arith.constant 0 : i32
    %dma_wait3A_182 = arith.constant 0 : i32
    %dma_wait3A_183 = tpu.memref_slice %arg8[%dma_wait3A_180, %dma_wait3A_181, %dma_wait3A_182] : memref<2x64x128xf32, #tpu.memory_space<vmem>> -> memref<1x64x128xf32, #tpu.memory_space<vmem>>
    %dma_wait3A_184 = tpu.memref_squeeze %dma_wait3A_183 : memref<1x64x128xf32, #tpu.memory_space<vmem>> -> memref<64x128xf32, #tpu.memory_space<vmem>>
    %dma_wait3A_185 = arith.constant 0 : i32
    %dma_wait3A_186 = tpu.memref_slice %arg6[%dma_wait3A_178, %dma_wait3A_179, %dma_wait3A_185] : memref<4x2x64xi32, #tpu.memory_space<vmem>> -> memref<1x1x64xi32, #tpu.memory_space<vmem>>
    %dma_wait3A_187 = tpu.memref_squeeze %dma_wait3A_186 : memref<1x1x64xi32, #tpu.memory_space<vmem>> -> memref<64xi32, #tpu.memory_space<vmem>>
    %dma_wait3A_188 = arith.constant 0 : i32
    %dma_wait3A_189 = arith.constant 0 : i32
    %dma_wait3A_190 = tpu.memref_slice %arg3[%dma_wait3A_188, %dma_wait3A_189] : memref<10112x128xf32, #tpu.memory_space<hbm>> -> memref<10112x128xf32, #tpu.memory_space<hbm>>
    tpu.wait_indirect_dma semaphore(%arg11 : memref<!tpu.dma_semaphore, #tpu.memory_space<semaphore_mem>>) src(%dma_wait3A_190 : memref<10112x128xf32, #tpu.memory_space<hbm>>) dst(%dma_wait3A_184 : memref<64x128xf32, #tpu.memory_space<vmem>>)
    %mul3A_191 = arith.constant 157 : i32
    %mul3A_192 = arith.muli %add3A, %mul3A_191 : i32
    %add3A_193 = arith.constant 2 : i32
    %add3A_194 = arith.addi %mul3A_192, %add3A_193 : i32
    %dma_start3A_195 = arith.constant 2 : i32
    %dma_start3A_196 = arith.constant 0 : i32
    %dma_start3A_197 = arith.constant 0 : i32
    %dma_start3A_198 = tpu.memref_slice %arg6[%dma_start3A_195, %dma_start3A_196, %dma_start3A_197] : memref<4x2x64xi32, #tpu.memory_space<vmem>> -> memref<1x2x64xi32, #tpu.memory_space<vmem>>
    %dma_start3A_199 = tpu.memref_squeeze %dma_start3A_198 : memref<1x2x64xi32, #tpu.memory_space<vmem>> -> memref<2x64xi32, #tpu.memory_space<vmem>>
    %dma_start3A_200 = arith.constant 0 : i32
    %dma_start3A_201 = arith.constant 0 : i32
    %dma_start3A_202 = tpu.memref_slice %arg4[%add3A_194, %dma_start3A_200, %dma_start3A_201] : memref<5024x2x64xi32, #tpu.memory_space<hbm>> -> memref<1x2x64xi32, #tpu.memory_space<hbm>>
    %dma_start3A_203 = tpu.memref_squeeze %dma_start3A_202 : memref<1x2x64xi32, #tpu.memory_space<hbm>> -> memref<2x64xi32, #tpu.memory_space<hbm>>
    %dma_start3A_204 = arith.constant 0 : i32
    %dma_start3A_205 = arith.constant 0 : i32
    %dma_start3A_206 = tpu.memref_slice %arg6[%dma_start3A_195, %dma_start3A_204, %dma_start3A_205] : memref<4x2x64xi32, #tpu.memory_space<vmem>> -> memref<1x2x64xi32, #tpu.memory_space<vmem>>
    %dma_start3A_207 = tpu.memref_squeeze %dma_start3A_206 : memref<1x2x64xi32, #tpu.memory_space<vmem>> -> memref<2x64xi32, #tpu.memory_space<vmem>>
    %dma_start3A_208 = arith.constant 0 : i32
    %dma_start3A_209 = arith.constant 0 : i32
    %dma_start3A_210 = tpu.memref_slice %arg4[%add3A_194, %dma_start3A_208, %dma_start3A_209] : memref<5024x2x64xi32, #tpu.memory_space<hbm>> -> memref<1x2x64xi32, #tpu.memory_space<hbm>>
    %dma_start3A_211 = tpu.memref_squeeze %dma_start3A_210 : memref<1x2x64xi32, #tpu.memory_space<hbm>> -> memref<2x64xi32, #tpu.memory_space<hbm>>
    tpu.enqueue_dma source(%dma_start3A_211 : memref<2x64xi32, #tpu.memory_space<hbm>>) target(%dma_start3A_207 : memref<2x64xi32, #tpu.memory_space<vmem>>) target_semaphore(%arg15 : memref<!tpu.dma_semaphore, #tpu.memory_space<semaphore_mem>>)
    %parallel_loop3A = arith.constant 0 : i32
    %parallel_loop3A_212 = arith.constant 64 : i32
    %parallel_loop3A_213 = arith.constant 1 : i32
    scf.for %parallel_loop3A_692 = %parallel_loop3A to %parallel_loop3A_212 step %parallel_loop3A_213  : i32 {
      %parallel_loop3A_693 = arith.constant 0 : i32
      %parallel_loop3A_694 = arith.index_cast %parallel_loop3A_693 : i32 to index
      %parallel_loop3A_695 = arith.index_cast %parallel_loop3A_692 : i32 to index
      %parallel_loop3A_696 = arith.constant 0 : index
      %parallel_loop3A_697 = tpu.vector_load %arg7[%parallel_loop3A_694, %parallel_loop3A_695, %parallel_loop3A_696] {strides = array<i32>} : memref<2x64x128xf32, #tpu.memory_space<vmem>>, vector<1x1x16xf32>,
      %parallel_loop3A_698 = vector.shape_cast %parallel_loop3A_697 : vector<1x1x16xf32> to vector<16xf32>
      %parallel_loop3A_699 = arith.constant 0 : i32
      %parallel_loop3A_700 = arith.index_cast %parallel_loop3A_699 : i32 to index
      %parallel_loop3A_701 = arith.index_cast %parallel_loop3A_692 : i32 to index
      %parallel_loop3A_702 = arith.constant 0 : index
      %parallel_loop3A_703 = tpu.vector_load %arg8[%parallel_loop3A_700, %parallel_loop3A_701, %parallel_loop3A_702] {strides = array<i32>} : memref<2x64x128xf32, #tpu.memory_space<vmem>>, vector<1x1x16xf32>,
      %parallel_loop3A_704 = vector.shape_cast %parallel_loop3A_703 : vector<1x1x16xf32> to vector<16xf32>
      %parallel_loop3A_705 = arith.addf %parallel_loop3A_698, %parallel_loop3A_704 : vector<16xf32>
      %parallel_loop3A_706 = arith.constant 0.000000e+00 : f32
      %parallel_loop3A_707 = vector.broadcast %parallel_loop3A_706 : f32 to vector<16xf32>
      %parallel_loop3A_708 = arith.maximumf %parallel_loop3A_705, %parallel_loop3A_707 : vector<16xf32>
      %parallel_loop3A_709 = arith.constant 0 : i32
      %parallel_loop3A_710 = arith.index_cast %parallel_loop3A_709 : i32 to index
      %parallel_loop3A_711 = arith.index_cast %parallel_loop3A_692 : i32 to index
      %parallel_loop3A_712 = arith.constant 0 : index
      %parallel_loop3A_713 = tpu.vector_load %arg9[%parallel_loop3A_710, %parallel_loop3A_711, %parallel_loop3A_712] {strides = array<i32>} : memref<2x64x128xf32, #tpu.memory_space<vmem>>, vector<1x1x16xf32>,
      %parallel_loop3A_714 = vector.shape_cast %parallel_loop3A_713 : vector<1x1x16xf32> to vector<16xf32>
      %parallel_loop3A_715 = vector.shape_cast %parallel_loop3A_708 : vector<16xf32> to vector<1x1x16xf32>
      tpu.vector_store %arg9[%parallel_loop3A_710, %parallel_loop3A_711, %parallel_loop3A_712], %parallel_loop3A_715 {strides = array<i32>} : memref<2x64x128xf32, #tpu.memory_space<vmem>>, vector<1x1x16xf32>,
      %parallel_loop3A_716 = arith.constant 0 : i32
      %parallel_loop3A_717 = arith.index_cast %parallel_loop3A_716 : i32 to index
      %parallel_loop3A_718 = arith.index_cast %parallel_loop3A_692 : i32 to index
      %parallel_loop3A_719 = arith.constant 16 : index
      %parallel_loop3A_720 = tpu.vector_load %arg7[%parallel_loop3A_717, %parallel_loop3A_718, %parallel_loop3A_719] {strides = array<i32>} : memref<2x64x128xf32, #tpu.memory_space<vmem>>, vector<1x1x16xf32>,
      %parallel_loop3A_721 = vector.shape_cast %parallel_loop3A_720 : vector<1x1x16xf32> to vector<16xf32>
      %parallel_loop3A_722 = arith.constant 0 : i32
      %parallel_loop3A_723 = arith.index_cast %parallel_loop3A_722 : i32 to index
      %parallel_loop3A_724 = arith.index_cast %parallel_loop3A_692 : i32 to index
      %parallel_loop3A_725 = arith.constant 16 : index
      %parallel_loop3A_726 = tpu.vector_load %arg8[%parallel_loop3A_723, %parallel_loop3A_724, %parallel_loop3A_725] {strides = array<i32>} : memref<2x64x128xf32, #tpu.memory_space<vmem>>, vector<1x1x16xf32>,
      %parallel_loop3A_727 = vector.shape_cast %parallel_loop3A_726 : vector<1x1x16xf32> to vector<16xf32>
      %parallel_loop3A_728 = arith.addf %parallel_loop3A_721, %parallel_loop3A_727 : vector<16xf32>
      %parallel_loop3A_729 = arith.constant 0.000000e+00 : f32
      %parallel_loop3A_730 = vector.broadcast %parallel_loop3A_729 : f32 to vector<16xf32>
      %parallel_loop3A_731 = arith.maximumf %parallel_loop3A_728, %parallel_loop3A_730 : vector<16xf32>
      %parallel_loop3A_732 = arith.constant 0 : i32
      %parallel_loop3A_733 = arith.index_cast %parallel_loop3A_732 : i32 to index
      %parallel_loop3A_734 = arith.index_cast %parallel_loop3A_692 : i32 to index
      %parallel_loop3A_735 = arith.constant 16 : index
      %parallel_loop3A_736 = tpu.vector_load %arg9[%parallel_loop3A_733, %parallel_loop3A_734, %parallel_loop3A_735] {strides = array<i32>} : memref<2x64x128xf32, #tpu.memory_space<vmem>>, vector<1x1x16xf32>,
      %parallel_loop3A_737 = vector.shape_cast %parallel_loop3A_736 : vector<1x1x16xf32> to vector<16xf32>
      %parallel_loop3A_738 = vector.shape_cast %parallel_loop3A_731 : vector<16xf32> to vector<1x1x16xf32>
      tpu.vector_store %arg9[%parallel_loop3A_733, %parallel_loop3A_734, %parallel_loop3A_735], %parallel_loop3A_738 {strides = array<i32>} : memref<2x64x128xf32, #tpu.memory_space<vmem>>, vector<1x1x16xf32>,
      %parallel_loop3A_739 = arith.constant 0 : i32
      %parallel_loop3A_740 = arith.index_cast %parallel_loop3A_739 : i32 to index
      %parallel_loop3A_741 = arith.index_cast %parallel_loop3A_692 : i32 to index
      %parallel_loop3A_742 = arith.constant 32 : index
      %parallel_loop3A_743 = tpu.vector_load %arg7[%parallel_loop3A_740, %parallel_loop3A_741, %parallel_loop3A_742] {strides = array<i32>} : memref<2x64x128xf32, #tpu.memory_space<vmem>>, vector<1x1x16xf32>,
      %parallel_loop3A_744 = vector.shape_cast %parallel_loop3A_743 : vector<1x1x16xf32> to vector<16xf32>
      %parallel_loop3A_745 = arith.constant 0 : i32
      %parallel_loop3A_746 = arith.index_cast %parallel_loop3A_745 : i32 to index
      %parallel_loop3A_747 = arith.index_cast %parallel_loop3A_692 : i32 to index
      %parallel_loop3A_748 = arith.constant 32 : index
      %parallel_loop3A_749 = tpu.vector_load %arg8[%parallel_loop3A_746, %parallel_loop3A_747, %parallel_loop3A_748] {strides = array<i32>} : memref<2x64x128xf32, #tpu.memory_space<vmem>>, vector<1x1x16xf32>,
      %parallel_loop3A_750 = vector.shape_cast %parallel_loop3A_749 : vector<1x1x16xf32> to vector<16xf32>
      %parallel_loop3A_751 = arith.addf %parallel_loop3A_744, %parallel_loop3A_750 : vector<16xf32>
      %parallel_loop3A_752 = arith.constant 0.000000e+00 : f32
      %parallel_loop3A_753 = vector.broadcast %parallel_loop3A_752 : f32 to vector<16xf32>
      %parallel_loop3A_754 = arith.maximumf %parallel_loop3A_751, %parallel_loop3A_753 : vector<16xf32>
      %parallel_loop3A_755 = arith.constant 0 : i32
      %parallel_loop3A_756 = arith.index_cast %parallel_loop3A_755 : i32 to index
      %parallel_loop3A_757 = arith.index_cast %parallel_loop3A_692 : i32 to index
      %parallel_loop3A_758 = arith.constant 32 : index
      %parallel_loop3A_759 = tpu.vector_load %arg9[%parallel_loop3A_756, %parallel_loop3A_757, %parallel_loop3A_758] {strides = array<i32>} : memref<2x64x128xf32, #tpu.memory_space<vmem>>, vector<1x1x16xf32>,
      %parallel_loop3A_760 = vector.shape_cast %parallel_loop3A_759 : vector<1x1x16xf32> to vector<16xf32>
      %parallel_loop3A_761 = vector.shape_cast %parallel_loop3A_754 : vector<16xf32> to vector<1x1x16xf32>
      tpu.vector_store %arg9[%parallel_loop3A_756, %parallel_loop3A_757, %parallel_loop3A_758], %parallel_loop3A_761 {strides = array<i32>} : memref<2x64x128xf32, #tpu.memory_space<vmem>>, vector<1x1x16xf32>,
      %parallel_loop3A_762 = arith.constant 0 : i32
      %parallel_loop3A_763 = arith.index_cast %parallel_loop3A_762 : i32 to index
      %parallel_loop3A_764 = arith.index_cast %parallel_loop3A_692 : i32 to index
      %parallel_loop3A_765 = arith.constant 48 : index
      %parallel_loop3A_766 = tpu.vector_load %arg7[%parallel_loop3A_763, %parallel_loop3A_764, %parallel_loop3A_765] {strides = array<i32>} : memref<2x64x128xf32, #tpu.memory_space<vmem>>, vector<1x1x16xf32>,
      %parallel_loop3A_767 = vector.shape_cast %parallel_loop3A_766 : vector<1x1x16xf32> to vector<16xf32>
      %parallel_loop3A_768 = arith.constant 0 : i32
      %parallel_loop3A_769 = arith.index_cast %parallel_loop3A_768 : i32 to index
      %parallel_loop3A_770 = arith.index_cast %parallel_loop3A_692 : i32 to index
      %parallel_loop3A_771 = arith.constant 48 : index
      %parallel_loop3A_772 = tpu.vector_load %arg8[%parallel_loop3A_769, %parallel_loop3A_770, %parallel_loop3A_771] {strides = array<i32>} : memref<2x64x128xf32, #tpu.memory_space<vmem>>, vector<1x1x16xf32>,
      %parallel_loop3A_773 = vector.shape_cast %parallel_loop3A_772 : vector<1x1x16xf32> to vector<16xf32>
      %parallel_loop3A_774 = arith.addf %parallel_loop3A_767, %parallel_loop3A_773 : vector<16xf32>
      %parallel_loop3A_775 = arith.constant 0.000000e+00 : f32
      %parallel_loop3A_776 = vector.broadcast %parallel_loop3A_775 : f32 to vector<16xf32>
      %parallel_loop3A_777 = arith.maximumf %parallel_loop3A_774, %parallel_loop3A_776 : vector<16xf32>
      %parallel_loop3A_778 = arith.constant 0 : i32
      %parallel_loop3A_779 = arith.index_cast %parallel_loop3A_778 : i32 to index
      %parallel_loop3A_780 = arith.index_cast %parallel_loop3A_692 : i32 to index
      %parallel_loop3A_781 = arith.constant 48 : index
      %parallel_loop3A_782 = tpu.vector_load %arg9[%parallel_loop3A_779, %parallel_loop3A_780, %parallel_loop3A_781] {strides = array<i32>} : memref<2x64x128xf32, #tpu.memory_space<vmem>>, vector<1x1x16xf32>,
      %parallel_loop3A_783 = vector.shape_cast %parallel_loop3A_782 : vector<1x1x16xf32> to vector<16xf32>
      %parallel_loop3A_784 = vector.shape_cast %parallel_loop3A_777 : vector<16xf32> to vector<1x1x16xf32>
      tpu.vector_store %arg9[%parallel_loop3A_779, %parallel_loop3A_780, %parallel_loop3A_781], %parallel_loop3A_784 {strides = array<i32>} : memref<2x64x128xf32, #tpu.memory_space<vmem>>, vector<1x1x16xf32>,
      %parallel_loop3A_785 = arith.constant 0 : i32
      %parallel_loop3A_786 = arith.index_cast %parallel_loop3A_785 : i32 to index
      %parallel_loop3A_787 = arith.index_cast %parallel_loop3A_692 : i32 to index
      %parallel_loop3A_788 = arith.constant 64 : index
      %parallel_loop3A_789 = tpu.vector_load %arg7[%parallel_loop3A_786, %parallel_loop3A_787, %parallel_loop3A_788] {strides = array<i32>} : memref<2x64x128xf32, #tpu.memory_space<vmem>>, vector<1x1x16xf32>,
      %parallel_loop3A_790 = vector.shape_cast %parallel_loop3A_789 : vector<1x1x16xf32> to vector<16xf32>
      %parallel_loop3A_791 = arith.constant 0 : i32
      %parallel_loop3A_792 = arith.index_cast %parallel_loop3A_791 : i32 to index
      %parallel_loop3A_793 = arith.index_cast %parallel_loop3A_692 : i32 to index
      %parallel_loop3A_794 = arith.constant 64 : index
      %parallel_loop3A_795 = tpu.vector_load %arg8[%parallel_loop3A_792, %parallel_loop3A_793, %parallel_loop3A_794] {strides = array<i32>} : memref<2x64x128xf32, #tpu.memory_space<vmem>>, vector<1x1x16xf32>,
      %parallel_loop3A_796 = vector.shape_cast %parallel_loop3A_795 : vector<1x1x16xf32> to vector<16xf32>
      %parallel_loop3A_797 = arith.addf %parallel_loop3A_790, %parallel_loop3A_796 : vector<16xf32>
      %parallel_loop3A_798 = arith.constant 0.000000e+00 : f32
      %parallel_loop3A_799 = vector.broadcast %parallel_loop3A_798 : f32 to vector<16xf32>
      %parallel_loop3A_800 = arith.maximumf %parallel_loop3A_797, %parallel_loop3A_799 : vector<16xf32>
      %parallel_loop3A_801 = arith.constant 0 : i32
      %parallel_loop3A_802 = arith.index_cast %parallel_loop3A_801 : i32 to index
      %parallel_loop3A_803 = arith.index_cast %parallel_loop3A_692 : i32 to index
      %parallel_loop3A_804 = arith.constant 64 : index
      %parallel_loop3A_805 = tpu.vector_load %arg9[%parallel_loop3A_802, %parallel_loop3A_803, %parallel_loop3A_804] {strides = array<i32>} : memref<2x64x128xf32, #tpu.memory_space<vmem>>, vector<1x1x16xf32>,
      %parallel_loop3A_806 = vector.shape_cast %parallel_loop3A_805 : vector<1x1x16xf32> to vector<16xf32>
      %parallel_loop3A_807 = vector.shape_cast %parallel_loop3A_800 : vector<16xf32> to vector<1x1x16xf32>
      tpu.vector_store %arg9[%parallel_loop3A_802, %parallel_loop3A_803, %parallel_loop3A_804], %parallel_loop3A_807 {strides = array<i32>} : memref<2x64x128xf32, #tpu.memory_space<vmem>>, vector<1x1x16xf32>,
      %parallel_loop3A_808 = arith.constant 0 : i32
      %parallel_loop3A_809 = arith.index_cast %parallel_loop3A_808 : i32 to index
      %parallel_loop3A_810 = arith.index_cast %parallel_loop3A_692 : i32 to index
      %parallel_loop3A_811 = arith.constant 80 : index
      %parallel_loop3A_812 = tpu.vector_load %arg7[%parallel_loop3A_809, %parallel_loop3A_810, %parallel_loop3A_811] {strides = array<i32>} : memref<2x64x128xf32, #tpu.memory_space<vmem>>, vector<1x1x16xf32>,
      %parallel_loop3A_813 = vector.shape_cast %parallel_loop3A_812 : vector<1x1x16xf32> to vector<16xf32>
      %parallel_loop3A_814 = arith.constant 0 : i32
      %parallel_loop3A_815 = arith.index_cast %parallel_loop3A_814 : i32 to index
      %parallel_loop3A_816 = arith.index_cast %parallel_loop3A_692 : i32 to index
      %parallel_loop3A_817 = arith.constant 80 : index
      %parallel_loop3A_818 = tpu.vector_load %arg8[%parallel_loop3A_815, %parallel_loop3A_816, %parallel_loop3A_817] {strides = array<i32>} : memref<2x64x128xf32, #tpu.memory_space<vmem>>, vector<1x1x16xf32>,
      %parallel_loop3A_819 = vector.shape_cast %parallel_loop3A_818 : vector<1x1x16xf32> to vector<16xf32>
      %parallel_loop3A_820 = arith.addf %parallel_loop3A_813, %parallel_loop3A_819 : vector<16xf32>
      %parallel_loop3A_821 = arith.constant 0.000000e+00 : f32
      %parallel_loop3A_822 = vector.broadcast %parallel_loop3A_821 : f32 to vector<16xf32>
      %parallel_loop3A_823 = arith.maximumf %parallel_loop3A_820, %parallel_loop3A_822 : vector<16xf32>
      %parallel_loop3A_824 = arith.constant 0 : i32
      %parallel_loop3A_825 = arith.index_cast %parallel_loop3A_824 : i32 to index
      %parallel_loop3A_826 = arith.index_cast %parallel_loop3A_692 : i32 to index
      %parallel_loop3A_827 = arith.constant 80 : index
      %parallel_loop3A_828 = tpu.vector_load %arg9[%parallel_loop3A_825, %parallel_loop3A_826, %parallel_loop3A_827] {strides = array<i32>} : memref<2x64x128xf32, #tpu.memory_space<vmem>>, vector<1x1x16xf32>,
      %parallel_loop3A_829 = vector.shape_cast %parallel_loop3A_828 : vector<1x1x16xf32> to vector<16xf32>
      %parallel_loop3A_830 = vector.shape_cast %parallel_loop3A_823 : vector<16xf32> to vector<1x1x16xf32>
      tpu.vector_store %arg9[%parallel_loop3A_825, %parallel_loop3A_826, %parallel_loop3A_827], %parallel_loop3A_830 {strides = array<i32>} : memref<2x64x128xf32, #tpu.memory_space<vmem>>, vector<1x1x16xf32>,
      %parallel_loop3A_831 = arith.constant 0 : i32
      %parallel_loop3A_832 = arith.index_cast %parallel_loop3A_831 : i32 to index
      %parallel_loop3A_833 = arith.index_cast %parallel_loop3A_692 : i32 to index
      %parallel_loop3A_834 = arith.constant 96 : index
      %parallel_loop3A_835 = tpu.vector_load %arg7[%parallel_loop3A_832, %parallel_loop3A_833, %parallel_loop3A_834] {strides = array<i32>} : memref<2x64x128xf32, #tpu.memory_space<vmem>>, vector<1x1x16xf32>,
      %parallel_loop3A_836 = vector.shape_cast %parallel_loop3A_835 : vector<1x1x16xf32> to vector<16xf32>
      %parallel_loop3A_837 = arith.constant 0 : i32
      %parallel_loop3A_838 = arith.index_cast %parallel_loop3A_837 : i32 to index
      %parallel_loop3A_839 = arith.index_cast %parallel_loop3A_692 : i32 to index
      %parallel_loop3A_840 = arith.constant 96 : index
      %parallel_loop3A_841 = tpu.vector_load %arg8[%parallel_loop3A_838, %parallel_loop3A_839, %parallel_loop3A_840] {strides = array<i32>} : memref<2x64x128xf32, #tpu.memory_space<vmem>>, vector<1x1x16xf32>,
      %parallel_loop3A_842 = vector.shape_cast %parallel_loop3A_841 : vector<1x1x16xf32> to vector<16xf32>
      %parallel_loop3A_843 = arith.addf %parallel_loop3A_836, %parallel_loop3A_842 : vector<16xf32>
      %parallel_loop3A_844 = arith.constant 0.000000e+00 : f32
      %parallel_loop3A_845 = vector.broadcast %parallel_loop3A_844 : f32 to vector<16xf32>
      %parallel_loop3A_846 = arith.maximumf %parallel_loop3A_843, %parallel_loop3A_845 : vector<16xf32>
      %parallel_loop3A_847 = arith.constant 0 : i32
      %parallel_loop3A_848 = arith.index_cast %parallel_loop3A_847 : i32 to index
      %parallel_loop3A_849 = arith.index_cast %parallel_loop3A_692 : i32 to index
      %parallel_loop3A_850 = arith.constant 96 : index
      %parallel_loop3A_851 = tpu.vector_load %arg9[%parallel_loop3A_848, %parallel_loop3A_849, %parallel_loop3A_850] {strides = array<i32>} : memref<2x64x128xf32, #tpu.memory_space<vmem>>, vector<1x1x16xf32>,
      %parallel_loop3A_852 = vector.shape_cast %parallel_loop3A_851 : vector<1x1x16xf32> to vector<16xf32>
      %parallel_loop3A_853 = vector.shape_cast %parallel_loop3A_846 : vector<16xf32> to vector<1x1x16xf32>
      tpu.vector_store %arg9[%parallel_loop3A_848, %parallel_loop3A_849, %parallel_loop3A_850], %parallel_loop3A_853 {strides = array<i32>} : memref<2x64x128xf32, #tpu.memory_space<vmem>>, vector<1x1x16xf32>,
      %parallel_loop3A_854 = arith.constant 0 : i32
      %parallel_loop3A_855 = arith.index_cast %parallel_loop3A_854 : i32 to index
      %parallel_loop3A_856 = arith.index_cast %parallel_loop3A_692 : i32 to index
      %parallel_loop3A_857 = arith.constant 112 : index
      %parallel_loop3A_858 = tpu.vector_load %arg7[%parallel_loop3A_855, %parallel_loop3A_856, %parallel_loop3A_857] {strides = array<i32>} : memref<2x64x128xf32, #tpu.memory_space<vmem>>, vector<1x1x16xf32>,
      %parallel_loop3A_859 = vector.shape_cast %parallel_loop3A_858 : vector<1x1x16xf32> to vector<16xf32>
      %parallel_loop3A_860 = arith.constant 0 : i32
      %parallel_loop3A_861 = arith.index_cast %parallel_loop3A_860 : i32 to index
      %parallel_loop3A_862 = arith.index_cast %parallel_loop3A_692 : i32 to index
      %parallel_loop3A_863 = arith.constant 112 : index
      %parallel_loop3A_864 = tpu.vector_load %arg8[%parallel_loop3A_861, %parallel_loop3A_862, %parallel_loop3A_863] {strides = array<i32>} : memref<2x64x128xf32, #tpu.memory_space<vmem>>, vector<1x1x16xf32>,
      %parallel_loop3A_865 = vector.shape_cast %parallel_loop3A_864 : vector<1x1x16xf32> to vector<16xf32>
      %parallel_loop3A_866 = arith.addf %parallel_loop3A_859, %parallel_loop3A_865 : vector<16xf32>
      %parallel_loop3A_867 = arith.constant 0.000000e+00 : f32
      %parallel_loop3A_868 = vector.broadcast %parallel_loop3A_867 : f32 to vector<16xf32>
      %parallel_loop3A_869 = arith.maximumf %parallel_loop3A_866, %parallel_loop3A_868 : vector<16xf32>
      %parallel_loop3A_870 = arith.constant 0 : i32
      %parallel_loop3A_871 = arith.index_cast %parallel_loop3A_870 : i32 to index
      %parallel_loop3A_872 = arith.index_cast %parallel_loop3A_692 : i32 to index
      %parallel_loop3A_873 = arith.constant 112 : index
      %parallel_loop3A_874 = tpu.vector_load %arg9[%parallel_loop3A_871, %parallel_loop3A_872, %parallel_loop3A_873] {strides = array<i32>} : memref<2x64x128xf32, #tpu.memory_space<vmem>>, vector<1x1x16xf32>,
      %parallel_loop3A_875 = vector.shape_cast %parallel_loop3A_874 : vector<1x1x16xf32> to vector<16xf32>
      %parallel_loop3A_876 = vector.shape_cast %parallel_loop3A_869 : vector<16xf32> to vector<1x1x16xf32>
      tpu.vector_store %arg9[%parallel_loop3A_871, %parallel_loop3A_872, %parallel_loop3A_873], %parallel_loop3A_876 {strides = array<i32>} : memref<2x64x128xf32, #tpu.memory_space<vmem>>, vector<1x1x16xf32>,
    } {sc.loop_unroll_factor = 4 : i64, sc.parallel_access}
    %dma_start3A_214 = arith.constant 0 : i32
    %dma_start3A_215 = arith.constant 0 : i32
    %dma_start3A_216 = arith.constant 1 : i32
    %dma_start3A_217 = arith.constant 0 : i32
    %dma_start3A_218 = arith.constant 0 : i32
    %dma_start3A_219 = tpu.memref_slice %arg9[%dma_start3A_214, %dma_start3A_217, %dma_start3A_218] : memref<2x64x128xf32, #tpu.memory_space<vmem>> -> memref<1x64x128xf32, #tpu.memory_space<vmem>>
    %dma_start3A_220 = tpu.memref_squeeze %dma_start3A_219 : memref<1x64x128xf32, #tpu.memory_space<vmem>> -> memref<64x128xf32, #tpu.memory_space<vmem>>
    %dma_start3A_221 = arith.constant 0 : i32
    %dma_start3A_222 = tpu.memref_slice %arg6[%dma_start3A_215, %dma_start3A_216, %dma_start3A_221] : memref<4x2x64xi32, #tpu.memory_space<vmem>> -> memref<1x1x64xi32, #tpu.memory_space<vmem>>
    %dma_start3A_223 = tpu.memref_squeeze %dma_start3A_222 : memref<1x1x64xi32, #tpu.memory_space<vmem>> -> memref<64xi32, #tpu.memory_space<vmem>>
    %dma_start3A_224 = arith.constant 0 : i32
    %dma_start3A_225 = arith.constant 0 : i32
    %dma_start3A_226 = tpu.memref_slice %arg10[%dma_start3A_224, %dma_start3A_225] : memref<10112x128xf32, #tpu.memory_space<vmem_shared>> -> memref<10112x128xf32, #tpu.memory_space<vmem_shared>>
    tpu.enqueue_indirect_dma source(%dma_start3A_220 : memref<64x128xf32, #tpu.memory_space<vmem>>) target(%dma_start3A_226 : memref<10112x128xf32, #tpu.memory_space<vmem_shared>>) offsets(%dma_start3A_223 : memref<64xi32, #tpu.memory_space<vmem>>) semaphore(%arg13 : memref<!tpu.dma_semaphore, #tpu.memory_space<semaphore_mem>>) {add = true}
    %dma_wait3A_227 = arith.constant 0 : i32
    %dma_wait3A_228 = arith.constant 2 : i32
    %dma_wait3A_229 = arith.constant 0 : i32
    %dma_wait3A_230 = arith.constant 0 : i32
    %dma_wait3A_231 = tpu.memref_slice %arg6[%dma_wait3A_228, %dma_wait3A_229, %dma_wait3A_230] : memref<4x2x64xi32, #tpu.memory_space<vmem>> -> memref<1x2x64xi32, #tpu.memory_space<vmem>>
    %dma_wait3A_232 = tpu.memref_squeeze %dma_wait3A_231 : memref<1x2x64xi32, #tpu.memory_space<vmem>> -> memref<2x64xi32, #tpu.memory_space<vmem>>
    %dma_wait3A_233 = arith.constant 0 : i32
    %dma_wait3A_234 = arith.constant 0 : i32
    %dma_wait3A_235 = tpu.memref_slice %arg4[%dma_wait3A_227, %dma_wait3A_233, %dma_wait3A_234] : memref<5024x2x64xi32, #tpu.memory_space<hbm>> -> memref<1x2x64xi32, #tpu.memory_space<hbm>>
    %dma_wait3A_236 = tpu.memref_squeeze %dma_wait3A_235 : memref<1x2x64xi32, #tpu.memory_space<hbm>> -> memref<2x64xi32, #tpu.memory_space<hbm>>
    %dma_wait3A_237 = arith.constant 0 : i32
    %dma_wait3A_238 = arith.constant 0 : i32
    %dma_wait3A_239 = tpu.memref_slice %arg6[%dma_wait3A_228, %dma_wait3A_237, %dma_wait3A_238] : memref<4x2x64xi32, #tpu.memory_space<vmem>> -> memref<1x2x64xi32, #tpu.memory_space<vmem>>
    %dma_wait3A_240 = tpu.memref_squeeze %dma_wait3A_239 : memref<1x2x64xi32, #tpu.memory_space<vmem>> -> memref<2x64xi32, #tpu.memory_space<vmem>>
    %dma_wait3A_241 = arith.constant 0 : i32
    %dma_wait3A_242 = arith.constant 0 : i32
    %dma_wait3A_243 = tpu.memref_slice %arg4[%dma_wait3A_227, %dma_wait3A_241, %dma_wait3A_242] : memref<5024x2x64xi32, #tpu.memory_space<hbm>> -> memref<1x2x64xi32, #tpu.memory_space<hbm>>
    %dma_wait3A_244 = tpu.memref_squeeze %dma_wait3A_243 : memref<1x2x64xi32, #tpu.memory_space<hbm>> -> memref<2x64xi32, #tpu.memory_space<hbm>>
    tpu.wait_dma2 semaphore(%arg15 : memref<!tpu.dma_semaphore, #tpu.memory_space<semaphore_mem>>) src(%dma_wait3A_244 : memref<2x64xi32, #tpu.memory_space<hbm>>) dst(%dma_wait3A_240 : memref<2x64xi32, #tpu.memory_space<vmem>>)
    %dma_start3A_245 = arith.constant 2 : i32
    %dma_start3A_246 = arith.constant 0 : i32
    %dma_start3A_247 = arith.constant 0 : i32
    %dma_start3A_248 = arith.constant 0 : i32
    %dma_start3A_249 = arith.constant 0 : i32
    %dma_start3A_250 = tpu.memref_slice %arg7[%dma_start3A_247, %dma_start3A_248, %dma_start3A_249] : memref<2x64x128xf32, #tpu.memory_space<vmem>> -> memref<1x64x128xf32, #tpu.memory_space<vmem>>
    %dma_start3A_251 = tpu.memref_squeeze %dma_start3A_250 : memref<1x64x128xf32, #tpu.memory_space<vmem>> -> memref<64x128xf32, #tpu.memory_space<vmem>>
    %dma_start3A_252 = arith.constant 0 : i32
    %dma_start3A_253 = tpu.memref_slice %arg6[%dma_start3A_245, %dma_start3A_246, %dma_start3A_252] : memref<4x2x64xi32, #tpu.memory_space<vmem>> -> memref<1x1x64xi32, #tpu.memory_space<vmem>>
    %dma_start3A_254 = tpu.memref_squeeze %dma_start3A_253 : memref<1x1x64xi32, #tpu.memory_space<vmem>> -> memref<64xi32, #tpu.memory_space<vmem>>
    %dma_start3A_255 = arith.constant 0 : i32
    %dma_start3A_256 = arith.constant 0 : i32
    %dma_start3A_257 = tpu.memref_slice %arg2[%dma_start3A_255, %dma_start3A_256] : memref<10112x128xf32, #tpu.memory_space<hbm>> -> memref<10112x128xf32, #tpu.memory_space<hbm>>
    tpu.enqueue_indirect_dma source(%dma_start3A_257 : memref<10112x128xf32, #tpu.memory_space<hbm>>) target(%dma_start3A_251 : memref<64x128xf32, #tpu.memory_space<vmem>>) offsets(%dma_start3A_254 : memref<64xi32, #tpu.memory_space<vmem>>) semaphore(%arg11 : memref<!tpu.dma_semaphore, #tpu.memory_space<semaphore_mem>>)
    %dma_start3A_258 = arith.constant 2 : i32
    %dma_start3A_259 = arith.constant 1 : i32
    %dma_start3A_260 = arith.constant 0 : i32
    %dma_start3A_261 = arith.constant 0 : i32
    %dma_start3A_262 = arith.constant 0 : i32
    %dma_start3A_263 = tpu.memref_slice %arg8[%dma_start3A_260, %dma_start3A_261, %dma_start3A_262] : memref<2x64x128xf32, #tpu.memory_space<vmem>> -> memref<1x64x128xf32, #tpu.memory_space<vmem>>
    %dma_start3A_264 = tpu.memref_squeeze %dma_start3A_263 : memref<1x64x128xf32, #tpu.memory_space<vmem>> -> memref<64x128xf32, #tpu.memory_space<vmem>>
    %dma_start3A_265 = arith.constant 0 : i32
    %dma_start3A_266 = tpu.memref_slice %arg6[%dma_start3A_258, %dma_start3A_259, %dma_start3A_265] : memref<4x2x64xi32, #tpu.memory_space<vmem>> -> memref<1x1x64xi32, #tpu.memory_space<vmem>>
    %dma_start3A_267 = tpu.memref_squeeze %dma_start3A_266 : memref<1x1x64xi32, #tpu.memory_space<vmem>> -> memref<64xi32, #tpu.memory_space<vmem>>
    %dma_start3A_268 = arith.constant 0 : i32
    %dma_start3A_269 = arith.constant 0 : i32
    %dma_start3A_270 = tpu.memref_slice %arg3[%dma_start3A_268, %dma_start3A_269] : memref<10112x128xf32, #tpu.memory_space<hbm>> -> memref<10112x128xf32, #tpu.memory_space<hbm>>
    tpu.enqueue_indirect_dma source(%dma_start3A_270 : memref<10112x128xf32, #tpu.memory_space<hbm>>) target(%dma_start3A_264 : memref<64x128xf32, #tpu.memory_space<vmem>>) offsets(%dma_start3A_267 : memref<64xi32, #tpu.memory_space<vmem>>) semaphore(%arg11 : memref<!tpu.dma_semaphore, #tpu.memory_space<semaphore_mem>>)
    %dma_wait3A_271 = arith.constant 1 : i32
    %dma_wait3A_272 = arith.constant 0 : i32
    %dma_wait3A_273 = arith.constant 1 : i32
    %dma_wait3A_274 = arith.constant 0 : i32
    %dma_wait3A_275 = arith.constant 0 : i32
    %dma_wait3A_276 = tpu.memref_slice %arg7[%dma_wait3A_273, %dma_wait3A_274, %dma_wait3A_275] : memref<2x64x128xf32, #tpu.memory_space<vmem>> -> memref<1x64x128xf32, #tpu.memory_space<vmem>>
    %dma_wait3A_277 = tpu.memref_squeeze %dma_wait3A_276 : memref<1x64x128xf32, #tpu.memory_space<vmem>> -> memref<64x128xf32, #tpu.memory_space<vmem>>
    %dma_wait3A_278 = arith.constant 0 : i32
    %dma_wait3A_279 = tpu.memref_slice %arg6[%dma_wait3A_271, %dma_wait3A_272, %dma_wait3A_278] : memref<4x2x64xi32, #tpu.memory_space<vmem>> -> memref<1x1x64xi32, #tpu.memory_space<vmem>>
    %dma_wait3A_280 = tpu.memref_squeeze %dma_wait3A_279 : memref<1x1x64xi32, #tpu.memory_space<vmem>> -> memref<64xi32, #tpu.memory_space<vmem>>
    %dma_wait3A_281 = arith.constant 0 : i32
    %dma_wait3A_282 = arith.constant 0 : i32
    %dma_wait3A_283 = tpu.memref_slice %arg2[%dma_wait3A_281, %dma_wait3A_282] : memref<10112x128xf32, #tpu.memory_space<hbm>> -> memref<10112x128xf32, #tpu.memory_space<hbm>>
    tpu.wait_indirect_dma semaphore(%arg12 : memref<!tpu.dma_semaphore, #tpu.memory_space<semaphore_mem>>) src(%dma_wait3A_283 : memref<10112x128xf32, #tpu.memory_space<hbm>>) dst(%dma_wait3A_277 : memref<64x128xf32, #tpu.memory_space<vmem>>)
    %dma_wait3A_284 = arith.constant 1 : i32
    %dma_wait3A_285 = arith.constant 1 : i32
    %dma_wait3A_286 = arith.constant 1 : i32
    %dma_wait3A_287 = arith.constant 0 : i32
    %dma_wait3A_288 = arith.constant 0 : i32
    %dma_wait3A_289 = tpu.memref_slice %arg8[%dma_wait3A_286, %dma_wait3A_287, %dma_wait3A_288] : memref<2x64x128xf32, #tpu.memory_space<vmem>> -> memref<1x64x128xf32, #tpu.memory_space<vmem>>
    %dma_wait3A_290 = tpu.memref_squeeze %dma_wait3A_289 : memref<1x64x128xf32, #tpu.memory_space<vmem>> -> memref<64x128xf32, #tpu.memory_space<vmem>>
    %dma_wait3A_291 = arith.constant 0 : i32
    %dma_wait3A_292 = tpu.memref_slice %arg6[%dma_wait3A_284, %dma_wait3A_285, %dma_wait3A_291] : memref<4x2x64xi32, #tpu.memory_space<vmem>> -> memref<1x1x64xi32, #tpu.memory_space<vmem>>
    %dma_wait3A_293 = tpu.memref_squeeze %dma_wait3A_292 : memref<1x1x64xi32, #tpu.memory_space<vmem>> -> memref<64xi32, #tpu.memory_space<vmem>>
    %dma_wait3A_294 = arith.constant 0 : i32
    %dma_wait3A_295 = arith.constant 0 : i32
    %dma_wait3A_296 = tpu.memref_slice %arg3[%dma_wait3A_294, %dma_wait3A_295] : memref<10112x128xf32, #tpu.memory_space<hbm>> -> memref<10112x128xf32, #tpu.memory_space<hbm>>
    tpu.wait_indirect_dma semaphore(%arg12 : memref<!tpu.dma_semaphore, #tpu.memory_space<semaphore_mem>>) src(%dma_wait3A_296 : memref<10112x128xf32, #tpu.memory_space<hbm>>) dst(%dma_wait3A_290 : memref<64x128xf32, #tpu.memory_space<vmem>>)
    %mul3A_297 = arith.constant 157 : i32
    %mul3A_298 = arith.muli %add3A, %mul3A_297 : i32
    %add3A_299 = arith.constant 3 : i32
    %add3A_300 = arith.addi %mul3A_298, %add3A_299 : i32
    %dma_start3A_301 = arith.constant 3 : i32
    %dma_start3A_302 = arith.constant 0 : i32
    %dma_start3A_303 = arith.constant 0 : i32
    %dma_start3A_304 = tpu.memref_slice %arg6[%dma_start3A_301, %dma_start3A_302, %dma_start3A_303] : memref<4x2x64xi32, #tpu.memory_space<vmem>> -> memref<1x2x64xi32, #tpu.memory_space<vmem>>
    %dma_start3A_305 = tpu.memref_squeeze %dma_start3A_304 : memref<1x2x64xi32, #tpu.memory_space<vmem>> -> memref<2x64xi32, #tpu.memory_space<vmem>>
    %dma_start3A_306 = arith.constant 0 : i32
    %dma_start3A_307 = arith.constant 0 : i32
    %dma_start3A_308 = tpu.memref_slice %arg4[%add3A_300, %dma_start3A_306, %dma_start3A_307] : memref<5024x2x64xi32, #tpu.memory_space<hbm>> -> memref<1x2x64xi32, #tpu.memory_space<hbm>>
    %dma_start3A_309 = tpu.memref_squeeze %dma_start3A_308 : memref<1x2x64xi32, #tpu.memory_space<hbm>> -> memref<2x64xi32, #tpu.memory_space<hbm>>
    %dma_start3A_310 = arith.constant 0 : i32
    %dma_start3A_311 = arith.constant 0 : i32
    %dma_start3A_312 = tpu.memref_slice %arg6[%dma_start3A_301, %dma_start3A_310, %dma_start3A_311] : memref<4x2x64xi32, #tpu.memory_space<vmem>> -> memref<1x2x64xi32, #tpu.memory_space<vmem>>
    %dma_start3A_313 = tpu.memref_squeeze %dma_start3A_312 : memref<1x2x64xi32, #tpu.memory_space<vmem>> -> memref<2x64xi32, #tpu.memory_space<vmem>>
    %dma_start3A_314 = arith.constant 0 : i32
    %dma_start3A_315 = arith.constant 0 : i32
    %dma_start3A_316 = tpu.memref_slice %arg4[%add3A_300, %dma_start3A_314, %dma_start3A_315] : memref<5024x2x64xi32, #tpu.memory_space<hbm>> -> memref<1x2x64xi32, #tpu.memory_space<hbm>>
    %dma_start3A_317 = tpu.memref_squeeze %dma_start3A_316 : memref<1x2x64xi32, #tpu.memory_space<hbm>> -> memref<2x64xi32, #tpu.memory_space<hbm>>
    tpu.enqueue_dma source(%dma_start3A_317 : memref<2x64xi32, #tpu.memory_space<hbm>>) target(%dma_start3A_313 : memref<2x64xi32, #tpu.memory_space<vmem>>) target_semaphore(%arg15 : memref<!tpu.dma_semaphore, #tpu.memory_space<semaphore_mem>>)
    %parallel_loop3A_318 = arith.constant 0 : i32
    %parallel_loop3A_319 = arith.constant 64 : i32
    %parallel_loop3A_320 = arith.constant 1 : i32
    scf.for %parallel_loop3A_692 = %parallel_loop3A_318 to %parallel_loop3A_319 step %parallel_loop3A_320  : i32 {
      %parallel_loop3A_693 = arith.constant 1 : i32
      %parallel_loop3A_694 = arith.index_cast %parallel_loop3A_693 : i32 to index
      %parallel_loop3A_695 = arith.index_cast %parallel_loop3A_692 : i32 to index
      %parallel_loop3A_696 = arith.constant 0 : index
      %parallel_loop3A_697 = tpu.vector_load %arg7[%parallel_loop3A_694, %parallel_loop3A_695, %parallel_loop3A_696] {strides = array<i32>} : memref<2x64x128xf32, #tpu.memory_space<vmem>>, vector<1x1x16xf32>,
      %parallel_loop3A_698 = vector.shape_cast %parallel_loop3A_697 : vector<1x1x16xf32> to vector<16xf32>
      %parallel_loop3A_699 = arith.constant 1 : i32
      %parallel_loop3A_700 = arith.index_cast %parallel_loop3A_699 : i32 to index
      %parallel_loop3A_701 = arith.index_cast %parallel_loop3A_692 : i32 to index
      %parallel_loop3A_702 = arith.constant 0 : index
      %parallel_loop3A_703 = tpu.vector_load %arg8[%parallel_loop3A_700, %parallel_loop3A_701, %parallel_loop3A_702] {strides = array<i32>} : memref<2x64x128xf32, #tpu.memory_space<vmem>>, vector<1x1x16xf32>,
      %parallel_loop3A_704 = vector.shape_cast %parallel_loop3A_703 : vector<1x1x16xf32> to vector<16xf32>
      %parallel_loop3A_705 = arith.addf %parallel_loop3A_698, %parallel_loop3A_704 : vector<16xf32>
      %parallel_loop3A_706 = arith.constant 0.000000e+00 : f32
      %parallel_loop3A_707 = vector.broadcast %parallel_loop3A_706 : f32 to vector<16xf32>
      %parallel_loop3A_708 = arith.maximumf %parallel_loop3A_705, %parallel_loop3A_707 : vector<16xf32>
      %parallel_loop3A_709 = arith.constant 1 : i32
      %parallel_loop3A_710 = arith.index_cast %parallel_loop3A_709 : i32 to index
      %parallel_loop3A_711 = arith.index_cast %parallel_loop3A_692 : i32 to index
      %parallel_loop3A_712 = arith.constant 0 : index
      %parallel_loop3A_713 = tpu.vector_load %arg9[%parallel_loop3A_710, %parallel_loop3A_711, %parallel_loop3A_712] {strides = array<i32>} : memref<2x64x128xf32, #tpu.memory_space<vmem>>, vector<1x1x16xf32>,
      %parallel_loop3A_714 = vector.shape_cast %parallel_loop3A_713 : vector<1x1x16xf32> to vector<16xf32>
      %parallel_loop3A_715 = vector.shape_cast %parallel_loop3A_708 : vector<16xf32> to vector<1x1x16xf32>
      tpu.vector_store %arg9[%parallel_loop3A_710, %parallel_loop3A_711, %parallel_loop3A_712], %parallel_loop3A_715 {strides = array<i32>} : memref<2x64x128xf32, #tpu.memory_space<vmem>>, vector<1x1x16xf32>,
      %parallel_loop3A_716 = arith.constant 1 : i32
      %parallel_loop3A_717 = arith.index_cast %parallel_loop3A_716 : i32 to index
      %parallel_loop3A_718 = arith.index_cast %parallel_loop3A_692 : i32 to index
      %parallel_loop3A_719 = arith.constant 16 : index
      %parallel_loop3A_720 = tpu.vector_load %arg7[%parallel_loop3A_717, %parallel_loop3A_718, %parallel_loop3A_719] {strides = array<i32>} : memref<2x64x128xf32, #tpu.memory_space<vmem>>, vector<1x1x16xf32>,
      %parallel_loop3A_721 = vector.shape_cast %parallel_loop3A_720 : vector<1x1x16xf32> to vector<16xf32>
      %parallel_loop3A_722 = arith.constant 1 : i32
      %parallel_loop3A_723 = arith.index_cast %parallel_loop3A_722 : i32 to index
      %parallel_loop3A_724 = arith.index_cast %parallel_loop3A_692 : i32 to index
      %parallel_loop3A_725 = arith.constant 16 : index
      %parallel_loop3A_726 = tpu.vector_load %arg8[%parallel_loop3A_723, %parallel_loop3A_724, %parallel_loop3A_725] {strides = array<i32>} : memref<2x64x128xf32, #tpu.memory_space<vmem>>, vector<1x1x16xf32>,
      %parallel_loop3A_727 = vector.shape_cast %parallel_loop3A_726 : vector<1x1x16xf32> to vector<16xf32>
      %parallel_loop3A_728 = arith.addf %parallel_loop3A_721, %parallel_loop3A_727 : vector<16xf32>
      %parallel_loop3A_729 = arith.constant 0.000000e+00 : f32
      %parallel_loop3A_730 = vector.broadcast %parallel_loop3A_729 : f32 to vector<16xf32>
      %parallel_loop3A_731 = arith.maximumf %parallel_loop3A_728, %parallel_loop3A_730 : vector<16xf32>
      %parallel_loop3A_732 = arith.constant 1 : i32
      %parallel_loop3A_733 = arith.index_cast %parallel_loop3A_732 : i32 to index
      %parallel_loop3A_734 = arith.index_cast %parallel_loop3A_692 : i32 to index
      %parallel_loop3A_735 = arith.constant 16 : index
      %parallel_loop3A_736 = tpu.vector_load %arg9[%parallel_loop3A_733, %parallel_loop3A_734, %parallel_loop3A_735] {strides = array<i32>} : memref<2x64x128xf32, #tpu.memory_space<vmem>>, vector<1x1x16xf32>,
      %parallel_loop3A_737 = vector.shape_cast %parallel_loop3A_736 : vector<1x1x16xf32> to vector<16xf32>
      %parallel_loop3A_738 = vector.shape_cast %parallel_loop3A_731 : vector<16xf32> to vector<1x1x16xf32>
      tpu.vector_store %arg9[%parallel_loop3A_733, %parallel_loop3A_734, %parallel_loop3A_735], %parallel_loop3A_738 {strides = array<i32>} : memref<2x64x128xf32, #tpu.memory_space<vmem>>, vector<1x1x16xf32>,
      %parallel_loop3A_739 = arith.constant 1 : i32
      %parallel_loop3A_740 = arith.index_cast %parallel_loop3A_739 : i32 to index
      %parallel_loop3A_741 = arith.index_cast %parallel_loop3A_692 : i32 to index
      %parallel_loop3A_742 = arith.constant 32 : index
      %parallel_loop3A_743 = tpu.vector_load %arg7[%parallel_loop3A_740, %parallel_loop3A_741, %parallel_loop3A_742] {strides = array<i32>} : memref<2x64x128xf32, #tpu.memory_space<vmem>>, vector<1x1x16xf32>,
      %parallel_loop3A_744 = vector.shape_cast %parallel_loop3A_743 : vector<1x1x16xf32> to vector<16xf32>
      %parallel_loop3A_745 = arith.constant 1 : i32
      %parallel_loop3A_746 = arith.index_cast %parallel_loop3A_745 : i32 to index
      %parallel_loop3A_747 = arith.index_cast %parallel_loop3A_692 : i32 to index
      %parallel_loop3A_748 = arith.constant 32 : index
      %parallel_loop3A_749 = tpu.vector_load %arg8[%parallel_loop3A_746, %parallel_loop3A_747, %parallel_loop3A_748] {strides = array<i32>} : memref<2x64x128xf32, #tpu.memory_space<vmem>>, vector<1x1x16xf32>,
      %parallel_loop3A_750 = vector.shape_cast %parallel_loop3A_749 : vector<1x1x16xf32> to vector<16xf32>
      %parallel_loop3A_751 = arith.addf %parallel_loop3A_744, %parallel_loop3A_750 : vector<16xf32>
      %parallel_loop3A_752 = arith.constant 0.000000e+00 : f32
      %parallel_loop3A_753 = vector.broadcast %parallel_loop3A_752 : f32 to vector<16xf32>
      %parallel_loop3A_754 = arith.maximumf %parallel_loop3A_751, %parallel_loop3A_753 : vector<16xf32>
      %parallel_loop3A_755 = arith.constant 1 : i32
      %parallel_loop3A_756 = arith.index_cast %parallel_loop3A_755 : i32 to index
      %parallel_loop3A_757 = arith.index_cast %parallel_loop3A_692 : i32 to index
      %parallel_loop3A_758 = arith.constant 32 : index
      %parallel_loop3A_759 = tpu.vector_load %arg9[%parallel_loop3A_756, %parallel_loop3A_757, %parallel_loop3A_758] {strides = array<i32>} : memref<2x64x128xf32, #tpu.memory_space<vmem>>, vector<1x1x16xf32>,
      %parallel_loop3A_760 = vector.shape_cast %parallel_loop3A_759 : vector<1x1x16xf32> to vector<16xf32>
      %parallel_loop3A_761 = vector.shape_cast %parallel_loop3A_754 : vector<16xf32> to vector<1x1x16xf32>
      tpu.vector_store %arg9[%parallel_loop3A_756, %parallel_loop3A_757, %parallel_loop3A_758], %parallel_loop3A_761 {strides = array<i32>} : memref<2x64x128xf32, #tpu.memory_space<vmem>>, vector<1x1x16xf32>,
      %parallel_loop3A_762 = arith.constant 1 : i32
      %parallel_loop3A_763 = arith.index_cast %parallel_loop3A_762 : i32 to index
      %parallel_loop3A_764 = arith.index_cast %parallel_loop3A_692 : i32 to index
      %parallel_loop3A_765 = arith.constant 48 : index
      %parallel_loop3A_766 = tpu.vector_load %arg7[%parallel_loop3A_763, %parallel_loop3A_764, %parallel_loop3A_765] {strides = array<i32>} : memref<2x64x128xf32, #tpu.memory_space<vmem>>, vector<1x1x16xf32>,
      %parallel_loop3A_767 = vector.shape_cast %parallel_loop3A_766 : vector<1x1x16xf32> to vector<16xf32>
      %parallel_loop3A_768 = arith.constant 1 : i32
      %parallel_loop3A_769 = arith.index_cast %parallel_loop3A_768 : i32 to index
      %parallel_loop3A_770 = arith.index_cast %parallel_loop3A_692 : i32 to index
      %parallel_loop3A_771 = arith.constant 48 : index
      %parallel_loop3A_772 = tpu.vector_load %arg8[%parallel_loop3A_769, %parallel_loop3A_770, %parallel_loop3A_771] {strides = array<i32>} : memref<2x64x128xf32, #tpu.memory_space<vmem>>, vector<1x1x16xf32>,
      %parallel_loop3A_773 = vector.shape_cast %parallel_loop3A_772 : vector<1x1x16xf32> to vector<16xf32>
      %parallel_loop3A_774 = arith.addf %parallel_loop3A_767, %parallel_loop3A_773 : vector<16xf32>
      %parallel_loop3A_775 = arith.constant 0.000000e+00 : f32
      %parallel_loop3A_776 = vector.broadcast %parallel_loop3A_775 : f32 to vector<16xf32>
      %parallel_loop3A_777 = arith.maximumf %parallel_loop3A_774, %parallel_loop3A_776 : vector<16xf32>
      %parallel_loop3A_778 = arith.constant 1 : i32
      %parallel_loop3A_779 = arith.index_cast %parallel_loop3A_778 : i32 to index
      %parallel_loop3A_780 = arith.index_cast %parallel_loop3A_692 : i32 to index
      %parallel_loop3A_781 = arith.constant 48 : index
      %parallel_loop3A_782 = tpu.vector_load %arg9[%parallel_loop3A_779, %parallel_loop3A_780, %parallel_loop3A_781] {strides = array<i32>} : memref<2x64x128xf32, #tpu.memory_space<vmem>>, vector<1x1x16xf32>,
      %parallel_loop3A_783 = vector.shape_cast %parallel_loop3A_782 : vector<1x1x16xf32> to vector<16xf32>
      %parallel_loop3A_784 = vector.shape_cast %parallel_loop3A_777 : vector<16xf32> to vector<1x1x16xf32>
      tpu.vector_store %arg9[%parallel_loop3A_779, %parallel_loop3A_780, %parallel_loop3A_781], %parallel_loop3A_784 {strides = array<i32>} : memref<2x64x128xf32, #tpu.memory_space<vmem>>, vector<1x1x16xf32>,
      %parallel_loop3A_785 = arith.constant 1 : i32
      %parallel_loop3A_786 = arith.index_cast %parallel_loop3A_785 : i32 to index
      %parallel_loop3A_787 = arith.index_cast %parallel_loop3A_692 : i32 to index
      %parallel_loop3A_788 = arith.constant 64 : index
      %parallel_loop3A_789 = tpu.vector_load %arg7[%parallel_loop3A_786, %parallel_loop3A_787, %parallel_loop3A_788] {strides = array<i32>} : memref<2x64x128xf32, #tpu.memory_space<vmem>>, vector<1x1x16xf32>,
      %parallel_loop3A_790 = vector.shape_cast %parallel_loop3A_789 : vector<1x1x16xf32> to vector<16xf32>
      %parallel_loop3A_791 = arith.constant 1 : i32
      %parallel_loop3A_792 = arith.index_cast %parallel_loop3A_791 : i32 to index
      %parallel_loop3A_793 = arith.index_cast %parallel_loop3A_692 : i32 to index
      %parallel_loop3A_794 = arith.constant 64 : index
      %parallel_loop3A_795 = tpu.vector_load %arg8[%parallel_loop3A_792, %parallel_loop3A_793, %parallel_loop3A_794] {strides = array<i32>} : memref<2x64x128xf32, #tpu.memory_space<vmem>>, vector<1x1x16xf32>,
      %parallel_loop3A_796 = vector.shape_cast %parallel_loop3A_795 : vector<1x1x16xf32> to vector<16xf32>
      %parallel_loop3A_797 = arith.addf %parallel_loop3A_790, %parallel_loop3A_796 : vector<16xf32>
      %parallel_loop3A_798 = arith.constant 0.000000e+00 : f32
      %parallel_loop3A_799 = vector.broadcast %parallel_loop3A_798 : f32 to vector<16xf32>
      %parallel_loop3A_800 = arith.maximumf %parallel_loop3A_797, %parallel_loop3A_799 : vector<16xf32>
      %parallel_loop3A_801 = arith.constant 1 : i32
      %parallel_loop3A_802 = arith.index_cast %parallel_loop3A_801 : i32 to index
      %parallel_loop3A_803 = arith.index_cast %parallel_loop3A_692 : i32 to index
      %parallel_loop3A_804 = arith.constant 64 : index
      %parallel_loop3A_805 = tpu.vector_load %arg9[%parallel_loop3A_802, %parallel_loop3A_803, %parallel_loop3A_804] {strides = array<i32>} : memref<2x64x128xf32, #tpu.memory_space<vmem>>, vector<1x1x16xf32>,
      %parallel_loop3A_806 = vector.shape_cast %parallel_loop3A_805 : vector<1x1x16xf32> to vector<16xf32>
      %parallel_loop3A_807 = vector.shape_cast %parallel_loop3A_800 : vector<16xf32> to vector<1x1x16xf32>
      tpu.vector_store %arg9[%parallel_loop3A_802, %parallel_loop3A_803, %parallel_loop3A_804], %parallel_loop3A_807 {strides = array<i32>} : memref<2x64x128xf32, #tpu.memory_space<vmem>>, vector<1x1x16xf32>,
      %parallel_loop3A_808 = arith.constant 1 : i32
      %parallel_loop3A_809 = arith.index_cast %parallel_loop3A_808 : i32 to index
      %parallel_loop3A_810 = arith.index_cast %parallel_loop3A_692 : i32 to index
      %parallel_loop3A_811 = arith.constant 80 : index
      %parallel_loop3A_812 = tpu.vector_load %arg7[%parallel_loop3A_809, %parallel_loop3A_810, %parallel_loop3A_811] {strides = array<i32>} : memref<2x64x128xf32, #tpu.memory_space<vmem>>, vector<1x1x16xf32>,
      %parallel_loop3A_813 = vector.shape_cast %parallel_loop3A_812 : vector<1x1x16xf32> to vector<16xf32>
      %parallel_loop3A_814 = arith.constant 1 : i32
      %parallel_loop3A_815 = arith.index_cast %parallel_loop3A_814 : i32 to index
      %parallel_loop3A_816 = arith.index_cast %parallel_loop3A_692 : i32 to index
      %parallel_loop3A_817 = arith.constant 80 : index
      %parallel_loop3A_818 = tpu.vector_load %arg8[%parallel_loop3A_815, %parallel_loop3A_816, %parallel_loop3A_817] {strides = array<i32>} : memref<2x64x128xf32, #tpu.memory_space<vmem>>, vector<1x1x16xf32>,
      %parallel_loop3A_819 = vector.shape_cast %parallel_loop3A_818 : vector<1x1x16xf32> to vector<16xf32>
      %parallel_loop3A_820 = arith.addf %parallel_loop3A_813, %parallel_loop3A_819 : vector<16xf32>
      %parallel_loop3A_821 = arith.constant 0.000000e+00 : f32
      %parallel_loop3A_822 = vector.broadcast %parallel_loop3A_821 : f32 to vector<16xf32>
      %parallel_loop3A_823 = arith.maximumf %parallel_loop3A_820, %parallel_loop3A_822 : vector<16xf32>
      %parallel_loop3A_824 = arith.constant 1 : i32
      %parallel_loop3A_825 = arith.index_cast %parallel_loop3A_824 : i32 to index
      %parallel_loop3A_826 = arith.index_cast %parallel_loop3A_692 : i32 to index
      %parallel_loop3A_827 = arith.constant 80 : index
      %parallel_loop3A_828 = tpu.vector_load %arg9[%parallel_loop3A_825, %parallel_loop3A_826, %parallel_loop3A_827] {strides = array<i32>} : memref<2x64x128xf32, #tpu.memory_space<vmem>>, vector<1x1x16xf32>,
      %parallel_loop3A_829 = vector.shape_cast %parallel_loop3A_828 : vector<1x1x16xf32> to vector<16xf32>
      %parallel_loop3A_830 = vector.shape_cast %parallel_loop3A_823 : vector<16xf32> to vector<1x1x16xf32>
      tpu.vector_store %arg9[%parallel_loop3A_825, %parallel_loop3A_826, %parallel_loop3A_827], %parallel_loop3A_830 {strides = array<i32>} : memref<2x64x128xf32, #tpu.memory_space<vmem>>, vector<1x1x16xf32>,
      %parallel_loop3A_831 = arith.constant 1 : i32
      %parallel_loop3A_832 = arith.index_cast %parallel_loop3A_831 : i32 to index
      %parallel_loop3A_833 = arith.index_cast %parallel_loop3A_692 : i32 to index
      %parallel_loop3A_834 = arith.constant 96 : index
      %parallel_loop3A_835 = tpu.vector_load %arg7[%parallel_loop3A_832, %parallel_loop3A_833, %parallel_loop3A_834] {strides = array<i32>} : memref<2x64x128xf32, #tpu.memory_space<vmem>>, vector<1x1x16xf32>,
      %parallel_loop3A_836 = vector.shape_cast %parallel_loop3A_835 : vector<1x1x16xf32> to vector<16xf32>
      %parallel_loop3A_837 = arith.constant 1 : i32
      %parallel_loop3A_838 = arith.index_cast %parallel_loop3A_837 : i32 to index
      %parallel_loop3A_839 = arith.index_cast %parallel_loop3A_692 : i32 to index
      %parallel_loop3A_840 = arith.constant 96 : index
      %parallel_loop3A_841 = tpu.vector_load %arg8[%parallel_loop3A_838, %parallel_loop3A_839, %parallel_loop3A_840] {strides = array<i32>} : memref<2x64x128xf32, #tpu.memory_space<vmem>>, vector<1x1x16xf32>,
      %parallel_loop3A_842 = vector.shape_cast %parallel_loop3A_841 : vector<1x1x16xf32> to vector<16xf32>
      %parallel_loop3A_843 = arith.addf %parallel_loop3A_836, %parallel_loop3A_842 : vector<16xf32>
      %parallel_loop3A_844 = arith.constant 0.000000e+00 : f32
      %parallel_loop3A_845 = vector.broadcast %parallel_loop3A_844 : f32 to vector<16xf32>
      %parallel_loop3A_846 = arith.maximumf %parallel_loop3A_843, %parallel_loop3A_845 : vector<16xf32>
      %parallel_loop3A_847 = arith.constant 1 : i32
      %parallel_loop3A_848 = arith.index_cast %parallel_loop3A_847 : i32 to index
      %parallel_loop3A_849 = arith.index_cast %parallel_loop3A_692 : i32 to index
      %parallel_loop3A_850 = arith.constant 96 : index
      %parallel_loop3A_851 = tpu.vector_load %arg9[%parallel_loop3A_848, %parallel_loop3A_849, %parallel_loop3A_850] {strides = array<i32>} : memref<2x64x128xf32, #tpu.memory_space<vmem>>, vector<1x1x16xf32>,
      %parallel_loop3A_852 = vector.shape_cast %parallel_loop3A_851 : vector<1x1x16xf32> to vector<16xf32>
      %parallel_loop3A_853 = vector.shape_cast %parallel_loop3A_846 : vector<16xf32> to vector<1x1x16xf32>
      tpu.vector_store %arg9[%parallel_loop3A_848, %parallel_loop3A_849, %parallel_loop3A_850], %parallel_loop3A_853 {strides = array<i32>} : memref<2x64x128xf32, #tpu.memory_space<vmem>>, vector<1x1x16xf32>,
      %parallel_loop3A_854 = arith.constant 1 : i32
      %parallel_loop3A_855 = arith.index_cast %parallel_loop3A_854 : i32 to index
      %parallel_loop3A_856 = arith.index_cast %parallel_loop3A_692 : i32 to index
      %parallel_loop3A_857 = arith.constant 112 : index
      %parallel_loop3A_858 = tpu.vector_load %arg7[%parallel_loop3A_855, %parallel_loop3A_856, %parallel_loop3A_857] {strides = array<i32>} : memref<2x64x128xf32, #tpu.memory_space<vmem>>, vector<1x1x16xf32>,
      %parallel_loop3A_859 = vector.shape_cast %parallel_loop3A_858 : vector<1x1x16xf32> to vector<16xf32>
      %parallel_loop3A_860 = arith.constant 1 : i32
      %parallel_loop3A_861 = arith.index_cast %parallel_loop3A_860 : i32 to index
      %parallel_loop3A_862 = arith.index_cast %parallel_loop3A_692 : i32 to index
      %parallel_loop3A_863 = arith.constant 112 : index
      %parallel_loop3A_864 = tpu.vector_load %arg8[%parallel_loop3A_861, %parallel_loop3A_862, %parallel_loop3A_863] {strides = array<i32>} : memref<2x64x128xf32, #tpu.memory_space<vmem>>, vector<1x1x16xf32>,
      %parallel_loop3A_865 = vector.shape_cast %parallel_loop3A_864 : vector<1x1x16xf32> to vector<16xf32>
      %parallel_loop3A_866 = arith.addf %parallel_loop3A_859, %parallel_loop3A_865 : vector<16xf32>
      %parallel_loop3A_867 = arith.constant 0.000000e+00 : f32
      %parallel_loop3A_868 = vector.broadcast %parallel_loop3A_867 : f32 to vector<16xf32>
      %parallel_loop3A_869 = arith.maximumf %parallel_loop3A_866, %parallel_loop3A_868 : vector<16xf32>
      %parallel_loop3A_870 = arith.constant 1 : i32
      %parallel_loop3A_871 = arith.index_cast %parallel_loop3A_870 : i32 to index
      %parallel_loop3A_872 = arith.index_cast %parallel_loop3A_692 : i32 to index
      %parallel_loop3A_873 = arith.constant 112 : index
      %parallel_loop3A_874 = tpu.vector_load %arg9[%parallel_loop3A_871, %parallel_loop3A_872, %parallel_loop3A_873] {strides = array<i32>} : memref<2x64x128xf32, #tpu.memory_space<vmem>>, vector<1x1x16xf32>,
      %parallel_loop3A_875 = vector.shape_cast %parallel_loop3A_874 : vector<1x1x16xf32> to vector<16xf32>
      %parallel_loop3A_876 = vector.shape_cast %parallel_loop3A_869 : vector<16xf32> to vector<1x1x16xf32>
      tpu.vector_store %arg9[%parallel_loop3A_871, %parallel_loop3A_872, %parallel_loop3A_873], %parallel_loop3A_876 {strides = array<i32>} : memref<2x64x128xf32, #tpu.memory_space<vmem>>, vector<1x1x16xf32>,
    } {sc.loop_unroll_factor = 4 : i64, sc.parallel_access}
    %dma_start3A_321 = arith.constant 1 : i32
    %dma_start3A_322 = arith.constant 1 : i32
    %dma_start3A_323 = arith.constant 1 : i32
    %dma_start3A_324 = arith.constant 0 : i32
    %dma_start3A_325 = arith.constant 0 : i32
    %dma_start3A_326 = tpu.memref_slice %arg9[%dma_start3A_321, %dma_start3A_324, %dma_start3A_325] : memref<2x64x128xf32, #tpu.memory_space<vmem>> -> memref<1x64x128xf32, #tpu.memory_space<vmem>>
    %dma_start3A_327 = tpu.memref_squeeze %dma_start3A_326 : memref<1x64x128xf32, #tpu.memory_space<vmem>> -> memref<64x128xf32, #tpu.memory_space<vmem>>
    %dma_start3A_328 = arith.constant 0 : i32
    %dma_start3A_329 = tpu.memref_slice %arg6[%dma_start3A_322, %dma_start3A_323, %dma_start3A_328] : memref<4x2x64xi32, #tpu.memory_space<vmem>> -> memref<1x1x64xi32, #tpu.memory_space<vmem>>
    %dma_start3A_330 = tpu.memref_squeeze %dma_start3A_329 : memref<1x1x64xi32, #tpu.memory_space<vmem>> -> memref<64xi32, #tpu.memory_space<vmem>>
    %dma_start3A_331 = arith.constant 0 : i32
    %dma_start3A_332 = arith.constant 0 : i32
    %dma_start3A_333 = tpu.memref_slice %arg10[%dma_start3A_331, %dma_start3A_332] : memref<10112x128xf32, #tpu.memory_space<vmem_shared>> -> memref<10112x128xf32, #tpu.memory_space<vmem_shared>>
    tpu.enqueue_indirect_dma source(%dma_start3A_327 : memref<64x128xf32, #tpu.memory_space<vmem>>) target(%dma_start3A_333 : memref<10112x128xf32, #tpu.memory_space<vmem_shared>>) offsets(%dma_start3A_330 : memref<64xi32, #tpu.memory_space<vmem>>) semaphore(%arg14 : memref<!tpu.dma_semaphore, #tpu.memory_space<semaphore_mem>>) {add = true}
    %dma_wait3A_334 = arith.constant 0 : i32
    %dma_wait3A_335 = arith.constant 3 : i32
    %dma_wait3A_336 = arith.constant 0 : i32
    %dma_wait3A_337 = arith.constant 0 : i32
    %dma_wait3A_338 = tpu.memref_slice %arg6[%dma_wait3A_335, %dma_wait3A_336, %dma_wait3A_337] : memref<4x2x64xi32, #tpu.memory_space<vmem>> -> memref<1x2x64xi32, #tpu.memory_space<vmem>>
    %dma_wait3A_339 = tpu.memref_squeeze %dma_wait3A_338 : memref<1x2x64xi32, #tpu.memory_space<vmem>> -> memref<2x64xi32, #tpu.memory_space<vmem>>
    %dma_wait3A_340 = arith.constant 0 : i32
    %dma_wait3A_341 = arith.constant 0 : i32
    %dma_wait3A_342 = tpu.memref_slice %arg4[%dma_wait3A_334, %dma_wait3A_340, %dma_wait3A_341] : memref<5024x2x64xi32, #tpu.memory_space<hbm>> -> memref<1x2x64xi32, #tpu.memory_space<hbm>>
    %dma_wait3A_343 = tpu.memref_squeeze %dma_wait3A_342 : memref<1x2x64xi32, #tpu.memory_space<hbm>> -> memref<2x64xi32, #tpu.memory_space<hbm>>
    %dma_wait3A_344 = arith.constant 0 : i32
    %dma_wait3A_345 = arith.constant 0 : i32
    %dma_wait3A_346 = tpu.memref_slice %arg6[%dma_wait3A_335, %dma_wait3A_344, %dma_wait3A_345] : memref<4x2x64xi32, #tpu.memory_space<vmem>> -> memref<1x2x64xi32, #tpu.memory_space<vmem>>
    %dma_wait3A_347 = tpu.memref_squeeze %dma_wait3A_346 : memref<1x2x64xi32, #tpu.memory_space<vmem>> -> memref<2x64xi32, #tpu.memory_space<vmem>>
    %dma_wait3A_348 = arith.constant 0 : i32
    %dma_wait3A_349 = arith.constant 0 : i32
    %dma_wait3A_350 = tpu.memref_slice %arg4[%dma_wait3A_334, %dma_wait3A_348, %dma_wait3A_349] : memref<5024x2x64xi32, #tpu.memory_space<hbm>> -> memref<1x2x64xi32, #tpu.memory_space<hbm>>
    %dma_wait3A_351 = tpu.memref_squeeze %dma_wait3A_350 : memref<1x2x64xi32, #tpu.memory_space<hbm>> -> memref<2x64xi32, #tpu.memory_space<hbm>>
    tpu.wait_dma2 semaphore(%arg15 : memref<!tpu.dma_semaphore, #tpu.memory_space<semaphore_mem>>) src(%dma_wait3A_351 : memref<2x64xi32, #tpu.memory_space<hbm>>) dst(%dma_wait3A_347 : memref<2x64xi32, #tpu.memory_space<vmem>>)
    %dma_start3A_352 = arith.constant 3 : i32
    %dma_start3A_353 = arith.constant 0 : i32
    %dma_start3A_354 = arith.constant 1 : i32
    %dma_start3A_355 = arith.constant 0 : i32
    %dma_start3A_356 = arith.constant 0 : i32
    %dma_start3A_357 = tpu.memref_slice %arg7[%dma_start3A_354, %dma_start3A_355, %dma_start3A_356] : memref<2x64x128xf32, #tpu.memory_space<vmem>> -> memref<1x64x128xf32, #tpu.memory_space<vmem>>
    %dma_start3A_358 = tpu.memref_squeeze %dma_start3A_357 : memref<1x64x128xf32, #tpu.memory_space<vmem>> -> memref<64x128xf32, #tpu.memory_space<vmem>>
    %dma_start3A_359 = arith.constant 0 : i32
    %dma_start3A_360 = tpu.memref_slice %arg6[%dma_start3A_352, %dma_start3A_353, %dma_start3A_359] : memref<4x2x64xi32, #tpu.memory_space<vmem>> -> memref<1x1x64xi32, #tpu.memory_space<vmem>>
    %dma_start3A_361 = tpu.memref_squeeze %dma_start3A_360 : memref<1x1x64xi32, #tpu.memory_space<vmem>> -> memref<64xi32, #tpu.memory_space<vmem>>
    %dma_start3A_362 = arith.constant 0 : i32
    %dma_start3A_363 = arith.constant 0 : i32
    %dma_start3A_364 = tpu.memref_slice %arg2[%dma_start3A_362, %dma_start3A_363] : memref<10112x128xf32, #tpu.memory_space<hbm>> -> memref<10112x128xf32, #tpu.memory_space<hbm>>
    tpu.enqueue_indirect_dma source(%dma_start3A_364 : memref<10112x128xf32, #tpu.memory_space<hbm>>) target(%dma_start3A_358 : memref<64x128xf32, #tpu.memory_space<vmem>>) offsets(%dma_start3A_361 : memref<64xi32, #tpu.memory_space<vmem>>) semaphore(%arg12 : memref<!tpu.dma_semaphore, #tpu.memory_space<semaphore_mem>>)
    %dma_start3A_365 = arith.constant 3 : i32
    %dma_start3A_366 = arith.constant 1 : i32
    %dma_start3A_367 = arith.constant 1 : i32
    %dma_start3A_368 = arith.constant 0 : i32
    %dma_start3A_369 = arith.constant 0 : i32
    %dma_start3A_370 = tpu.memref_slice %arg8[%dma_start3A_367, %dma_start3A_368, %dma_start3A_369] : memref<2x64x128xf32, #tpu.memory_space<vmem>> -> memref<1x64x128xf32, #tpu.memory_space<vmem>>
    %dma_start3A_371 = tpu.memref_squeeze %dma_start3A_370 : memref<1x64x128xf32, #tpu.memory_space<vmem>> -> memref<64x128xf32, #tpu.memory_space<vmem>>
    %dma_start3A_372 = arith.constant 0 : i32
    %dma_start3A_373 = tpu.memref_slice %arg6[%dma_start3A_365, %dma_start3A_366, %dma_start3A_372] : memref<4x2x64xi32, #tpu.memory_space<vmem>> -> memref<1x1x64xi32, #tpu.memory_space<vmem>>
    %dma_start3A_374 = tpu.memref_squeeze %dma_start3A_373 : memref<1x1x64xi32, #tpu.memory_space<vmem>> -> memref<64xi32, #tpu.memory_space<vmem>>
    %dma_start3A_375 = arith.constant 0 : i32
    %dma_start3A_376 = arith.constant 0 : i32
    %dma_start3A_377 = tpu.memref_slice %arg3[%dma_start3A_375, %dma_start3A_376] : memref<10112x128xf32, #tpu.memory_space<hbm>> -> memref<10112x128xf32, #tpu.memory_space<hbm>>
    tpu.enqueue_indirect_dma source(%dma_start3A_377 : memref<10112x128xf32, #tpu.memory_space<hbm>>) target(%dma_start3A_371 : memref<64x128xf32, #tpu.memory_space<vmem>>) offsets(%dma_start3A_374 : memref<64xi32, #tpu.memory_space<vmem>>) semaphore(%arg12 : memref<!tpu.dma_semaphore, #tpu.memory_space<semaphore_mem>>)
    %scan3A_378 = arith.constant 0 : i32
    %scan3A_379 = arith.constant 76 : i32
    %scan3A_380 = arith.addi %scan3A_378, %scan3A_379 : i32
    %scan3A_381 = arith.constant 1 : i32
    scf.for %scan3A_692 = %scan3A_378 to %scan3A_380 step %scan3A_381  : i32 {
      %mul3A_693 = arith.constant 2 : i32
      %mul3A_694 = arith.muli %scan3A_692, %mul3A_693 : i32
      %add3A_695 = arith.constant 2 : i32
      %add3A_696 = arith.addi %add3A_695, %mul3A_694 : i32
      %jit3A = arith.constant 4 : i32
      %eq3A = arith.constant 0 : i32
      %eq3A_697 = arith.cmpi eq, %jit3A, %eq3A : i32
      %jit3A_698 = arith.constant 1 : i32
      %select_n3A = arith.select %eq3A_697, %jit3A_698, %jit3A : i32
      %rem3A = arith.remsi %add3A_696, %select_n3A : i32
      %ne3A = arith.constant 0 : i32
      %ne3A_699 = arith.cmpi ne, %rem3A, %ne3A : i32
      %lt3A = arith.constant 0 : i32
      %lt3A_700 = arith.cmpi slt, %rem3A, %lt3A : i32
      %lt3A_701 = arith.constant 0 : i32
      %lt3A_702 = arith.cmpi slt, %select_n3A, %lt3A_701 : i32
      %ne3A_703 = arith.xori %lt3A_700, %lt3A_702 : i1
      %and3A = arith.andi %ne3A_703, %ne3A_699 : i1
      %add3A_704 = arith.addi %rem3A, %select_n3A : i32
      %select_n3A_705 = arith.select %and3A, %add3A_704, %rem3A : i32
      %add3A_706 = arith.constant 2 : i32
      %add3A_707 = arith.addi %add3A_696, %add3A_706 : i32
      %jit3A_708 = arith.constant 4 : i32
      %eq3A_709 = arith.constant 0 : i32
      %eq3A_710 = arith.cmpi eq, %jit3A_708, %eq3A_709 : i32
      %jit3A_711 = arith.constant 1 : i32
      %select_n3A_712 = arith.select %eq3A_710, %jit3A_711, %jit3A_708 : i32
      %rem3A_713 = arith.remsi %add3A_707, %select_n3A_712 : i32
      %ne3A_714 = arith.constant 0 : i32
      %ne3A_715 = arith.cmpi ne, %rem3A_713, %ne3A_714 : i32
      %lt3A_716 = arith.constant 0 : i32
      %lt3A_717 = arith.cmpi slt, %rem3A_713, %lt3A_716 : i32
      %lt3A_718 = arith.constant 0 : i32
      %lt3A_719 = arith.cmpi slt, %select_n3A_712, %lt3A_718 : i32
      %ne3A_720 = arith.xori %lt3A_717, %lt3A_719 : i1
      %and3A_721 = arith.andi %ne3A_720, %ne3A_715 : i1
      %add3A_722 = arith.addi %rem3A_713, %select_n3A_712 : i32
      %select_n3A_723 = arith.select %and3A_721, %add3A_722, %rem3A_713 : i32
      %dma_wait3A_724 = arith.constant 0 : i32
      %dma_wait3A_725 = arith.constant 0 : i32
      %dma_wait3A_726 = arith.constant 0 : i32
      %dma_wait3A_727 = arith.constant 0 : i32
      %dma_wait3A_728 = tpu.memref_slice %arg7[%dma_wait3A_725, %dma_wait3A_726, %dma_wait3A_727] : memref<2x64x128xf32, #tpu.memory_space<vmem>> -> memref<1x64x128xf32, #tpu.memory_space<vmem>>
      %dma_wait3A_729 = tpu.memref_squeeze %dma_wait3A_728 : memref<1x64x128xf32, #tpu.memory_space<vmem>> -> memref<64x128xf32, #tpu.memory_space<vmem>>
      %dma_wait3A_730 = arith.constant 0 : i32
      %dma_wait3A_731 = tpu.memref_slice %arg6[%select_n3A_705, %dma_wait3A_724, %dma_wait3A_730] : memref<4x2x64xi32, #tpu.memory_space<vmem>> -> memref<1x1x64xi32, #tpu.memory_space<vmem>>
      %dma_wait3A_732 = tpu.memref_squeeze %dma_wait3A_731 : memref<1x1x64xi32, #tpu.memory_space<vmem>> -> memref<64xi32, #tpu.memory_space<vmem>>
      %dma_wait3A_733 = arith.constant 0 : i32
      %dma_wait3A_734 = arith.constant 0 : i32
      %dma_wait3A_735 = tpu.memref_slice %arg2[%dma_wait3A_733, %dma_wait3A_734] : memref<10112x128xf32, #tpu.memory_space<hbm>> -> memref<10112x128xf32, #tpu.memory_space<hbm>>
      tpu.wait_indirect_dma semaphore(%arg11 : memref<!tpu.dma_semaphore, #tpu.memory_space<semaphore_mem>>) src(%dma_wait3A_735 : memref<10112x128xf32, #tpu.memory_space<hbm>>) dst(%dma_wait3A_729 : memref<64x128xf32, #tpu.memory_space<vmem>>)
      %dma_wait3A_736 = arith.constant 1 : i32
      %dma_wait3A_737 = arith.constant 0 : i32
      %dma_wait3A_738 = arith.constant 0 : i32
      %dma_wait3A_739 = arith.constant 0 : i32
      %dma_wait3A_740 = tpu.memref_slice %arg8[%dma_wait3A_737, %dma_wait3A_738, %dma_wait3A_739] : memref<2x64x128xf32, #tpu.memory_space<vmem>> -> memref<1x64x128xf32, #tpu.memory_space<vmem>>
      %dma_wait3A_741 = tpu.memref_squeeze %dma_wait3A_740 : memref<1x64x128xf32, #tpu.memory_space<vmem>> -> memref<64x128xf32, #tpu.memory_space<vmem>>
      %dma_wait3A_742 = arith.constant 0 : i32
      %dma_wait3A_743 = tpu.memref_slice %arg6[%select_n3A_705, %dma_wait3A_736, %dma_wait3A_742] : memref<4x2x64xi32, #tpu.memory_space<vmem>> -> memref<1x1x64xi32, #tpu.memory_space<vmem>>
      %dma_wait3A_744 = tpu.memref_squeeze %dma_wait3A_743 : memref<1x1x64xi32, #tpu.memory_space<vmem>> -> memref<64xi32, #tpu.memory_space<vmem>>
      %dma_wait3A_745 = arith.constant 0 : i32
      %dma_wait3A_746 = arith.constant 0 : i32
      %dma_wait3A_747 = tpu.memref_slice %arg3[%dma_wait3A_745, %dma_wait3A_746] : memref<10112x128xf32, #tpu.memory_space<hbm>> -> memref<10112x128xf32, #tpu.memory_space<hbm>>
      tpu.wait_indirect_dma semaphore(%arg11 : memref<!tpu.dma_semaphore, #tpu.memory_space<semaphore_mem>>) src(%dma_wait3A_747 : memref<10112x128xf32, #tpu.memory_space<hbm>>) dst(%dma_wait3A_741 : memref<64x128xf32, #tpu.memory_space<vmem>>)
      %dma_wait3A_748 = arith.constant 0 : i32
      %dma_wait3A_749 = arith.constant 1 : i32
      %dma_wait3A_750 = arith.constant 0 : i32
      %dma_wait3A_751 = arith.constant 0 : i32
      %dma_wait3A_752 = tpu.memref_slice %arg9[%dma_wait3A_748, %dma_wait3A_750, %dma_wait3A_751] : memref<2x64x128xf32, #tpu.memory_space<vmem>> -> memref<1x64x128xf32, #tpu.memory_space<vmem>>
      %dma_wait3A_753 = tpu.memref_squeeze %dma_wait3A_752 : memref<1x64x128xf32, #tpu.memory_space<vmem>> -> memref<64x128xf32, #tpu.memory_space<vmem>>
      %dma_wait3A_754 = arith.constant 0 : i32
      %dma_wait3A_755 = tpu.memref_slice %arg6[%select_n3A_723, %dma_wait3A_749, %dma_wait3A_754] : memref<4x2x64xi32, #tpu.memory_space<vmem>> -> memref<1x1x64xi32, #tpu.memory_space<vmem>>
      %dma_wait3A_756 = tpu.memref_squeeze %dma_wait3A_755 : memref<1x1x64xi32, #tpu.memory_space<vmem>> -> memref<64xi32, #tpu.memory_space<vmem>>
      %dma_wait3A_757 = arith.constant 0 : i32
      %dma_wait3A_758 = arith.constant 0 : i32
      %dma_wait3A_759 = tpu.memref_slice %arg10[%dma_wait3A_757, %dma_wait3A_758] : memref<10112x128xf32, #tpu.memory_space<vmem_shared>> -> memref<10112x128xf32, #tpu.memory_space<vmem_shared>>
      tpu.wait_indirect_dma semaphore(%arg13 : memref<!tpu.dma_semaphore, #tpu.memory_space<semaphore_mem>>) src(%dma_wait3A_753 : memref<64x128xf32, #tpu.memory_space<vmem>>) dst(%dma_wait3A_759 : memref<10112x128xf32, #tpu.memory_space<vmem_shared>>)
      %add3A_760 = arith.constant 2 : i32
      %add3A_761 = arith.addi %add3A_696, %add3A_760 : i32
      %mul3A_762 = arith.constant 157 : i32
      %mul3A_763 = arith.muli %add3A, %mul3A_762 : i32
      %add3A_764 = arith.addi %mul3A_763, %add3A_761 : i32
      %dma_start3A_765 = arith.constant 0 : i32
      %dma_start3A_766 = arith.constant 0 : i32
      %dma_start3A_767 = tpu.memref_slice %arg6[%select_n3A_723, %dma_start3A_765, %dma_start3A_766] : memref<4x2x64xi32, #tpu.memory_space<vmem>> -> memref<1x2x64xi32, #tpu.memory_space<vmem>>
      %dma_start3A_768 = tpu.memref_squeeze %dma_start3A_767 : memref<1x2x64xi32, #tpu.memory_space<vmem>> -> memref<2x64xi32, #tpu.memory_space<vmem>>
      %dma_start3A_769 = arith.constant 0 : i32
      %dma_start3A_770 = arith.constant 0 : i32
      %dma_start3A_771 = tpu.memref_slice %arg4[%add3A_764, %dma_start3A_769, %dma_start3A_770] : memref<5024x2x64xi32, #tpu.memory_space<hbm>> -> memref<1x2x64xi32, #tpu.memory_space<hbm>>
      %dma_start3A_772 = tpu.memref_squeeze %dma_start3A_771 : memref<1x2x64xi32, #tpu.memory_space<hbm>> -> memref<2x64xi32, #tpu.memory_space<hbm>>
      %dma_start3A_773 = arith.constant 0 : i32
      %dma_start3A_774 = arith.constant 0 : i32
      %dma_start3A_775 = tpu.memref_slice %arg6[%select_n3A_723, %dma_start3A_773, %dma_start3A_774] : memref<4x2x64xi32, #tpu.memory_space<vmem>> -> memref<1x2x64xi32, #tpu.memory_space<vmem>>
      %dma_start3A_776 = tpu.memref_squeeze %dma_start3A_775 : memref<1x2x64xi32, #tpu.memory_space<vmem>> -> memref<2x64xi32, #tpu.memory_space<vmem>>
      %dma_start3A_777 = arith.constant 0 : i32
      %dma_start3A_778 = arith.constant 0 : i32
      %dma_start3A_779 = tpu.memref_slice %arg4[%add3A_764, %dma_start3A_777, %dma_start3A_778] : memref<5024x2x64xi32, #tpu.memory_space<hbm>> -> memref<1x2x64xi32, #tpu.memory_space<hbm>>
      %dma_start3A_780 = tpu.memref_squeeze %dma_start3A_779 : memref<1x2x64xi32, #tpu.memory_space<hbm>> -> memref<2x64xi32, #tpu.memory_space<hbm>>
      tpu.enqueue_dma source(%dma_start3A_780 : memref<2x64xi32, #tpu.memory_space<hbm>>) target(%dma_start3A_776 : memref<2x64xi32, #tpu.memory_space<vmem>>) target_semaphore(%arg15 : memref<!tpu.dma_semaphore, #tpu.memory_space<semaphore_mem>>)
      %parallel_loop3A_781 = arith.constant 0 : i32
      %parallel_loop3A_782 = arith.constant 64 : i32
      %parallel_loop3A_783 = arith.constant 1 : i32
      scf.for %parallel_loop3A_986 = %parallel_loop3A_781 to %parallel_loop3A_782 step %parallel_loop3A_783  : i32 {
        %parallel_loop3A_987 = arith.constant 0 : i32
        %parallel_loop3A_988 = arith.index_cast %parallel_loop3A_987 : i32 to index
        %parallel_loop3A_989 = arith.index_cast %parallel_loop3A_986 : i32 to index
        %parallel_loop3A_990 = arith.constant 0 : index
        %parallel_loop3A_991 = tpu.vector_load %arg7[%parallel_loop3A_988, %parallel_loop3A_989, %parallel_loop3A_990] {strides = array<i32>} : memref<2x64x128xf32, #tpu.memory_space<vmem>>, vector<1x1x16xf32>,
        %parallel_loop3A_992 = vector.shape_cast %parallel_loop3A_991 : vector<1x1x16xf32> to vector<16xf32>
        %parallel_loop3A_993 = arith.constant 0 : i32
        %parallel_loop3A_994 = arith.index_cast %parallel_loop3A_993 : i32 to index
        %parallel_loop3A_995 = arith.index_cast %parallel_loop3A_986 : i32 to index
        %parallel_loop3A_996 = arith.constant 0 : index
        %parallel_loop3A_997 = tpu.vector_load %arg8[%parallel_loop3A_994, %parallel_loop3A_995, %parallel_loop3A_996] {strides = array<i32>} : memref<2x64x128xf32, #tpu.memory_space<vmem>>, vector<1x1x16xf32>,
        %parallel_loop3A_998 = vector.shape_cast %parallel_loop3A_997 : vector<1x1x16xf32> to vector<16xf32>
        %parallel_loop3A_999 = arith.addf %parallel_loop3A_992, %parallel_loop3A_998 : vector<16xf32>
        %parallel_loop3A_1000 = arith.constant 0.000000e+00 : f32
        %parallel_loop3A_1001 = vector.broadcast %parallel_loop3A_1000 : f32 to vector<16xf32>
        %parallel_loop3A_1002 = arith.maximumf %parallel_loop3A_999, %parallel_loop3A_1001 : vector<16xf32>
        %parallel_loop3A_1003 = arith.constant 0 : i32
        %parallel_loop3A_1004 = arith.index_cast %parallel_loop3A_1003 : i32 to index
        %parallel_loop3A_1005 = arith.index_cast %parallel_loop3A_986 : i32 to index
        %parallel_loop3A_1006 = arith.constant 0 : index
        %parallel_loop3A_1007 = tpu.vector_load %arg9[%parallel_loop3A_1004, %parallel_loop3A_1005, %parallel_loop3A_1006] {strides = array<i32>} : memref<2x64x128xf32, #tpu.memory_space<vmem>>, vector<1x1x16xf32>,
        %parallel_loop3A_1008 = vector.shape_cast %parallel_loop3A_1007 : vector<1x1x16xf32> to vector<16xf32>
        %parallel_loop3A_1009 = vector.shape_cast %parallel_loop3A_1002 : vector<16xf32> to vector<1x1x16xf32>
        tpu.vector_store %arg9[%parallel_loop3A_1004, %parallel_loop3A_1005, %parallel_loop3A_1006], %parallel_loop3A_1009 {strides = array<i32>} : memref<2x64x128xf32, #tpu.memory_space<vmem>>, vector<1x1x16xf32>,
        %parallel_loop3A_1010 = arith.constant 0 : i32
        %parallel_loop3A_1011 = arith.index_cast %parallel_loop3A_1010 : i32 to index
        %parallel_loop3A_1012 = arith.index_cast %parallel_loop3A_986 : i32 to index
        %parallel_loop3A_1013 = arith.constant 16 : index
        %parallel_loop3A_1014 = tpu.vector_load %arg7[%parallel_loop3A_1011, %parallel_loop3A_1012, %parallel_loop3A_1013] {strides = array<i32>} : memref<2x64x128xf32, #tpu.memory_space<vmem>>, vector<1x1x16xf32>,
        %parallel_loop3A_1015 = vector.shape_cast %parallel_loop3A_1014 : vector<1x1x16xf32> to vector<16xf32>
        %parallel_loop3A_1016 = arith.constant 0 : i32
        %parallel_loop3A_1017 = arith.index_cast %parallel_loop3A_1016 : i32 to index
        %parallel_loop3A_1018 = arith.index_cast %parallel_loop3A_986 : i32 to index
        %parallel_loop3A_1019 = arith.constant 16 : index
        %parallel_loop3A_1020 = tpu.vector_load %arg8[%parallel_loop3A_1017, %parallel_loop3A_1018, %parallel_loop3A_1019] {strides = array<i32>} : memref<2x64x128xf32, #tpu.memory_space<vmem>>, vector<1x1x16xf32>,
        %parallel_loop3A_1021 = vector.shape_cast %parallel_loop3A_1020 : vector<1x1x16xf32> to vector<16xf32>
        %parallel_loop3A_1022 = arith.addf %parallel_loop3A_1015, %parallel_loop3A_1021 : vector<16xf32>
        %parallel_loop3A_1023 = arith.constant 0.000000e+00 : f32
        %parallel_loop3A_1024 = vector.broadcast %parallel_loop3A_1023 : f32 to vector<16xf32>
        %parallel_loop3A_1025 = arith.maximumf %parallel_loop3A_1022, %parallel_loop3A_1024 : vector<16xf32>
        %parallel_loop3A_1026 = arith.constant 0 : i32
        %parallel_loop3A_1027 = arith.index_cast %parallel_loop3A_1026 : i32 to index
        %parallel_loop3A_1028 = arith.index_cast %parallel_loop3A_986 : i32 to index
        %parallel_loop3A_1029 = arith.constant 16 : index
        %parallel_loop3A_1030 = tpu.vector_load %arg9[%parallel_loop3A_1027, %parallel_loop3A_1028, %parallel_loop3A_1029] {strides = array<i32>} : memref<2x64x128xf32, #tpu.memory_space<vmem>>, vector<1x1x16xf32>,
        %parallel_loop3A_1031 = vector.shape_cast %parallel_loop3A_1030 : vector<1x1x16xf32> to vector<16xf32>
        %parallel_loop3A_1032 = vector.shape_cast %parallel_loop3A_1025 : vector<16xf32> to vector<1x1x16xf32>
        tpu.vector_store %arg9[%parallel_loop3A_1027, %parallel_loop3A_1028, %parallel_loop3A_1029], %parallel_loop3A_1032 {strides = array<i32>} : memref<2x64x128xf32, #tpu.memory_space<vmem>>, vector<1x1x16xf32>,
        %parallel_loop3A_1033 = arith.constant 0 : i32
        %parallel_loop3A_1034 = arith.index_cast %parallel_loop3A_1033 : i32 to index
        %parallel_loop3A_1035 = arith.index_cast %parallel_loop3A_986 : i32 to index
        %parallel_loop3A_1036 = arith.constant 32 : index
        %parallel_loop3A_1037 = tpu.vector_load %arg7[%parallel_loop3A_1034, %parallel_loop3A_1035, %parallel_loop3A_1036] {strides = array<i32>} : memref<2x64x128xf32, #tpu.memory_space<vmem>>, vector<1x1x16xf32>,
        %parallel_loop3A_1038 = vector.shape_cast %parallel_loop3A_1037 : vector<1x1x16xf32> to vector<16xf32>
        %parallel_loop3A_1039 = arith.constant 0 : i32
        %parallel_loop3A_1040 = arith.index_cast %parallel_loop3A_1039 : i32 to index
        %parallel_loop3A_1041 = arith.index_cast %parallel_loop3A_986 : i32 to index
        %parallel_loop3A_1042 = arith.constant 32 : index
        %parallel_loop3A_1043 = tpu.vector_load %arg8[%parallel_loop3A_1040, %parallel_loop3A_1041, %parallel_loop3A_1042] {strides = array<i32>} : memref<2x64x128xf32, #tpu.memory_space<vmem>>, vector<1x1x16xf32>,
        %parallel_loop3A_1044 = vector.shape_cast %parallel_loop3A_1043 : vector<1x1x16xf32> to vector<16xf32>
        %parallel_loop3A_1045 = arith.addf %parallel_loop3A_1038, %parallel_loop3A_1044 : vector<16xf32>
        %parallel_loop3A_1046 = arith.constant 0.000000e+00 : f32
        %parallel_loop3A_1047 = vector.broadcast %parallel_loop3A_1046 : f32 to vector<16xf32>
        %parallel_loop3A_1048 = arith.maximumf %parallel_loop3A_1045, %parallel_loop3A_1047 : vector<16xf32>
        %parallel_loop3A_1049 = arith.constant 0 : i32
        %parallel_loop3A_1050 = arith.index_cast %parallel_loop3A_1049 : i32 to index
        %parallel_loop3A_1051 = arith.index_cast %parallel_loop3A_986 : i32 to index
        %parallel_loop3A_1052 = arith.constant 32 : index
        %parallel_loop3A_1053 = tpu.vector_load %arg9[%parallel_loop3A_1050, %parallel_loop3A_1051, %parallel_loop3A_1052] {strides = array<i32>} : memref<2x64x128xf32, #tpu.memory_space<vmem>>, vector<1x1x16xf32>,
        %parallel_loop3A_1054 = vector.shape_cast %parallel_loop3A_1053 : vector<1x1x16xf32> to vector<16xf32>
        %parallel_loop3A_1055 = vector.shape_cast %parallel_loop3A_1048 : vector<16xf32> to vector<1x1x16xf32>
        tpu.vector_store %arg9[%parallel_loop3A_1050, %parallel_loop3A_1051, %parallel_loop3A_1052], %parallel_loop3A_1055 {strides = array<i32>} : memref<2x64x128xf32, #tpu.memory_space<vmem>>, vector<1x1x16xf32>,
        %parallel_loop3A_1056 = arith.constant 0 : i32
        %parallel_loop3A_1057 = arith.index_cast %parallel_loop3A_1056 : i32 to index
        %parallel_loop3A_1058 = arith.index_cast %parallel_loop3A_986 : i32 to index
        %parallel_loop3A_1059 = arith.constant 48 : index
        %parallel_loop3A_1060 = tpu.vector_load %arg7[%parallel_loop3A_1057, %parallel_loop3A_1058, %parallel_loop3A_1059] {strides = array<i32>} : memref<2x64x128xf32, #tpu.memory_space<vmem>>, vector<1x1x16xf32>,
        %parallel_loop3A_1061 = vector.shape_cast %parallel_loop3A_1060 : vector<1x1x16xf32> to vector<16xf32>
        %parallel_loop3A_1062 = arith.constant 0 : i32
        %parallel_loop3A_1063 = arith.index_cast %parallel_loop3A_1062 : i32 to index
        %parallel_loop3A_1064 = arith.index_cast %parallel_loop3A_986 : i32 to index
        %parallel_loop3A_1065 = arith.constant 48 : index
        %parallel_loop3A_1066 = tpu.vector_load %arg8[%parallel_loop3A_1063, %parallel_loop3A_1064, %parallel_loop3A_1065] {strides = array<i32>} : memref<2x64x128xf32, #tpu.memory_space<vmem>>, vector<1x1x16xf32>,
        %parallel_loop3A_1067 = vector.shape_cast %parallel_loop3A_1066 : vector<1x1x16xf32> to vector<16xf32>
        %parallel_loop3A_1068 = arith.addf %parallel_loop3A_1061, %parallel_loop3A_1067 : vector<16xf32>
        %parallel_loop3A_1069 = arith.constant 0.000000e+00 : f32
        %parallel_loop3A_1070 = vector.broadcast %parallel_loop3A_1069 : f32 to vector<16xf32>
        %parallel_loop3A_1071 = arith.maximumf %parallel_loop3A_1068, %parallel_loop3A_1070 : vector<16xf32>
        %parallel_loop3A_1072 = arith.constant 0 : i32
        %parallel_loop3A_1073 = arith.index_cast %parallel_loop3A_1072 : i32 to index
        %parallel_loop3A_1074 = arith.index_cast %parallel_loop3A_986 : i32 to index
        %parallel_loop3A_1075 = arith.constant 48 : index
        %parallel_loop3A_1076 = tpu.vector_load %arg9[%parallel_loop3A_1073, %parallel_loop3A_1074, %parallel_loop3A_1075] {strides = array<i32>} : memref<2x64x128xf32, #tpu.memory_space<vmem>>, vector<1x1x16xf32>,
        %parallel_loop3A_1077 = vector.shape_cast %parallel_loop3A_1076 : vector<1x1x16xf32> to vector<16xf32>
        %parallel_loop3A_1078 = vector.shape_cast %parallel_loop3A_1071 : vector<16xf32> to vector<1x1x16xf32>
        tpu.vector_store %arg9[%parallel_loop3A_1073, %parallel_loop3A_1074, %parallel_loop3A_1075], %parallel_loop3A_1078 {strides = array<i32>} : memref<2x64x128xf32, #tpu.memory_space<vmem>>, vector<1x1x16xf32>,
        %parallel_loop3A_1079 = arith.constant 0 : i32
        %parallel_loop3A_1080 = arith.index_cast %parallel_loop3A_1079 : i32 to index
        %parallel_loop3A_1081 = arith.index_cast %parallel_loop3A_986 : i32 to index
        %parallel_loop3A_1082 = arith.constant 64 : index
        %parallel_loop3A_1083 = tpu.vector_load %arg7[%parallel_loop3A_1080, %parallel_loop3A_1081, %parallel_loop3A_1082] {strides = array<i32>} : memref<2x64x128xf32, #tpu.memory_space<vmem>>, vector<1x1x16xf32>,
        %parallel_loop3A_1084 = vector.shape_cast %parallel_loop3A_1083 : vector<1x1x16xf32> to vector<16xf32>
        %parallel_loop3A_1085 = arith.constant 0 : i32
        %parallel_loop3A_1086 = arith.index_cast %parallel_loop3A_1085 : i32 to index
        %parallel_loop3A_1087 = arith.index_cast %parallel_loop3A_986 : i32 to index
        %parallel_loop3A_1088 = arith.constant 64 : index
        %parallel_loop3A_1089 = tpu.vector_load %arg8[%parallel_loop3A_1086, %parallel_loop3A_1087, %parallel_loop3A_1088] {strides = array<i32>} : memref<2x64x128xf32, #tpu.memory_space<vmem>>, vector<1x1x16xf32>,
        %parallel_loop3A_1090 = vector.shape_cast %parallel_loop3A_1089 : vector<1x1x16xf32> to vector<16xf32>
        %parallel_loop3A_1091 = arith.addf %parallel_loop3A_1084, %parallel_loop3A_1090 : vector<16xf32>
        %parallel_loop3A_1092 = arith.constant 0.000000e+00 : f32
        %parallel_loop3A_1093 = vector.broadcast %parallel_loop3A_1092 : f32 to vector<16xf32>
        %parallel_loop3A_1094 = arith.maximumf %parallel_loop3A_1091, %parallel_loop3A_1093 : vector<16xf32>
        %parallel_loop3A_1095 = arith.constant 0 : i32
        %parallel_loop3A_1096 = arith.index_cast %parallel_loop3A_1095 : i32 to index
        %parallel_loop3A_1097 = arith.index_cast %parallel_loop3A_986 : i32 to index
        %parallel_loop3A_1098 = arith.constant 64 : index
        %parallel_loop3A_1099 = tpu.vector_load %arg9[%parallel_loop3A_1096, %parallel_loop3A_1097, %parallel_loop3A_1098] {strides = array<i32>} : memref<2x64x128xf32, #tpu.memory_space<vmem>>, vector<1x1x16xf32>,
        %parallel_loop3A_1100 = vector.shape_cast %parallel_loop3A_1099 : vector<1x1x16xf32> to vector<16xf32>
        %parallel_loop3A_1101 = vector.shape_cast %parallel_loop3A_1094 : vector<16xf32> to vector<1x1x16xf32>
        tpu.vector_store %arg9[%parallel_loop3A_1096, %parallel_loop3A_1097, %parallel_loop3A_1098], %parallel_loop3A_1101 {strides = array<i32>} : memref<2x64x128xf32, #tpu.memory_space<vmem>>, vector<1x1x16xf32>,
        %parallel_loop3A_1102 = arith.constant 0 : i32
        %parallel_loop3A_1103 = arith.index_cast %parallel_loop3A_1102 : i32 to index
        %parallel_loop3A_1104 = arith.index_cast %parallel_loop3A_986 : i32 to index
        %parallel_loop3A_1105 = arith.constant 80 : index
        %parallel_loop3A_1106 = tpu.vector_load %arg7[%parallel_loop3A_1103, %parallel_loop3A_1104, %parallel_loop3A_1105] {strides = array<i32>} : memref<2x64x128xf32, #tpu.memory_space<vmem>>, vector<1x1x16xf32>,
        %parallel_loop3A_1107 = vector.shape_cast %parallel_loop3A_1106 : vector<1x1x16xf32> to vector<16xf32>
        %parallel_loop3A_1108 = arith.constant 0 : i32
        %parallel_loop3A_1109 = arith.index_cast %parallel_loop3A_1108 : i32 to index
        %parallel_loop3A_1110 = arith.index_cast %parallel_loop3A_986 : i32 to index
        %parallel_loop3A_1111 = arith.constant 80 : index
        %parallel_loop3A_1112 = tpu.vector_load %arg8[%parallel_loop3A_1109, %parallel_loop3A_1110, %parallel_loop3A_1111] {strides = array<i32>} : memref<2x64x128xf32, #tpu.memory_space<vmem>>, vector<1x1x16xf32>,
        %parallel_loop3A_1113 = vector.shape_cast %parallel_loop3A_1112 : vector<1x1x16xf32> to vector<16xf32>
        %parallel_loop3A_1114 = arith.addf %parallel_loop3A_1107, %parallel_loop3A_1113 : vector<16xf32>
        %parallel_loop3A_1115 = arith.constant 0.000000e+00 : f32
        %parallel_loop3A_1116 = vector.broadcast %parallel_loop3A_1115 : f32 to vector<16xf32>
        %parallel_loop3A_1117 = arith.maximumf %parallel_loop3A_1114, %parallel_loop3A_1116 : vector<16xf32>
        %parallel_loop3A_1118 = arith.constant 0 : i32
        %parallel_loop3A_1119 = arith.index_cast %parallel_loop3A_1118 : i32 to index
        %parallel_loop3A_1120 = arith.index_cast %parallel_loop3A_986 : i32 to index
        %parallel_loop3A_1121 = arith.constant 80 : index
        %parallel_loop3A_1122 = tpu.vector_load %arg9[%parallel_loop3A_1119, %parallel_loop3A_1120, %parallel_loop3A_1121] {strides = array<i32>} : memref<2x64x128xf32, #tpu.memory_space<vmem>>, vector<1x1x16xf32>,
        %parallel_loop3A_1123 = vector.shape_cast %parallel_loop3A_1122 : vector<1x1x16xf32> to vector<16xf32>
        %parallel_loop3A_1124 = vector.shape_cast %parallel_loop3A_1117 : vector<16xf32> to vector<1x1x16xf32>
        tpu.vector_store %arg9[%parallel_loop3A_1119, %parallel_loop3A_1120, %parallel_loop3A_1121], %parallel_loop3A_1124 {strides = array<i32>} : memref<2x64x128xf32, #tpu.memory_space<vmem>>, vector<1x1x16xf32>,
        %parallel_loop3A_1125 = arith.constant 0 : i32
        %parallel_loop3A_1126 = arith.index_cast %parallel_loop3A_1125 : i32 to index
        %parallel_loop3A_1127 = arith.index_cast %parallel_loop3A_986 : i32 to index
        %parallel_loop3A_1128 = arith.constant 96 : index
        %parallel_loop3A_1129 = tpu.vector_load %arg7[%parallel_loop3A_1126, %parallel_loop3A_1127, %parallel_loop3A_1128] {strides = array<i32>} : memref<2x64x128xf32, #tpu.memory_space<vmem>>, vector<1x1x16xf32>,
        %parallel_loop3A_1130 = vector.shape_cast %parallel_loop3A_1129 : vector<1x1x16xf32> to vector<16xf32>
        %parallel_loop3A_1131 = arith.constant 0 : i32
        %parallel_loop3A_1132 = arith.index_cast %parallel_loop3A_1131 : i32 to index
        %parallel_loop3A_1133 = arith.index_cast %parallel_loop3A_986 : i32 to index
        %parallel_loop3A_1134 = arith.constant 96 : index
        %parallel_loop3A_1135 = tpu.vector_load %arg8[%parallel_loop3A_1132, %parallel_loop3A_1133, %parallel_loop3A_1134] {strides = array<i32>} : memref<2x64x128xf32, #tpu.memory_space<vmem>>, vector<1x1x16xf32>,
        %parallel_loop3A_1136 = vector.shape_cast %parallel_loop3A_1135 : vector<1x1x16xf32> to vector<16xf32>
        %parallel_loop3A_1137 = arith.addf %parallel_loop3A_1130, %parallel_loop3A_1136 : vector<16xf32>
        %parallel_loop3A_1138 = arith.constant 0.000000e+00 : f32
        %parallel_loop3A_1139 = vector.broadcast %parallel_loop3A_1138 : f32 to vector<16xf32>
        %parallel_loop3A_1140 = arith.maximumf %parallel_loop3A_1137, %parallel_loop3A_1139 : vector<16xf32>
        %parallel_loop3A_1141 = arith.constant 0 : i32
        %parallel_loop3A_1142 = arith.index_cast %parallel_loop3A_1141 : i32 to index
        %parallel_loop3A_1143 = arith.index_cast %parallel_loop3A_986 : i32 to index
        %parallel_loop3A_1144 = arith.constant 96 : index
        %parallel_loop3A_1145 = tpu.vector_load %arg9[%parallel_loop3A_1142, %parallel_loop3A_1143, %parallel_loop3A_1144] {strides = array<i32>} : memref<2x64x128xf32, #tpu.memory_space<vmem>>, vector<1x1x16xf32>,
        %parallel_loop3A_1146 = vector.shape_cast %parallel_loop3A_1145 : vector<1x1x16xf32> to vector<16xf32>
        %parallel_loop3A_1147 = vector.shape_cast %parallel_loop3A_1140 : vector<16xf32> to vector<1x1x16xf32>
        tpu.vector_store %arg9[%parallel_loop3A_1142, %parallel_loop3A_1143, %parallel_loop3A_1144], %parallel_loop3A_1147 {strides = array<i32>} : memref<2x64x128xf32, #tpu.memory_space<vmem>>, vector<1x1x16xf32>,
        %parallel_loop3A_1148 = arith.constant 0 : i32
        %parallel_loop3A_1149 = arith.index_cast %parallel_loop3A_1148 : i32 to index
        %parallel_loop3A_1150 = arith.index_cast %parallel_loop3A_986 : i32 to index
        %parallel_loop3A_1151 = arith.constant 112 : index
        %parallel_loop3A_1152 = tpu.vector_load %arg7[%parallel_loop3A_1149, %parallel_loop3A_1150, %parallel_loop3A_1151] {strides = array<i32>} : memref<2x64x128xf32, #tpu.memory_space<vmem>>, vector<1x1x16xf32>,
        %parallel_loop3A_1153 = vector.shape_cast %parallel_loop3A_1152 : vector<1x1x16xf32> to vector<16xf32>
        %parallel_loop3A_1154 = arith.constant 0 : i32
        %parallel_loop3A_1155 = arith.index_cast %parallel_loop3A_1154 : i32 to index
        %parallel_loop3A_1156 = arith.index_cast %parallel_loop3A_986 : i32 to index
        %parallel_loop3A_1157 = arith.constant 112 : index
        %parallel_loop3A_1158 = tpu.vector_load %arg8[%parallel_loop3A_1155, %parallel_loop3A_1156, %parallel_loop3A_1157] {strides = array<i32>} : memref<2x64x128xf32, #tpu.memory_space<vmem>>, vector<1x1x16xf32>,
        %parallel_loop3A_1159 = vector.shape_cast %parallel_loop3A_1158 : vector<1x1x16xf32> to vector<16xf32>
        %parallel_loop3A_1160 = arith.addf %parallel_loop3A_1153, %parallel_loop3A_1159 : vector<16xf32>
        %parallel_loop3A_1161 = arith.constant 0.000000e+00 : f32
        %parallel_loop3A_1162 = vector.broadcast %parallel_loop3A_1161 : f32 to vector<16xf32>
        %parallel_loop3A_1163 = arith.maximumf %parallel_loop3A_1160, %parallel_loop3A_1162 : vector<16xf32>
        %parallel_loop3A_1164 = arith.constant 0 : i32
        %parallel_loop3A_1165 = arith.index_cast %parallel_loop3A_1164 : i32 to index
        %parallel_loop3A_1166 = arith.index_cast %parallel_loop3A_986 : i32 to index
        %parallel_loop3A_1167 = arith.constant 112 : index
        %parallel_loop3A_1168 = tpu.vector_load %arg9[%parallel_loop3A_1165, %parallel_loop3A_1166, %parallel_loop3A_1167] {strides = array<i32>} : memref<2x64x128xf32, #tpu.memory_space<vmem>>, vector<1x1x16xf32>,
        %parallel_loop3A_1169 = vector.shape_cast %parallel_loop3A_1168 : vector<1x1x16xf32> to vector<16xf32>
        %parallel_loop3A_1170 = vector.shape_cast %parallel_loop3A_1163 : vector<16xf32> to vector<1x1x16xf32>
        tpu.vector_store %arg9[%parallel_loop3A_1165, %parallel_loop3A_1166, %parallel_loop3A_1167], %parallel_loop3A_1170 {strides = array<i32>} : memref<2x64x128xf32, #tpu.memory_space<vmem>>, vector<1x1x16xf32>,
      } {sc.loop_unroll_factor = 4 : i64, sc.parallel_access}
      %dma_start3A_784 = arith.constant 0 : i32
      %dma_start3A_785 = arith.constant 1 : i32
      %dma_start3A_786 = arith.constant 0 : i32
      %dma_start3A_787 = arith.constant 0 : i32
      %dma_start3A_788 = tpu.memref_slice %arg9[%dma_start3A_784, %dma_start3A_786, %dma_start3A_787] : memref<2x64x128xf32, #tpu.memory_space<vmem>> -> memref<1x64x128xf32, #tpu.memory_space<vmem>>
      %dma_start3A_789 = tpu.memref_squeeze %dma_start3A_788 : memref<1x64x128xf32, #tpu.memory_space<vmem>> -> memref<64x128xf32, #tpu.memory_space<vmem>>
      %dma_start3A_790 = arith.constant 0 : i32
      %dma_start3A_791 = tpu.memref_slice %arg6[%select_n3A_705, %dma_start3A_785, %dma_start3A_790] : memref<4x2x64xi32, #tpu.memory_space<vmem>> -> memref<1x1x64xi32, #tpu.memory_space<vmem>>
      %dma_start3A_792 = tpu.memref_squeeze %dma_start3A_791 : memref<1x1x64xi32, #tpu.memory_space<vmem>> -> memref<64xi32, #tpu.memory_space<vmem>>
      %dma_start3A_793 = arith.constant 0 : i32
      %dma_start3A_794 = arith.constant 0 : i32
      %dma_start3A_795 = tpu.memref_slice %arg10[%dma_start3A_793, %dma_start3A_794] : memref<10112x128xf32, #tpu.memory_space<vmem_shared>> -> memref<10112x128xf32, #tpu.memory_space<vmem_shared>>
      tpu.enqueue_indirect_dma source(%dma_start3A_789 : memref<64x128xf32, #tpu.memory_space<vmem>>) target(%dma_start3A_795 : memref<10112x128xf32, #tpu.memory_space<vmem_shared>>) offsets(%dma_start3A_792 : memref<64xi32, #tpu.memory_space<vmem>>) semaphore(%arg13 : memref<!tpu.dma_semaphore, #tpu.memory_space<semaphore_mem>>) {add = true}
      %dma_wait3A_796 = arith.constant 0 : i32
      %dma_wait3A_797 = arith.constant 0 : i32
      %dma_wait3A_798 = arith.constant 0 : i32
      %dma_wait3A_799 = tpu.memref_slice %arg6[%select_n3A_723, %dma_wait3A_797, %dma_wait3A_798] : memref<4x2x64xi32, #tpu.memory_space<vmem>> -> memref<1x2x64xi32, #tpu.memory_space<vmem>>
      %dma_wait3A_800 = tpu.memref_squeeze %dma_wait3A_799 : memref<1x2x64xi32, #tpu.memory_space<vmem>> -> memref<2x64xi32, #tpu.memory_space<vmem>>
      %dma_wait3A_801 = arith.constant 0 : i32
      %dma_wait3A_802 = arith.constant 0 : i32
      %dma_wait3A_803 = tpu.memref_slice %arg4[%dma_wait3A_796, %dma_wait3A_801, %dma_wait3A_802] : memref<5024x2x64xi32, #tpu.memory_space<hbm>> -> memref<1x2x64xi32, #tpu.memory_space<hbm>>
      %dma_wait3A_804 = tpu.memref_squeeze %dma_wait3A_803 : memref<1x2x64xi32, #tpu.memory_space<hbm>> -> memref<2x64xi32, #tpu.memory_space<hbm>>
      %dma_wait3A_805 = arith.constant 0 : i32
      %dma_wait3A_806 = arith.constant 0 : i32
      %dma_wait3A_807 = tpu.memref_slice %arg6[%select_n3A_723, %dma_wait3A_805, %dma_wait3A_806] : memref<4x2x64xi32, #tpu.memory_space<vmem>> -> memref<1x2x64xi32, #tpu.memory_space<vmem>>
      %dma_wait3A_808 = tpu.memref_squeeze %dma_wait3A_807 : memref<1x2x64xi32, #tpu.memory_space<vmem>> -> memref<2x64xi32, #tpu.memory_space<vmem>>
      %dma_wait3A_809 = arith.constant 0 : i32
      %dma_wait3A_810 = arith.constant 0 : i32
      %dma_wait3A_811 = tpu.memref_slice %arg4[%dma_wait3A_796, %dma_wait3A_809, %dma_wait3A_810] : memref<5024x2x64xi32, #tpu.memory_space<hbm>> -> memref<1x2x64xi32, #tpu.memory_space<hbm>>
      %dma_wait3A_812 = tpu.memref_squeeze %dma_wait3A_811 : memref<1x2x64xi32, #tpu.memory_space<hbm>> -> memref<2x64xi32, #tpu.memory_space<hbm>>
      tpu.wait_dma2 semaphore(%arg15 : memref<!tpu.dma_semaphore, #tpu.memory_space<semaphore_mem>>) src(%dma_wait3A_812 : memref<2x64xi32, #tpu.memory_space<hbm>>) dst(%dma_wait3A_808 : memref<2x64xi32, #tpu.memory_space<vmem>>)
      %dma_start3A_813 = arith.constant 0 : i32
      %dma_start3A_814 = arith.constant 0 : i32
      %dma_start3A_815 = arith.constant 0 : i32
      %dma_start3A_816 = arith.constant 0 : i32
      %dma_start3A_817 = tpu.memref_slice %arg7[%dma_start3A_814, %dma_start3A_815, %dma_start3A_816] : memref<2x64x128xf32, #tpu.memory_space<vmem>> -> memref<1x64x128xf32, #tpu.memory_space<vmem>>
      %dma_start3A_818 = tpu.memref_squeeze %dma_start3A_817 : memref<1x64x128xf32, #tpu.memory_space<vmem>> -> memref<64x128xf32, #tpu.memory_space<vmem>>
      %dma_start3A_819 = arith.constant 0 : i32
      %dma_start3A_820 = tpu.memref_slice %arg6[%select_n3A_723, %dma_start3A_813, %dma_start3A_819] : memref<4x2x64xi32, #tpu.memory_space<vmem>> -> memref<1x1x64xi32, #tpu.memory_space<vmem>>
      %dma_start3A_821 = tpu.memref_squeeze %dma_start3A_820 : memref<1x1x64xi32, #tpu.memory_space<vmem>> -> memref<64xi32, #tpu.memory_space<vmem>>
      %dma_start3A_822 = arith.constant 0 : i32
      %dma_start3A_823 = arith.constant 0 : i32
      %dma_start3A_824 = tpu.memref_slice %arg2[%dma_start3A_822, %dma_start3A_823] : memref<10112x128xf32, #tpu.memory_space<hbm>> -> memref<10112x128xf32, #tpu.memory_space<hbm>>
      tpu.enqueue_indirect_dma source(%dma_start3A_824 : memref<10112x128xf32, #tpu.memory_space<hbm>>) target(%dma_start3A_818 : memref<64x128xf32, #tpu.memory_space<vmem>>) offsets(%dma_start3A_821 : memref<64xi32, #tpu.memory_space<vmem>>) semaphore(%arg11 : memref<!tpu.dma_semaphore, #tpu.memory_space<semaphore_mem>>)
      %dma_start3A_825 = arith.constant 1 : i32
      %dma_start3A_826 = arith.constant 0 : i32
      %dma_start3A_827 = arith.constant 0 : i32
      %dma_start3A_828 = arith.constant 0 : i32
      %dma_start3A_829 = tpu.memref_slice %arg8[%dma_start3A_826, %dma_start3A_827, %dma_start3A_828] : memref<2x64x128xf32, #tpu.memory_space<vmem>> -> memref<1x64x128xf32, #tpu.memory_space<vmem>>
      %dma_start3A_830 = tpu.memref_squeeze %dma_start3A_829 : memref<1x64x128xf32, #tpu.memory_space<vmem>> -> memref<64x128xf32, #tpu.memory_space<vmem>>
      %dma_start3A_831 = arith.constant 0 : i32
      %dma_start3A_832 = tpu.memref_slice %arg6[%select_n3A_723, %dma_start3A_825, %dma_start3A_831] : memref<4x2x64xi32, #tpu.memory_space<vmem>> -> memref<1x1x64xi32, #tpu.memory_space<vmem>>
      %dma_start3A_833 = tpu.memref_squeeze %dma_start3A_832 : memref<1x1x64xi32, #tpu.memory_space<vmem>> -> memref<64xi32, #tpu.memory_space<vmem>>
      %dma_start3A_834 = arith.constant 0 : i32
      %dma_start3A_835 = arith.constant 0 : i32
      %dma_start3A_836 = tpu.memref_slice %arg3[%dma_start3A_834, %dma_start3A_835] : memref<10112x128xf32, #tpu.memory_space<hbm>> -> memref<10112x128xf32, #tpu.memory_space<hbm>>
      tpu.enqueue_indirect_dma source(%dma_start3A_836 : memref<10112x128xf32, #tpu.memory_space<hbm>>) target(%dma_start3A_830 : memref<64x128xf32, #tpu.memory_space<vmem>>) offsets(%dma_start3A_833 : memref<64xi32, #tpu.memory_space<vmem>>) semaphore(%arg11 : memref<!tpu.dma_semaphore, #tpu.memory_space<semaphore_mem>>)
      %add3A_837 = arith.constant 1 : i32
      %add3A_838 = arith.addi %add3A_696, %add3A_837 : i32
      %jit3A_839 = arith.constant 4 : i32
      %eq3A_840 = arith.constant 0 : i32
      %eq3A_841 = arith.cmpi eq, %jit3A_839, %eq3A_840 : i32
      %jit3A_842 = arith.constant 1 : i32
      %select_n3A_843 = arith.select %eq3A_841, %jit3A_842, %jit3A_839 : i32
      %rem3A_844 = arith.remsi %add3A_838, %select_n3A_843 : i32
      %ne3A_845 = arith.constant 0 : i32
      %ne3A_846 = arith.cmpi ne, %rem3A_844, %ne3A_845 : i32
      %lt3A_847 = arith.constant 0 : i32
      %lt3A_848 = arith.cmpi slt, %rem3A_844, %lt3A_847 : i32
      %lt3A_849 = arith.constant 0 : i32
      %lt3A_850 = arith.cmpi slt, %select_n3A_843, %lt3A_849 : i32
      %ne3A_851 = arith.xori %lt3A_848, %lt3A_850 : i1
      %and3A_852 = arith.andi %ne3A_851, %ne3A_846 : i1
      %add3A_853 = arith.addi %rem3A_844, %select_n3A_843 : i32
      %select_n3A_854 = arith.select %and3A_852, %add3A_853, %rem3A_844 : i32
      %add3A_855 = arith.constant 2 : i32
      %add3A_856 = arith.addi %add3A_838, %add3A_855 : i32
      %jit3A_857 = arith.constant 4 : i32
      %eq3A_858 = arith.constant 0 : i32
      %eq3A_859 = arith.cmpi eq, %jit3A_857, %eq3A_858 : i32
      %jit3A_860 = arith.constant 1 : i32
      %select_n3A_861 = arith.select %eq3A_859, %jit3A_860, %jit3A_857 : i32
      %rem3A_862 = arith.remsi %add3A_856, %select_n3A_861 : i32
      %ne3A_863 = arith.constant 0 : i32
      %ne3A_864 = arith.cmpi ne, %rem3A_862, %ne3A_863 : i32
      %lt3A_865 = arith.constant 0 : i32
      %lt3A_866 = arith.cmpi slt, %rem3A_862, %lt3A_865 : i32
      %lt3A_867 = arith.constant 0 : i32
      %lt3A_868 = arith.cmpi slt, %select_n3A_861, %lt3A_867 : i32
      %ne3A_869 = arith.xori %lt3A_866, %lt3A_868 : i1
      %and3A_870 = arith.andi %ne3A_869, %ne3A_864 : i1
      %add3A_871 = arith.addi %rem3A_862, %select_n3A_861 : i32
      %select_n3A_872 = arith.select %and3A_870, %add3A_871, %rem3A_862 : i32
      %dma_wait3A_873 = arith.constant 0 : i32
      %dma_wait3A_874 = arith.constant 1 : i32
      %dma_wait3A_875 = arith.constant 0 : i32
      %dma_wait3A_876 = arith.constant 0 : i32
      %dma_wait3A_877 = tpu.memref_slice %arg7[%dma_wait3A_874, %dma_wait3A_875, %dma_wait3A_876] : memref<2x64x128xf32, #tpu.memory_space<vmem>> -> memref<1x64x128xf32, #tpu.memory_space<vmem>>
      %dma_wait3A_878 = tpu.memref_squeeze %dma_wait3A_877 : memref<1x64x128xf32, #tpu.memory_space<vmem>> -> memref<64x128xf32, #tpu.memory_space<vmem>>
      %dma_wait3A_879 = arith.constant 0 : i32
      %dma_wait3A_880 = tpu.memref_slice %arg6[%select_n3A_854, %dma_wait3A_873, %dma_wait3A_879] : memref<4x2x64xi32, #tpu.memory_space<vmem>> -> memref<1x1x64xi32, #tpu.memory_space<vmem>>
      %dma_wait3A_881 = tpu.memref_squeeze %dma_wait3A_880 : memref<1x1x64xi32, #tpu.memory_space<vmem>> -> memref<64xi32, #tpu.memory_space<vmem>>
      %dma_wait3A_882 = arith.constant 0 : i32
      %dma_wait3A_883 = arith.constant 0 : i32
      %dma_wait3A_884 = tpu.memref_slice %arg2[%dma_wait3A_882, %dma_wait3A_883] : memref<10112x128xf32, #tpu.memory_space<hbm>> -> memref<10112x128xf32, #tpu.memory_space<hbm>>
      tpu.wait_indirect_dma semaphore(%arg12 : memref<!tpu.dma_semaphore, #tpu.memory_space<semaphore_mem>>) src(%dma_wait3A_884 : memref<10112x128xf32, #tpu.memory_space<hbm>>) dst(%dma_wait3A_878 : memref<64x128xf32, #tpu.memory_space<vmem>>)
      %dma_wait3A_885 = arith.constant 1 : i32
      %dma_wait3A_886 = arith.constant 1 : i32
      %dma_wait3A_887 = arith.constant 0 : i32
      %dma_wait3A_888 = arith.constant 0 : i32
      %dma_wait3A_889 = tpu.memref_slice %arg8[%dma_wait3A_886, %dma_wait3A_887, %dma_wait3A_888] : memref<2x64x128xf32, #tpu.memory_space<vmem>> -> memref<1x64x128xf32, #tpu.memory_space<vmem>>
      %dma_wait3A_890 = tpu.memref_squeeze %dma_wait3A_889 : memref<1x64x128xf32, #tpu.memory_space<vmem>> -> memref<64x128xf32, #tpu.memory_space<vmem>>
      %dma_wait3A_891 = arith.constant 0 : i32
      %dma_wait3A_892 = tpu.memref_slice %arg6[%select_n3A_854, %dma_wait3A_885, %dma_wait3A_891] : memref<4x2x64xi32, #tpu.memory_space<vmem>> -> memref<1x1x64xi32, #tpu.memory_space<vmem>>
      %dma_wait3A_893 = tpu.memref_squeeze %dma_wait3A_892 : memref<1x1x64xi32, #tpu.memory_space<vmem>> -> memref<64xi32, #tpu.memory_space<vmem>>
      %dma_wait3A_894 = arith.constant 0 : i32
      %dma_wait3A_895 = arith.constant 0 : i32
      %dma_wait3A_896 = tpu.memref_slice %arg3[%dma_wait3A_894, %dma_wait3A_895] : memref<10112x128xf32, #tpu.memory_space<hbm>> -> memref<10112x128xf32, #tpu.memory_space<hbm>>
      tpu.wait_indirect_dma semaphore(%arg12 : memref<!tpu.dma_semaphore, #tpu.memory_space<semaphore_mem>>) src(%dma_wait3A_896 : memref<10112x128xf32, #tpu.memory_space<hbm>>) dst(%dma_wait3A_890 : memref<64x128xf32, #tpu.memory_space<vmem>>)
      %dma_wait3A_897 = arith.constant 1 : i32
      %dma_wait3A_898 = arith.constant 1 : i32
      %dma_wait3A_899 = arith.constant 0 : i32
      %dma_wait3A_900 = arith.constant 0 : i32
      %dma_wait3A_901 = tpu.memref_slice %arg9[%dma_wait3A_897, %dma_wait3A_899, %dma_wait3A_900] : memref<2x64x128xf32, #tpu.memory_space<vmem>> -> memref<1x64x128xf32, #tpu.memory_space<vmem>>
      %dma_wait3A_902 = tpu.memref_squeeze %dma_wait3A_901 : memref<1x64x128xf32, #tpu.memory_space<vmem>> -> memref<64x128xf32, #tpu.memory_space<vmem>>
      %dma_wait3A_903 = arith.constant 0 : i32
      %dma_wait3A_904 = tpu.memref_slice %arg6[%select_n3A_872, %dma_wait3A_898, %dma_wait3A_903] : memref<4x2x64xi32, #tpu.memory_space<vmem>> -> memref<1x1x64xi32, #tpu.memory_space<vmem>>
      %dma_wait3A_905 = tpu.memref_squeeze %dma_wait3A_904 : memref<1x1x64xi32, #tpu.memory_space<vmem>> -> memref<64xi32, #tpu.memory_space<vmem>>
      %dma_wait3A_906 = arith.constant 0 : i32
      %dma_wait3A_907 = arith.constant 0 : i32
      %dma_wait3A_908 = tpu.memref_slice %arg10[%dma_wait3A_906, %dma_wait3A_907] : memref<10112x128xf32, #tpu.memory_space<vmem_shared>> -> memref<10112x128xf32, #tpu.memory_space<vmem_shared>>
      tpu.wait_indirect_dma semaphore(%arg14 : memref<!tpu.dma_semaphore, #tpu.memory_space<semaphore_mem>>) src(%dma_wait3A_902 : memref<64x128xf32, #tpu.memory_space<vmem>>) dst(%dma_wait3A_908 : memref<10112x128xf32, #tpu.memory_space<vmem_shared>>)
      %add3A_909 = arith.constant 2 : i32
      %add3A_910 = arith.addi %add3A_838, %add3A_909 : i32
      %mul3A_911 = arith.constant 157 : i32
      %mul3A_912 = arith.muli %add3A, %mul3A_911 : i32
      %add3A_913 = arith.addi %mul3A_912, %add3A_910 : i32
      %dma_start3A_914 = arith.constant 0 : i32
      %dma_start3A_915 = arith.constant 0 : i32
      %dma_start3A_916 = tpu.memref_slice %arg6[%select_n3A_872, %dma_start3A_914, %dma_start3A_915] : memref<4x2x64xi32, #tpu.memory_space<vmem>> -> memref<1x2x64xi32, #tpu.memory_space<vmem>>
      %dma_start3A_917 = tpu.memref_squeeze %dma_start3A_916 : memref<1x2x64xi32, #tpu.memory_space<vmem>> -> memref<2x64xi32, #tpu.memory_space<vmem>>
      %dma_start3A_918 = arith.constant 0 : i32
      %dma_start3A_919 = arith.constant 0 : i32
      %dma_start3A_920 = tpu.memref_slice %arg4[%add3A_913, %dma_start3A_918, %dma_start3A_919] : memref<5024x2x64xi32, #tpu.memory_space<hbm>> -> memref<1x2x64xi32, #tpu.memory_space<hbm>>
      %dma_start3A_921 = tpu.memref_squeeze %dma_start3A_920 : memref<1x2x64xi32, #tpu.memory_space<hbm>> -> memref<2x64xi32, #tpu.memory_space<hbm>>
      %dma_start3A_922 = arith.constant 0 : i32
      %dma_start3A_923 = arith.constant 0 : i32
      %dma_start3A_924 = tpu.memref_slice %arg6[%select_n3A_872, %dma_start3A_922, %dma_start3A_923] : memref<4x2x64xi32, #tpu.memory_space<vmem>> -> memref<1x2x64xi32, #tpu.memory_space<vmem>>
      %dma_start3A_925 = tpu.memref_squeeze %dma_start3A_924 : memref<1x2x64xi32, #tpu.memory_space<vmem>> -> memref<2x64xi32, #tpu.memory_space<vmem>>
      %dma_start3A_926 = arith.constant 0 : i32
      %dma_start3A_927 = arith.constant 0 : i32
      %dma_start3A_928 = tpu.memref_slice %arg4[%add3A_913, %dma_start3A_926, %dma_start3A_927] : memref<5024x2x64xi32, #tpu.memory_space<hbm>> -> memref<1x2x64xi32, #tpu.memory_space<hbm>>
      %dma_start3A_929 = tpu.memref_squeeze %dma_start3A_928 : memref<1x2x64xi32, #tpu.memory_space<hbm>> -> memref<2x64xi32, #tpu.memory_space<hbm>>
      tpu.enqueue_dma source(%dma_start3A_929 : memref<2x64xi32, #tpu.memory_space<hbm>>) target(%dma_start3A_925 : memref<2x64xi32, #tpu.memory_space<vmem>>) target_semaphore(%arg15 : memref<!tpu.dma_semaphore, #tpu.memory_space<semaphore_mem>>)
      %parallel_loop3A_930 = arith.constant 0 : i32
      %parallel_loop3A_931 = arith.constant 64 : i32
      %parallel_loop3A_932 = arith.constant 1 : i32
      scf.for %parallel_loop3A_986 = %parallel_loop3A_930 to %parallel_loop3A_931 step %parallel_loop3A_932  : i32 {
        %parallel_loop3A_987 = arith.constant 1 : i32
        %parallel_loop3A_988 = arith.index_cast %parallel_loop3A_987 : i32 to index
        %parallel_loop3A_989 = arith.index_cast %parallel_loop3A_986 : i32 to index
        %parallel_loop3A_990 = arith.constant 0 : index
        %parallel_loop3A_991 = tpu.vector_load %arg7[%parallel_loop3A_988, %parallel_loop3A_989, %parallel_loop3A_990] {strides = array<i32>} : memref<2x64x128xf32, #tpu.memory_space<vmem>>, vector<1x1x16xf32>,
        %parallel_loop3A_992 = vector.shape_cast %parallel_loop3A_991 : vector<1x1x16xf32> to vector<16xf32>
        %parallel_loop3A_993 = arith.constant 1 : i32
        %parallel_loop3A_994 = arith.index_cast %parallel_loop3A_993 : i32 to index
        %parallel_loop3A_995 = arith.index_cast %parallel_loop3A_986 : i32 to index
        %parallel_loop3A_996 = arith.constant 0 : index
        %parallel_loop3A_997 = tpu.vector_load %arg8[%parallel_loop3A_994, %parallel_loop3A_995, %parallel_loop3A_996] {strides = array<i32>} : memref<2x64x128xf32, #tpu.memory_space<vmem>>, vector<1x1x16xf32>,
        %parallel_loop3A_998 = vector.shape_cast %parallel_loop3A_997 : vector<1x1x16xf32> to vector<16xf32>
        %parallel_loop3A_999 = arith.addf %parallel_loop3A_992, %parallel_loop3A_998 : vector<16xf32>
        %parallel_loop3A_1000 = arith.constant 0.000000e+00 : f32
        %parallel_loop3A_1001 = vector.broadcast %parallel_loop3A_1000 : f32 to vector<16xf32>
        %parallel_loop3A_1002 = arith.maximumf %parallel_loop3A_999, %parallel_loop3A_1001 : vector<16xf32>
        %parallel_loop3A_1003 = arith.constant 1 : i32
        %parallel_loop3A_1004 = arith.index_cast %parallel_loop3A_1003 : i32 to index
        %parallel_loop3A_1005 = arith.index_cast %parallel_loop3A_986 : i32 to index
        %parallel_loop3A_1006 = arith.constant 0 : index
        %parallel_loop3A_1007 = tpu.vector_load %arg9[%parallel_loop3A_1004, %parallel_loop3A_1005, %parallel_loop3A_1006] {strides = array<i32>} : memref<2x64x128xf32, #tpu.memory_space<vmem>>, vector<1x1x16xf32>,
        %parallel_loop3A_1008 = vector.shape_cast %parallel_loop3A_1007 : vector<1x1x16xf32> to vector<16xf32>
        %parallel_loop3A_1009 = vector.shape_cast %parallel_loop3A_1002 : vector<16xf32> to vector<1x1x16xf32>
        tpu.vector_store %arg9[%parallel_loop3A_1004, %parallel_loop3A_1005, %parallel_loop3A_1006], %parallel_loop3A_1009 {strides = array<i32>} : memref<2x64x128xf32, #tpu.memory_space<vmem>>, vector<1x1x16xf32>,
        %parallel_loop3A_1010 = arith.constant 1 : i32
        %parallel_loop3A_1011 = arith.index_cast %parallel_loop3A_1010 : i32 to index
        %parallel_loop3A_1012 = arith.index_cast %parallel_loop3A_986 : i32 to index
        %parallel_loop3A_1013 = arith.constant 16 : index
        %parallel_loop3A_1014 = tpu.vector_load %arg7[%parallel_loop3A_1011, %parallel_loop3A_1012, %parallel_loop3A_1013] {strides = array<i32>} : memref<2x64x128xf32, #tpu.memory_space<vmem>>, vector<1x1x16xf32>,
        %parallel_loop3A_1015 = vector.shape_cast %parallel_loop3A_1014 : vector<1x1x16xf32> to vector<16xf32>
        %parallel_loop3A_1016 = arith.constant 1 : i32
        %parallel_loop3A_1017 = arith.index_cast %parallel_loop3A_1016 : i32 to index
        %parallel_loop3A_1018 = arith.index_cast %parallel_loop3A_986 : i32 to index
        %parallel_loop3A_1019 = arith.constant 16 : index
        %parallel_loop3A_1020 = tpu.vector_load %arg8[%parallel_loop3A_1017, %parallel_loop3A_1018, %parallel_loop3A_1019] {strides = array<i32>} : memref<2x64x128xf32, #tpu.memory_space<vmem>>, vector<1x1x16xf32>,
        %parallel_loop3A_1021 = vector.shape_cast %parallel_loop3A_1020 : vector<1x1x16xf32> to vector<16xf32>
        %parallel_loop3A_1022 = arith.addf %parallel_loop3A_1015, %parallel_loop3A_1021 : vector<16xf32>
        %parallel_loop3A_1023 = arith.constant 0.000000e+00 : f32
        %parallel_loop3A_1024 = vector.broadcast %parallel_loop3A_1023 : f32 to vector<16xf32>
        %parallel_loop3A_1025 = arith.maximumf %parallel_loop3A_1022, %parallel_loop3A_1024 : vector<16xf32>
        %parallel_loop3A_1026 = arith.constant 1 : i32
        %parallel_loop3A_1027 = arith.index_cast %parallel_loop3A_1026 : i32 to index
        %parallel_loop3A_1028 = arith.index_cast %parallel_loop3A_986 : i32 to index
        %parallel_loop3A_1029 = arith.constant 16 : index
        %parallel_loop3A_1030 = tpu.vector_load %arg9[%parallel_loop3A_1027, %parallel_loop3A_1028, %parallel_loop3A_1029] {strides = array<i32>} : memref<2x64x128xf32, #tpu.memory_space<vmem>>, vector<1x1x16xf32>,
        %parallel_loop3A_1031 = vector.shape_cast %parallel_loop3A_1030 : vector<1x1x16xf32> to vector<16xf32>
        %parallel_loop3A_1032 = vector.shape_cast %parallel_loop3A_1025 : vector<16xf32> to vector<1x1x16xf32>
        tpu.vector_store %arg9[%parallel_loop3A_1027, %parallel_loop3A_1028, %parallel_loop3A_1029], %parallel_loop3A_1032 {strides = array<i32>} : memref<2x64x128xf32, #tpu.memory_space<vmem>>, vector<1x1x16xf32>,
        %parallel_loop3A_1033 = arith.constant 1 : i32
        %parallel_loop3A_1034 = arith.index_cast %parallel_loop3A_1033 : i32 to index
        %parallel_loop3A_1035 = arith.index_cast %parallel_loop3A_986 : i32 to index
        %parallel_loop3A_1036 = arith.constant 32 : index
        %parallel_loop3A_1037 = tpu.vector_load %arg7[%parallel_loop3A_1034, %parallel_loop3A_1035, %parallel_loop3A_1036] {strides = array<i32>} : memref<2x64x128xf32, #tpu.memory_space<vmem>>, vector<1x1x16xf32>,
        %parallel_loop3A_1038 = vector.shape_cast %parallel_loop3A_1037 : vector<1x1x16xf32> to vector<16xf32>
        %parallel_loop3A_1039 = arith.constant 1 : i32
        %parallel_loop3A_1040 = arith.index_cast %parallel_loop3A_1039 : i32 to index
        %parallel_loop3A_1041 = arith.index_cast %parallel_loop3A_986 : i32 to index
        %parallel_loop3A_1042 = arith.constant 32 : index
        %parallel_loop3A_1043 = tpu.vector_load %arg8[%parallel_loop3A_1040, %parallel_loop3A_1041, %parallel_loop3A_1042] {strides = array<i32>} : memref<2x64x128xf32, #tpu.memory_space<vmem>>, vector<1x1x16xf32>,
        %parallel_loop3A_1044 = vector.shape_cast %parallel_loop3A_1043 : vector<1x1x16xf32> to vector<16xf32>
        %parallel_loop3A_1045 = arith.addf %parallel_loop3A_1038, %parallel_loop3A_1044 : vector<16xf32>
        %parallel_loop3A_1046 = arith.constant 0.000000e+00 : f32
        %parallel_loop3A_1047 = vector.broadcast %parallel_loop3A_1046 : f32 to vector<16xf32>
        %parallel_loop3A_1048 = arith.maximumf %parallel_loop3A_1045, %parallel_loop3A_1047 : vector<16xf32>
        %parallel_loop3A_1049 = arith.constant 1 : i32
        %parallel_loop3A_1050 = arith.index_cast %parallel_loop3A_1049 : i32 to index
        %parallel_loop3A_1051 = arith.index_cast %parallel_loop3A_986 : i32 to index
        %parallel_loop3A_1052 = arith.constant 32 : index
        %parallel_loop3A_1053 = tpu.vector_load %arg9[%parallel_loop3A_1050, %parallel_loop3A_1051, %parallel_loop3A_1052] {strides = array<i32>} : memref<2x64x128xf32, #tpu.memory_space<vmem>>, vector<1x1x16xf32>,
        %parallel_loop3A_1054 = vector.shape_cast %parallel_loop3A_1053 : vector<1x1x16xf32> to vector<16xf32>
        %parallel_loop3A_1055 = vector.shape_cast %parallel_loop3A_1048 : vector<16xf32> to vector<1x1x16xf32>
        tpu.vector_store %arg9[%parallel_loop3A_1050, %parallel_loop3A_1051, %parallel_loop3A_1052], %parallel_loop3A_1055 {strides = array<i32>} : memref<2x64x128xf32, #tpu.memory_space<vmem>>, vector<1x1x16xf32>,
        %parallel_loop3A_1056 = arith.constant 1 : i32
        %parallel_loop3A_1057 = arith.index_cast %parallel_loop3A_1056 : i32 to index
        %parallel_loop3A_1058 = arith.index_cast %parallel_loop3A_986 : i32 to index
        %parallel_loop3A_1059 = arith.constant 48 : index
        %parallel_loop3A_1060 = tpu.vector_load %arg7[%parallel_loop3A_1057, %parallel_loop3A_1058, %parallel_loop3A_1059] {strides = array<i32>} : memref<2x64x128xf32, #tpu.memory_space<vmem>>, vector<1x1x16xf32>,
        %parallel_loop3A_1061 = vector.shape_cast %parallel_loop3A_1060 : vector<1x1x16xf32> to vector<16xf32>
        %parallel_loop3A_1062 = arith.constant 1 : i32
        %parallel_loop3A_1063 = arith.index_cast %parallel_loop3A_1062 : i32 to index
        %parallel_loop3A_1064 = arith.index_cast %parallel_loop3A_986 : i32 to index
        %parallel_loop3A_1065 = arith.constant 48 : index
        %parallel_loop3A_1066 = tpu.vector_load %arg8[%parallel_loop3A_1063, %parallel_loop3A_1064, %parallel_loop3A_1065] {strides = array<i32>} : memref<2x64x128xf32, #tpu.memory_space<vmem>>, vector<1x1x16xf32>,
        %parallel_loop3A_1067 = vector.shape_cast %parallel_loop3A_1066 : vector<1x1x16xf32> to vector<16xf32>
        %parallel_loop3A_1068 = arith.addf %parallel_loop3A_1061, %parallel_loop3A_1067 : vector<16xf32>
        %parallel_loop3A_1069 = arith.constant 0.000000e+00 : f32
        %parallel_loop3A_1070 = vector.broadcast %parallel_loop3A_1069 : f32 to vector<16xf32>
        %parallel_loop3A_1071 = arith.maximumf %parallel_loop3A_1068, %parallel_loop3A_1070 : vector<16xf32>
        %parallel_loop3A_1072 = arith.constant 1 : i32
        %parallel_loop3A_1073 = arith.index_cast %parallel_loop3A_1072 : i32 to index
        %parallel_loop3A_1074 = arith.index_cast %parallel_loop3A_986 : i32 to index
        %parallel_loop3A_1075 = arith.constant 48 : index
        %parallel_loop3A_1076 = tpu.vector_load %arg9[%parallel_loop3A_1073, %parallel_loop3A_1074, %parallel_loop3A_1075] {strides = array<i32>} : memref<2x64x128xf32, #tpu.memory_space<vmem>>, vector<1x1x16xf32>,
        %parallel_loop3A_1077 = vector.shape_cast %parallel_loop3A_1076 : vector<1x1x16xf32> to vector<16xf32>
        %parallel_loop3A_1078 = vector.shape_cast %parallel_loop3A_1071 : vector<16xf32> to vector<1x1x16xf32>
        tpu.vector_store %arg9[%parallel_loop3A_1073, %parallel_loop3A_1074, %parallel_loop3A_1075], %parallel_loop3A_1078 {strides = array<i32>} : memref<2x64x128xf32, #tpu.memory_space<vmem>>, vector<1x1x16xf32>,
        %parallel_loop3A_1079 = arith.constant 1 : i32
        %parallel_loop3A_1080 = arith.index_cast %parallel_loop3A_1079 : i32 to index
        %parallel_loop3A_1081 = arith.index_cast %parallel_loop3A_986 : i32 to index
        %parallel_loop3A_1082 = arith.constant 64 : index
        %parallel_loop3A_1083 = tpu.vector_load %arg7[%parallel_loop3A_1080, %parallel_loop3A_1081, %parallel_loop3A_1082] {strides = array<i32>} : memref<2x64x128xf32, #tpu.memory_space<vmem>>, vector<1x1x16xf32>,
        %parallel_loop3A_1084 = vector.shape_cast %parallel_loop3A_1083 : vector<1x1x16xf32> to vector<16xf32>
        %parallel_loop3A_1085 = arith.constant 1 : i32
        %parallel_loop3A_1086 = arith.index_cast %parallel_loop3A_1085 : i32 to index
        %parallel_loop3A_1087 = arith.index_cast %parallel_loop3A_986 : i32 to index
        %parallel_loop3A_1088 = arith.constant 64 : index
        %parallel_loop3A_1089 = tpu.vector_load %arg8[%parallel_loop3A_1086, %parallel_loop3A_1087, %parallel_loop3A_1088] {strides = array<i32>} : memref<2x64x128xf32, #tpu.memory_space<vmem>>, vector<1x1x16xf32>,
        %parallel_loop3A_1090 = vector.shape_cast %parallel_loop3A_1089 : vector<1x1x16xf32> to vector<16xf32>
        %parallel_loop3A_1091 = arith.addf %parallel_loop3A_1084, %parallel_loop3A_1090 : vector<16xf32>
        %parallel_loop3A_1092 = arith.constant 0.000000e+00 : f32
        %parallel_loop3A_1093 = vector.broadcast %parallel_loop3A_1092 : f32 to vector<16xf32>
        %parallel_loop3A_1094 = arith.maximumf %parallel_loop3A_1091, %parallel_loop3A_1093 : vector<16xf32>
        %parallel_loop3A_1095 = arith.constant 1 : i32
        %parallel_loop3A_1096 = arith.index_cast %parallel_loop3A_1095 : i32 to index
        %parallel_loop3A_1097 = arith.index_cast %parallel_loop3A_986 : i32 to index
        %parallel_loop3A_1098 = arith.constant 64 : index
        %parallel_loop3A_1099 = tpu.vector_load %arg9[%parallel_loop3A_1096, %parallel_loop3A_1097, %parallel_loop3A_1098] {strides = array<i32>} : memref<2x64x128xf32, #tpu.memory_space<vmem>>, vector<1x1x16xf32>,
        %parallel_loop3A_1100 = vector.shape_cast %parallel_loop3A_1099 : vector<1x1x16xf32> to vector<16xf32>
        %parallel_loop3A_1101 = vector.shape_cast %parallel_loop3A_1094 : vector<16xf32> to vector<1x1x16xf32>
        tpu.vector_store %arg9[%parallel_loop3A_1096, %parallel_loop3A_1097, %parallel_loop3A_1098], %parallel_loop3A_1101 {strides = array<i32>} : memref<2x64x128xf32, #tpu.memory_space<vmem>>, vector<1x1x16xf32>,
        %parallel_loop3A_1102 = arith.constant 1 : i32
        %parallel_loop3A_1103 = arith.index_cast %parallel_loop3A_1102 : i32 to index
        %parallel_loop3A_1104 = arith.index_cast %parallel_loop3A_986 : i32 to index
        %parallel_loop3A_1105 = arith.constant 80 : index
        %parallel_loop3A_1106 = tpu.vector_load %arg7[%parallel_loop3A_1103, %parallel_loop3A_1104, %parallel_loop3A_1105] {strides = array<i32>} : memref<2x64x128xf32, #tpu.memory_space<vmem>>, vector<1x1x16xf32>,
        %parallel_loop3A_1107 = vector.shape_cast %parallel_loop3A_1106 : vector<1x1x16xf32> to vector<16xf32>
        %parallel_loop3A_1108 = arith.constant 1 : i32
        %parallel_loop3A_1109 = arith.index_cast %parallel_loop3A_1108 : i32 to index
        %parallel_loop3A_1110 = arith.index_cast %parallel_loop3A_986 : i32 to index
        %parallel_loop3A_1111 = arith.constant 80 : index
        %parallel_loop3A_1112 = tpu.vector_load %arg8[%parallel_loop3A_1109, %parallel_loop3A_1110, %parallel_loop3A_1111] {strides = array<i32>} : memref<2x64x128xf32, #tpu.memory_space<vmem>>, vector<1x1x16xf32>,
        %parallel_loop3A_1113 = vector.shape_cast %parallel_loop3A_1112 : vector<1x1x16xf32> to vector<16xf32>
        %parallel_loop3A_1114 = arith.addf %parallel_loop3A_1107, %parallel_loop3A_1113 : vector<16xf32>
        %parallel_loop3A_1115 = arith.constant 0.000000e+00 : f32
        %parallel_loop3A_1116 = vector.broadcast %parallel_loop3A_1115 : f32 to vector<16xf32>
        %parallel_loop3A_1117 = arith.maximumf %parallel_loop3A_1114, %parallel_loop3A_1116 : vector<16xf32>
        %parallel_loop3A_1118 = arith.constant 1 : i32
        %parallel_loop3A_1119 = arith.index_cast %parallel_loop3A_1118 : i32 to index
        %parallel_loop3A_1120 = arith.index_cast %parallel_loop3A_986 : i32 to index
        %parallel_loop3A_1121 = arith.constant 80 : index
        %parallel_loop3A_1122 = tpu.vector_load %arg9[%parallel_loop3A_1119, %parallel_loop3A_1120, %parallel_loop3A_1121] {strides = array<i32>} : memref<2x64x128xf32, #tpu.memory_space<vmem>>, vector<1x1x16xf32>,
        %parallel_loop3A_1123 = vector.shape_cast %parallel_loop3A_1122 : vector<1x1x16xf32> to vector<16xf32>
        %parallel_loop3A_1124 = vector.shape_cast %parallel_loop3A_1117 : vector<16xf32> to vector<1x1x16xf32>
        tpu.vector_store %arg9[%parallel_loop3A_1119, %parallel_loop3A_1120, %parallel_loop3A_1121], %parallel_loop3A_1124 {strides = array<i32>} : memref<2x64x128xf32, #tpu.memory_space<vmem>>, vector<1x1x16xf32>,
        %parallel_loop3A_1125 = arith.constant 1 : i32
        %parallel_loop3A_1126 = arith.index_cast %parallel_loop3A_1125 : i32 to index
        %parallel_loop3A_1127 = arith.index_cast %parallel_loop3A_986 : i32 to index
        %parallel_loop3A_1128 = arith.constant 96 : index
        %parallel_loop3A_1129 = tpu.vector_load %arg7[%parallel_loop3A_1126, %parallel_loop3A_1127, %parallel_loop3A_1128] {strides = array<i32>} : memref<2x64x128xf32, #tpu.memory_space<vmem>>, vector<1x1x16xf32>,
        %parallel_loop3A_1130 = vector.shape_cast %parallel_loop3A_1129 : vector<1x1x16xf32> to vector<16xf32>
        %parallel_loop3A_1131 = arith.constant 1 : i32
        %parallel_loop3A_1132 = arith.index_cast %parallel_loop3A_1131 : i32 to index
        %parallel_loop3A_1133 = arith.index_cast %parallel_loop3A_986 : i32 to index
        %parallel_loop3A_1134 = arith.constant 96 : index
        %parallel_loop3A_1135 = tpu.vector_load %arg8[%parallel_loop3A_1132, %parallel_loop3A_1133, %parallel_loop3A_1134] {strides = array<i32>} : memref<2x64x128xf32, #tpu.memory_space<vmem>>, vector<1x1x16xf32>,
        %parallel_loop3A_1136 = vector.shape_cast %parallel_loop3A_1135 : vector<1x1x16xf32> to vector<16xf32>
        %parallel_loop3A_1137 = arith.addf %parallel_loop3A_1130, %parallel_loop3A_1136 : vector<16xf32>
        %parallel_loop3A_1138 = arith.constant 0.000000e+00 : f32
        %parallel_loop3A_1139 = vector.broadcast %parallel_loop3A_1138 : f32 to vector<16xf32>
        %parallel_loop3A_1140 = arith.maximumf %parallel_loop3A_1137, %parallel_loop3A_1139 : vector<16xf32>
        %parallel_loop3A_1141 = arith.constant 1 : i32
        %parallel_loop3A_1142 = arith.index_cast %parallel_loop3A_1141 : i32 to index
        %parallel_loop3A_1143 = arith.index_cast %parallel_loop3A_986 : i32 to index
        %parallel_loop3A_1144 = arith.constant 96 : index
        %parallel_loop3A_1145 = tpu.vector_load %arg9[%parallel_loop3A_1142, %parallel_loop3A_1143, %parallel_loop3A_1144] {strides = array<i32>} : memref<2x64x128xf32, #tpu.memory_space<vmem>>, vector<1x1x16xf32>,
        %parallel_loop3A_1146 = vector.shape_cast %parallel_loop3A_1145 : vector<1x1x16xf32> to vector<16xf32>
        %parallel_loop3A_1147 = vector.shape_cast %parallel_loop3A_1140 : vector<16xf32> to vector<1x1x16xf32>
        tpu.vector_store %arg9[%parallel_loop3A_1142, %parallel_loop3A_1143, %parallel_loop3A_1144], %parallel_loop3A_1147 {strides = array<i32>} : memref<2x64x128xf32, #tpu.memory_space<vmem>>, vector<1x1x16xf32>,
        %parallel_loop3A_1148 = arith.constant 1 : i32
        %parallel_loop3A_1149 = arith.index_cast %parallel_loop3A_1148 : i32 to index
        %parallel_loop3A_1150 = arith.index_cast %parallel_loop3A_986 : i32 to index
        %parallel_loop3A_1151 = arith.constant 112 : index
        %parallel_loop3A_1152 = tpu.vector_load %arg7[%parallel_loop3A_1149, %parallel_loop3A_1150, %parallel_loop3A_1151] {strides = array<i32>} : memref<2x64x128xf32, #tpu.memory_space<vmem>>, vector<1x1x16xf32>,
        %parallel_loop3A_1153 = vector.shape_cast %parallel_loop3A_1152 : vector<1x1x16xf32> to vector<16xf32>
        %parallel_loop3A_1154 = arith.constant 1 : i32
        %parallel_loop3A_1155 = arith.index_cast %parallel_loop3A_1154 : i32 to index
        %parallel_loop3A_1156 = arith.index_cast %parallel_loop3A_986 : i32 to index
        %parallel_loop3A_1157 = arith.constant 112 : index
        %parallel_loop3A_1158 = tpu.vector_load %arg8[%parallel_loop3A_1155, %parallel_loop3A_1156, %parallel_loop3A_1157] {strides = array<i32>} : memref<2x64x128xf32, #tpu.memory_space<vmem>>, vector<1x1x16xf32>,
        %parallel_loop3A_1159 = vector.shape_cast %parallel_loop3A_1158 : vector<1x1x16xf32> to vector<16xf32>
        %parallel_loop3A_1160 = arith.addf %parallel_loop3A_1153, %parallel_loop3A_1159 : vector<16xf32>
        %parallel_loop3A_1161 = arith.constant 0.000000e+00 : f32
        %parallel_loop3A_1162 = vector.broadcast %parallel_loop3A_1161 : f32 to vector<16xf32>
        %parallel_loop3A_1163 = arith.maximumf %parallel_loop3A_1160, %parallel_loop3A_1162 : vector<16xf32>
        %parallel_loop3A_1164 = arith.constant 1 : i32
        %parallel_loop3A_1165 = arith.index_cast %parallel_loop3A_1164 : i32 to index
        %parallel_loop3A_1166 = arith.index_cast %parallel_loop3A_986 : i32 to index
        %parallel_loop3A_1167 = arith.constant 112 : index
        %parallel_loop3A_1168 = tpu.vector_load %arg9[%parallel_loop3A_1165, %parallel_loop3A_1166, %parallel_loop3A_1167] {strides = array<i32>} : memref<2x64x128xf32, #tpu.memory_space<vmem>>, vector<1x1x16xf32>,
        %parallel_loop3A_1169 = vector.shape_cast %parallel_loop3A_1168 : vector<1x1x16xf32> to vector<16xf32>
        %parallel_loop3A_1170 = vector.shape_cast %parallel_loop3A_1163 : vector<16xf32> to vector<1x1x16xf32>
        tpu.vector_store %arg9[%parallel_loop3A_1165, %parallel_loop3A_1166, %parallel_loop3A_1167], %parallel_loop3A_1170 {strides = array<i32>} : memref<2x64x128xf32, #tpu.memory_space<vmem>>, vector<1x1x16xf32>,
      } {sc.loop_unroll_factor = 4 : i64, sc.parallel_access}
      %dma_start3A_933 = arith.constant 1 : i32
      %dma_start3A_934 = arith.constant 1 : i32
      %dma_start3A_935 = arith.constant 0 : i32
      %dma_start3A_936 = arith.constant 0 : i32
      %dma_start3A_937 = tpu.memref_slice %arg9[%dma_start3A_933, %dma_start3A_935, %dma_start3A_936] : memref<2x64x128xf32, #tpu.memory_space<vmem>> -> memref<1x64x128xf32, #tpu.memory_space<vmem>>
      %dma_start3A_938 = tpu.memref_squeeze %dma_start3A_937 : memref<1x64x128xf32, #tpu.memory_space<vmem>> -> memref<64x128xf32, #tpu.memory_space<vmem>>
      %dma_start3A_939 = arith.constant 0 : i32
      %dma_start3A_940 = tpu.memref_slice %arg6[%select_n3A_854, %dma_start3A_934, %dma_start3A_939] : memref<4x2x64xi32, #tpu.memory_space<vmem>> -> memref<1x1x64xi32, #tpu.memory_space<vmem>>
      %dma_start3A_941 = tpu.memref_squeeze %dma_start3A_940 : memref<1x1x64xi32, #tpu.memory_space<vmem>> -> memref<64xi32, #tpu.memory_space<vmem>>
      %dma_start3A_942 = arith.constant 0 : i32
      %dma_start3A_943 = arith.constant 0 : i32
      %dma_start3A_944 = tpu.memref_slice %arg10[%dma_start3A_942, %dma_start3A_943] : memref<10112x128xf32, #tpu.memory_space<vmem_shared>> -> memref<10112x128xf32, #tpu.memory_space<vmem_shared>>
      tpu.enqueue_indirect_dma source(%dma_start3A_938 : memref<64x128xf32, #tpu.memory_space<vmem>>) target(%dma_start3A_944 : memref<10112x128xf32, #tpu.memory_space<vmem_shared>>) offsets(%dma_start3A_941 : memref<64xi32, #tpu.memory_space<vmem>>) semaphore(%arg14 : memref<!tpu.dma_semaphore, #tpu.memory_space<semaphore_mem>>) {add = true}
      %dma_wait3A_945 = arith.constant 0 : i32
      %dma_wait3A_946 = arith.constant 0 : i32
      %dma_wait3A_947 = arith.constant 0 : i32
      %dma_wait3A_948 = tpu.memref_slice %arg6[%select_n3A_872, %dma_wait3A_946, %dma_wait3A_947] : memref<4x2x64xi32, #tpu.memory_space<vmem>> -> memref<1x2x64xi32, #tpu.memory_space<vmem>>
      %dma_wait3A_949 = tpu.memref_squeeze %dma_wait3A_948 : memref<1x2x64xi32, #tpu.memory_space<vmem>> -> memref<2x64xi32, #tpu.memory_space<vmem>>
      %dma_wait3A_950 = arith.constant 0 : i32
      %dma_wait3A_951 = arith.constant 0 : i32
      %dma_wait3A_952 = tpu.memref_slice %arg4[%dma_wait3A_945, %dma_wait3A_950, %dma_wait3A_951] : memref<5024x2x64xi32, #tpu.memory_space<hbm>> -> memref<1x2x64xi32, #tpu.memory_space<hbm>>
      %dma_wait3A_953 = tpu.memref_squeeze %dma_wait3A_952 : memref<1x2x64xi32, #tpu.memory_space<hbm>> -> memref<2x64xi32, #tpu.memory_space<hbm>>
      %dma_wait3A_954 = arith.constant 0 : i32
      %dma_wait3A_955 = arith.constant 0 : i32
      %dma_wait3A_956 = tpu.memref_slice %arg6[%select_n3A_872, %dma_wait3A_954, %dma_wait3A_955] : memref<4x2x64xi32, #tpu.memory_space<vmem>> -> memref<1x2x64xi32, #tpu.memory_space<vmem>>
      %dma_wait3A_957 = tpu.memref_squeeze %dma_wait3A_956 : memref<1x2x64xi32, #tpu.memory_space<vmem>> -> memref<2x64xi32, #tpu.memory_space<vmem>>
      %dma_wait3A_958 = arith.constant 0 : i32
      %dma_wait3A_959 = arith.constant 0 : i32
      %dma_wait3A_960 = tpu.memref_slice %arg4[%dma_wait3A_945, %dma_wait3A_958, %dma_wait3A_959] : memref<5024x2x64xi32, #tpu.memory_space<hbm>> -> memref<1x2x64xi32, #tpu.memory_space<hbm>>
      %dma_wait3A_961 = tpu.memref_squeeze %dma_wait3A_960 : memref<1x2x64xi32, #tpu.memory_space<hbm>> -> memref<2x64xi32, #tpu.memory_space<hbm>>
      tpu.wait_dma2 semaphore(%arg15 : memref<!tpu.dma_semaphore, #tpu.memory_space<semaphore_mem>>) src(%dma_wait3A_961 : memref<2x64xi32, #tpu.memory_space<hbm>>) dst(%dma_wait3A_957 : memref<2x64xi32, #tpu.memory_space<vmem>>)
      %dma_start3A_962 = arith.constant 0 : i32
      %dma_start3A_963 = arith.constant 1 : i32
      %dma_start3A_964 = arith.constant 0 : i32
      %dma_start3A_965 = arith.constant 0 : i32
      %dma_start3A_966 = tpu.memref_slice %arg7[%dma_start3A_963, %dma_start3A_964, %dma_start3A_965] : memref<2x64x128xf32, #tpu.memory_space<vmem>> -> memref<1x64x128xf32, #tpu.memory_space<vmem>>
      %dma_start3A_967 = tpu.memref_squeeze %dma_start3A_966 : memref<1x64x128xf32, #tpu.memory_space<vmem>> -> memref<64x128xf32, #tpu.memory_space<vmem>>
      %dma_start3A_968 = arith.constant 0 : i32
      %dma_start3A_969 = tpu.memref_slice %arg6[%select_n3A_872, %dma_start3A_962, %dma_start3A_968] : memref<4x2x64xi32, #tpu.memory_space<vmem>> -> memref<1x1x64xi32, #tpu.memory_space<vmem>>
      %dma_start3A_970 = tpu.memref_squeeze %dma_start3A_969 : memref<1x1x64xi32, #tpu.memory_space<vmem>> -> memref<64xi32, #tpu.memory_space<vmem>>
      %dma_start3A_971 = arith.constant 0 : i32
      %dma_start3A_972 = arith.constant 0 : i32
      %dma_start3A_973 = tpu.memref_slice %arg2[%dma_start3A_971, %dma_start3A_972] : memref<10112x128xf32, #tpu.memory_space<hbm>> -> memref<10112x128xf32, #tpu.memory_space<hbm>>
      tpu.enqueue_indirect_dma source(%dma_start3A_973 : memref<10112x128xf32, #tpu.memory_space<hbm>>) target(%dma_start3A_967 : memref<64x128xf32, #tpu.memory_space<vmem>>) offsets(%dma_start3A_970 : memref<64xi32, #tpu.memory_space<vmem>>) semaphore(%arg12 : memref<!tpu.dma_semaphore, #tpu.memory_space<semaphore_mem>>)
      %dma_start3A_974 = arith.constant 1 : i32
      %dma_start3A_975 = arith.constant 1 : i32
      %dma_start3A_976 = arith.constant 0 : i32
      %dma_start3A_977 = arith.constant 0 : i32
      %dma_start3A_978 = tpu.memref_slice %arg8[%dma_start3A_975, %dma_start3A_976, %dma_start3A_977] : memref<2x64x128xf32, #tpu.memory_space<vmem>> -> memref<1x64x128xf32, #tpu.memory_space<vmem>>
      %dma_start3A_979 = tpu.memref_squeeze %dma_start3A_978 : memref<1x64x128xf32, #tpu.memory_space<vmem>> -> memref<64x128xf32, #tpu.memory_space<vmem>>
      %dma_start3A_980 = arith.constant 0 : i32
      %dma_start3A_981 = tpu.memref_slice %arg6[%select_n3A_872, %dma_start3A_974, %dma_start3A_980] : memref<4x2x64xi32, #tpu.memory_space<vmem>> -> memref<1x1x64xi32, #tpu.memory_space<vmem>>
      %dma_start3A_982 = tpu.memref_squeeze %dma_start3A_981 : memref<1x1x64xi32, #tpu.memory_space<vmem>> -> memref<64xi32, #tpu.memory_space<vmem>>
      %dma_start3A_983 = arith.constant 0 : i32
      %dma_start3A_984 = arith.constant 0 : i32
      %dma_start3A_985 = tpu.memref_slice %arg3[%dma_start3A_983, %dma_start3A_984] : memref<10112x128xf32, #tpu.memory_space<hbm>> -> memref<10112x128xf32, #tpu.memory_space<hbm>>
      tpu.enqueue_indirect_dma source(%dma_start3A_985 : memref<10112x128xf32, #tpu.memory_space<hbm>>) target(%dma_start3A_979 : memref<64x128xf32, #tpu.memory_space<vmem>>) offsets(%dma_start3A_982 : memref<64xi32, #tpu.memory_space<vmem>>) semaphore(%arg12 : memref<!tpu.dma_semaphore, #tpu.memory_space<semaphore_mem>>)
    }
    %scan3A_382 = arith.constant 76 : i32
    %dma_wait3A_383 = arith.constant 2 : i32
    %dma_wait3A_384 = arith.constant 0 : i32
    %dma_wait3A_385 = arith.constant 0 : i32
    %dma_wait3A_386 = arith.constant 0 : i32
    %dma_wait3A_387 = arith.constant 0 : i32
    %dma_wait3A_388 = tpu.memref_slice %arg7[%dma_wait3A_385, %dma_wait3A_386, %dma_wait3A_387] : memref<2x64x128xf32, #tpu.memory_space<vmem>> -> memref<1x64x128xf32, #tpu.memory_space<vmem>>
    %dma_wait3A_389 = tpu.memref_squeeze %dma_wait3A_388 : memref<1x64x128xf32, #tpu.memory_space<vmem>> -> memref<64x128xf32, #tpu.memory_space<vmem>>
    %dma_wait3A_390 = arith.constant 0 : i32
    %dma_wait3A_391 = tpu.memref_slice %arg6[%dma_wait3A_383, %dma_wait3A_384, %dma_wait3A_390] : memref<4x2x64xi32, #tpu.memory_space<vmem>> -> memref<1x1x64xi32, #tpu.memory_space<vmem>>
    %dma_wait3A_392 = tpu.memref_squeeze %dma_wait3A_391 : memref<1x1x64xi32, #tpu.memory_space<vmem>> -> memref<64xi32, #tpu.memory_space<vmem>>
    %dma_wait3A_393 = arith.constant 0 : i32
    %dma_wait3A_394 = arith.constant 0 : i32
    %dma_wait3A_395 = tpu.memref_slice %arg2[%dma_wait3A_393, %dma_wait3A_394] : memref<10112x128xf32, #tpu.memory_space<hbm>> -> memref<10112x128xf32, #tpu.memory_space<hbm>>
    tpu.wait_indirect_dma semaphore(%arg11 : memref<!tpu.dma_semaphore, #tpu.memory_space<semaphore_mem>>) src(%dma_wait3A_395 : memref<10112x128xf32, #tpu.memory_space<hbm>>) dst(%dma_wait3A_389 : memref<64x128xf32, #tpu.memory_space<vmem>>)
    %dma_wait3A_396 = arith.constant 2 : i32
    %dma_wait3A_397 = arith.constant 1 : i32
    %dma_wait3A_398 = arith.constant 0 : i32
    %dma_wait3A_399 = arith.constant 0 : i32
    %dma_wait3A_400 = arith.constant 0 : i32
    %dma_wait3A_401 = tpu.memref_slice %arg8[%dma_wait3A_398, %dma_wait3A_399, %dma_wait3A_400] : memref<2x64x128xf32, #tpu.memory_space<vmem>> -> memref<1x64x128xf32, #tpu.memory_space<vmem>>
    %dma_wait3A_402 = tpu.memref_squeeze %dma_wait3A_401 : memref<1x64x128xf32, #tpu.memory_space<vmem>> -> memref<64x128xf32, #tpu.memory_space<vmem>>
    %dma_wait3A_403 = arith.constant 0 : i32
    %dma_wait3A_404 = tpu.memref_slice %arg6[%dma_wait3A_396, %dma_wait3A_397, %dma_wait3A_403] : memref<4x2x64xi32, #tpu.memory_space<vmem>> -> memref<1x1x64xi32, #tpu.memory_space<vmem>>
    %dma_wait3A_405 = tpu.memref_squeeze %dma_wait3A_404 : memref<1x1x64xi32, #tpu.memory_space<vmem>> -> memref<64xi32, #tpu.memory_space<vmem>>
    %dma_wait3A_406 = arith.constant 0 : i32
    %dma_wait3A_407 = arith.constant 0 : i32
    %dma_wait3A_408 = tpu.memref_slice %arg3[%dma_wait3A_406, %dma_wait3A_407] : memref<10112x128xf32, #tpu.memory_space<hbm>> -> memref<10112x128xf32, #tpu.memory_space<hbm>>
    tpu.wait_indirect_dma semaphore(%arg11 : memref<!tpu.dma_semaphore, #tpu.memory_space<semaphore_mem>>) src(%dma_wait3A_408 : memref<10112x128xf32, #tpu.memory_space<hbm>>) dst(%dma_wait3A_402 : memref<64x128xf32, #tpu.memory_space<vmem>>)
    %dma_wait3A_409 = arith.constant 0 : i32
    %dma_wait3A_410 = arith.constant 0 : i32
    %dma_wait3A_411 = arith.constant 1 : i32
    %dma_wait3A_412 = arith.constant 0 : i32
    %dma_wait3A_413 = arith.constant 0 : i32
    %dma_wait3A_414 = tpu.memref_slice %arg9[%dma_wait3A_409, %dma_wait3A_412, %dma_wait3A_413] : memref<2x64x128xf32, #tpu.memory_space<vmem>> -> memref<1x64x128xf32, #tpu.memory_space<vmem>>
    %dma_wait3A_415 = tpu.memref_squeeze %dma_wait3A_414 : memref<1x64x128xf32, #tpu.memory_space<vmem>> -> memref<64x128xf32, #tpu.memory_space<vmem>>
    %dma_wait3A_416 = arith.constant 0 : i32
    %dma_wait3A_417 = tpu.memref_slice %arg6[%dma_wait3A_410, %dma_wait3A_411, %dma_wait3A_416] : memref<4x2x64xi32, #tpu.memory_space<vmem>> -> memref<1x1x64xi32, #tpu.memory_space<vmem>>
    %dma_wait3A_418 = tpu.memref_squeeze %dma_wait3A_417 : memref<1x1x64xi32, #tpu.memory_space<vmem>> -> memref<64xi32, #tpu.memory_space<vmem>>
    %dma_wait3A_419 = arith.constant 0 : i32
    %dma_wait3A_420 = arith.constant 0 : i32
    %dma_wait3A_421 = tpu.memref_slice %arg10[%dma_wait3A_419, %dma_wait3A_420] : memref<10112x128xf32, #tpu.memory_space<vmem_shared>> -> memref<10112x128xf32, #tpu.memory_space<vmem_shared>>
    tpu.wait_indirect_dma semaphore(%arg13 : memref<!tpu.dma_semaphore, #tpu.memory_space<semaphore_mem>>) src(%dma_wait3A_415 : memref<64x128xf32, #tpu.memory_space<vmem>>) dst(%dma_wait3A_421 : memref<10112x128xf32, #tpu.memory_space<vmem_shared>>)
    %mul3A_422 = arith.constant 157 : i32
    %mul3A_423 = arith.muli %add3A, %mul3A_422 : i32
    %add3A_424 = arith.constant 156 : i32
    %add3A_425 = arith.addi %mul3A_423, %add3A_424 : i32
    %dma_start3A_426 = arith.constant 0 : i32
    %dma_start3A_427 = arith.constant 0 : i32
    %dma_start3A_428 = arith.constant 0 : i32
    %dma_start3A_429 = tpu.memref_slice %arg6[%dma_start3A_426, %dma_start3A_427, %dma_start3A_428] : memref<4x2x64xi32, #tpu.memory_space<vmem>> -> memref<1x2x64xi32, #tpu.memory_space<vmem>>
    %dma_start3A_430 = tpu.memref_squeeze %dma_start3A_429 : memref<1x2x64xi32, #tpu.memory_space<vmem>> -> memref<2x64xi32, #tpu.memory_space<vmem>>
    %dma_start3A_431 = arith.constant 0 : i32
    %dma_start3A_432 = arith.constant 0 : i32
    %dma_start3A_433 = tpu.memref_slice %arg4[%add3A_425, %dma_start3A_431, %dma_start3A_432] : memref<5024x2x64xi32, #tpu.memory_space<hbm>> -> memref<1x2x64xi32, #tpu.memory_space<hbm>>
    %dma_start3A_434 = tpu.memref_squeeze %dma_start3A_433 : memref<1x2x64xi32, #tpu.memory_space<hbm>> -> memref<2x64xi32, #tpu.memory_space<hbm>>
    %dma_start3A_435 = arith.constant 0 : i32
    %dma_start3A_436 = arith.constant 0 : i32
    %dma_start3A_437 = tpu.memref_slice %arg6[%dma_start3A_426, %dma_start3A_435, %dma_start3A_436] : memref<4x2x64xi32, #tpu.memory_space<vmem>> -> memref<1x2x64xi32, #tpu.memory_space<vmem>>
    %dma_start3A_438 = tpu.memref_squeeze %dma_start3A_437 : memref<1x2x64xi32, #tpu.memory_space<vmem>> -> memref<2x64xi32, #tpu.memory_space<vmem>>
    %dma_start3A_439 = arith.constant 0 : i32
    %dma_start3A_440 = arith.constant 0 : i32
    %dma_start3A_441 = tpu.memref_slice %arg4[%add3A_425, %dma_start3A_439, %dma_start3A_440] : memref<5024x2x64xi32, #tpu.memory_space<hbm>> -> memref<1x2x64xi32, #tpu.memory_space<hbm>>
    %dma_start3A_442 = tpu.memref_squeeze %dma_start3A_441 : memref<1x2x64xi32, #tpu.memory_space<hbm>> -> memref<2x64xi32, #tpu.memory_space<hbm>>
    tpu.enqueue_dma source(%dma_start3A_442 : memref<2x64xi32, #tpu.memory_space<hbm>>) target(%dma_start3A_438 : memref<2x64xi32, #tpu.memory_space<vmem>>) target_semaphore(%arg15 : memref<!tpu.dma_semaphore, #tpu.memory_space<semaphore_mem>>)
    %parallel_loop3A_443 = arith.constant 0 : i32
    %parallel_loop3A_444 = arith.constant 64 : i32
    %parallel_loop3A_445 = arith.constant 1 : i32
    scf.for %parallel_loop3A_692 = %parallel_loop3A_443 to %parallel_loop3A_444 step %parallel_loop3A_445  : i32 {
      %parallel_loop3A_693 = arith.constant 0 : i32
      %parallel_loop3A_694 = arith.index_cast %parallel_loop3A_693 : i32 to index
      %parallel_loop3A_695 = arith.index_cast %parallel_loop3A_692 : i32 to index
      %parallel_loop3A_696 = arith.constant 0 : index
      %parallel_loop3A_697 = tpu.vector_load %arg7[%parallel_loop3A_694, %parallel_loop3A_695, %parallel_loop3A_696] {strides = array<i32>} : memref<2x64x128xf32, #tpu.memory_space<vmem>>, vector<1x1x16xf32>,
      %parallel_loop3A_698 = vector.shape_cast %parallel_loop3A_697 : vector<1x1x16xf32> to vector<16xf32>
      %parallel_loop3A_699 = arith.constant 0 : i32
      %parallel_loop3A_700 = arith.index_cast %parallel_loop3A_699 : i32 to index
      %parallel_loop3A_701 = arith.index_cast %parallel_loop3A_692 : i32 to index
      %parallel_loop3A_702 = arith.constant 0 : index
      %parallel_loop3A_703 = tpu.vector_load %arg8[%parallel_loop3A_700, %parallel_loop3A_701, %parallel_loop3A_702] {strides = array<i32>} : memref<2x64x128xf32, #tpu.memory_space<vmem>>, vector<1x1x16xf32>,
      %parallel_loop3A_704 = vector.shape_cast %parallel_loop3A_703 : vector<1x1x16xf32> to vector<16xf32>
      %parallel_loop3A_705 = arith.addf %parallel_loop3A_698, %parallel_loop3A_704 : vector<16xf32>
      %parallel_loop3A_706 = arith.constant 0.000000e+00 : f32
      %parallel_loop3A_707 = vector.broadcast %parallel_loop3A_706 : f32 to vector<16xf32>
      %parallel_loop3A_708 = arith.maximumf %parallel_loop3A_705, %parallel_loop3A_707 : vector<16xf32>
      %parallel_loop3A_709 = arith.constant 0 : i32
      %parallel_loop3A_710 = arith.index_cast %parallel_loop3A_709 : i32 to index
      %parallel_loop3A_711 = arith.index_cast %parallel_loop3A_692 : i32 to index
      %parallel_loop3A_712 = arith.constant 0 : index
      %parallel_loop3A_713 = tpu.vector_load %arg9[%parallel_loop3A_710, %parallel_loop3A_711, %parallel_loop3A_712] {strides = array<i32>} : memref<2x64x128xf32, #tpu.memory_space<vmem>>, vector<1x1x16xf32>,
      %parallel_loop3A_714 = vector.shape_cast %parallel_loop3A_713 : vector<1x1x16xf32> to vector<16xf32>
      %parallel_loop3A_715 = vector.shape_cast %parallel_loop3A_708 : vector<16xf32> to vector<1x1x16xf32>
      tpu.vector_store %arg9[%parallel_loop3A_710, %parallel_loop3A_711, %parallel_loop3A_712], %parallel_loop3A_715 {strides = array<i32>} : memref<2x64x128xf32, #tpu.memory_space<vmem>>, vector<1x1x16xf32>,
      %parallel_loop3A_716 = arith.constant 0 : i32
      %parallel_loop3A_717 = arith.index_cast %parallel_loop3A_716 : i32 to index
      %parallel_loop3A_718 = arith.index_cast %parallel_loop3A_692 : i32 to index
      %parallel_loop3A_719 = arith.constant 16 : index
      %parallel_loop3A_720 = tpu.vector_load %arg7[%parallel_loop3A_717, %parallel_loop3A_718, %parallel_loop3A_719] {strides = array<i32>} : memref<2x64x128xf32, #tpu.memory_space<vmem>>, vector<1x1x16xf32>,
      %parallel_loop3A_721 = vector.shape_cast %parallel_loop3A_720 : vector<1x1x16xf32> to vector<16xf32>
      %parallel_loop3A_722 = arith.constant 0 : i32
      %parallel_loop3A_723 = arith.index_cast %parallel_loop3A_722 : i32 to index
      %parallel_loop3A_724 = arith.index_cast %parallel_loop3A_692 : i32 to index
      %parallel_loop3A_725 = arith.constant 16 : index
      %parallel_loop3A_726 = tpu.vector_load %arg8[%parallel_loop3A_723, %parallel_loop3A_724, %parallel_loop3A_725] {strides = array<i32>} : memref<2x64x128xf32, #tpu.memory_space<vmem>>, vector<1x1x16xf32>,
      %parallel_loop3A_727 = vector.shape_cast %parallel_loop3A_726 : vector<1x1x16xf32> to vector<16xf32>
      %parallel_loop3A_728 = arith.addf %parallel_loop3A_721, %parallel_loop3A_727 : vector<16xf32>
      %parallel_loop3A_729 = arith.constant 0.000000e+00 : f32
      %parallel_loop3A_730 = vector.broadcast %parallel_loop3A_729 : f32 to vector<16xf32>
      %parallel_loop3A_731 = arith.maximumf %parallel_loop3A_728, %parallel_loop3A_730 : vector<16xf32>
      %parallel_loop3A_732 = arith.constant 0 : i32
      %parallel_loop3A_733 = arith.index_cast %parallel_loop3A_732 : i32 to index
      %parallel_loop3A_734 = arith.index_cast %parallel_loop3A_692 : i32 to index
      %parallel_loop3A_735 = arith.constant 16 : index
      %parallel_loop3A_736 = tpu.vector_load %arg9[%parallel_loop3A_733, %parallel_loop3A_734, %parallel_loop3A_735] {strides = array<i32>} : memref<2x64x128xf32, #tpu.memory_space<vmem>>, vector<1x1x16xf32>,
      %parallel_loop3A_737 = vector.shape_cast %parallel_loop3A_736 : vector<1x1x16xf32> to vector<16xf32>
      %parallel_loop3A_738 = vector.shape_cast %parallel_loop3A_731 : vector<16xf32> to vector<1x1x16xf32>
      tpu.vector_store %arg9[%parallel_loop3A_733, %parallel_loop3A_734, %parallel_loop3A_735], %parallel_loop3A_738 {strides = array<i32>} : memref<2x64x128xf32, #tpu.memory_space<vmem>>, vector<1x1x16xf32>,
      %parallel_loop3A_739 = arith.constant 0 : i32
      %parallel_loop3A_740 = arith.index_cast %parallel_loop3A_739 : i32 to index
      %parallel_loop3A_741 = arith.index_cast %parallel_loop3A_692 : i32 to index
      %parallel_loop3A_742 = arith.constant 32 : index
      %parallel_loop3A_743 = tpu.vector_load %arg7[%parallel_loop3A_740, %parallel_loop3A_741, %parallel_loop3A_742] {strides = array<i32>} : memref<2x64x128xf32, #tpu.memory_space<vmem>>, vector<1x1x16xf32>,
      %parallel_loop3A_744 = vector.shape_cast %parallel_loop3A_743 : vector<1x1x16xf32> to vector<16xf32>
      %parallel_loop3A_745 = arith.constant 0 : i32
      %parallel_loop3A_746 = arith.index_cast %parallel_loop3A_745 : i32 to index
      %parallel_loop3A_747 = arith.index_cast %parallel_loop3A_692 : i32 to index
      %parallel_loop3A_748 = arith.constant 32 : index
      %parallel_loop3A_749 = tpu.vector_load %arg8[%parallel_loop3A_746, %parallel_loop3A_747, %parallel_loop3A_748] {strides = array<i32>} : memref<2x64x128xf32, #tpu.memory_space<vmem>>, vector<1x1x16xf32>,
      %parallel_loop3A_750 = vector.shape_cast %parallel_loop3A_749 : vector<1x1x16xf32> to vector<16xf32>
      %parallel_loop3A_751 = arith.addf %parallel_loop3A_744, %parallel_loop3A_750 : vector<16xf32>
      %parallel_loop3A_752 = arith.constant 0.000000e+00 : f32
      %parallel_loop3A_753 = vector.broadcast %parallel_loop3A_752 : f32 to vector<16xf32>
      %parallel_loop3A_754 = arith.maximumf %parallel_loop3A_751, %parallel_loop3A_753 : vector<16xf32>
      %parallel_loop3A_755 = arith.constant 0 : i32
      %parallel_loop3A_756 = arith.index_cast %parallel_loop3A_755 : i32 to index
      %parallel_loop3A_757 = arith.index_cast %parallel_loop3A_692 : i32 to index
      %parallel_loop3A_758 = arith.constant 32 : index
      %parallel_loop3A_759 = tpu.vector_load %arg9[%parallel_loop3A_756, %parallel_loop3A_757, %parallel_loop3A_758] {strides = array<i32>} : memref<2x64x128xf32, #tpu.memory_space<vmem>>, vector<1x1x16xf32>,
      %parallel_loop3A_760 = vector.shape_cast %parallel_loop3A_759 : vector<1x1x16xf32> to vector<16xf32>
      %parallel_loop3A_761 = vector.shape_cast %parallel_loop3A_754 : vector<16xf32> to vector<1x1x16xf32>
      tpu.vector_store %arg9[%parallel_loop3A_756, %parallel_loop3A_757, %parallel_loop3A_758], %parallel_loop3A_761 {strides = array<i32>} : memref<2x64x128xf32, #tpu.memory_space<vmem>>, vector<1x1x16xf32>,
      %parallel_loop3A_762 = arith.constant 0 : i32
      %parallel_loop3A_763 = arith.index_cast %parallel_loop3A_762 : i32 to index
      %parallel_loop3A_764 = arith.index_cast %parallel_loop3A_692 : i32 to index
      %parallel_loop3A_765 = arith.constant 48 : index
      %parallel_loop3A_766 = tpu.vector_load %arg7[%parallel_loop3A_763, %parallel_loop3A_764, %parallel_loop3A_765] {strides = array<i32>} : memref<2x64x128xf32, #tpu.memory_space<vmem>>, vector<1x1x16xf32>,
      %parallel_loop3A_767 = vector.shape_cast %parallel_loop3A_766 : vector<1x1x16xf32> to vector<16xf32>
      %parallel_loop3A_768 = arith.constant 0 : i32
      %parallel_loop3A_769 = arith.index_cast %parallel_loop3A_768 : i32 to index
      %parallel_loop3A_770 = arith.index_cast %parallel_loop3A_692 : i32 to index
      %parallel_loop3A_771 = arith.constant 48 : index
      %parallel_loop3A_772 = tpu.vector_load %arg8[%parallel_loop3A_769, %parallel_loop3A_770, %parallel_loop3A_771] {strides = array<i32>} : memref<2x64x128xf32, #tpu.memory_space<vmem>>, vector<1x1x16xf32>,
      %parallel_loop3A_773 = vector.shape_cast %parallel_loop3A_772 : vector<1x1x16xf32> to vector<16xf32>
      %parallel_loop3A_774 = arith.addf %parallel_loop3A_767, %parallel_loop3A_773 : vector<16xf32>
      %parallel_loop3A_775 = arith.constant 0.000000e+00 : f32
      %parallel_loop3A_776 = vector.broadcast %parallel_loop3A_775 : f32 to vector<16xf32>
      %parallel_loop3A_777 = arith.maximumf %parallel_loop3A_774, %parallel_loop3A_776 : vector<16xf32>
      %parallel_loop3A_778 = arith.constant 0 : i32
      %parallel_loop3A_779 = arith.index_cast %parallel_loop3A_778 : i32 to index
      %parallel_loop3A_780 = arith.index_cast %parallel_loop3A_692 : i32 to index
      %parallel_loop3A_781 = arith.constant 48 : index
      %parallel_loop3A_782 = tpu.vector_load %arg9[%parallel_loop3A_779, %parallel_loop3A_780, %parallel_loop3A_781] {strides = array<i32>} : memref<2x64x128xf32, #tpu.memory_space<vmem>>, vector<1x1x16xf32>,
      %parallel_loop3A_783 = vector.shape_cast %parallel_loop3A_782 : vector<1x1x16xf32> to vector<16xf32>
      %parallel_loop3A_784 = vector.shape_cast %parallel_loop3A_777 : vector<16xf32> to vector<1x1x16xf32>
      tpu.vector_store %arg9[%parallel_loop3A_779, %parallel_loop3A_780, %parallel_loop3A_781], %parallel_loop3A_784 {strides = array<i32>} : memref<2x64x128xf32, #tpu.memory_space<vmem>>, vector<1x1x16xf32>,
      %parallel_loop3A_785 = arith.constant 0 : i32
      %parallel_loop3A_786 = arith.index_cast %parallel_loop3A_785 : i32 to index
      %parallel_loop3A_787 = arith.index_cast %parallel_loop3A_692 : i32 to index
      %parallel_loop3A_788 = arith.constant 64 : index
      %parallel_loop3A_789 = tpu.vector_load %arg7[%parallel_loop3A_786, %parallel_loop3A_787, %parallel_loop3A_788] {strides = array<i32>} : memref<2x64x128xf32, #tpu.memory_space<vmem>>, vector<1x1x16xf32>,
      %parallel_loop3A_790 = vector.shape_cast %parallel_loop3A_789 : vector<1x1x16xf32> to vector<16xf32>
      %parallel_loop3A_791 = arith.constant 0 : i32
      %parallel_loop3A_792 = arith.index_cast %parallel_loop3A_791 : i32 to index
      %parallel_loop3A_793 = arith.index_cast %parallel_loop3A_692 : i32 to index
      %parallel_loop3A_794 = arith.constant 64 : index
      %parallel_loop3A_795 = tpu.vector_load %arg8[%parallel_loop3A_792, %parallel_loop3A_793, %parallel_loop3A_794] {strides = array<i32>} : memref<2x64x128xf32, #tpu.memory_space<vmem>>, vector<1x1x16xf32>,
      %parallel_loop3A_796 = vector.shape_cast %parallel_loop3A_795 : vector<1x1x16xf32> to vector<16xf32>
      %parallel_loop3A_797 = arith.addf %parallel_loop3A_790, %parallel_loop3A_796 : vector<16xf32>
      %parallel_loop3A_798 = arith.constant 0.000000e+00 : f32
      %parallel_loop3A_799 = vector.broadcast %parallel_loop3A_798 : f32 to vector<16xf32>
      %parallel_loop3A_800 = arith.maximumf %parallel_loop3A_797, %parallel_loop3A_799 : vector<16xf32>
      %parallel_loop3A_801 = arith.constant 0 : i32
      %parallel_loop3A_802 = arith.index_cast %parallel_loop3A_801 : i32 to index
      %parallel_loop3A_803 = arith.index_cast %parallel_loop3A_692 : i32 to index
      %parallel_loop3A_804 = arith.constant 64 : index
      %parallel_loop3A_805 = tpu.vector_load %arg9[%parallel_loop3A_802, %parallel_loop3A_803, %parallel_loop3A_804] {strides = array<i32>} : memref<2x64x128xf32, #tpu.memory_space<vmem>>, vector<1x1x16xf32>,
      %parallel_loop3A_806 = vector.shape_cast %parallel_loop3A_805 : vector<1x1x16xf32> to vector<16xf32>
      %parallel_loop3A_807 = vector.shape_cast %parallel_loop3A_800 : vector<16xf32> to vector<1x1x16xf32>
      tpu.vector_store %arg9[%parallel_loop3A_802, %parallel_loop3A_803, %parallel_loop3A_804], %parallel_loop3A_807 {strides = array<i32>} : memref<2x64x128xf32, #tpu.memory_space<vmem>>, vector<1x1x16xf32>,
      %parallel_loop3A_808 = arith.constant 0 : i32
      %parallel_loop3A_809 = arith.index_cast %parallel_loop3A_808 : i32 to index
      %parallel_loop3A_810 = arith.index_cast %parallel_loop3A_692 : i32 to index
      %parallel_loop3A_811 = arith.constant 80 : index
      %parallel_loop3A_812 = tpu.vector_load %arg7[%parallel_loop3A_809, %parallel_loop3A_810, %parallel_loop3A_811] {strides = array<i32>} : memref<2x64x128xf32, #tpu.memory_space<vmem>>, vector<1x1x16xf32>,
      %parallel_loop3A_813 = vector.shape_cast %parallel_loop3A_812 : vector<1x1x16xf32> to vector<16xf32>
      %parallel_loop3A_814 = arith.constant 0 : i32
      %parallel_loop3A_815 = arith.index_cast %parallel_loop3A_814 : i32 to index
      %parallel_loop3A_816 = arith.index_cast %parallel_loop3A_692 : i32 to index
      %parallel_loop3A_817 = arith.constant 80 : index
      %parallel_loop3A_818 = tpu.vector_load %arg8[%parallel_loop3A_815, %parallel_loop3A_816, %parallel_loop3A_817] {strides = array<i32>} : memref<2x64x128xf32, #tpu.memory_space<vmem>>, vector<1x1x16xf32>,
      %parallel_loop3A_819 = vector.shape_cast %parallel_loop3A_818 : vector<1x1x16xf32> to vector<16xf32>
      %parallel_loop3A_820 = arith.addf %parallel_loop3A_813, %parallel_loop3A_819 : vector<16xf32>
      %parallel_loop3A_821 = arith.constant 0.000000e+00 : f32
      %parallel_loop3A_822 = vector.broadcast %parallel_loop3A_821 : f32 to vector<16xf32>
      %parallel_loop3A_823 = arith.maximumf %parallel_loop3A_820, %parallel_loop3A_822 : vector<16xf32>
      %parallel_loop3A_824 = arith.constant 0 : i32
      %parallel_loop3A_825 = arith.index_cast %parallel_loop3A_824 : i32 to index
      %parallel_loop3A_826 = arith.index_cast %parallel_loop3A_692 : i32 to index
      %parallel_loop3A_827 = arith.constant 80 : index
      %parallel_loop3A_828 = tpu.vector_load %arg9[%parallel_loop3A_825, %parallel_loop3A_826, %parallel_loop3A_827] {strides = array<i32>} : memref<2x64x128xf32, #tpu.memory_space<vmem>>, vector<1x1x16xf32>,
      %parallel_loop3A_829 = vector.shape_cast %parallel_loop3A_828 : vector<1x1x16xf32> to vector<16xf32>
      %parallel_loop3A_830 = vector.shape_cast %parallel_loop3A_823 : vector<16xf32> to vector<1x1x16xf32>
      tpu.vector_store %arg9[%parallel_loop3A_825, %parallel_loop3A_826, %parallel_loop3A_827], %parallel_loop3A_830 {strides = array<i32>} : memref<2x64x128xf32, #tpu.memory_space<vmem>>, vector<1x1x16xf32>,
      %parallel_loop3A_831 = arith.constant 0 : i32
      %parallel_loop3A_832 = arith.index_cast %parallel_loop3A_831 : i32 to index
      %parallel_loop3A_833 = arith.index_cast %parallel_loop3A_692 : i32 to index
      %parallel_loop3A_834 = arith.constant 96 : index
      %parallel_loop3A_835 = tpu.vector_load %arg7[%parallel_loop3A_832, %parallel_loop3A_833, %parallel_loop3A_834] {strides = array<i32>} : memref<2x64x128xf32, #tpu.memory_space<vmem>>, vector<1x1x16xf32>,
      %parallel_loop3A_836 = vector.shape_cast %parallel_loop3A_835 : vector<1x1x16xf32> to vector<16xf32>
      %parallel_loop3A_837 = arith.constant 0 : i32
      %parallel_loop3A_838 = arith.index_cast %parallel_loop3A_837 : i32 to index
      %parallel_loop3A_839 = arith.index_cast %parallel_loop3A_692 : i32 to index
      %parallel_loop3A_840 = arith.constant 96 : index
      %parallel_loop3A_841 = tpu.vector_load %arg8[%parallel_loop3A_838, %parallel_loop3A_839, %parallel_loop3A_840] {strides = array<i32>} : memref<2x64x128xf32, #tpu.memory_space<vmem>>, vector<1x1x16xf32>,
      %parallel_loop3A_842 = vector.shape_cast %parallel_loop3A_841 : vector<1x1x16xf32> to vector<16xf32>
      %parallel_loop3A_843 = arith.addf %parallel_loop3A_836, %parallel_loop3A_842 : vector<16xf32>
      %parallel_loop3A_844 = arith.constant 0.000000e+00 : f32
      %parallel_loop3A_845 = vector.broadcast %parallel_loop3A_844 : f32 to vector<16xf32>
      %parallel_loop3A_846 = arith.maximumf %parallel_loop3A_843, %parallel_loop3A_845 : vector<16xf32>
      %parallel_loop3A_847 = arith.constant 0 : i32
      %parallel_loop3A_848 = arith.index_cast %parallel_loop3A_847 : i32 to index
      %parallel_loop3A_849 = arith.index_cast %parallel_loop3A_692 : i32 to index
      %parallel_loop3A_850 = arith.constant 96 : index
      %parallel_loop3A_851 = tpu.vector_load %arg9[%parallel_loop3A_848, %parallel_loop3A_849, %parallel_loop3A_850] {strides = array<i32>} : memref<2x64x128xf32, #tpu.memory_space<vmem>>, vector<1x1x16xf32>,
      %parallel_loop3A_852 = vector.shape_cast %parallel_loop3A_851 : vector<1x1x16xf32> to vector<16xf32>
      %parallel_loop3A_853 = vector.shape_cast %parallel_loop3A_846 : vector<16xf32> to vector<1x1x16xf32>
      tpu.vector_store %arg9[%parallel_loop3A_848, %parallel_loop3A_849, %parallel_loop3A_850], %parallel_loop3A_853 {strides = array<i32>} : memref<2x64x128xf32, #tpu.memory_space<vmem>>, vector<1x1x16xf32>,
      %parallel_loop3A_854 = arith.constant 0 : i32
      %parallel_loop3A_855 = arith.index_cast %parallel_loop3A_854 : i32 to index
      %parallel_loop3A_856 = arith.index_cast %parallel_loop3A_692 : i32 to index
      %parallel_loop3A_857 = arith.constant 112 : index
      %parallel_loop3A_858 = tpu.vector_load %arg7[%parallel_loop3A_855, %parallel_loop3A_856, %parallel_loop3A_857] {strides = array<i32>} : memref<2x64x128xf32, #tpu.memory_space<vmem>>, vector<1x1x16xf32>,
      %parallel_loop3A_859 = vector.shape_cast %parallel_loop3A_858 : vector<1x1x16xf32> to vector<16xf32>
      %parallel_loop3A_860 = arith.constant 0 : i32
      %parallel_loop3A_861 = arith.index_cast %parallel_loop3A_860 : i32 to index
      %parallel_loop3A_862 = arith.index_cast %parallel_loop3A_692 : i32 to index
      %parallel_loop3A_863 = arith.constant 112 : index
      %parallel_loop3A_864 = tpu.vector_load %arg8[%parallel_loop3A_861, %parallel_loop3A_862, %parallel_loop3A_863] {strides = array<i32>} : memref<2x64x128xf32, #tpu.memory_space<vmem>>, vector<1x1x16xf32>,
      %parallel_loop3A_865 = vector.shape_cast %parallel_loop3A_864 : vector<1x1x16xf32> to vector<16xf32>
      %parallel_loop3A_866 = arith.addf %parallel_loop3A_859, %parallel_loop3A_865 : vector<16xf32>
      %parallel_loop3A_867 = arith.constant 0.000000e+00 : f32
      %parallel_loop3A_868 = vector.broadcast %parallel_loop3A_867 : f32 to vector<16xf32>
      %parallel_loop3A_869 = arith.maximumf %parallel_loop3A_866, %parallel_loop3A_868 : vector<16xf32>
      %parallel_loop3A_870 = arith.constant 0 : i32
      %parallel_loop3A_871 = arith.index_cast %parallel_loop3A_870 : i32 to index
      %parallel_loop3A_872 = arith.index_cast %parallel_loop3A_692 : i32 to index
      %parallel_loop3A_873 = arith.constant 112 : index
      %parallel_loop3A_874 = tpu.vector_load %arg9[%parallel_loop3A_871, %parallel_loop3A_872, %parallel_loop3A_873] {strides = array<i32>} : memref<2x64x128xf32, #tpu.memory_space<vmem>>, vector<1x1x16xf32>,
      %parallel_loop3A_875 = vector.shape_cast %parallel_loop3A_874 : vector<1x1x16xf32> to vector<16xf32>
      %parallel_loop3A_876 = vector.shape_cast %parallel_loop3A_869 : vector<16xf32> to vector<1x1x16xf32>
      tpu.vector_store %arg9[%parallel_loop3A_871, %parallel_loop3A_872, %parallel_loop3A_873], %parallel_loop3A_876 {strides = array<i32>} : memref<2x64x128xf32, #tpu.memory_space<vmem>>, vector<1x1x16xf32>,
    } {sc.loop_unroll_factor = 4 : i64, sc.parallel_access}
    %dma_start3A_446 = arith.constant 0 : i32
    %dma_start3A_447 = arith.constant 2 : i32
    %dma_start3A_448 = arith.constant 1 : i32
    %dma_start3A_449 = arith.constant 0 : i32
    %dma_start3A_450 = arith.constant 0 : i32
    %dma_start3A_451 = tpu.memref_slice %arg9[%dma_start3A_446, %dma_start3A_449, %dma_start3A_450] : memref<2x64x128xf32, #tpu.memory_space<vmem>> -> memref<1x64x128xf32, #tpu.memory_space<vmem>>
    %dma_start3A_452 = tpu.memref_squeeze %dma_start3A_451 : memref<1x64x128xf32, #tpu.memory_space<vmem>> -> memref<64x128xf32, #tpu.memory_space<vmem>>
    %dma_start3A_453 = arith.constant 0 : i32
    %dma_start3A_454 = tpu.memref_slice %arg6[%dma_start3A_447, %dma_start3A_448, %dma_start3A_453] : memref<4x2x64xi32, #tpu.memory_space<vmem>> -> memref<1x1x64xi32, #tpu.memory_space<vmem>>
    %dma_start3A_455 = tpu.memref_squeeze %dma_start3A_454 : memref<1x1x64xi32, #tpu.memory_space<vmem>> -> memref<64xi32, #tpu.memory_space<vmem>>
    %dma_start3A_456 = arith.constant 0 : i32
    %dma_start3A_457 = arith.constant 0 : i32
    %dma_start3A_458 = tpu.memref_slice %arg10[%dma_start3A_456, %dma_start3A_457] : memref<10112x128xf32, #tpu.memory_space<vmem_shared>> -> memref<10112x128xf32, #tpu.memory_space<vmem_shared>>
    tpu.enqueue_indirect_dma source(%dma_start3A_452 : memref<64x128xf32, #tpu.memory_space<vmem>>) target(%dma_start3A_458 : memref<10112x128xf32, #tpu.memory_space<vmem_shared>>) offsets(%dma_start3A_455 : memref<64xi32, #tpu.memory_space<vmem>>) semaphore(%arg13 : memref<!tpu.dma_semaphore, #tpu.memory_space<semaphore_mem>>) {add = true}
    %dma_wait3A_459 = arith.constant 0 : i32
    %dma_wait3A_460 = arith.constant 0 : i32
    %dma_wait3A_461 = arith.constant 0 : i32
    %dma_wait3A_462 = arith.constant 0 : i32
    %dma_wait3A_463 = tpu.memref_slice %arg6[%dma_wait3A_460, %dma_wait3A_461, %dma_wait3A_462] : memref<4x2x64xi32, #tpu.memory_space<vmem>> -> memref<1x2x64xi32, #tpu.memory_space<vmem>>
    %dma_wait3A_464 = tpu.memref_squeeze %dma_wait3A_463 : memref<1x2x64xi32, #tpu.memory_space<vmem>> -> memref<2x64xi32, #tpu.memory_space<vmem>>
    %dma_wait3A_465 = arith.constant 0 : i32
    %dma_wait3A_466 = arith.constant 0 : i32
    %dma_wait3A_467 = tpu.memref_slice %arg4[%dma_wait3A_459, %dma_wait3A_465, %dma_wait3A_466] : memref<5024x2x64xi32, #tpu.memory_space<hbm>> -> memref<1x2x64xi32, #tpu.memory_space<hbm>>
    %dma_wait3A_468 = tpu.memref_squeeze %dma_wait3A_467 : memref<1x2x64xi32, #tpu.memory_space<hbm>> -> memref<2x64xi32, #tpu.memory_space<hbm>>
    %dma_wait3A_469 = arith.constant 0 : i32
    %dma_wait3A_470 = arith.constant 0 : i32
    %dma_wait3A_471 = tpu.memref_slice %arg6[%dma_wait3A_460, %dma_wait3A_469, %dma_wait3A_470] : memref<4x2x64xi32, #tpu.memory_space<vmem>> -> memref<1x2x64xi32, #tpu.memory_space<vmem>>
    %dma_wait3A_472 = tpu.memref_squeeze %dma_wait3A_471 : memref<1x2x64xi32, #tpu.memory_space<vmem>> -> memref<2x64xi32, #tpu.memory_space<vmem>>
    %dma_wait3A_473 = arith.constant 0 : i32
    %dma_wait3A_474 = arith.constant 0 : i32
    %dma_wait3A_475 = tpu.memref_slice %arg4[%dma_wait3A_459, %dma_wait3A_473, %dma_wait3A_474] : memref<5024x2x64xi32, #tpu.memory_space<hbm>> -> memref<1x2x64xi32, #tpu.memory_space<hbm>>
    %dma_wait3A_476 = tpu.memref_squeeze %dma_wait3A_475 : memref<1x2x64xi32, #tpu.memory_space<hbm>> -> memref<2x64xi32, #tpu.memory_space<hbm>>
    tpu.wait_dma2 semaphore(%arg15 : memref<!tpu.dma_semaphore, #tpu.memory_space<semaphore_mem>>) src(%dma_wait3A_476 : memref<2x64xi32, #tpu.memory_space<hbm>>) dst(%dma_wait3A_472 : memref<2x64xi32, #tpu.memory_space<vmem>>)
    %dma_start3A_477 = arith.constant 0 : i32
    %dma_start3A_478 = arith.constant 0 : i32
    %dma_start3A_479 = arith.constant 0 : i32
    %dma_start3A_480 = arith.constant 0 : i32
    %dma_start3A_481 = arith.constant 0 : i32
    %dma_start3A_482 = tpu.memref_slice %arg7[%dma_start3A_479, %dma_start3A_480, %dma_start3A_481] : memref<2x64x128xf32, #tpu.memory_space<vmem>> -> memref<1x64x128xf32, #tpu.memory_space<vmem>>
    %dma_start3A_483 = tpu.memref_squeeze %dma_start3A_482 : memref<1x64x128xf32, #tpu.memory_space<vmem>> -> memref<64x128xf32, #tpu.memory_space<vmem>>
    %dma_start3A_484 = arith.constant 0 : i32
    %dma_start3A_485 = tpu.memref_slice %arg6[%dma_start3A_477, %dma_start3A_478, %dma_start3A_484] : memref<4x2x64xi32, #tpu.memory_space<vmem>> -> memref<1x1x64xi32, #tpu.memory_space<vmem>>
    %dma_start3A_486 = tpu.memref_squeeze %dma_start3A_485 : memref<1x1x64xi32, #tpu.memory_space<vmem>> -> memref<64xi32, #tpu.memory_space<vmem>>
    %dma_start3A_487 = arith.constant 0 : i32
    %dma_start3A_488 = arith.constant 0 : i32
    %dma_start3A_489 = tpu.memref_slice %arg2[%dma_start3A_487, %dma_start3A_488] : memref<10112x128xf32, #tpu.memory_space<hbm>> -> memref<10112x128xf32, #tpu.memory_space<hbm>>
    tpu.enqueue_indirect_dma source(%dma_start3A_489 : memref<10112x128xf32, #tpu.memory_space<hbm>>) target(%dma_start3A_483 : memref<64x128xf32, #tpu.memory_space<vmem>>) offsets(%dma_start3A_486 : memref<64xi32, #tpu.memory_space<vmem>>) semaphore(%arg11 : memref<!tpu.dma_semaphore, #tpu.memory_space<semaphore_mem>>)
    %dma_start3A_490 = arith.constant 0 : i32
    %dma_start3A_491 = arith.constant 1 : i32
    %dma_start3A_492 = arith.constant 0 : i32
    %dma_start3A_493 = arith.constant 0 : i32
    %dma_start3A_494 = arith.constant 0 : i32
    %dma_start3A_495 = tpu.memref_slice %arg8[%dma_start3A_492, %dma_start3A_493, %dma_start3A_494] : memref<2x64x128xf32, #tpu.memory_space<vmem>> -> memref<1x64x128xf32, #tpu.memory_space<vmem>>
    %dma_start3A_496 = tpu.memref_squeeze %dma_start3A_495 : memref<1x64x128xf32, #tpu.memory_space<vmem>> -> memref<64x128xf32, #tpu.memory_space<vmem>>
    %dma_start3A_497 = arith.constant 0 : i32
    %dma_start3A_498 = tpu.memref_slice %arg6[%dma_start3A_490, %dma_start3A_491, %dma_start3A_497] : memref<4x2x64xi32, #tpu.memory_space<vmem>> -> memref<1x1x64xi32, #tpu.memory_space<vmem>>
    %dma_start3A_499 = tpu.memref_squeeze %dma_start3A_498 : memref<1x1x64xi32, #tpu.memory_space<vmem>> -> memref<64xi32, #tpu.memory_space<vmem>>
    %dma_start3A_500 = arith.constant 0 : i32
    %dma_start3A_501 = arith.constant 0 : i32
    %dma_start3A_502 = tpu.memref_slice %arg3[%dma_start3A_500, %dma_start3A_501] : memref<10112x128xf32, #tpu.memory_space<hbm>> -> memref<10112x128xf32, #tpu.memory_space<hbm>>
    tpu.enqueue_indirect_dma source(%dma_start3A_502 : memref<10112x128xf32, #tpu.memory_space<hbm>>) target(%dma_start3A_496 : memref<64x128xf32, #tpu.memory_space<vmem>>) offsets(%dma_start3A_499 : memref<64xi32, #tpu.memory_space<vmem>>) semaphore(%arg11 : memref<!tpu.dma_semaphore, #tpu.memory_space<semaphore_mem>>)
    %dma_wait3A_503 = arith.constant 3 : i32
    %dma_wait3A_504 = arith.constant 0 : i32
    %dma_wait3A_505 = arith.constant 1 : i32
    %dma_wait3A_506 = arith.constant 0 : i32
    %dma_wait3A_507 = arith.constant 0 : i32
    %dma_wait3A_508 = tpu.memref_slice %arg7[%dma_wait3A_505, %dma_wait3A_506, %dma_wait3A_507] : memref<2x64x128xf32, #tpu.memory_space<vmem>> -> memref<1x64x128xf32, #tpu.memory_space<vmem>>
    %dma_wait3A_509 = tpu.memref_squeeze %dma_wait3A_508 : memref<1x64x128xf32, #tpu.memory_space<vmem>> -> memref<64x128xf32, #tpu.memory_space<vmem>>
    %dma_wait3A_510 = arith.constant 0 : i32
    %dma_wait3A_511 = tpu.memref_slice %arg6[%dma_wait3A_503, %dma_wait3A_504, %dma_wait3A_510] : memref<4x2x64xi32, #tpu.memory_space<vmem>> -> memref<1x1x64xi32, #tpu.memory_space<vmem>>
    %dma_wait3A_512 = tpu.memref_squeeze %dma_wait3A_511 : memref<1x1x64xi32, #tpu.memory_space<vmem>> -> memref<64xi32, #tpu.memory_space<vmem>>
    %dma_wait3A_513 = arith.constant 0 : i32
    %dma_wait3A_514 = arith.constant 0 : i32
    %dma_wait3A_515 = tpu.memref_slice %arg2[%dma_wait3A_513, %dma_wait3A_514] : memref<10112x128xf32, #tpu.memory_space<hbm>> -> memref<10112x128xf32, #tpu.memory_space<hbm>>
    tpu.wait_indirect_dma semaphore(%arg12 : memref<!tpu.dma_semaphore, #tpu.memory_space<semaphore_mem>>) src(%dma_wait3A_515 : memref<10112x128xf32, #tpu.memory_space<hbm>>) dst(%dma_wait3A_509 : memref<64x128xf32, #tpu.memory_space<vmem>>)
    %dma_wait3A_516 = arith.constant 3 : i32
    %dma_wait3A_517 = arith.constant 1 : i32
    %dma_wait3A_518 = arith.constant 1 : i32
    %dma_wait3A_519 = arith.constant 0 : i32
    %dma_wait3A_520 = arith.constant 0 : i32
    %dma_wait3A_521 = tpu.memref_slice %arg8[%dma_wait3A_518, %dma_wait3A_519, %dma_wait3A_520] : memref<2x64x128xf32, #tpu.memory_space<vmem>> -> memref<1x64x128xf32, #tpu.memory_space<vmem>>
    %dma_wait3A_522 = tpu.memref_squeeze %dma_wait3A_521 : memref<1x64x128xf32, #tpu.memory_space<vmem>> -> memref<64x128xf32, #tpu.memory_space<vmem>>
    %dma_wait3A_523 = arith.constant 0 : i32
    %dma_wait3A_524 = tpu.memref_slice %arg6[%dma_wait3A_516, %dma_wait3A_517, %dma_wait3A_523] : memref<4x2x64xi32, #tpu.memory_space<vmem>> -> memref<1x1x64xi32, #tpu.memory_space<vmem>>
    %dma_wait3A_525 = tpu.memref_squeeze %dma_wait3A_524 : memref<1x1x64xi32, #tpu.memory_space<vmem>> -> memref<64xi32, #tpu.memory_space<vmem>>
    %dma_wait3A_526 = arith.constant 0 : i32
    %dma_wait3A_527 = arith.constant 0 : i32
    %dma_wait3A_528 = tpu.memref_slice %arg3[%dma_wait3A_526, %dma_wait3A_527] : memref<10112x128xf32, #tpu.memory_space<hbm>> -> memref<10112x128xf32, #tpu.memory_space<hbm>>
    tpu.wait_indirect_dma semaphore(%arg12 : memref<!tpu.dma_semaphore, #tpu.memory_space<semaphore_mem>>) src(%dma_wait3A_528 : memref<10112x128xf32, #tpu.memory_space<hbm>>) dst(%dma_wait3A_522 : memref<64x128xf32, #tpu.memory_space<vmem>>)
    %dma_wait3A_529 = arith.constant 1 : i32
    %dma_wait3A_530 = arith.constant 1 : i32
    %dma_wait3A_531 = arith.constant 1 : i32
    %dma_wait3A_532 = arith.constant 0 : i32
    %dma_wait3A_533 = arith.constant 0 : i32
    %dma_wait3A_534 = tpu.memref_slice %arg9[%dma_wait3A_529, %dma_wait3A_532, %dma_wait3A_533] : memref<2x64x128xf32, #tpu.memory_space<vmem>> -> memref<1x64x128xf32, #tpu.memory_space<vmem>>
    %dma_wait3A_535 = tpu.memref_squeeze %dma_wait3A_534 : memref<1x64x128xf32, #tpu.memory_space<vmem>> -> memref<64x128xf32, #tpu.memory_space<vmem>>
    %dma_wait3A_536 = arith.constant 0 : i32
    %dma_wait3A_537 = tpu.memref_slice %arg6[%dma_wait3A_530, %dma_wait3A_531, %dma_wait3A_536] : memref<4x2x64xi32, #tpu.memory_space<vmem>> -> memref<1x1x64xi32, #tpu.memory_space<vmem>>
    %dma_wait3A_538 = tpu.memref_squeeze %dma_wait3A_537 : memref<1x1x64xi32, #tpu.memory_space<vmem>> -> memref<64xi32, #tpu.memory_space<vmem>>
    %dma_wait3A_539 = arith.constant 0 : i32
    %dma_wait3A_540 = arith.constant 0 : i32
    %dma_wait3A_541 = tpu.memref_slice %arg10[%dma_wait3A_539, %dma_wait3A_540] : memref<10112x128xf32, #tpu.memory_space<vmem_shared>> -> memref<10112x128xf32, #tpu.memory_space<vmem_shared>>
    tpu.wait_indirect_dma semaphore(%arg14 : memref<!tpu.dma_semaphore, #tpu.memory_space<semaphore_mem>>) src(%dma_wait3A_535 : memref<64x128xf32, #tpu.memory_space<vmem>>) dst(%dma_wait3A_541 : memref<10112x128xf32, #tpu.memory_space<vmem_shared>>)
    %parallel_loop3A_542 = arith.constant 0 : i32
    %parallel_loop3A_543 = arith.constant 64 : i32
    %parallel_loop3A_544 = arith.constant 1 : i32
    scf.for %parallel_loop3A_692 = %parallel_loop3A_542 to %parallel_loop3A_543 step %parallel_loop3A_544  : i32 {
      %parallel_loop3A_693 = arith.constant 1 : i32
      %parallel_loop3A_694 = arith.index_cast %parallel_loop3A_693 : i32 to index
      %parallel_loop3A_695 = arith.index_cast %parallel_loop3A_692 : i32 to index
      %parallel_loop3A_696 = arith.constant 0 : index
      %parallel_loop3A_697 = tpu.vector_load %arg7[%parallel_loop3A_694, %parallel_loop3A_695, %parallel_loop3A_696] {strides = array<i32>} : memref<2x64x128xf32, #tpu.memory_space<vmem>>, vector<1x1x16xf32>,
      %parallel_loop3A_698 = vector.shape_cast %parallel_loop3A_697 : vector<1x1x16xf32> to vector<16xf32>
      %parallel_loop3A_699 = arith.constant 1 : i32
      %parallel_loop3A_700 = arith.index_cast %parallel_loop3A_699 : i32 to index
      %parallel_loop3A_701 = arith.index_cast %parallel_loop3A_692 : i32 to index
      %parallel_loop3A_702 = arith.constant 0 : index
      %parallel_loop3A_703 = tpu.vector_load %arg8[%parallel_loop3A_700, %parallel_loop3A_701, %parallel_loop3A_702] {strides = array<i32>} : memref<2x64x128xf32, #tpu.memory_space<vmem>>, vector<1x1x16xf32>,
      %parallel_loop3A_704 = vector.shape_cast %parallel_loop3A_703 : vector<1x1x16xf32> to vector<16xf32>
      %parallel_loop3A_705 = arith.addf %parallel_loop3A_698, %parallel_loop3A_704 : vector<16xf32>
      %parallel_loop3A_706 = arith.constant 0.000000e+00 : f32
      %parallel_loop3A_707 = vector.broadcast %parallel_loop3A_706 : f32 to vector<16xf32>
      %parallel_loop3A_708 = arith.maximumf %parallel_loop3A_705, %parallel_loop3A_707 : vector<16xf32>
      %parallel_loop3A_709 = arith.constant 1 : i32
      %parallel_loop3A_710 = arith.index_cast %parallel_loop3A_709 : i32 to index
      %parallel_loop3A_711 = arith.index_cast %parallel_loop3A_692 : i32 to index
      %parallel_loop3A_712 = arith.constant 0 : index
      %parallel_loop3A_713 = tpu.vector_load %arg9[%parallel_loop3A_710, %parallel_loop3A_711, %parallel_loop3A_712] {strides = array<i32>} : memref<2x64x128xf32, #tpu.memory_space<vmem>>, vector<1x1x16xf32>,
      %parallel_loop3A_714 = vector.shape_cast %parallel_loop3A_713 : vector<1x1x16xf32> to vector<16xf32>
      %parallel_loop3A_715 = vector.shape_cast %parallel_loop3A_708 : vector<16xf32> to vector<1x1x16xf32>
      tpu.vector_store %arg9[%parallel_loop3A_710, %parallel_loop3A_711, %parallel_loop3A_712], %parallel_loop3A_715 {strides = array<i32>} : memref<2x64x128xf32, #tpu.memory_space<vmem>>, vector<1x1x16xf32>,
      %parallel_loop3A_716 = arith.constant 1 : i32
      %parallel_loop3A_717 = arith.index_cast %parallel_loop3A_716 : i32 to index
      %parallel_loop3A_718 = arith.index_cast %parallel_loop3A_692 : i32 to index
      %parallel_loop3A_719 = arith.constant 16 : index
      %parallel_loop3A_720 = tpu.vector_load %arg7[%parallel_loop3A_717, %parallel_loop3A_718, %parallel_loop3A_719] {strides = array<i32>} : memref<2x64x128xf32, #tpu.memory_space<vmem>>, vector<1x1x16xf32>,
      %parallel_loop3A_721 = vector.shape_cast %parallel_loop3A_720 : vector<1x1x16xf32> to vector<16xf32>
      %parallel_loop3A_722 = arith.constant 1 : i32
      %parallel_loop3A_723 = arith.index_cast %parallel_loop3A_722 : i32 to index
      %parallel_loop3A_724 = arith.index_cast %parallel_loop3A_692 : i32 to index
      %parallel_loop3A_725 = arith.constant 16 : index
      %parallel_loop3A_726 = tpu.vector_load %arg8[%parallel_loop3A_723, %parallel_loop3A_724, %parallel_loop3A_725] {strides = array<i32>} : memref<2x64x128xf32, #tpu.memory_space<vmem>>, vector<1x1x16xf32>,
      %parallel_loop3A_727 = vector.shape_cast %parallel_loop3A_726 : vector<1x1x16xf32> to vector<16xf32>
      %parallel_loop3A_728 = arith.addf %parallel_loop3A_721, %parallel_loop3A_727 : vector<16xf32>
      %parallel_loop3A_729 = arith.constant 0.000000e+00 : f32
      %parallel_loop3A_730 = vector.broadcast %parallel_loop3A_729 : f32 to vector<16xf32>
      %parallel_loop3A_731 = arith.maximumf %parallel_loop3A_728, %parallel_loop3A_730 : vector<16xf32>
      %parallel_loop3A_732 = arith.constant 1 : i32
      %parallel_loop3A_733 = arith.index_cast %parallel_loop3A_732 : i32 to index
      %parallel_loop3A_734 = arith.index_cast %parallel_loop3A_692 : i32 to index
      %parallel_loop3A_735 = arith.constant 16 : index
      %parallel_loop3A_736 = tpu.vector_load %arg9[%parallel_loop3A_733, %parallel_loop3A_734, %parallel_loop3A_735] {strides = array<i32>} : memref<2x64x128xf32, #tpu.memory_space<vmem>>, vector<1x1x16xf32>,
      %parallel_loop3A_737 = vector.shape_cast %parallel_loop3A_736 : vector<1x1x16xf32> to vector<16xf32>
      %parallel_loop3A_738 = vector.shape_cast %parallel_loop3A_731 : vector<16xf32> to vector<1x1x16xf32>
      tpu.vector_store %arg9[%parallel_loop3A_733, %parallel_loop3A_734, %parallel_loop3A_735], %parallel_loop3A_738 {strides = array<i32>} : memref<2x64x128xf32, #tpu.memory_space<vmem>>, vector<1x1x16xf32>,
      %parallel_loop3A_739 = arith.constant 1 : i32
      %parallel_loop3A_740 = arith.index_cast %parallel_loop3A_739 : i32 to index
      %parallel_loop3A_741 = arith.index_cast %parallel_loop3A_692 : i32 to index
      %parallel_loop3A_742 = arith.constant 32 : index
      %parallel_loop3A_743 = tpu.vector_load %arg7[%parallel_loop3A_740, %parallel_loop3A_741, %parallel_loop3A_742] {strides = array<i32>} : memref<2x64x128xf32, #tpu.memory_space<vmem>>, vector<1x1x16xf32>,
      %parallel_loop3A_744 = vector.shape_cast %parallel_loop3A_743 : vector<1x1x16xf32> to vector<16xf32>
      %parallel_loop3A_745 = arith.constant 1 : i32
      %parallel_loop3A_746 = arith.index_cast %parallel_loop3A_745 : i32 to index
      %parallel_loop3A_747 = arith.index_cast %parallel_loop3A_692 : i32 to index
      %parallel_loop3A_748 = arith.constant 32 : index
      %parallel_loop3A_749 = tpu.vector_load %arg8[%parallel_loop3A_746, %parallel_loop3A_747, %parallel_loop3A_748] {strides = array<i32>} : memref<2x64x128xf32, #tpu.memory_space<vmem>>, vector<1x1x16xf32>,
      %parallel_loop3A_750 = vector.shape_cast %parallel_loop3A_749 : vector<1x1x16xf32> to vector<16xf32>
      %parallel_loop3A_751 = arith.addf %parallel_loop3A_744, %parallel_loop3A_750 : vector<16xf32>
      %parallel_loop3A_752 = arith.constant 0.000000e+00 : f32
      %parallel_loop3A_753 = vector.broadcast %parallel_loop3A_752 : f32 to vector<16xf32>
      %parallel_loop3A_754 = arith.maximumf %parallel_loop3A_751, %parallel_loop3A_753 : vector<16xf32>
      %parallel_loop3A_755 = arith.constant 1 : i32
      %parallel_loop3A_756 = arith.index_cast %parallel_loop3A_755 : i32 to index
      %parallel_loop3A_757 = arith.index_cast %parallel_loop3A_692 : i32 to index
      %parallel_loop3A_758 = arith.constant 32 : index
      %parallel_loop3A_759 = tpu.vector_load %arg9[%parallel_loop3A_756, %parallel_loop3A_757, %parallel_loop3A_758] {strides = array<i32>} : memref<2x64x128xf32, #tpu.memory_space<vmem>>, vector<1x1x16xf32>,
      %parallel_loop3A_760 = vector.shape_cast %parallel_loop3A_759 : vector<1x1x16xf32> to vector<16xf32>
      %parallel_loop3A_761 = vector.shape_cast %parallel_loop3A_754 : vector<16xf32> to vector<1x1x16xf32>
      tpu.vector_store %arg9[%parallel_loop3A_756, %parallel_loop3A_757, %parallel_loop3A_758], %parallel_loop3A_761 {strides = array<i32>} : memref<2x64x128xf32, #tpu.memory_space<vmem>>, vector<1x1x16xf32>,
      %parallel_loop3A_762 = arith.constant 1 : i32
      %parallel_loop3A_763 = arith.index_cast %parallel_loop3A_762 : i32 to index
      %parallel_loop3A_764 = arith.index_cast %parallel_loop3A_692 : i32 to index
      %parallel_loop3A_765 = arith.constant 48 : index
      %parallel_loop3A_766 = tpu.vector_load %arg7[%parallel_loop3A_763, %parallel_loop3A_764, %parallel_loop3A_765] {strides = array<i32>} : memref<2x64x128xf32, #tpu.memory_space<vmem>>, vector<1x1x16xf32>,
      %parallel_loop3A_767 = vector.shape_cast %parallel_loop3A_766 : vector<1x1x16xf32> to vector<16xf32>
      %parallel_loop3A_768 = arith.constant 1 : i32
      %parallel_loop3A_769 = arith.index_cast %parallel_loop3A_768 : i32 to index
      %parallel_loop3A_770 = arith.index_cast %parallel_loop3A_692 : i32 to index
      %parallel_loop3A_771 = arith.constant 48 : index
      %parallel_loop3A_772 = tpu.vector_load %arg8[%parallel_loop3A_769, %parallel_loop3A_770, %parallel_loop3A_771] {strides = array<i32>} : memref<2x64x128xf32, #tpu.memory_space<vmem>>, vector<1x1x16xf32>,
      %parallel_loop3A_773 = vector.shape_cast %parallel_loop3A_772 : vector<1x1x16xf32> to vector<16xf32>
      %parallel_loop3A_774 = arith.addf %parallel_loop3A_767, %parallel_loop3A_773 : vector<16xf32>
      %parallel_loop3A_775 = arith.constant 0.000000e+00 : f32
      %parallel_loop3A_776 = vector.broadcast %parallel_loop3A_775 : f32 to vector<16xf32>
      %parallel_loop3A_777 = arith.maximumf %parallel_loop3A_774, %parallel_loop3A_776 : vector<16xf32>
      %parallel_loop3A_778 = arith.constant 1 : i32
      %parallel_loop3A_779 = arith.index_cast %parallel_loop3A_778 : i32 to index
      %parallel_loop3A_780 = arith.index_cast %parallel_loop3A_692 : i32 to index
      %parallel_loop3A_781 = arith.constant 48 : index
      %parallel_loop3A_782 = tpu.vector_load %arg9[%parallel_loop3A_779, %parallel_loop3A_780, %parallel_loop3A_781] {strides = array<i32>} : memref<2x64x128xf32, #tpu.memory_space<vmem>>, vector<1x1x16xf32>,
      %parallel_loop3A_783 = vector.shape_cast %parallel_loop3A_782 : vector<1x1x16xf32> to vector<16xf32>
      %parallel_loop3A_784 = vector.shape_cast %parallel_loop3A_777 : vector<16xf32> to vector<1x1x16xf32>
      tpu.vector_store %arg9[%parallel_loop3A_779, %parallel_loop3A_780, %parallel_loop3A_781], %parallel_loop3A_784 {strides = array<i32>} : memref<2x64x128xf32, #tpu.memory_space<vmem>>, vector<1x1x16xf32>,
      %parallel_loop3A_785 = arith.constant 1 : i32
      %parallel_loop3A_786 = arith.index_cast %parallel_loop3A_785 : i32 to index
      %parallel_loop3A_787 = arith.index_cast %parallel_loop3A_692 : i32 to index
      %parallel_loop3A_788 = arith.constant 64 : index
      %parallel_loop3A_789 = tpu.vector_load %arg7[%parallel_loop3A_786, %parallel_loop3A_787, %parallel_loop3A_788] {strides = array<i32>} : memref<2x64x128xf32, #tpu.memory_space<vmem>>, vector<1x1x16xf32>,
      %parallel_loop3A_790 = vector.shape_cast %parallel_loop3A_789 : vector<1x1x16xf32> to vector<16xf32>
      %parallel_loop3A_791 = arith.constant 1 : i32
      %parallel_loop3A_792 = arith.index_cast %parallel_loop3A_791 : i32 to index
      %parallel_loop3A_793 = arith.index_cast %parallel_loop3A_692 : i32 to index
      %parallel_loop3A_794 = arith.constant 64 : index
      %parallel_loop3A_795 = tpu.vector_load %arg8[%parallel_loop3A_792, %parallel_loop3A_793, %parallel_loop3A_794] {strides = array<i32>} : memref<2x64x128xf32, #tpu.memory_space<vmem>>, vector<1x1x16xf32>,
      %parallel_loop3A_796 = vector.shape_cast %parallel_loop3A_795 : vector<1x1x16xf32> to vector<16xf32>
      %parallel_loop3A_797 = arith.addf %parallel_loop3A_790, %parallel_loop3A_796 : vector<16xf32>
      %parallel_loop3A_798 = arith.constant 0.000000e+00 : f32
      %parallel_loop3A_799 = vector.broadcast %parallel_loop3A_798 : f32 to vector<16xf32>
      %parallel_loop3A_800 = arith.maximumf %parallel_loop3A_797, %parallel_loop3A_799 : vector<16xf32>
      %parallel_loop3A_801 = arith.constant 1 : i32
      %parallel_loop3A_802 = arith.index_cast %parallel_loop3A_801 : i32 to index
      %parallel_loop3A_803 = arith.index_cast %parallel_loop3A_692 : i32 to index
      %parallel_loop3A_804 = arith.constant 64 : index
      %parallel_loop3A_805 = tpu.vector_load %arg9[%parallel_loop3A_802, %parallel_loop3A_803, %parallel_loop3A_804] {strides = array<i32>} : memref<2x64x128xf32, #tpu.memory_space<vmem>>, vector<1x1x16xf32>,
      %parallel_loop3A_806 = vector.shape_cast %parallel_loop3A_805 : vector<1x1x16xf32> to vector<16xf32>
      %parallel_loop3A_807 = vector.shape_cast %parallel_loop3A_800 : vector<16xf32> to vector<1x1x16xf32>
      tpu.vector_store %arg9[%parallel_loop3A_802, %parallel_loop3A_803, %parallel_loop3A_804], %parallel_loop3A_807 {strides = array<i32>} : memref<2x64x128xf32, #tpu.memory_space<vmem>>, vector<1x1x16xf32>,
      %parallel_loop3A_808 = arith.constant 1 : i32
      %parallel_loop3A_809 = arith.index_cast %parallel_loop3A_808 : i32 to index
      %parallel_loop3A_810 = arith.index_cast %parallel_loop3A_692 : i32 to index
      %parallel_loop3A_811 = arith.constant 80 : index
      %parallel_loop3A_812 = tpu.vector_load %arg7[%parallel_loop3A_809, %parallel_loop3A_810, %parallel_loop3A_811] {strides = array<i32>} : memref<2x64x128xf32, #tpu.memory_space<vmem>>, vector<1x1x16xf32>,
      %parallel_loop3A_813 = vector.shape_cast %parallel_loop3A_812 : vector<1x1x16xf32> to vector<16xf32>
      %parallel_loop3A_814 = arith.constant 1 : i32
      %parallel_loop3A_815 = arith.index_cast %parallel_loop3A_814 : i32 to index
      %parallel_loop3A_816 = arith.index_cast %parallel_loop3A_692 : i32 to index
      %parallel_loop3A_817 = arith.constant 80 : index
      %parallel_loop3A_818 = tpu.vector_load %arg8[%parallel_loop3A_815, %parallel_loop3A_816, %parallel_loop3A_817] {strides = array<i32>} : memref<2x64x128xf32, #tpu.memory_space<vmem>>, vector<1x1x16xf32>,
      %parallel_loop3A_819 = vector.shape_cast %parallel_loop3A_818 : vector<1x1x16xf32> to vector<16xf32>
      %parallel_loop3A_820 = arith.addf %parallel_loop3A_813, %parallel_loop3A_819 : vector<16xf32>
      %parallel_loop3A_821 = arith.constant 0.000000e+00 : f32
      %parallel_loop3A_822 = vector.broadcast %parallel_loop3A_821 : f32 to vector<16xf32>
      %parallel_loop3A_823 = arith.maximumf %parallel_loop3A_820, %parallel_loop3A_822 : vector<16xf32>
      %parallel_loop3A_824 = arith.constant 1 : i32
      %parallel_loop3A_825 = arith.index_cast %parallel_loop3A_824 : i32 to index
      %parallel_loop3A_826 = arith.index_cast %parallel_loop3A_692 : i32 to index
      %parallel_loop3A_827 = arith.constant 80 : index
      %parallel_loop3A_828 = tpu.vector_load %arg9[%parallel_loop3A_825, %parallel_loop3A_826, %parallel_loop3A_827] {strides = array<i32>} : memref<2x64x128xf32, #tpu.memory_space<vmem>>, vector<1x1x16xf32>,
      %parallel_loop3A_829 = vector.shape_cast %parallel_loop3A_828 : vector<1x1x16xf32> to vector<16xf32>
      %parallel_loop3A_830 = vector.shape_cast %parallel_loop3A_823 : vector<16xf32> to vector<1x1x16xf32>
      tpu.vector_store %arg9[%parallel_loop3A_825, %parallel_loop3A_826, %parallel_loop3A_827], %parallel_loop3A_830 {strides = array<i32>} : memref<2x64x128xf32, #tpu.memory_space<vmem>>, vector<1x1x16xf32>,
      %parallel_loop3A_831 = arith.constant 1 : i32
      %parallel_loop3A_832 = arith.index_cast %parallel_loop3A_831 : i32 to index
      %parallel_loop3A_833 = arith.index_cast %parallel_loop3A_692 : i32 to index
      %parallel_loop3A_834 = arith.constant 96 : index
      %parallel_loop3A_835 = tpu.vector_load %arg7[%parallel_loop3A_832, %parallel_loop3A_833, %parallel_loop3A_834] {strides = array<i32>} : memref<2x64x128xf32, #tpu.memory_space<vmem>>, vector<1x1x16xf32>,
      %parallel_loop3A_836 = vector.shape_cast %parallel_loop3A_835 : vector<1x1x16xf32> to vector<16xf32>
      %parallel_loop3A_837 = arith.constant 1 : i32
      %parallel_loop3A_838 = arith.index_cast %parallel_loop3A_837 : i32 to index
      %parallel_loop3A_839 = arith.index_cast %parallel_loop3A_692 : i32 to index
      %parallel_loop3A_840 = arith.constant 96 : index
      %parallel_loop3A_841 = tpu.vector_load %arg8[%parallel_loop3A_838, %parallel_loop3A_839, %parallel_loop3A_840] {strides = array<i32>} : memref<2x64x128xf32, #tpu.memory_space<vmem>>, vector<1x1x16xf32>,
      %parallel_loop3A_842 = vector.shape_cast %parallel_loop3A_841 : vector<1x1x16xf32> to vector<16xf32>
      %parallel_loop3A_843 = arith.addf %parallel_loop3A_836, %parallel_loop3A_842 : vector<16xf32>
      %parallel_loop3A_844 = arith.constant 0.000000e+00 : f32
      %parallel_loop3A_845 = vector.broadcast %parallel_loop3A_844 : f32 to vector<16xf32>
      %parallel_loop3A_846 = arith.maximumf %parallel_loop3A_843, %parallel_loop3A_845 : vector<16xf32>
      %parallel_loop3A_847 = arith.constant 1 : i32
      %parallel_loop3A_848 = arith.index_cast %parallel_loop3A_847 : i32 to index
      %parallel_loop3A_849 = arith.index_cast %parallel_loop3A_692 : i32 to index
      %parallel_loop3A_850 = arith.constant 96 : index
      %parallel_loop3A_851 = tpu.vector_load %arg9[%parallel_loop3A_848, %parallel_loop3A_849, %parallel_loop3A_850] {strides = array<i32>} : memref<2x64x128xf32, #tpu.memory_space<vmem>>, vector<1x1x16xf32>,
      %parallel_loop3A_852 = vector.shape_cast %parallel_loop3A_851 : vector<1x1x16xf32> to vector<16xf32>
      %parallel_loop3A_853 = vector.shape_cast %parallel_loop3A_846 : vector<16xf32> to vector<1x1x16xf32>
      tpu.vector_store %arg9[%parallel_loop3A_848, %parallel_loop3A_849, %parallel_loop3A_850], %parallel_loop3A_853 {strides = array<i32>} : memref<2x64x128xf32, #tpu.memory_space<vmem>>, vector<1x1x16xf32>,
      %parallel_loop3A_854 = arith.constant 1 : i32
      %parallel_loop3A_855 = arith.index_cast %parallel_loop3A_854 : i32 to index
      %parallel_loop3A_856 = arith.index_cast %parallel_loop3A_692 : i32 to index
      %parallel_loop3A_857 = arith.constant 112 : index
      %parallel_loop3A_858 = tpu.vector_load %arg7[%parallel_loop3A_855, %parallel_loop3A_856, %parallel_loop3A_857] {strides = array<i32>} : memref<2x64x128xf32, #tpu.memory_space<vmem>>, vector<1x1x16xf32>,
      %parallel_loop3A_859 = vector.shape_cast %parallel_loop3A_858 : vector<1x1x16xf32> to vector<16xf32>
      %parallel_loop3A_860 = arith.constant 1 : i32
      %parallel_loop3A_861 = arith.index_cast %parallel_loop3A_860 : i32 to index
      %parallel_loop3A_862 = arith.index_cast %parallel_loop3A_692 : i32 to index
      %parallel_loop3A_863 = arith.constant 112 : index
      %parallel_loop3A_864 = tpu.vector_load %arg8[%parallel_loop3A_861, %parallel_loop3A_862, %parallel_loop3A_863] {strides = array<i32>} : memref<2x64x128xf32, #tpu.memory_space<vmem>>, vector<1x1x16xf32>,
      %parallel_loop3A_865 = vector.shape_cast %parallel_loop3A_864 : vector<1x1x16xf32> to vector<16xf32>
      %parallel_loop3A_866 = arith.addf %parallel_loop3A_859, %parallel_loop3A_865 : vector<16xf32>
      %parallel_loop3A_867 = arith.constant 0.000000e+00 : f32
      %parallel_loop3A_868 = vector.broadcast %parallel_loop3A_867 : f32 to vector<16xf32>
      %parallel_loop3A_869 = arith.maximumf %parallel_loop3A_866, %parallel_loop3A_868 : vector<16xf32>
      %parallel_loop3A_870 = arith.constant 1 : i32
      %parallel_loop3A_871 = arith.index_cast %parallel_loop3A_870 : i32 to index
      %parallel_loop3A_872 = arith.index_cast %parallel_loop3A_692 : i32 to index
      %parallel_loop3A_873 = arith.constant 112 : index
      %parallel_loop3A_874 = tpu.vector_load %arg9[%parallel_loop3A_871, %parallel_loop3A_872, %parallel_loop3A_873] {strides = array<i32>} : memref<2x64x128xf32, #tpu.memory_space<vmem>>, vector<1x1x16xf32>,
      %parallel_loop3A_875 = vector.shape_cast %parallel_loop3A_874 : vector<1x1x16xf32> to vector<16xf32>
      %parallel_loop3A_876 = vector.shape_cast %parallel_loop3A_869 : vector<16xf32> to vector<1x1x16xf32>
      tpu.vector_store %arg9[%parallel_loop3A_871, %parallel_loop3A_872, %parallel_loop3A_873], %parallel_loop3A_876 {strides = array<i32>} : memref<2x64x128xf32, #tpu.memory_space<vmem>>, vector<1x1x16xf32>,
    } {sc.loop_unroll_factor = 4 : i64, sc.parallel_access}
    %dma_start3A_545 = arith.constant 1 : i32
    %dma_start3A_546 = arith.constant 3 : i32
    %dma_start3A_547 = arith.constant 1 : i32
    %dma_start3A_548 = arith.constant 0 : i32
    %dma_start3A_549 = arith.constant 0 : i32
    %dma_start3A_550 = tpu.memref_slice %arg9[%dma_start3A_545, %dma_start3A_548, %dma_start3A_549] : memref<2x64x128xf32, #tpu.memory_space<vmem>> -> memref<1x64x128xf32, #tpu.memory_space<vmem>>
    %dma_start3A_551 = tpu.memref_squeeze %dma_start3A_550 : memref<1x64x128xf32, #tpu.memory_space<vmem>> -> memref<64x128xf32, #tpu.memory_space<vmem>>
    %dma_start3A_552 = arith.constant 0 : i32
    %dma_start3A_553 = tpu.memref_slice %arg6[%dma_start3A_546, %dma_start3A_547, %dma_start3A_552] : memref<4x2x64xi32, #tpu.memory_space<vmem>> -> memref<1x1x64xi32, #tpu.memory_space<vmem>>
    %dma_start3A_554 = tpu.memref_squeeze %dma_start3A_553 : memref<1x1x64xi32, #tpu.memory_space<vmem>> -> memref<64xi32, #tpu.memory_space<vmem>>
    %dma_start3A_555 = arith.constant 0 : i32
    %dma_start3A_556 = arith.constant 0 : i32
    %dma_start3A_557 = tpu.memref_slice %arg10[%dma_start3A_555, %dma_start3A_556] : memref<10112x128xf32, #tpu.memory_space<vmem_shared>> -> memref<10112x128xf32, #tpu.memory_space<vmem_shared>>
    tpu.enqueue_indirect_dma source(%dma_start3A_551 : memref<64x128xf32, #tpu.memory_space<vmem>>) target(%dma_start3A_557 : memref<10112x128xf32, #tpu.memory_space<vmem_shared>>) offsets(%dma_start3A_554 : memref<64xi32, #tpu.memory_space<vmem>>) semaphore(%arg14 : memref<!tpu.dma_semaphore, #tpu.memory_space<semaphore_mem>>) {add = true}
    %dma_wait3A_558 = arith.constant 0 : i32
    %dma_wait3A_559 = arith.constant 0 : i32
    %dma_wait3A_560 = arith.constant 0 : i32
    %dma_wait3A_561 = arith.constant 0 : i32
    %dma_wait3A_562 = arith.constant 0 : i32
    %dma_wait3A_563 = tpu.memref_slice %arg7[%dma_wait3A_560, %dma_wait3A_561, %dma_wait3A_562] : memref<2x64x128xf32, #tpu.memory_space<vmem>> -> memref<1x64x128xf32, #tpu.memory_space<vmem>>
    %dma_wait3A_564 = tpu.memref_squeeze %dma_wait3A_563 : memref<1x64x128xf32, #tpu.memory_space<vmem>> -> memref<64x128xf32, #tpu.memory_space<vmem>>
    %dma_wait3A_565 = arith.constant 0 : i32
    %dma_wait3A_566 = tpu.memref_slice %arg6[%dma_wait3A_558, %dma_wait3A_559, %dma_wait3A_565] : memref<4x2x64xi32, #tpu.memory_space<vmem>> -> memref<1x1x64xi32, #tpu.memory_space<vmem>>
    %dma_wait3A_567 = tpu.memref_squeeze %dma_wait3A_566 : memref<1x1x64xi32, #tpu.memory_space<vmem>> -> memref<64xi32, #tpu.memory_space<vmem>>
    %dma_wait3A_568 = arith.constant 0 : i32
    %dma_wait3A_569 = arith.constant 0 : i32
    %dma_wait3A_570 = tpu.memref_slice %arg2[%dma_wait3A_568, %dma_wait3A_569] : memref<10112x128xf32, #tpu.memory_space<hbm>> -> memref<10112x128xf32, #tpu.memory_space<hbm>>
    tpu.wait_indirect_dma semaphore(%arg11 : memref<!tpu.dma_semaphore, #tpu.memory_space<semaphore_mem>>) src(%dma_wait3A_570 : memref<10112x128xf32, #tpu.memory_space<hbm>>) dst(%dma_wait3A_564 : memref<64x128xf32, #tpu.memory_space<vmem>>)
    %dma_wait3A_571 = arith.constant 0 : i32
    %dma_wait3A_572 = arith.constant 1 : i32
    %dma_wait3A_573 = arith.constant 0 : i32
    %dma_wait3A_574 = arith.constant 0 : i32
    %dma_wait3A_575 = arith.constant 0 : i32
    %dma_wait3A_576 = tpu.memref_slice %arg8[%dma_wait3A_573, %dma_wait3A_574, %dma_wait3A_575] : memref<2x64x128xf32, #tpu.memory_space<vmem>> -> memref<1x64x128xf32, #tpu.memory_space<vmem>>
    %dma_wait3A_577 = tpu.memref_squeeze %dma_wait3A_576 : memref<1x64x128xf32, #tpu.memory_space<vmem>> -> memref<64x128xf32, #tpu.memory_space<vmem>>
    %dma_wait3A_578 = arith.constant 0 : i32
    %dma_wait3A_579 = tpu.memref_slice %arg6[%dma_wait3A_571, %dma_wait3A_572, %dma_wait3A_578] : memref<4x2x64xi32, #tpu.memory_space<vmem>> -> memref<1x1x64xi32, #tpu.memory_space<vmem>>
    %dma_wait3A_580 = tpu.memref_squeeze %dma_wait3A_579 : memref<1x1x64xi32, #tpu.memory_space<vmem>> -> memref<64xi32, #tpu.memory_space<vmem>>
    %dma_wait3A_581 = arith.constant 0 : i32
    %dma_wait3A_582 = arith.constant 0 : i32
    %dma_wait3A_583 = tpu.memref_slice %arg3[%dma_wait3A_581, %dma_wait3A_582] : memref<10112x128xf32, #tpu.memory_space<hbm>> -> memref<10112x128xf32, #tpu.memory_space<hbm>>
    tpu.wait_indirect_dma semaphore(%arg11 : memref<!tpu.dma_semaphore, #tpu.memory_space<semaphore_mem>>) src(%dma_wait3A_583 : memref<10112x128xf32, #tpu.memory_space<hbm>>) dst(%dma_wait3A_577 : memref<64x128xf32, #tpu.memory_space<vmem>>)
    %dma_wait3A_584 = arith.constant 0 : i32
    %dma_wait3A_585 = arith.constant 2 : i32
    %dma_wait3A_586 = arith.constant 1 : i32
    %dma_wait3A_587 = arith.constant 0 : i32
    %dma_wait3A_588 = arith.constant 0 : i32
    %dma_wait3A_589 = tpu.memref_slice %arg9[%dma_wait3A_584, %dma_wait3A_587, %dma_wait3A_588] : memref<2x64x128xf32, #tpu.memory_space<vmem>> -> memref<1x64x128xf32, #tpu.memory_space<vmem>>
    %dma_wait3A_590 = tpu.memref_squeeze %dma_wait3A_589 : memref<1x64x128xf32, #tpu.memory_space<vmem>> -> memref<64x128xf32, #tpu.memory_space<vmem>>
    %dma_wait3A_591 = arith.constant 0 : i32
    %dma_wait3A_592 = tpu.memref_slice %arg6[%dma_wait3A_585, %dma_wait3A_586, %dma_wait3A_591] : memref<4x2x64xi32, #tpu.memory_space<vmem>> -> memref<1x1x64xi32, #tpu.memory_space<vmem>>
    %dma_wait3A_593 = tpu.memref_squeeze %dma_wait3A_592 : memref<1x1x64xi32, #tpu.memory_space<vmem>> -> memref<64xi32, #tpu.memory_space<vmem>>
    %dma_wait3A_594 = arith.constant 0 : i32
    %dma_wait3A_595 = arith.constant 0 : i32
    %dma_wait3A_596 = tpu.memref_slice %arg10[%dma_wait3A_594, %dma_wait3A_595] : memref<10112x128xf32, #tpu.memory_space<vmem_shared>> -> memref<10112x128xf32, #tpu.memory_space<vmem_shared>>
    tpu.wait_indirect_dma semaphore(%arg13 : memref<!tpu.dma_semaphore, #tpu.memory_space<semaphore_mem>>) src(%dma_wait3A_590 : memref<64x128xf32, #tpu.memory_space<vmem>>) dst(%dma_wait3A_596 : memref<10112x128xf32, #tpu.memory_space<vmem_shared>>)
    %parallel_loop3A_597 = arith.constant 0 : i32
    %parallel_loop3A_598 = arith.constant 64 : i32
    %parallel_loop3A_599 = arith.constant 1 : i32
    scf.for %parallel_loop3A_692 = %parallel_loop3A_597 to %parallel_loop3A_598 step %parallel_loop3A_599  : i32 {
      %parallel_loop3A_693 = arith.constant 0 : i32
      %parallel_loop3A_694 = arith.index_cast %parallel_loop3A_693 : i32 to index
      %parallel_loop3A_695 = arith.index_cast %parallel_loop3A_692 : i32 to index
      %parallel_loop3A_696 = arith.constant 0 : index
      %parallel_loop3A_697 = tpu.vector_load %arg7[%parallel_loop3A_694, %parallel_loop3A_695, %parallel_loop3A_696] {strides = array<i32>} : memref<2x64x128xf32, #tpu.memory_space<vmem>>, vector<1x1x16xf32>,
      %parallel_loop3A_698 = vector.shape_cast %parallel_loop3A_697 : vector<1x1x16xf32> to vector<16xf32>
      %parallel_loop3A_699 = arith.constant 0 : i32
      %parallel_loop3A_700 = arith.index_cast %parallel_loop3A_699 : i32 to index
      %parallel_loop3A_701 = arith.index_cast %parallel_loop3A_692 : i32 to index
      %parallel_loop3A_702 = arith.constant 0 : index
      %parallel_loop3A_703 = tpu.vector_load %arg8[%parallel_loop3A_700, %parallel_loop3A_701, %parallel_loop3A_702] {strides = array<i32>} : memref<2x64x128xf32, #tpu.memory_space<vmem>>, vector<1x1x16xf32>,
      %parallel_loop3A_704 = vector.shape_cast %parallel_loop3A_703 : vector<1x1x16xf32> to vector<16xf32>
      %parallel_loop3A_705 = arith.addf %parallel_loop3A_698, %parallel_loop3A_704 : vector<16xf32>
      %parallel_loop3A_706 = arith.constant 0.000000e+00 : f32
      %parallel_loop3A_707 = vector.broadcast %parallel_loop3A_706 : f32 to vector<16xf32>
      %parallel_loop3A_708 = arith.maximumf %parallel_loop3A_705, %parallel_loop3A_707 : vector<16xf32>
      %parallel_loop3A_709 = arith.constant 0 : i32
      %parallel_loop3A_710 = arith.index_cast %parallel_loop3A_709 : i32 to index
      %parallel_loop3A_711 = arith.index_cast %parallel_loop3A_692 : i32 to index
      %parallel_loop3A_712 = arith.constant 0 : index
      %parallel_loop3A_713 = tpu.vector_load %arg9[%parallel_loop3A_710, %parallel_loop3A_711, %parallel_loop3A_712] {strides = array<i32>} : memref<2x64x128xf32, #tpu.memory_space<vmem>>, vector<1x1x16xf32>,
      %parallel_loop3A_714 = vector.shape_cast %parallel_loop3A_713 : vector<1x1x16xf32> to vector<16xf32>
      %parallel_loop3A_715 = vector.shape_cast %parallel_loop3A_708 : vector<16xf32> to vector<1x1x16xf32>
      tpu.vector_store %arg9[%parallel_loop3A_710, %parallel_loop3A_711, %parallel_loop3A_712], %parallel_loop3A_715 {strides = array<i32>} : memref<2x64x128xf32, #tpu.memory_space<vmem>>, vector<1x1x16xf32>,
      %parallel_loop3A_716 = arith.constant 0 : i32
      %parallel_loop3A_717 = arith.index_cast %parallel_loop3A_716 : i32 to index
      %parallel_loop3A_718 = arith.index_cast %parallel_loop3A_692 : i32 to index
      %parallel_loop3A_719 = arith.constant 16 : index
      %parallel_loop3A_720 = tpu.vector_load %arg7[%parallel_loop3A_717, %parallel_loop3A_718, %parallel_loop3A_719] {strides = array<i32>} : memref<2x64x128xf32, #tpu.memory_space<vmem>>, vector<1x1x16xf32>,
      %parallel_loop3A_721 = vector.shape_cast %parallel_loop3A_720 : vector<1x1x16xf32> to vector<16xf32>
      %parallel_loop3A_722 = arith.constant 0 : i32
      %parallel_loop3A_723 = arith.index_cast %parallel_loop3A_722 : i32 to index
      %parallel_loop3A_724 = arith.index_cast %parallel_loop3A_692 : i32 to index
      %parallel_loop3A_725 = arith.constant 16 : index
      %parallel_loop3A_726 = tpu.vector_load %arg8[%parallel_loop3A_723, %parallel_loop3A_724, %parallel_loop3A_725] {strides = array<i32>} : memref<2x64x128xf32, #tpu.memory_space<vmem>>, vector<1x1x16xf32>,
      %parallel_loop3A_727 = vector.shape_cast %parallel_loop3A_726 : vector<1x1x16xf32> to vector<16xf32>
      %parallel_loop3A_728 = arith.addf %parallel_loop3A_721, %parallel_loop3A_727 : vector<16xf32>
      %parallel_loop3A_729 = arith.constant 0.000000e+00 : f32
      %parallel_loop3A_730 = vector.broadcast %parallel_loop3A_729 : f32 to vector<16xf32>
      %parallel_loop3A_731 = arith.maximumf %parallel_loop3A_728, %parallel_loop3A_730 : vector<16xf32>
      %parallel_loop3A_732 = arith.constant 0 : i32
      %parallel_loop3A_733 = arith.index_cast %parallel_loop3A_732 : i32 to index
      %parallel_loop3A_734 = arith.index_cast %parallel_loop3A_692 : i32 to index
      %parallel_loop3A_735 = arith.constant 16 : index
      %parallel_loop3A_736 = tpu.vector_load %arg9[%parallel_loop3A_733, %parallel_loop3A_734, %parallel_loop3A_735] {strides = array<i32>} : memref<2x64x128xf32, #tpu.memory_space<vmem>>, vector<1x1x16xf32>,
      %parallel_loop3A_737 = vector.shape_cast %parallel_loop3A_736 : vector<1x1x16xf32> to vector<16xf32>
      %parallel_loop3A_738 = vector.shape_cast %parallel_loop3A_731 : vector<16xf32> to vector<1x1x16xf32>
      tpu.vector_store %arg9[%parallel_loop3A_733, %parallel_loop3A_734, %parallel_loop3A_735], %parallel_loop3A_738 {strides = array<i32>} : memref<2x64x128xf32, #tpu.memory_space<vmem>>, vector<1x1x16xf32>,
      %parallel_loop3A_739 = arith.constant 0 : i32
      %parallel_loop3A_740 = arith.index_cast %parallel_loop3A_739 : i32 to index
      %parallel_loop3A_741 = arith.index_cast %parallel_loop3A_692 : i32 to index
      %parallel_loop3A_742 = arith.constant 32 : index
      %parallel_loop3A_743 = tpu.vector_load %arg7[%parallel_loop3A_740, %parallel_loop3A_741, %parallel_loop3A_742] {strides = array<i32>} : memref<2x64x128xf32, #tpu.memory_space<vmem>>, vector<1x1x16xf32>,
      %parallel_loop3A_744 = vector.shape_cast %parallel_loop3A_743 : vector<1x1x16xf32> to vector<16xf32>
      %parallel_loop3A_745 = arith.constant 0 : i32
      %parallel_loop3A_746 = arith.index_cast %parallel_loop3A_745 : i32 to index
      %parallel_loop3A_747 = arith.index_cast %parallel_loop3A_692 : i32 to index
      %parallel_loop3A_748 = arith.constant 32 : index
      %parallel_loop3A_749 = tpu.vector_load %arg8[%parallel_loop3A_746, %parallel_loop3A_747, %parallel_loop3A_748] {strides = array<i32>} : memref<2x64x128xf32, #tpu.memory_space<vmem>>, vector<1x1x16xf32>,
      %parallel_loop3A_750 = vector.shape_cast %parallel_loop3A_749 : vector<1x1x16xf32> to vector<16xf32>
      %parallel_loop3A_751 = arith.addf %parallel_loop3A_744, %parallel_loop3A_750 : vector<16xf32>
      %parallel_loop3A_752 = arith.constant 0.000000e+00 : f32
      %parallel_loop3A_753 = vector.broadcast %parallel_loop3A_752 : f32 to vector<16xf32>
      %parallel_loop3A_754 = arith.maximumf %parallel_loop3A_751, %parallel_loop3A_753 : vector<16xf32>
      %parallel_loop3A_755 = arith.constant 0 : i32
      %parallel_loop3A_756 = arith.index_cast %parallel_loop3A_755 : i32 to index
      %parallel_loop3A_757 = arith.index_cast %parallel_loop3A_692 : i32 to index
      %parallel_loop3A_758 = arith.constant 32 : index
      %parallel_loop3A_759 = tpu.vector_load %arg9[%parallel_loop3A_756, %parallel_loop3A_757, %parallel_loop3A_758] {strides = array<i32>} : memref<2x64x128xf32, #tpu.memory_space<vmem>>, vector<1x1x16xf32>,
      %parallel_loop3A_760 = vector.shape_cast %parallel_loop3A_759 : vector<1x1x16xf32> to vector<16xf32>
      %parallel_loop3A_761 = vector.shape_cast %parallel_loop3A_754 : vector<16xf32> to vector<1x1x16xf32>
      tpu.vector_store %arg9[%parallel_loop3A_756, %parallel_loop3A_757, %parallel_loop3A_758], %parallel_loop3A_761 {strides = array<i32>} : memref<2x64x128xf32, #tpu.memory_space<vmem>>, vector<1x1x16xf32>,
      %parallel_loop3A_762 = arith.constant 0 : i32
      %parallel_loop3A_763 = arith.index_cast %parallel_loop3A_762 : i32 to index
      %parallel_loop3A_764 = arith.index_cast %parallel_loop3A_692 : i32 to index
      %parallel_loop3A_765 = arith.constant 48 : index
      %parallel_loop3A_766 = tpu.vector_load %arg7[%parallel_loop3A_763, %parallel_loop3A_764, %parallel_loop3A_765] {strides = array<i32>} : memref<2x64x128xf32, #tpu.memory_space<vmem>>, vector<1x1x16xf32>,
      %parallel_loop3A_767 = vector.shape_cast %parallel_loop3A_766 : vector<1x1x16xf32> to vector<16xf32>
      %parallel_loop3A_768 = arith.constant 0 : i32
      %parallel_loop3A_769 = arith.index_cast %parallel_loop3A_768 : i32 to index
      %parallel_loop3A_770 = arith.index_cast %parallel_loop3A_692 : i32 to index
      %parallel_loop3A_771 = arith.constant 48 : index
      %parallel_loop3A_772 = tpu.vector_load %arg8[%parallel_loop3A_769, %parallel_loop3A_770, %parallel_loop3A_771] {strides = array<i32>} : memref<2x64x128xf32, #tpu.memory_space<vmem>>, vector<1x1x16xf32>,
      %parallel_loop3A_773 = vector.shape_cast %parallel_loop3A_772 : vector<1x1x16xf32> to vector<16xf32>
      %parallel_loop3A_774 = arith.addf %parallel_loop3A_767, %parallel_loop3A_773 : vector<16xf32>
      %parallel_loop3A_775 = arith.constant 0.000000e+00 : f32
      %parallel_loop3A_776 = vector.broadcast %parallel_loop3A_775 : f32 to vector<16xf32>
      %parallel_loop3A_777 = arith.maximumf %parallel_loop3A_774, %parallel_loop3A_776 : vector<16xf32>
      %parallel_loop3A_778 = arith.constant 0 : i32
      %parallel_loop3A_779 = arith.index_cast %parallel_loop3A_778 : i32 to index
      %parallel_loop3A_780 = arith.index_cast %parallel_loop3A_692 : i32 to index
      %parallel_loop3A_781 = arith.constant 48 : index
      %parallel_loop3A_782 = tpu.vector_load %arg9[%parallel_loop3A_779, %parallel_loop3A_780, %parallel_loop3A_781] {strides = array<i32>} : memref<2x64x128xf32, #tpu.memory_space<vmem>>, vector<1x1x16xf32>,
      %parallel_loop3A_783 = vector.shape_cast %parallel_loop3A_782 : vector<1x1x16xf32> to vector<16xf32>
      %parallel_loop3A_784 = vector.shape_cast %parallel_loop3A_777 : vector<16xf32> to vector<1x1x16xf32>
      tpu.vector_store %arg9[%parallel_loop3A_779, %parallel_loop3A_780, %parallel_loop3A_781], %parallel_loop3A_784 {strides = array<i32>} : memref<2x64x128xf32, #tpu.memory_space<vmem>>, vector<1x1x16xf32>,
      %parallel_loop3A_785 = arith.constant 0 : i32
      %parallel_loop3A_786 = arith.index_cast %parallel_loop3A_785 : i32 to index
      %parallel_loop3A_787 = arith.index_cast %parallel_loop3A_692 : i32 to index
      %parallel_loop3A_788 = arith.constant 64 : index
      %parallel_loop3A_789 = tpu.vector_load %arg7[%parallel_loop3A_786, %parallel_loop3A_787, %parallel_loop3A_788] {strides = array<i32>} : memref<2x64x128xf32, #tpu.memory_space<vmem>>, vector<1x1x16xf32>,
      %parallel_loop3A_790 = vector.shape_cast %parallel_loop3A_789 : vector<1x1x16xf32> to vector<16xf32>
      %parallel_loop3A_791 = arith.constant 0 : i32
      %parallel_loop3A_792 = arith.index_cast %parallel_loop3A_791 : i32 to index
      %parallel_loop3A_793 = arith.index_cast %parallel_loop3A_692 : i32 to index
      %parallel_loop3A_794 = arith.constant 64 : index
      %parallel_loop3A_795 = tpu.vector_load %arg8[%parallel_loop3A_792, %parallel_loop3A_793, %parallel_loop3A_794] {strides = array<i32>} : memref<2x64x128xf32, #tpu.memory_space<vmem>>, vector<1x1x16xf32>,
      %parallel_loop3A_796 = vector.shape_cast %parallel_loop3A_795 : vector<1x1x16xf32> to vector<16xf32>
      %parallel_loop3A_797 = arith.addf %parallel_loop3A_790, %parallel_loop3A_796 : vector<16xf32>
      %parallel_loop3A_798 = arith.constant 0.000000e+00 : f32
      %parallel_loop3A_799 = vector.broadcast %parallel_loop3A_798 : f32 to vector<16xf32>
      %parallel_loop3A_800 = arith.maximumf %parallel_loop3A_797, %parallel_loop3A_799 : vector<16xf32>
      %parallel_loop3A_801 = arith.constant 0 : i32
      %parallel_loop3A_802 = arith.index_cast %parallel_loop3A_801 : i32 to index
      %parallel_loop3A_803 = arith.index_cast %parallel_loop3A_692 : i32 to index
      %parallel_loop3A_804 = arith.constant 64 : index
      %parallel_loop3A_805 = tpu.vector_load %arg9[%parallel_loop3A_802, %parallel_loop3A_803, %parallel_loop3A_804] {strides = array<i32>} : memref<2x64x128xf32, #tpu.memory_space<vmem>>, vector<1x1x16xf32>,
      %parallel_loop3A_806 = vector.shape_cast %parallel_loop3A_805 : vector<1x1x16xf32> to vector<16xf32>
      %parallel_loop3A_807 = vector.shape_cast %parallel_loop3A_800 : vector<16xf32> to vector<1x1x16xf32>
      tpu.vector_store %arg9[%parallel_loop3A_802, %parallel_loop3A_803, %parallel_loop3A_804], %parallel_loop3A_807 {strides = array<i32>} : memref<2x64x128xf32, #tpu.memory_space<vmem>>, vector<1x1x16xf32>,
      %parallel_loop3A_808 = arith.constant 0 : i32
      %parallel_loop3A_809 = arith.index_cast %parallel_loop3A_808 : i32 to index
      %parallel_loop3A_810 = arith.index_cast %parallel_loop3A_692 : i32 to index
      %parallel_loop3A_811 = arith.constant 80 : index
      %parallel_loop3A_812 = tpu.vector_load %arg7[%parallel_loop3A_809, %parallel_loop3A_810, %parallel_loop3A_811] {strides = array<i32>} : memref<2x64x128xf32, #tpu.memory_space<vmem>>, vector<1x1x16xf32>,
      %parallel_loop3A_813 = vector.shape_cast %parallel_loop3A_812 : vector<1x1x16xf32> to vector<16xf32>
      %parallel_loop3A_814 = arith.constant 0 : i32
      %parallel_loop3A_815 = arith.index_cast %parallel_loop3A_814 : i32 to index
      %parallel_loop3A_816 = arith.index_cast %parallel_loop3A_692 : i32 to index
      %parallel_loop3A_817 = arith.constant 80 : index
      %parallel_loop3A_818 = tpu.vector_load %arg8[%parallel_loop3A_815, %parallel_loop3A_816, %parallel_loop3A_817] {strides = array<i32>} : memref<2x64x128xf32, #tpu.memory_space<vmem>>, vector<1x1x16xf32>,
      %parallel_loop3A_819 = vector.shape_cast %parallel_loop3A_818 : vector<1x1x16xf32> to vector<16xf32>
      %parallel_loop3A_820 = arith.addf %parallel_loop3A_813, %parallel_loop3A_819 : vector<16xf32>
      %parallel_loop3A_821 = arith.constant 0.000000e+00 : f32
      %parallel_loop3A_822 = vector.broadcast %parallel_loop3A_821 : f32 to vector<16xf32>
      %parallel_loop3A_823 = arith.maximumf %parallel_loop3A_820, %parallel_loop3A_822 : vector<16xf32>
      %parallel_loop3A_824 = arith.constant 0 : i32
      %parallel_loop3A_825 = arith.index_cast %parallel_loop3A_824 : i32 to index
      %parallel_loop3A_826 = arith.index_cast %parallel_loop3A_692 : i32 to index
      %parallel_loop3A_827 = arith.constant 80 : index
      %parallel_loop3A_828 = tpu.vector_load %arg9[%parallel_loop3A_825, %parallel_loop3A_826, %parallel_loop3A_827] {strides = array<i32>} : memref<2x64x128xf32, #tpu.memory_space<vmem>>, vector<1x1x16xf32>,
      %parallel_loop3A_829 = vector.shape_cast %parallel_loop3A_828 : vector<1x1x16xf32> to vector<16xf32>
      %parallel_loop3A_830 = vector.shape_cast %parallel_loop3A_823 : vector<16xf32> to vector<1x1x16xf32>
      tpu.vector_store %arg9[%parallel_loop3A_825, %parallel_loop3A_826, %parallel_loop3A_827], %parallel_loop3A_830 {strides = array<i32>} : memref<2x64x128xf32, #tpu.memory_space<vmem>>, vector<1x1x16xf32>,
      %parallel_loop3A_831 = arith.constant 0 : i32
      %parallel_loop3A_832 = arith.index_cast %parallel_loop3A_831 : i32 to index
      %parallel_loop3A_833 = arith.index_cast %parallel_loop3A_692 : i32 to index
      %parallel_loop3A_834 = arith.constant 96 : index
      %parallel_loop3A_835 = tpu.vector_load %arg7[%parallel_loop3A_832, %parallel_loop3A_833, %parallel_loop3A_834] {strides = array<i32>} : memref<2x64x128xf32, #tpu.memory_space<vmem>>, vector<1x1x16xf32>,
      %parallel_loop3A_836 = vector.shape_cast %parallel_loop3A_835 : vector<1x1x16xf32> to vector<16xf32>
      %parallel_loop3A_837 = arith.constant 0 : i32
      %parallel_loop3A_838 = arith.index_cast %parallel_loop3A_837 : i32 to index
      %parallel_loop3A_839 = arith.index_cast %parallel_loop3A_692 : i32 to index
      %parallel_loop3A_840 = arith.constant 96 : index
      %parallel_loop3A_841 = tpu.vector_load %arg8[%parallel_loop3A_838, %parallel_loop3A_839, %parallel_loop3A_840] {strides = array<i32>} : memref<2x64x128xf32, #tpu.memory_space<vmem>>, vector<1x1x16xf32>,
      %parallel_loop3A_842 = vector.shape_cast %parallel_loop3A_841 : vector<1x1x16xf32> to vector<16xf32>
      %parallel_loop3A_843 = arith.addf %parallel_loop3A_836, %parallel_loop3A_842 : vector<16xf32>
      %parallel_loop3A_844 = arith.constant 0.000000e+00 : f32
      %parallel_loop3A_845 = vector.broadcast %parallel_loop3A_844 : f32 to vector<16xf32>
      %parallel_loop3A_846 = arith.maximumf %parallel_loop3A_843, %parallel_loop3A_845 : vector<16xf32>
      %parallel_loop3A_847 = arith.constant 0 : i32
      %parallel_loop3A_848 = arith.index_cast %parallel_loop3A_847 : i32 to index
      %parallel_loop3A_849 = arith.index_cast %parallel_loop3A_692 : i32 to index
      %parallel_loop3A_850 = arith.constant 96 : index
      %parallel_loop3A_851 = tpu.vector_load %arg9[%parallel_loop3A_848, %parallel_loop3A_849, %parallel_loop3A_850] {strides = array<i32>} : memref<2x64x128xf32, #tpu.memory_space<vmem>>, vector<1x1x16xf32>,
      %parallel_loop3A_852 = vector.shape_cast %parallel_loop3A_851 : vector<1x1x16xf32> to vector<16xf32>
      %parallel_loop3A_853 = vector.shape_cast %parallel_loop3A_846 : vector<16xf32> to vector<1x1x16xf32>
      tpu.vector_store %arg9[%parallel_loop3A_848, %parallel_loop3A_849, %parallel_loop3A_850], %parallel_loop3A_853 {strides = array<i32>} : memref<2x64x128xf32, #tpu.memory_space<vmem>>, vector<1x1x16xf32>,
      %parallel_loop3A_854 = arith.constant 0 : i32
      %parallel_loop3A_855 = arith.index_cast %parallel_loop3A_854 : i32 to index
      %parallel_loop3A_856 = arith.index_cast %parallel_loop3A_692 : i32 to index
      %parallel_loop3A_857 = arith.constant 112 : index
      %parallel_loop3A_858 = tpu.vector_load %arg7[%parallel_loop3A_855, %parallel_loop3A_856, %parallel_loop3A_857] {strides = array<i32>} : memref<2x64x128xf32, #tpu.memory_space<vmem>>, vector<1x1x16xf32>,
      %parallel_loop3A_859 = vector.shape_cast %parallel_loop3A_858 : vector<1x1x16xf32> to vector<16xf32>
      %parallel_loop3A_860 = arith.constant 0 : i32
      %parallel_loop3A_861 = arith.index_cast %parallel_loop3A_860 : i32 to index
      %parallel_loop3A_862 = arith.index_cast %parallel_loop3A_692 : i32 to index
      %parallel_loop3A_863 = arith.constant 112 : index
      %parallel_loop3A_864 = tpu.vector_load %arg8[%parallel_loop3A_861, %parallel_loop3A_862, %parallel_loop3A_863] {strides = array<i32>} : memref<2x64x128xf32, #tpu.memory_space<vmem>>, vector<1x1x16xf32>,
      %parallel_loop3A_865 = vector.shape_cast %parallel_loop3A_864 : vector<1x1x16xf32> to vector<16xf32>
      %parallel_loop3A_866 = arith.addf %parallel_loop3A_859, %parallel_loop3A_865 : vector<16xf32>
      %parallel_loop3A_867 = arith.constant 0.000000e+00 : f32
      %parallel_loop3A_868 = vector.broadcast %parallel_loop3A_867 : f32 to vector<16xf32>
      %parallel_loop3A_869 = arith.maximumf %parallel_loop3A_866, %parallel_loop3A_868 : vector<16xf32>
      %parallel_loop3A_870 = arith.constant 0 : i32
      %parallel_loop3A_871 = arith.index_cast %parallel_loop3A_870 : i32 to index
      %parallel_loop3A_872 = arith.index_cast %parallel_loop3A_692 : i32 to index
      %parallel_loop3A_873 = arith.constant 112 : index
      %parallel_loop3A_874 = tpu.vector_load %arg9[%parallel_loop3A_871, %parallel_loop3A_872, %parallel_loop3A_873] {strides = array<i32>} : memref<2x64x128xf32, #tpu.memory_space<vmem>>, vector<1x1x16xf32>,
      %parallel_loop3A_875 = vector.shape_cast %parallel_loop3A_874 : vector<1x1x16xf32> to vector<16xf32>
      %parallel_loop3A_876 = vector.shape_cast %parallel_loop3A_869 : vector<16xf32> to vector<1x1x16xf32>
      tpu.vector_store %arg9[%parallel_loop3A_871, %parallel_loop3A_872, %parallel_loop3A_873], %parallel_loop3A_876 {strides = array<i32>} : memref<2x64x128xf32, #tpu.memory_space<vmem>>, vector<1x1x16xf32>,
    } {sc.loop_unroll_factor = 4 : i64, sc.parallel_access}
    %dma_start3A_600 = arith.constant 0 : i32
    %dma_start3A_601 = arith.constant 0 : i32
    %dma_start3A_602 = arith.constant 1 : i32
    %dma_start3A_603 = arith.constant 0 : i32
    %dma_start3A_604 = arith.constant 0 : i32
    %dma_start3A_605 = tpu.memref_slice %arg9[%dma_start3A_600, %dma_start3A_603, %dma_start3A_604] : memref<2x64x128xf32, #tpu.memory_space<vmem>> -> memref<1x64x128xf32, #tpu.memory_space<vmem>>
    %dma_start3A_606 = tpu.memref_squeeze %dma_start3A_605 : memref<1x64x128xf32, #tpu.memory_space<vmem>> -> memref<64x128xf32, #tpu.memory_space<vmem>>
    %dma_start3A_607 = arith.constant 0 : i32
    %dma_start3A_608 = tpu.memref_slice %arg6[%dma_start3A_601, %dma_start3A_602, %dma_start3A_607] : memref<4x2x64xi32, #tpu.memory_space<vmem>> -> memref<1x1x64xi32, #tpu.memory_space<vmem>>
    %dma_start3A_609 = tpu.memref_squeeze %dma_start3A_608 : memref<1x1x64xi32, #tpu.memory_space<vmem>> -> memref<64xi32, #tpu.memory_space<vmem>>
    %dma_start3A_610 = arith.constant 0 : i32
    %dma_start3A_611 = arith.constant 0 : i32
    %dma_start3A_612 = tpu.memref_slice %arg10[%dma_start3A_610, %dma_start3A_611] : memref<10112x128xf32, #tpu.memory_space<vmem_shared>> -> memref<10112x128xf32, #tpu.memory_space<vmem_shared>>
    tpu.enqueue_indirect_dma source(%dma_start3A_606 : memref<64x128xf32, #tpu.memory_space<vmem>>) target(%dma_start3A_612 : memref<10112x128xf32, #tpu.memory_space<vmem_shared>>) offsets(%dma_start3A_609 : memref<64xi32, #tpu.memory_space<vmem>>) semaphore(%arg13 : memref<!tpu.dma_semaphore, #tpu.memory_space<semaphore_mem>>) {add = true}
    %dma_wait3A_613 = arith.constant 1 : i32
    %dma_wait3A_614 = arith.constant 3 : i32
    %dma_wait3A_615 = arith.constant 1 : i32
    %dma_wait3A_616 = arith.constant 0 : i32
    %dma_wait3A_617 = arith.constant 0 : i32
    %dma_wait3A_618 = tpu.memref_slice %arg9[%dma_wait3A_613, %dma_wait3A_616, %dma_wait3A_617] : memref<2x64x128xf32, #tpu.memory_space<vmem>> -> memref<1x64x128xf32, #tpu.memory_space<vmem>>
    %dma_wait3A_619 = tpu.memref_squeeze %dma_wait3A_618 : memref<1x64x128xf32, #tpu.memory_space<vmem>> -> memref<64x128xf32, #tpu.memory_space<vmem>>
    %dma_wait3A_620 = arith.constant 0 : i32
    %dma_wait3A_621 = tpu.memref_slice %arg6[%dma_wait3A_614, %dma_wait3A_615, %dma_wait3A_620] : memref<4x2x64xi32, #tpu.memory_space<vmem>> -> memref<1x1x64xi32, #tpu.memory_space<vmem>>
    %dma_wait3A_622 = tpu.memref_squeeze %dma_wait3A_621 : memref<1x1x64xi32, #tpu.memory_space<vmem>> -> memref<64xi32, #tpu.memory_space<vmem>>
    %dma_wait3A_623 = arith.constant 0 : i32
    %dma_wait3A_624 = arith.constant 0 : i32
    %dma_wait3A_625 = tpu.memref_slice %arg10[%dma_wait3A_623, %dma_wait3A_624] : memref<10112x128xf32, #tpu.memory_space<vmem_shared>> -> memref<10112x128xf32, #tpu.memory_space<vmem_shared>>
    tpu.wait_indirect_dma semaphore(%arg14 : memref<!tpu.dma_semaphore, #tpu.memory_space<semaphore_mem>>) src(%dma_wait3A_619 : memref<64x128xf32, #tpu.memory_space<vmem>>) dst(%dma_wait3A_625 : memref<10112x128xf32, #tpu.memory_space<vmem_shared>>)
    %dma_wait3A_626 = arith.constant 0 : i32
    %dma_wait3A_627 = arith.constant 0 : i32
    %dma_wait3A_628 = arith.constant 1 : i32
    %dma_wait3A_629 = arith.constant 0 : i32
    %dma_wait3A_630 = arith.constant 0 : i32
    %dma_wait3A_631 = tpu.memref_slice %arg9[%dma_wait3A_626, %dma_wait3A_629, %dma_wait3A_630] : memref<2x64x128xf32, #tpu.memory_space<vmem>> -> memref<1x64x128xf32, #tpu.memory_space<vmem>>
    %dma_wait3A_632 = tpu.memref_squeeze %dma_wait3A_631 : memref<1x64x128xf32, #tpu.memory_space<vmem>> -> memref<64x128xf32, #tpu.memory_space<vmem>>
    %dma_wait3A_633 = arith.constant 0 : i32
    %dma_wait3A_634 = tpu.memref_slice %arg6[%dma_wait3A_627, %dma_wait3A_628, %dma_wait3A_633] : memref<4x2x64xi32, #tpu.memory_space<vmem>> -> memref<1x1x64xi32, #tpu.memory_space<vmem>>
    %dma_wait3A_635 = tpu.memref_squeeze %dma_wait3A_634 : memref<1x1x64xi32, #tpu.memory_space<vmem>> -> memref<64xi32, #tpu.memory_space<vmem>>
    %dma_wait3A_636 = arith.constant 0 : i32
    %dma_wait3A_637 = arith.constant 0 : i32
    %dma_wait3A_638 = tpu.memref_slice %arg10[%dma_wait3A_636, %dma_wait3A_637] : memref<10112x128xf32, #tpu.memory_space<vmem_shared>> -> memref<10112x128xf32, #tpu.memory_space<vmem_shared>>
    tpu.wait_indirect_dma semaphore(%arg13 : memref<!tpu.dma_semaphore, #tpu.memory_space<semaphore_mem>>) src(%dma_wait3A_632 : memref<64x128xf32, #tpu.memory_space<vmem>>) dst(%dma_wait3A_638 : memref<10112x128xf32, #tpu.memory_space<vmem_shared>>)
    %barrier3A_639 = arith.constant 0 : index
    tpu.barrier barrier_id(%barrier3A_639)
    %add3A_640 = arith.constant 0 : i32
    %add3A_641 = arith.addi %mul3A_6, %add3A_640 : i32
    %mul3A_642 = arith.constant 10112 : i32
    %mul3A_643 = arith.muli %arg0, %mul3A_642 : i32
    %add3A_644 = arith.addi %mul3A_643, %add3A_641 : i32
    "tpu.region"() ({
      %run_scoped3A_692 = tpu.sem_alloc : memref<!tpu.dma_semaphore, #tpu.memory_space<semaphore_mem>>
      %dma_start3A_693 = arith.constant 0 : i32
      %dma_start3A_694 = tpu.memref_slice %arg5[%add3A_644, %dma_start3A_693] : memref<20224x128xf32, #tpu.memory_space<hbm>> -> memref<64x128xf32, #tpu.memory_space<hbm>>
      %dma_start3A_695 = arith.constant 0 : i32
      %dma_start3A_696 = tpu.memref_slice %arg10[%add3A_641, %dma_start3A_695] : memref<10112x128xf32, #tpu.memory_space<vmem_shared>> -> memref<64x128xf32, #tpu.memory_space<vmem_shared>>
      tpu.enqueue_dma source(%dma_start3A_696 : memref<64x128xf32, #tpu.memory_space<vmem_shared>>) target(%dma_start3A_694 : memref<64x128xf32, #tpu.memory_space<hbm>>) target_semaphore(%run_scoped3A_692 : memref<!tpu.dma_semaphore, #tpu.memory_space<semaphore_mem>>)
      %dma_wait3A_697 = arith.constant 0 : i32
      %dma_wait3A_698 = tpu.memref_slice %arg5[%add3A_644, %dma_wait3A_697] : memref<20224x128xf32, #tpu.memory_space<hbm>> -> memref<64x128xf32, #tpu.memory_space<hbm>>
      %dma_wait3A_699 = arith.constant 0 : i32
      %dma_wait3A_700 = tpu.memref_slice %arg10[%add3A_641, %dma_wait3A_699] : memref<10112x128xf32, #tpu.memory_space<vmem_shared>> -> memref<64x128xf32, #tpu.memory_space<vmem_shared>>
      tpu.wait_dma2 semaphore(%run_scoped3A_692 : memref<!tpu.dma_semaphore, #tpu.memory_space<semaphore_mem>>) src(%dma_wait3A_700 : memref<64x128xf32, #tpu.memory_space<vmem_shared>>) dst(%dma_wait3A_698 : memref<64x128xf32, #tpu.memory_space<hbm>>)
      tpu.yield
    }) : () -> ()
    %add3A_645 = arith.constant 64 : i32
    %add3A_646 = arith.addi %mul3A_6, %add3A_645 : i32
    %mul3A_647 = arith.constant 10112 : i32
    %mul3A_648 = arith.muli %arg0, %mul3A_647 : i32
    %add3A_649 = arith.addi %mul3A_648, %add3A_646 : i32
    "tpu.region"() ({
      %run_scoped3A_692 = tpu.sem_alloc : memref<!tpu.dma_semaphore, #tpu.memory_space<semaphore_mem>>
      %dma_start3A_693 = arith.constant 0 : i32
      %dma_start3A_694 = tpu.memref_slice %arg5[%add3A_649, %dma_start3A_693] : memref<20224x128xf32, #tpu.memory_space<hbm>> -> memref<64x128xf32, #tpu.memory_space<hbm>>
      %dma_start3A_695 = arith.constant 0 : i32
      %dma_start3A_696 = tpu.memref_slice %arg10[%add3A_646, %dma_start3A_695] : memref<10112x128xf32, #tpu.memory_space<vmem_shared>> -> memref<64x128xf32, #tpu.memory_space<vmem_shared>>
      tpu.enqueue_dma source(%dma_start3A_696 : memref<64x128xf32, #tpu.memory_space<vmem_shared>>) target(%dma_start3A_694 : memref<64x128xf32, #tpu.memory_space<hbm>>) target_semaphore(%run_scoped3A_692 : memref<!tpu.dma_semaphore, #tpu.memory_space<semaphore_mem>>)
      %dma_wait3A_697 = arith.constant 0 : i32
      %dma_wait3A_698 = tpu.memref_slice %arg5[%add3A_649, %dma_wait3A_697] : memref<20224x128xf32, #tpu.memory_space<hbm>> -> memref<64x128xf32, #tpu.memory_space<hbm>>
      %dma_wait3A_699 = arith.constant 0 : i32
      %dma_wait3A_700 = tpu.memref_slice %arg10[%add3A_646, %dma_wait3A_699] : memref<10112x128xf32, #tpu.memory_space<vmem_shared>> -> memref<64x128xf32, #tpu.memory_space<vmem_shared>>
      tpu.wait_dma2 semaphore(%run_scoped3A_692 : memref<!tpu.dma_semaphore, #tpu.memory_space<semaphore_mem>>) src(%dma_wait3A_700 : memref<64x128xf32, #tpu.memory_space<vmem_shared>>) dst(%dma_wait3A_698 : memref<64x128xf32, #tpu.memory_space<hbm>>)
      tpu.yield
    }) : () -> ()
    %add3A_650 = arith.constant 128 : i32
    %add3A_651 = arith.addi %mul3A_6, %add3A_650 : i32
    %mul3A_652 = arith.constant 10112 : i32
    %mul3A_653 = arith.muli %arg0, %mul3A_652 : i32
    %add3A_654 = arith.addi %mul3A_653, %add3A_651 : i32
    "tpu.region"() ({
      %run_scoped3A_692 = tpu.sem_alloc : memref<!tpu.dma_semaphore, #tpu.memory_space<semaphore_mem>>
      %dma_start3A_693 = arith.constant 0 : i32
      %dma_start3A_694 = tpu.memref_slice %arg5[%add3A_654, %dma_start3A_693] : memref<20224x128xf32, #tpu.memory_space<hbm>> -> memref<64x128xf32, #tpu.memory_space<hbm>>
      %dma_start3A_695 = arith.constant 0 : i32
      %dma_start3A_696 = tpu.memref_slice %arg10[%add3A_651, %dma_start3A_695] : memref<10112x128xf32, #tpu.memory_space<vmem_shared>> -> memref<64x128xf32, #tpu.memory_space<vmem_shared>>
      tpu.enqueue_dma source(%dma_start3A_696 : memref<64x128xf32, #tpu.memory_space<vmem_shared>>) target(%dma_start3A_694 : memref<64x128xf32, #tpu.memory_space<hbm>>) target_semaphore(%run_scoped3A_692 : memref<!tpu.dma_semaphore, #tpu.memory_space<semaphore_mem>>)
      %dma_wait3A_697 = arith.constant 0 : i32
      %dma_wait3A_698 = tpu.memref_slice %arg5[%add3A_654, %dma_wait3A_697] : memref<20224x128xf32, #tpu.memory_space<hbm>> -> memref<64x128xf32, #tpu.memory_space<hbm>>
      %dma_wait3A_699 = arith.constant 0 : i32
      %dma_wait3A_700 = tpu.memref_slice %arg10[%add3A_651, %dma_wait3A_699] : memref<10112x128xf32, #tpu.memory_space<vmem_shared>> -> memref<64x128xf32, #tpu.memory_space<vmem_shared>>
      tpu.wait_dma2 semaphore(%run_scoped3A_692 : memref<!tpu.dma_semaphore, #tpu.memory_space<semaphore_mem>>) src(%dma_wait3A_700 : memref<64x128xf32, #tpu.memory_space<vmem_shared>>) dst(%dma_wait3A_698 : memref<64x128xf32, #tpu.memory_space<hbm>>)
      tpu.yield
    }) : () -> ()
    %add3A_655 = arith.constant 192 : i32
    %add3A_656 = arith.addi %mul3A_6, %add3A_655 : i32
    %mul3A_657 = arith.constant 10112 : i32
    %mul3A_658 = arith.muli %arg0, %mul3A_657 : i32
    %add3A_659 = arith.addi %mul3A_658, %add3A_656 : i32
    "tpu.region"() ({
      %run_scoped3A_692 = tpu.sem_alloc : memref<!tpu.dma_semaphore, #tpu.memory_space<semaphore_mem>>
      %dma_start3A_693 = arith.constant 0 : i32
      %dma_start3A_694 = tpu.memref_slice %arg5[%add3A_659, %dma_start3A_693] : memref<20224x128xf32, #tpu.memory_space<hbm>> -> memref<64x128xf32, #tpu.memory_space<hbm>>
      %dma_start3A_695 = arith.constant 0 : i32
      %dma_start3A_696 = tpu.memref_slice %arg10[%add3A_656, %dma_start3A_695] : memref<10112x128xf32, #tpu.memory_space<vmem_shared>> -> memref<64x128xf32, #tpu.memory_space<vmem_shared>>
      tpu.enqueue_dma source(%dma_start3A_696 : memref<64x128xf32, #tpu.memory_space<vmem_shared>>) target(%dma_start3A_694 : memref<64x128xf32, #tpu.memory_space<hbm>>) target_semaphore(%run_scoped3A_692 : memref<!tpu.dma_semaphore, #tpu.memory_space<semaphore_mem>>)
      %dma_wait3A_697 = arith.constant 0 : i32
      %dma_wait3A_698 = tpu.memref_slice %arg5[%add3A_659, %dma_wait3A_697] : memref<20224x128xf32, #tpu.memory_space<hbm>> -> memref<64x128xf32, #tpu.memory_space<hbm>>
      %dma_wait3A_699 = arith.constant 0 : i32
      %dma_wait3A_700 = tpu.memref_slice %arg10[%add3A_656, %dma_wait3A_699] : memref<10112x128xf32, #tpu.memory_space<vmem_shared>> -> memref<64x128xf32, #tpu.memory_space<vmem_shared>>
      tpu.wait_dma2 semaphore(%run_scoped3A_692 : memref<!tpu.dma_semaphore, #tpu.memory_space<semaphore_mem>>) src(%dma_wait3A_700 : memref<64x128xf32, #tpu.memory_space<vmem_shared>>) dst(%dma_wait3A_698 : memref<64x128xf32, #tpu.memory_space<hbm>>)
      tpu.yield
    }) : () -> ()
    %add3A_660 = arith.constant 256 : i32
    %add3A_661 = arith.addi %mul3A_6, %add3A_660 : i32
    %mul3A_662 = arith.constant 10112 : i32
    %mul3A_663 = arith.muli %arg0, %mul3A_662 : i32
    %add3A_664 = arith.addi %mul3A_663, %add3A_661 : i32
    "tpu.region"() ({
      %run_scoped3A_692 = tpu.sem_alloc : memref<!tpu.dma_semaphore, #tpu.memory_space<semaphore_mem>>
      %dma_start3A_693 = arith.constant 0 : i32
      %dma_start3A_694 = tpu.memref_slice %arg5[%add3A_664, %dma_start3A_693] : memref<20224x128xf32, #tpu.memory_space<hbm>> -> memref<64x128xf32, #tpu.memory_space<hbm>>
      %dma_start3A_695 = arith.constant 0 : i32
      %dma_start3A_696 = tpu.memref_slice %arg10[%add3A_661, %dma_start3A_695] : memref<10112x128xf32, #tpu.memory_space<vmem_shared>> -> memref<64x128xf32, #tpu.memory_space<vmem_shared>>
      tpu.enqueue_dma source(%dma_start3A_696 : memref<64x128xf32, #tpu.memory_space<vmem_shared>>) target(%dma_start3A_694 : memref<64x128xf32, #tpu.memory_space<hbm>>) target_semaphore(%run_scoped3A_692 : memref<!tpu.dma_semaphore, #tpu.memory_space<semaphore_mem>>)
      %dma_wait3A_697 = arith.constant 0 : i32
      %dma_wait3A_698 = tpu.memref_slice %arg5[%add3A_664, %dma_wait3A_697] : memref<20224x128xf32, #tpu.memory_space<hbm>> -> memref<64x128xf32, #tpu.memory_space<hbm>>
      %dma_wait3A_699 = arith.constant 0 : i32
      %dma_wait3A_700 = tpu.memref_slice %arg10[%add3A_661, %dma_wait3A_699] : memref<10112x128xf32, #tpu.memory_space<vmem_shared>> -> memref<64x128xf32, #tpu.memory_space<vmem_shared>>
      tpu.wait_dma2 semaphore(%run_scoped3A_692 : memref<!tpu.dma_semaphore, #tpu.memory_space<semaphore_mem>>) src(%dma_wait3A_700 : memref<64x128xf32, #tpu.memory_space<vmem_shared>>) dst(%dma_wait3A_698 : memref<64x128xf32, #tpu.memory_space<hbm>>)
      tpu.yield
    }) : () -> ()
    %add3A_665 = arith.constant 320 : i32
    %add3A_666 = arith.addi %mul3A_6, %add3A_665 : i32
    %mul3A_667 = arith.constant 10112 : i32
    %mul3A_668 = arith.muli %arg0, %mul3A_667 : i32
    %add3A_669 = arith.addi %mul3A_668, %add3A_666 : i32
    "tpu.region"() ({
      %run_scoped3A_692 = tpu.sem_alloc : memref<!tpu.dma_semaphore, #tpu.memory_space<semaphore_mem>>
      %dma_start3A_693 = arith.constant 0 : i32
      %dma_start3A_694 = tpu.memref_slice %arg5[%add3A_669, %dma_start3A_693] : memref<20224x128xf32, #tpu.memory_space<hbm>> -> memref<64x128xf32, #tpu.memory_space<hbm>>
      %dma_start3A_695 = arith.constant 0 : i32
      %dma_start3A_696 = tpu.memref_slice %arg10[%add3A_666, %dma_start3A_695] : memref<10112x128xf32, #tpu.memory_space<vmem_shared>> -> memref<64x128xf32, #tpu.memory_space<vmem_shared>>
      tpu.enqueue_dma source(%dma_start3A_696 : memref<64x128xf32, #tpu.memory_space<vmem_shared>>) target(%dma_start3A_694 : memref<64x128xf32, #tpu.memory_space<hbm>>) target_semaphore(%run_scoped3A_692 : memref<!tpu.dma_semaphore, #tpu.memory_space<semaphore_mem>>)
      %dma_wait3A_697 = arith.constant 0 : i32
      %dma_wait3A_698 = tpu.memref_slice %arg5[%add3A_669, %dma_wait3A_697] : memref<20224x128xf32, #tpu.memory_space<hbm>> -> memref<64x128xf32, #tpu.memory_space<hbm>>
      %dma_wait3A_699 = arith.constant 0 : i32
      %dma_wait3A_700 = tpu.memref_slice %arg10[%add3A_666, %dma_wait3A_699] : memref<10112x128xf32, #tpu.memory_space<vmem_shared>> -> memref<64x128xf32, #tpu.memory_space<vmem_shared>>
      tpu.wait_dma2 semaphore(%run_scoped3A_692 : memref<!tpu.dma_semaphore, #tpu.memory_space<semaphore_mem>>) src(%dma_wait3A_700 : memref<64x128xf32, #tpu.memory_space<vmem_shared>>) dst(%dma_wait3A_698 : memref<64x128xf32, #tpu.memory_space<hbm>>)
      tpu.yield
    }) : () -> ()
    %add3A_670 = arith.constant 384 : i32
    %add3A_671 = arith.addi %mul3A_6, %add3A_670 : i32
    %mul3A_672 = arith.constant 10112 : i32
    %mul3A_673 = arith.muli %arg0, %mul3A_672 : i32
    %add3A_674 = arith.addi %mul3A_673, %add3A_671 : i32
    "tpu.region"() ({
      %run_scoped3A_692 = tpu.sem_alloc : memref<!tpu.dma_semaphore, #tpu.memory_space<semaphore_mem>>
      %dma_start3A_693 = arith.constant 0 : i32
      %dma_start3A_694 = tpu.memref_slice %arg5[%add3A_674, %dma_start3A_693] : memref<20224x128xf32, #tpu.memory_space<hbm>> -> memref<64x128xf32, #tpu.memory_space<hbm>>
      %dma_start3A_695 = arith.constant 0 : i32
      %dma_start3A_696 = tpu.memref_slice %arg10[%add3A_671, %dma_start3A_695] : memref<10112x128xf32, #tpu.memory_space<vmem_shared>> -> memref<64x128xf32, #tpu.memory_space<vmem_shared>>
      tpu.enqueue_dma source(%dma_start3A_696 : memref<64x128xf32, #tpu.memory_space<vmem_shared>>) target(%dma_start3A_694 : memref<64x128xf32, #tpu.memory_space<hbm>>) target_semaphore(%run_scoped3A_692 : memref<!tpu.dma_semaphore, #tpu.memory_space<semaphore_mem>>)
      %dma_wait3A_697 = arith.constant 0 : i32
      %dma_wait3A_698 = tpu.memref_slice %arg5[%add3A_674, %dma_wait3A_697] : memref<20224x128xf32, #tpu.memory_space<hbm>> -> memref<64x128xf32, #tpu.memory_space<hbm>>
      %dma_wait3A_699 = arith.constant 0 : i32
      %dma_wait3A_700 = tpu.memref_slice %arg10[%add3A_671, %dma_wait3A_699] : memref<10112x128xf32, #tpu.memory_space<vmem_shared>> -> memref<64x128xf32, #tpu.memory_space<vmem_shared>>
      tpu.wait_dma2 semaphore(%run_scoped3A_692 : memref<!tpu.dma_semaphore, #tpu.memory_space<semaphore_mem>>) src(%dma_wait3A_700 : memref<64x128xf32, #tpu.memory_space<vmem_shared>>) dst(%dma_wait3A_698 : memref<64x128xf32, #tpu.memory_space<hbm>>)
      tpu.yield
    }) : () -> ()
    %add3A_675 = arith.constant 448 : i32
    %add3A_676 = arith.addi %mul3A_6, %add3A_675 : i32
    %mul3A_677 = arith.constant 10112 : i32
    %mul3A_678 = arith.muli %arg0, %mul3A_677 : i32
    %add3A_679 = arith.addi %mul3A_678, %add3A_676 : i32
    "tpu.region"() ({
      %run_scoped3A_692 = tpu.sem_alloc : memref<!tpu.dma_semaphore, #tpu.memory_space<semaphore_mem>>
      %dma_start3A_693 = arith.constant 0 : i32
      %dma_start3A_694 = tpu.memref_slice %arg5[%add3A_679, %dma_start3A_693] : memref<20224x128xf32, #tpu.memory_space<hbm>> -> memref<64x128xf32, #tpu.memory_space<hbm>>
      %dma_start3A_695 = arith.constant 0 : i32
      %dma_start3A_696 = tpu.memref_slice %arg10[%add3A_676, %dma_start3A_695] : memref<10112x128xf32, #tpu.memory_space<vmem_shared>> -> memref<64x128xf32, #tpu.memory_space<vmem_shared>>
      tpu.enqueue_dma source(%dma_start3A_696 : memref<64x128xf32, #tpu.memory_space<vmem_shared>>) target(%dma_start3A_694 : memref<64x128xf32, #tpu.memory_space<hbm>>) target_semaphore(%run_scoped3A_692 : memref<!tpu.dma_semaphore, #tpu.memory_space<semaphore_mem>>)
      %dma_wait3A_697 = arith.constant 0 : i32
      %dma_wait3A_698 = tpu.memref_slice %arg5[%add3A_679, %dma_wait3A_697] : memref<20224x128xf32, #tpu.memory_space<hbm>> -> memref<64x128xf32, #tpu.memory_space<hbm>>
      %dma_wait3A_699 = arith.constant 0 : i32
      %dma_wait3A_700 = tpu.memref_slice %arg10[%add3A_676, %dma_wait3A_699] : memref<10112x128xf32, #tpu.memory_space<vmem_shared>> -> memref<64x128xf32, #tpu.memory_space<vmem_shared>>
      tpu.wait_dma2 semaphore(%run_scoped3A_692 : memref<!tpu.dma_semaphore, #tpu.memory_space<semaphore_mem>>) src(%dma_wait3A_700 : memref<64x128xf32, #tpu.memory_space<vmem_shared>>) dst(%dma_wait3A_698 : memref<64x128xf32, #tpu.memory_space<hbm>>)
      tpu.yield
    }) : () -> ()
    %add3A_680 = arith.constant 512 : i32
    %add3A_681 = arith.addi %mul3A_6, %add3A_680 : i32
    %mul3A_682 = arith.constant 10112 : i32
    %mul3A_683 = arith.muli %arg0, %mul3A_682 : i32
    %add3A_684 = arith.addi %mul3A_683, %add3A_681 : i32
    "tpu.region"() ({
      %run_scoped3A_692 = tpu.sem_alloc : memref<!tpu.dma_semaphore, #tpu.memory_space<semaphore_mem>>
      %dma_start3A_693 = arith.constant 0 : i32
      %dma_start3A_694 = tpu.memref_slice %arg5[%add3A_684, %dma_start3A_693] : memref<20224x128xf32, #tpu.memory_space<hbm>> -> memref<64x128xf32, #tpu.memory_space<hbm>>
      %dma_start3A_695 = arith.constant 0 : i32
      %dma_start3A_696 = tpu.memref_slice %arg10[%add3A_681, %dma_start3A_695] : memref<10112x128xf32, #tpu.memory_space<vmem_shared>> -> memref<64x128xf32, #tpu.memory_space<vmem_shared>>
      tpu.enqueue_dma source(%dma_start3A_696 : memref<64x128xf32, #tpu.memory_space<vmem_shared>>) target(%dma_start3A_694 : memref<64x128xf32, #tpu.memory_space<hbm>>) target_semaphore(%run_scoped3A_692 : memref<!tpu.dma_semaphore, #tpu.memory_space<semaphore_mem>>)
      %dma_wait3A_697 = arith.constant 0 : i32
      %dma_wait3A_698 = tpu.memref_slice %arg5[%add3A_684, %dma_wait3A_697] : memref<20224x128xf32, #tpu.memory_space<hbm>> -> memref<64x128xf32, #tpu.memory_space<hbm>>
      %dma_wait3A_699 = arith.constant 0 : i32
      %dma_wait3A_700 = tpu.memref_slice %arg10[%add3A_681, %dma_wait3A_699] : memref<10112x128xf32, #tpu.memory_space<vmem_shared>> -> memref<64x128xf32, #tpu.memory_space<vmem_shared>>
      tpu.wait_dma2 semaphore(%run_scoped3A_692 : memref<!tpu.dma_semaphore, #tpu.memory_space<semaphore_mem>>) src(%dma_wait3A_700 : memref<64x128xf32, #tpu.memory_space<vmem_shared>>) dst(%dma_wait3A_698 : memref<64x128xf32, #tpu.memory_space<hbm>>)
      tpu.yield
    }) : () -> ()
    %add3A_685 = arith.constant 632 : i32
    %add3A_686 = arith.addi %mul3A_6, %add3A_685 : i32
    %sub3A_687 = arith.constant 56 : i32
    %sub3A_688 = arith.subi %add3A_686, %sub3A_687 : i32
    %mul3A_689 = arith.constant 10112 : i32
    %mul3A_690 = arith.muli %arg0, %mul3A_689 : i32
    %add3A_691 = arith.addi %mul3A_690, %sub3A_688 : i32
    "tpu.region"() ({
      %run_scoped3A_692 = tpu.sem_alloc : memref<!tpu.dma_semaphore, #tpu.memory_space<semaphore_mem>>
      %dma_start3A_693 = arith.constant 0 : i32
      %dma_start3A_694 = tpu.memref_slice %arg5[%add3A_691, %dma_start3A_693] : memref<20224x128xf32, #tpu.memory_space<hbm>> -> memref<56x128xf32, #tpu.memory_space<hbm>>
      %dma_start3A_695 = arith.constant 0 : i32
      %dma_start3A_696 = tpu.memref_slice %arg10[%sub3A_688, %dma_start3A_695] : memref<10112x128xf32, #tpu.memory_space<vmem_shared>> -> memref<56x128xf32, #tpu.memory_space<vmem_shared>>
      tpu.enqueue_dma source(%dma_start3A_696 : memref<56x128xf32, #tpu.memory_space<vmem_shared>>) target(%dma_start3A_694 : memref<56x128xf32, #tpu.memory_space<hbm>>) target_semaphore(%run_scoped3A_692 : memref<!tpu.dma_semaphore, #tpu.memory_space<semaphore_mem>>)
      %dma_wait3A_697 = arith.constant 0 : i32
      %dma_wait3A_698 = tpu.memref_slice %arg5[%add3A_691, %dma_wait3A_697] : memref<20224x128xf32, #tpu.memory_space<hbm>> -> memref<56x128xf32, #tpu.memory_space<hbm>>
      %dma_wait3A_699 = arith.constant 0 : i32
      %dma_wait3A_700 = tpu.memref_slice %arg10[%sub3A_688, %dma_wait3A_699] : memref<10112x128xf32, #tpu.memory_space<vmem_shared>> -> memref<56x128xf32, #tpu.memory_space<vmem_shared>>
      tpu.wait_dma2 semaphore(%run_scoped3A_692 : memref<!tpu.dma_semaphore, #tpu.memory_space<semaphore_mem>>) src(%dma_wait3A_700 : memref<56x128xf32, #tpu.memory_space<vmem_shared>>) dst(%dma_wait3A_698 : memref<56x128xf32, #tpu.memory_space<hbm>>)
      tpu.yield
    }) : () -> ()
    return
  }
}

module attributes {stable_mosaic.version = 14 : i64} {
  func.func @_proj_body(%arg0: memref<10112x128xf32, #tpu.memory_space<vmem>>, %arg1: memref<256x128xf32, #tpu.memory_space<vmem>>, %arg2: memref<1x128xf32, #tpu.memory_space<vmem>>, %arg3: memref<10112x128xf32, #tpu.memory_space<vmem>>, %arg4: memref<10112x128xf32, #tpu.memory_space<vmem>>) attributes {dimension_semantics = [], scalar_prefetch = 0 : i64, scratch_operands = 0 : i64, tpu.core_type = #tpu.core_type<tc>} {
    %get3A = arith.constant 0 : index
    %get3A_0 = arith.constant 0 : index
    %get3A_1 = vector.load %arg0[%get3A, %get3A_0] : memref<10112x128xf32, #tpu.memory_space<vmem>>, vector<10112x128xf32>
    %get3A_2 = arith.constant 0 : index
    %get3A_3 = arith.constant 0 : index
    %get3A_4 = vector.load %arg1[%get3A_2, %get3A_3] : memref<256x128xf32, #tpu.memory_space<vmem>>, vector<128x128xf32>
    %dot_general3A = arith.constant dense<0.000000e+00> : vector<10112x128xf32>
    %dot_general3A_5 = tpu.matmul %get3A_1, %get3A_4, %dot_general3A {dimension_numbers = #tpu.dot_dimension_numbers<[1], [0], [0], [1], [0, 0, 1, 1], [], []>, transpose_lhs_hint = false} : vector<10112x128xf32>, vector<128x128xf32>, vector<10112x128xf32> -> vector<10112x128xf32>
    %swap3A = arith.constant 0 : index
    %swap3A_6 = arith.constant 0 : index
    %swap3A_7 = vector.load %arg3[%swap3A, %swap3A_6] : memref<10112x128xf32, #tpu.memory_space<vmem>>, vector<10112x128xf32>
    tpu.vector_store %arg3[%swap3A, %swap3A_6], %dot_general3A_5 {strides = array<i32>} : memref<10112x128xf32, #tpu.memory_space<vmem>>, vector<10112x128xf32>,
    %get3A_8 = arith.constant 128 : index
    %get3A_9 = arith.constant 0 : index
    %get3A_10 = vector.load %arg1[%get3A_8, %get3A_9] : memref<256x128xf32, #tpu.memory_space<vmem>>, vector<128x128xf32>
    %dot_general3A_11 = arith.constant dense<0.000000e+00> : vector<10112x128xf32>
    %dot_general3A_12 = tpu.matmul %get3A_1, %get3A_10, %dot_general3A_11 {dimension_numbers = #tpu.dot_dimension_numbers<[1], [0], [0], [1], [0, 0, 1, 1], [], []>, transpose_lhs_hint = false} : vector<10112x128xf32>, vector<128x128xf32>, vector<10112x128xf32> -> vector<10112x128xf32>
    %get3A_13 = arith.constant 0 : index
    %get3A_14 = arith.constant 0 : index
    %get3A_15 = vector.load %arg2[%get3A_13, %get3A_14] : memref<1x128xf32, #tpu.memory_space<vmem>>, vector<1x128xf32>
    %add3A = vector.broadcast %get3A_15 : vector<1x128xf32> to vector<10112x128xf32>
    %add3A_16 = arith.addf %dot_general3A_12, %add3A : vector<10112x128xf32>
    %swap3A_17 = arith.constant 0 : index
    %swap3A_18 = arith.constant 0 : index
    %swap3A_19 = vector.load %arg4[%swap3A_17, %swap3A_18] : memref<10112x128xf32, #tpu.memory_space<vmem>>, vector<10112x128xf32>
    tpu.vector_store %arg4[%swap3A_17, %swap3A_18], %add3A_16 {strides = array<i32>} : memref<10112x128xf32, #tpu.memory_space<vmem>>, vector<10112x128xf32>,
    return
  }
}

module attributes {stable_mosaic.version = 14 : i64} {
  func.func @_final_body(%arg0: memref<10000x128xf32, #tpu.memory_space<vmem>>, %arg1: memref<20224x128xf32, #tpu.memory_space<vmem>>, %arg2: memref<256x128xf32, #tpu.memory_space<vmem>>, %arg3: memref<1x128xf32, #tpu.memory_space<vmem>>, %arg4: memref<10000x128xf32, #tpu.memory_space<vmem>>) attributes {dimension_semantics = [], scalar_prefetch = 0 : i64, scratch_operands = 0 : i64, tpu.core_type = #tpu.core_type<tc>} {
    %get3A = arith.constant 0 : index
    %get3A_0 = arith.constant 0 : index
    %get3A_1 = vector.load %arg1[%get3A, %get3A_0] : memref<20224x128xf32, #tpu.memory_space<vmem>>, vector<10000x128xf32>
    %get3A_2 = arith.constant 10112 : index
    %get3A_3 = arith.constant 0 : index
    %get3A_4 = vector.load %arg1[%get3A_2, %get3A_3] : memref<20224x128xf32, #tpu.memory_space<vmem>>, vector<10000x128xf32>
    %add3A = arith.addf %get3A_1, %get3A_4 : vector<10000x128xf32>
    %get3A_5 = arith.constant 0 : index
    %get3A_6 = arith.constant 0 : index
    %get3A_7 = vector.load %arg0[%get3A_5, %get3A_6] : memref<10000x128xf32, #tpu.memory_space<vmem>>, vector<10000x128xf32>
    %get3A_8 = arith.constant 0 : index
    %get3A_9 = arith.constant 0 : index
    %get3A_10 = vector.load %arg2[%get3A_8, %get3A_9] : memref<256x128xf32, #tpu.memory_space<vmem>>, vector<128x128xf32>
    %dot_general3A = arith.constant dense<0.000000e+00> : vector<10000x128xf32>
    %dot_general3A_11 = tpu.matmul %get3A_7, %get3A_10, %dot_general3A {dimension_numbers = #tpu.dot_dimension_numbers<[1], [0], [0], [1], [0, 0, 1, 1], [], []>, transpose_lhs_hint = false} : vector<10000x128xf32>, vector<128x128xf32>, vector<10000x128xf32> -> vector<10000x128xf32>
    %get3A_12 = arith.constant 128 : index
    %get3A_13 = arith.constant 0 : index
    %get3A_14 = vector.load %arg2[%get3A_12, %get3A_13] : memref<256x128xf32, #tpu.memory_space<vmem>>, vector<128x128xf32>
    %dot_general3A_15 = arith.constant dense<0.000000e+00> : vector<10000x128xf32>
    %dot_general3A_16 = tpu.matmul %add3A, %get3A_14, %dot_general3A_15 {dimension_numbers = #tpu.dot_dimension_numbers<[1], [0], [0], [1], [0, 0, 1, 1], [], []>, transpose_lhs_hint = false} : vector<10000x128xf32>, vector<128x128xf32>, vector<10000x128xf32> -> vector<10000x128xf32>
    %add3A_17 = arith.addf %dot_general3A_11, %dot_general3A_16 : vector<10000x128xf32>
    %get3A_18 = arith.constant 0 : index
    %get3A_19 = arith.constant 0 : index
    %get3A_20 = vector.load %arg3[%get3A_18, %get3A_19] : memref<1x128xf32, #tpu.memory_space<vmem>>, vector<1x128xf32>
    %add3A_21 = vector.broadcast %get3A_20 : vector<1x128xf32> to vector<10000x128xf32>
    %add3A_22 = arith.addf %add3A_17, %add3A_21 : vector<10000x128xf32>
    %swap3A = arith.constant 0 : index
    %swap3A_23 = arith.constant 0 : index
    %swap3A_24 = vector.load %arg4[%swap3A, %swap3A_23] : memref<10000x128xf32, #tpu.memory_space<vmem>>, vector<10000x128xf32>
    tpu.vector_store %arg4[%swap3A, %swap3A_23], %add3A_22 {strides = array<i32>} : memref<10000x128xf32, #tpu.memory_space<vmem>>, vector<10000x128xf32>,
    return
  }
}

</mosaic_0001>

<sc_bundles>
// kernel: kernel.5.cloned.1.call-start
scs
__scs_entry_jumppad:
0x0: {  	(pc) =	sbr.rel $0x88, $3  }
0x1: {  	(tag) =	ssettag $0x0;
	lr =	simm.s32 $0x1  }
0x2: {  	[smem:$0x3F9B] =	sst lr;
	_ =	strace $0xD0000000  }
0x3: {  	_ = 	snop  }
0x4: {  	_ = 	snop  }
0x5: {  	_ = 	snop  }
0x6: {  	_ = 	snop  }
0x7: {  	_ = 	snop  }
__scs_overlays_trampoline_lowered:
0x8: {  	[smem:$0x3FAA] =	sst s0  }
0x9: {  	[smem:$0x3FAB] =	sst s1  }
0xa: {  	[smem:$0x3FAC] =	sst s2  }
0xb: {  	[smem:$0x3FAD] =	sst s3  }
0xc: {  	[smem:$0x3FAE] =	sst s4  }
0xd: {  	[smem:$0x3FAF] =	sst s5  }
0xe: {  	[smem:$0x3FB0] =	sst s6  }
0xf: {  	[smem:$0x3FB1] =	sst s7  }
0x10: {  	[smem:$0x3FB2] =	sst s8  }
0x11: {  	[smem:$0x3FB3] =	sst s9;
	s0 =	simm.s32 @!p0 $0x0  }
0x12: {  	s1 =	sld [smem:$0x3F99];
	s0 =	simm.s32 @p0 $0x1  }
0x13: {  	[smem:$0x3FB4] =	sst s0;
	s0 =	simm.s32 @!p1 $0x0  }
0x14: {  	s2 =	sld [smem:$0x3F98];
	s0 =	simm.s32 @p1 $0x1  }
0x15: {  	[smem:$0x3FB5] =	sst s0;
	s0 =	simm.s32 @!p2 $0x0  }
0x16: {  	s3 =	sld [smem:$0x3FDB];
	s0 =	simm.s32 @p2 $0x1  }
0x17: {  	s4 =	simm.s32 $0x1BF5;
	[smem:$0x3FB7] =	sst s0  }
0x18: {  	s0 =	sld [smem:$0x3F9A];
	_ =	swait.ge [sflag:s4], $0x0  }
0x19: {  	s7 =	sld [smem:$0x3F9B]  }
0x1a: {  	s8 =	sadd.s32 $0xFFFFE003, lr  }
0x1b: {  	s9 =	sadd.s32 $0xFFFFFEF7, lr;
	s5 =	simm.s32 $0xFFFFFFFF;
	p2 =	slt.u32 s8, $0xFFFFF086  }
0x1c: {  	p1 =	slt.u32 s9, $0xF7A;
	s5 =	simm.s32 @!p2 $0x0  }
0x1d: {  	s5 =	simm.s32 @p1 $0x1;
	p0 =	seq.s32 s7, s2  }
0x1e: {  	s7 =	smul.u32 @!p0 $0xF7A, s2;
	p2 =	seq.s32 @!p0 s5, $0x0  }
0x1f: {  	s9 =	smul.u32 $0xF7A, s1;
	s8 =	simm.s32 @!p0 $0x1BF5;
	p2 =	por !p2, p0  }
0x20: {  	[sflag:s8] =	ssyncset.s32 @!p0 $0xFFFFF086;
	s6 =	sadd.s32 @!p0 s3, s7;
	s7 =	simm.s32 @!p0 $0x108  }
0x21: {  	s3 =	sadd.s32 s3, s9;
	s6 =	sadd.s32 @!p0 $0x88, s6;
	s7 =	simm.s32 @p2 $0x1082  }
0x22: {  	[simem:s7], [sflag:s8] =	dma.local @!p0 [hbm:s6], $0xF7A  }
0x23: {  	s9 =	sor.u32 $0xD0000000, s2;
	s6 =	simm.s32 $0x108;
	_ =	swait.ge @!p0 [sflag:s8], $0x0  }
0x24: {  	s3 =	sadd.s32 $0x88, s3;
	s6 =	simm.s32 @!p1 $0x1082;
	[sflag:s4] =	ssyncset.s32 $0xFFFFF086  }
0x25: {  	[simem:s6], [sflag:s4] =	dma.local [hbm:s3], $0xF7A  }
0x26: {  	[smem:$0x3F9B] =	sst s1;
	(tag) =	ssettag s2;
	_ =	strace s9  }
0x27: {  	s1 =	sld [smem:$0x3FAB]  }
0x28: {  	s2 =	sld [smem:$0x3FAC]  }
0x29: {  	s4 =	sld [smem:$0x3FAE]  }
0x2a: {  	p0 =	seq.s32 s5, $0x0;
	s5 =	sld [smem:$0x3FAF]  }
0x2b: {  	s6 =	sld [smem:$0x3FB0]  }
0x2c: {  	s7 =	sld [smem:$0x3FB1]  }
0x2d: {  	s3 =	simm.s32 $0x108;
	s8 =	sld [smem:$0x3FB2]  }
0x2e: {  	s3 =	simm.s32 @!p0 $0x1082;
	s9 =	sld [smem:$0x3FB3]  }
0x2f: {  	lr =	sadd.s32 s0, s3;
	s0 =	sld [smem:$0x3FAA]  }
0x30: {  	s3 =	sld [smem:$0x3FAD]  }
0x31: {  	[smem:$0x3FB6] =	sst s10  }
0x32: {  	s10 =	sld [smem:$0x3FB4];
	_ =	sdelay $0x3  }
0x33: {  	p0 =	seq.s32 s10, $0x1;
	s10 =	sld [smem:$0x3FB6];
	_ =	sdelay $0x3  }
0x34: {  	[smem:$0x3FB6] =	sst s10  }
0x35: {  	s10 =	sld [smem:$0x3FB5];
	_ =	sdelay $0x3  }
0x36: {  	p1 =	seq.s32 s10, $0x1;
	s10 =	sld [smem:$0x3FB6];
	_ =	sdelay $0x3  }
0x37: {  	[smem:$0x3FB6] =	sst s10  }
0x38: {  	s10 =	sld [smem:$0x3FB7]  }
0x39: {  	_ = 	snop;
	(pc) =	sbr.ind lr, $3  }
0x3a: {  	_ = 	snop  }
0x3b: {  	_ = 	snop  }
0x3c: {  	p2 =	seq.s32 s10, $0x1;
	s10 =	sld [smem:$0x3FB6]  }
0x3d: {  	_ =	shalt  }
0x3e: {  	_ =	shalt  }
0x3f: {  	_ =	shalt  }
0x40: {  	_ =	shalt  }
0x41: {  	_ =	shalt  }
0x42: {  	_ =	shalt  }
0x43: {  	_ =	shalt  }
0x44: {  	_ =	shalt  }
0x45: {  	_ =	shalt  }
0x46: {  	_ =	shalt  }
0x47: {  	_ =	shalt  }
0x48: {  	_ =	shalt  }
0x49: {  	_ =	shalt  }
0x4a: {  	_ =	shalt  }
0x4b: {  	_ =	shalt  }
0x4c: {  	_ =	shalt  }
0x4d: {  	_ =	shalt  }
0x4e: {  	_ =	shalt  }
0x4f: {  	_ =	shalt  }
0x50: {  	_ =	shalt  }
0x51: {  	_ =	shalt  }
0x52: {  	_ =	shalt  }
0x53: {  	_ =	shalt  }
0x54: {  	_ =	shalt  }
0x55: {  	_ =	shalt  }
0x56: {  	_ =	shalt  }
0x57: {  	_ =	shalt  }
0x58: {  	_ =	shalt  }
0x59: {  	_ =	shalt  }
0x5a: {  	_ =	shalt  }
0x5b: {  	_ =	shalt  }
0x5c: {  	_ =	shalt  }
0x5d: {  	_ =	shalt  }
0x5e: {  	_ =	shalt  }
0x5f: {  	_ =	shalt  }
0x60: {  	_ =	shalt  }
0x61: {  	_ =	shalt  }
0x62: {  	_ =	shalt  }
0x63: {  	_ =	shalt  }
0x64: {  	_ =	shalt  }
0x65: {  	_ =	shalt  }
0x66: {  	_ =	shalt  }
0x67: {  	_ =	shalt  }
0x68: {  	_ =	shalt  }
0x69: {  	_ =	shalt  }
0x6a: {  	_ =	shalt  }
0x6b: {  	_ =	shalt  }
0x6c: {  	_ =	shalt  }
0x6d: {  	_ =	shalt  }
0x6e: {  	_ =	shalt  }
0x6f: {  	_ =	shalt  }
0x70: {  	_ =	shalt  }
0x71: {  	_ =	shalt  }
0x72: {  	_ =	shalt  }
0x73: {  	_ =	shalt  }
0x74: {  	_ =	shalt  }
0x75: {  	_ =	shalt  }
0x76: {  	_ =	shalt  }
0x77: {  	_ =	shalt  }
0x78: {  	_ =	shalt  }
0x79: {  	_ =	shalt  }
0x7a: {  	_ =	shalt  }
0x7b: {  	_ =	shalt  }
0x7c: {  	_ =	shalt  }
0x7d: {  	_ =	shalt  }
0x7e: {  	_ =	shalt  }
0x7f: {  	_ =	shalt  }
0x80: {  	_ =	shalt  }
0x81: {  	_ =	shalt  }
0x82: {  	_ =	shalt  }
0x83: {  	_ =	shalt  }
0x84: {  	_ =	shalt  }
0x85: {  	_ =	shalt  }
0x86: {  	_ =	shalt  }
0x87: {  	_ =	shalt  }
.Lfunc_end0:
.L_simem_size_0:
called_computation_lowered:
.L_overlay_start_0:
0x88: {  	s2 =	sld [smem:$0x3FD9]  }
0x89: {  	s3 =	sld [smem:$0x3FFE];
	_ =	sdelay $0x1  }
0x8a: {  	s1 =	srdreg.scid  }
0x8b: {  	s0 =	sand.u32 $0x1, s1  }
0x8c: {  	s16 =	sshll.u32 s0, $0xA;
	s2 =	sadd.s32 s3, s2  }
0x8d: {  	s2 =	sadd.s32 s2, s16  }
0x8e: {  	[smem:$0x3FC2] =	sst s2  }
0x8f: {  	_ = 	snop  }
0x90: {  	(tm) =	ssettm $0x1  }
0x91: {  	s17 =	sld [smem:$0x3FFB];
	_ =	sdelay $0x3  }
0x92: {  	_ =	strace s17  }
0x93: {  	s2 =	sld [smem:$0x3FFC];
	_ =	sdelay $0x3  }
0x94: {  	_ =	strace s2  }
0x95: {  	s2 =	sld [smem:$0x3FFD];
	_ =	sdelay $0x3  }
0x96: {  	_ =	strace s2  }
0x97: {  	_ =	strace $0x8FFFFFFF  }
0x98: {  	s18 =	sld [smem:$0x3FDB];
	_ =	sdelay $0x1  }
0x99: {  	s19 =	simm.s32 $_scs_section_size  }
0x9a: {  	s4 =	simm.s32 $_size__tile_overlayer_lowered;
	s5 =	simm.s32 $_tile_overlayer_lowered  }
0x9b: {  	s22 =	simm.s32 $0x1BFF;
	s21 =	sshll.u32 s5, $0x1;
	s2 =	sadd.s32 s19, s18  }
0x9c: {  	s6 =	simm.s32 $0x0;
	s20 =	sshll.u32 s4, $0x1;
	s4 =	sadd.s32 s21, s2  }
0x9d: {  	[timem:s6], [sflag:s22] =	dma.local [hbm:s4], s20  }
0x9e: {  	_ =	swait.ge [sflag:s22], s20  }
0x9f: {  	s3 =	ssub.s32 $0x0, s20;
	[sflag:s22] =	ssyncset.done $0x0  }
0xa0: {  	[sflag:s22] =	ssyncadd.s32 s3;
	_ =	sdelay $0x1  }
0xa1: {  	s23 =	simm.s32 $0x1B8B  }
0xa2: {  	_ =	swait.ge [sflag:s23], $0x1  }
0xa3: {  	[sflag:s23] =	ssyncset.done $0x0  }
0xa4: {  	s25 =	simm.s32 $0x1B8E;
	s24 =	sld [smem:$0x3FFE];
	[sflag:s23] =	ssyncadd.s32 $0xFFFFFFFF  }
0xa5: {  	s26 =	simm.s32 $execute0_lowered;
	[smem:$0x3FD2] =	sst s25  }
0xa6: {  	s4 =	sshll.u32 s26, $0x1;
	_ =	strace $0x80000046;
	[dreg:$0x1] =	wrdreg $0xFFFFFFFF  }
0xa7: {  	s28 =	simm.s32 $_size_execute0_lowered;
	s2 =	sadd.s32 s2, s4;
	[dreg:$0x0] =	wrdreg $0x0  }
0xa8: {  	s4 =	sshll.u32 s28, $0x1;
	[dreg:$0x2] =	wrdreg s2  }
0xa9: {  	[dreg:$0x3] =	wrdreg s4  }
0xaa: {  	[dreg:$0x4] =	wrdreg $0xC0  }
0xab: {  	_ =	task [dreg:s6], $0x5FFFF  }
0xac: {  	[dreg:$0x1] =	wrdreg $0xFFFFFFFF  }
0xad: {  	[dreg:$0x0] =	wrdreg $0x60  }
0xae: {  	[dreg:$0x2] =	wrdreg s24  }
0xaf: {  	[dreg:$0x3] =	wrdreg $0xC4000  }
0xb0: {  	[dreg:$0x4] =	wrdreg $0x9  }
0xb1: {  	_ =	task.clear_ibuf [dreg:s6], $0x5FFFF;
	_ =	strace $0x90000046  }
0xb2: {  	s29 =	simm.s32 $0x9;
	_ =	strace $0x80000048  }
0xb3: {  	_ =	swait.ge [sflag:s29], $0x1  }
0xb4: {  	[sflag:s29] =	ssyncadd.s32 $0xFFFFFFFF  }
0xb5: {  	_ =	strace $0x90000048  }
0xb6: {  	_ =	sfence  }
0xb7: {  	s30 =	sld [smem:$0x0];
	_ =	sdelay $0x2  }
0xb8: {  	s31 =	sshll.u32 s1, $0xD;
	s1 =	sshrl.u32 s1, $0x2  }
0xb9: {  	s3 =	sand.u32 $0x4000, s31;
	s1 =	sadd.s32 s1, s30  }
0xba: {  	s0 =	sor.u32 s3, s0;
	s1 =	sshll.u32 s1, $0x11  }
0xbb: {  	s0 =	sor.u32 s1, s0  }
0xbc: {  	s0 =	sadd.s32 $0x8F2B, s0  }
0xbd: {  	[sflag:s0] =	ssyncadd.remote.s32 $0x1  }
0xbe: {  	_ =	sfence.sel $0xFFFF  }
0xbf: {  	[dreg:$0x0] =	wrdreg $0xFFFFFFFF;
	(pc) =	sbr.abs _section_cstart, $3  }
0xc0: {  	[dreg:$0x1] =	wrdreg $0xFFFFFFFF  }
0xc1: {  	_ =	task.clear_ibuf [dreg:s6], $0x2FFFF;
	_ =	strace $0x9FFFFFFF  }
0xc2: {  	(tm) =	ssettm $0x7FFFFFFF  }
0xc3: {  	_ =	shalt  }
tec
execute0_lowered:
.L_overlay_start_1:
0x0: {  	(tag) =	ssettag $0x1  }
0x1: {  	s0 =	srdreg.scid  }
0x2: {  	s3 =	rddreg [dreg:$0x0];
	s15 =	stileid.u32;
	s4 =	sand.u32 $0x1, s0  }
0x3: {  	s2 =	rddreg [dreg:$0x1];
	s5 =	smul.u32 $0x278, s15;
	s0 =	ssub.s32 $0x2, s4  }
0x4: {  	s6 =	sadd.s32 $0x77A00, s3;
	s7 =	sshll.u32 s15, $0x1;
	s1 =	sshrl.u32 s0, $0x1  }
0x5: {  	s8 =	sadd.s32 $0x80, s5;
	s9 =	sadd.s32 $0xC0, s5;
	s10 =	sadd.s32 $0x100, s5  }
0x6: {  	s0 =	ssub.s32 s0, s1;
	s1 =	sor.u32 s4, s7;
	s4 =	smul.u32 $0x2780, s4  }
0x7: {  	s11 =	sadd.s32 $0x140, s5;
	s13 =	sadd.s32 $0x180, s5;
	s17 =	sadd.s32 $0x1C0, s5  }
0x8: {  	s18 =	sadd.s32 $0x200, s5;
	s7 =	sadd.s32 $0x40, s5;
	s12 =	sadd.s32 s5, s4  }
0x9: {  	s5 =	sadd.s32 $0x240, s5;
	s14 =	sadd.s32 s4, s7;
	s26 =	sadd.s32 s4, s8  }
0xa: {  	s16 =	sadd.s32 s4, s9;
	s20 =	sadd.s32 s4, s10;
	s22 =	sadd.s32 s4, s11  }
0xb: {  	s24 =	sadd.s32 s4, s13;
	s12 =	sshll.u32 s12, $0x4;
	s25 =	sshll.u32 s14, $0x4  }
0xc: {  	s14 =	sshll.u32 s26, $0x4;
	s19 =	sshll.u32 s16, $0x4;
	s21 =	sshll.u32 s20, $0x4  }
0xd: {  	s23 =	sshll.u32 s22, $0x4;
	s26 =	sadd.s32 s4, s17;
	s16 =	sadd.s32 s4, s18  }
0xe: {  	s4 =	sadd.s32 s4, s5;
	s20 =	smul.u32 $0x4F000, s15;
	s15 =	sadd.s32 $0x50200, s3  }
0xf: {  	s22 =	sshll.u32 s7, $0x7;
	s7 =	smul.u32 $0x9D00, s1;
	s12 =	sadd.s32 s6, s12  }
0x10: {  	s5 =	sshll.u32 s5, $0x7;
	s4 =	sshll.u32 s4, $0x4;
	[dreg:$0x3] =	wrdreg s12  }
0x11: {  	s12 =	sadd.s32 s6, s25;
	s25 =	sshll.u32 s24, $0x4;
	s4 =	sadd.s32 s6, s4  }
0x12: {  	s24 =	sshll.u32 s9, $0x7;
	s9 =	smul.u32 $0x13A0, s1;
	[dreg:$0x4] =	wrdreg s12  }
0x13: {  	s12 =	sadd.s32 s6, s14;
	s14 =	sshll.u32 s26, $0x4;
	[dreg:$0xc] =	wrdreg s4  }
0x14: {  	s26 =	sshll.u32 s11, $0x7;
	s4 =	sshll.u32 s13, $0x7;
	[dreg:$0x5] =	wrdreg s12  }
0x15: {  	s12 =	sadd.s32 s6, s19;
	s19 =	sshll.u32 s16, $0x4;
	s16 =	sadd.s32 $0x1600, s3  }
0x16: {  	[dreg:$0x6] =	wrdreg s12;
	s12 =	sadd.s32 s6, s21;
	s21 =	sshrl.u32 s20, $0x2  }
0x17: {  	[dreg:$0x7] =	wrdreg s12;
	s12 =	sadd.s32 s6, s23;
	s23 =	sshll.u32 s8, $0x7  }
0x18: {  	s8 =	sshll.u32 s18, $0x7;
	[dreg:$0x8] =	wrdreg s12;
	s12 =	sadd.s32 s6, s25  }
0x19: {  	s25 =	sshll.u32 s10, $0x7;
	[dreg:$0x9] =	wrdreg s12;
	s12 =	sadd.s32 s6, s14  }
0x1a: {  	s10 =	sadd.s32 s5, s2;
	s14 =	sadd.s32 $0x28A00, s3;
	[dreg:$0xa] =	wrdreg s12  }
0x1b: {  	s12 =	sadd.s32 s6, s19;
	s19 =	sadd.s32 s21, s2;
	s21 =	sadd.s32 s23, s2  }
0x1c: {  	s23 =	sadd.s32 s25, s2;
	[dreg:$0xb] =	wrdreg s12;
	s12 =	simm.s32 $0x0  }
0x1d: {  	s25 =	sadd.s32 s4, s2;
	s4 =	sadd.s32 s8, s2;
	[smem:$0x7FF] =	sst s12  }
0x1e: {  	s3 =	sshrl.u32 s7, $0x3;
	_ =	strace $0x80000047;
	[dreg:$0x15] =	wrdreg s4  }
0x1f: {  	s11 =	sadd.s32 s16, s9;
	s13 =	sadd.s32 s16, s3;
	[dreg:$0x16] =	wrdreg s10  }
0x20: {  	s3 =	sadd.s32 $0x20, s13;
	[dreg:$0x17] =	wrdreg s11  }
0x21: {  	s6 =	sshll.u32 s17, $0x7;
	s17 =	sadd.s32 $0x40, s13;
	[dreg:$0x18] =	wrdreg s3  }
0x22: {  	s18 =	sadd.s32 $0x60, s13;
	[dreg:$0x19] =	wrdreg s17  }
0x23: {  	s28 =	smul.u32 $0x9D, s1;
	s1 =	sadd.s32 $0x1380, s13;
	[dreg:$0x1a] =	wrdreg s18  }
0x24: {  	s29 =	simm.s32 $0x6400;
	s0 =	smax.u32 s0, $0x1;
	[dreg:$0x1b] =	wrdreg s1  }
0x25: {  	s30 =	simm.s32 $0x1;
	s31 =	simm.s32 $0x2;
	[dreg:$0x1c] =	wrdreg s0  }
0x26: {  	s20 =	sadd.s32 s22, s2;
	s22 =	sadd.s32 s24, s2;
	[dreg:$0xd] =	wrdreg s19  }
0x27: {  	s24 =	sadd.s32 s26, s2;
	s9 =	simm.s32 $0x400;
	[dreg:$0xe] =	wrdreg s20  }
0x28: {  	s5 =	simm.s32 $0x8400;
	s7 =	simm.s32 $0x5;
	[dreg:$0xf] =	wrdreg s21  }
0x29: {  	s8 =	simm.s32 $0x40;
	s26 =	sadd.s32 s6, s2;
	[dreg:$0x10] =	wrdreg s22  }
0x2a: {  	s6 =	simm.s32 $0x6;
	s13 =	simm.s32 $0x2400;
	[dreg:$0x11] =	wrdreg s23  }
0x2b: {  	s4 =	sadd.s32 $0x4, s28;
	s11 =	simm.s32 $0x4400;
	[dreg:$0x12] =	wrdreg s24  }
0x2c: {  	s0 =	simm.s32 $0xA400;
	s1 =	simm.s32 $0x3;
	[dreg:$0x13] =	wrdreg s25  }
0x2d: {  	v0 =	vimm.f32 $0.0e+00;
	s3 =	simm.s32 $0x4;
	s17 =	simm.s32 $0x0;
	[dreg:$0x14] =	wrdreg s26  }
.LBB2_1:
0x2e: {  	[dreg:$0x1d] =	wrdreg s17;
	s10 =	simm.s32 $0x0;
	s17 =	simm.s32 $0x200  }
.LBB2_2:
0x2f: {  	p0 =	sne.s32 s17, $0x7E00;
	[tilespmem:s10+$0x8470] =	vst v0  }
0x30: {  	[tilespmem:s10+$0x8400] =	vst v0  }
0x31: {  	[tilespmem:s10+$0x8410] =	vst v0  }
.Ltmp0:
0x32: {  	[tilespmem:s10+$0x8420] =	vst v0;
	(pc) =	sbr.rel @p0 .LBB2_2-.Ltmp0, $4  }
0x33: {  	[tilespmem:s10+$0x8430] =	vst v0  }
0x34: {  	[tilespmem:s10+$0x8440] =	vst v0  }
0x35: {  	[tilespmem:s10+$0x8450] =	vst v0  }
0x36: {  	[tilespmem:s10+$0x8460] =	vst v0;
	s10 =	sshra.s32 s17, $0x2;
	s17 =	sadd.s32 $0x200, s17  }
0x37: {  	[tilespmem:s10+$0x8470] =	vst v0  }
0x38: {  	[tilespmem:s10+$0x8400] =	vst v0  }
0x39: {  	[tilespmem:s10+$0x8410] =	vst v0  }
0x3a: {  	[tilespmem:s10+$0x8420] =	vst v0  }
0x3b: {  	[tilespmem:s10+$0x8430] =	vst v0  }
0x3c: {  	[tilespmem:s10+$0x8440] =	vst v0  }
0x3d: {  	[tilespmem:s10+$0x8450] =	vst v0  }
0x3e: {  	[tilespmem:s10+$0x8460] =	vst v0  }
0x3f: {  	[spmem:s19] =	stream.linear.scatter [tilespmem:s5], [sflag:$0x6], $0x2000, $0x38;
	v63 =	vld [tilespmem:$0x0]  }
0x40: {  	_ =	swait.ge [sflag:s6], $0x2000  }
0x41: {  	[sflag:s6] =	ssyncset.done $0x0  }
0x42: {  	[sflag:s6] =	ssyncadd.s32 $0xFFFFE000  }
0x43: {  	[spmem:s20] =	stream.linear.scatter [tilespmem:s5], [sflag:$0x6], $0x2000, $0x38;
	v63 =	vld [tilespmem:$0x0]  }
0x44: {  	_ =	swait.ge [sflag:s6], $0x2000  }
0x45: {  	[sflag:s6] =	ssyncset.done $0x0  }
0x46: {  	[sflag:s6] =	ssyncadd.s32 $0xFFFFE000  }
0x47: {  	[spmem:s21] =	stream.linear.scatter [tilespmem:s5], [sflag:$0x6], $0x2000, $0x38;
	v63 =	vld [tilespmem:$0x0]  }
0x48: {  	_ =	swait.ge [sflag:s6], $0x2000  }
0x49: {  	[sflag:s6] =	ssyncset.done $0x0  }
0x4a: {  	[sflag:s6] =	ssyncadd.s32 $0xFFFFE000  }
0x4b: {  	[spmem:s22] =	stream.linear.scatter [tilespmem:s5], [sflag:$0x6], $0x2000, $0x38;
	v63 =	vld [tilespmem:$0x0]  }
0x4c: {  	_ =	swait.ge [sflag:s6], $0x2000  }
0x4d: {  	[sflag:s6] =	ssyncset.done $0x0  }
0x4e: {  	[sflag:s6] =	ssyncadd.s32 $0xFFFFE000  }
0x4f: {  	[spmem:s23] =	stream.linear.scatter [tilespmem:s5], [sflag:$0x6], $0x2000, $0x38;
	v63 =	vld [tilespmem:$0x0]  }
0x50: {  	_ =	swait.ge [sflag:s6], $0x2000  }
0x51: {  	[sflag:s6] =	ssyncset.done $0x0  }
0x52: {  	[sflag:s6] =	ssyncadd.s32 $0xFFFFE000  }
0x53: {  	[spmem:s24] =	stream.linear.scatter [tilespmem:s5], [sflag:$0x6], $0x2000, $0x38;
	v63 =	vld [tilespmem:$0x0]  }
0x54: {  	_ =	swait.ge [sflag:s6], $0x2000  }
0x55: {  	[sflag:s6] =	ssyncset.done $0x0  }
0x56: {  	[sflag:s6] =	ssyncadd.s32 $0xFFFFE000  }
0x57: {  	[spmem:s25] =	stream.linear.scatter [tilespmem:s5], [sflag:$0x6], $0x2000, $0x38;
	v63 =	vld [tilespmem:$0x0]  }
0x58: {  	_ =	swait.ge [sflag:s6], $0x2000  }
0x59: {  	[sflag:s6] =	ssyncset.done $0x0  }
0x5a: {  	[sflag:s6] =	ssyncadd.s32 $0xFFFFE000  }
0x5b: {  	[spmem:s26] =	stream.linear.scatter [tilespmem:s5], [sflag:$0x6], $0x2000, $0x38;
	v63 =	vld [tilespmem:$0x0]  }
0x5c: {  	_ =	swait.ge [sflag:s6], $0x2000  }
0x5d: {  	[sflag:s6] =	ssyncset.done $0x0  }
0x5e: {  	s17 =	rddreg [dreg:$0x15];
	[sflag:s6] =	ssyncadd.s32 $0xFFFFE000  }
0x5f: {  	[spmem:s17] =	stream.linear.scatter [tilespmem:s5], [sflag:$0x6], $0x2000, $0x38;
	v63 =	vld [tilespmem:$0x0]  }
0x60: {  	_ =	swait.ge [sflag:s6], $0x2000  }
0x61: {  	[sflag:s6] =	ssyncset.done $0x0  }
0x62: {  	s18 =	rddreg [dreg:$0x16];
	[sflag:s6] =	ssyncadd.s32 $0xFFFFE000  }
0x63: {  	[spmem:s18] =	stream.linear.scatter [tilespmem:s5], [sflag:$0x6], $0x1C00, $0x38;
	v63 =	vld [tilespmem:$0x0]  }
0x64: {  	_ =	swait.ge [sflag:s6], $0x1C00  }
0x65: {  	[sflag:s6] =	ssyncset.done $0x0  }
0x66: {  	[sflag:s6] =	ssyncadd.s32 $0xFFFFE400  }
0x67: {  	[bflag:$0x0] =	sbarrier.arrive $0xFFFF  }
0x68: {  	s19 =	rddreg [dreg:$0x17]  }
0x69: {  	[tilespmem:s12], [sflag:$0x5] =	stream.linear.gather [hbm4b:s19+s12], $0x100, $0x38;
	v63 =	vld [tilespmem:$0x0]  }
0x6a: {  	s17 =	simm.s32 $0x100;
	s20 =	rddreg [dreg:$0x18]  }
0x6b: {  	[tilespmem:s17], [sflag:$0x5] =	stream.linear.gather [hbm4b:s20+s12], $0x100, $0x38;
	v63 =	vld [tilespmem:$0x0]  }
0x6c: {  	_ =	swait.ge [sflag:s7], $0x100  }
0x6d: {  	[sflag:s7] =	ssyncset.done $0x0  }
0x6e: {  	[sflag:s7] =	ssyncadd.s32 $0xFFFFFF00  }
0x6f: {  	[tilespmem:s9], [sflag:$0x1] =	stream.indirect.gather [hbm4b:s14+s8], $0x80, s12, s8, $0xb8;
	v63 =	vld [tilespmem:$0x0]  }
0x70: {  	s21 =	simm.s32 $0x80  }
0x71: {  	[tilespmem:s11], [sflag:$0x1] =	stream.indirect.gather [hbm4b:s15+s8], $0x80, s21, s8, $0xb8;
	v63 =	vld [tilespmem:$0x0]  }
0x72: {  	_ =	swait.ge [sflag:s7], $0x100  }
0x73: {  	[sflag:s7] =	ssyncset.done $0x0  }
0x74: {  	[sflag:s7] =	ssyncadd.s32 $0xFFFFFF00  }
0x75: {  	[tilespmem:s13], [sflag:$0x2] =	stream.indirect.gather [hbm4b:s14+s8], $0x80, s17, s8, $0xb8;
	v63 =	vld [tilespmem:$0x0]  }
0x76: {  	s22 =	simm.s32 $0x180  }
0x77: {  	[tilespmem:s29], [sflag:$0x2] =	stream.indirect.gather [hbm4b:s15+s8], $0x80, s22, s8, $0xb8;
	v63 =	vld [tilespmem:$0x0]  }
0x78: {  	_ =	swait.ge [sflag:s30], $0x2000  }
0x79: {  	[sflag:s30] =	ssyncset.done $0x0  }
0x7a: {  	[sflag:s30] =	ssyncadd.s32 $0xFFFFE000  }
0x7b: {  	_ =	swait.ge [sflag:s30], $0x2000  }
0x7c: {  	s24 =	simm.s32 $0x200;
	[sflag:s30] =	ssyncset.done $0x0  }
0x7d: {  	s25 =	simm.s32 $0x500;
	s23 =	rddreg [dreg:$0x19];
	[sflag:s30] =	ssyncadd.s32 $0xFFFFE000  }
0x7e: {  	[tilespmem:s24], [sflag:$0x5] =	stream.linear.gather [hbm4b:s23+s12], $0x100, $0x38;
	v63 =	vld [tilespmem:$0x0]  }
0x7f: {  	s26 =	simm.s32 $0x4500;
	v1 =	vld [tilespmem:s25+$0x80]  }
0x80: {  	v2 =	vld [tilespmem:s26+$0x80];
	_ =	sdelay $0x4  }
0x81: {  	v3 =	vld [tilespmem:s25+$0xFFFFFF80];
	v1 =	vadd.f32 v2, v1  }
0x82: {  	v2 =	vld [tilespmem:s26+$0xFFFFFF80]  }
0x83: {  	s10 =	simm.s32 $0x8500;
	v4 =	vld [tilespmem:s26+$0xFFFFFF00];
	v1 =	vmax.f32 v1, $0.0e+00  }
0x84: {  	v5 =	vld [tilespmem:s25+$0xFFFFFF00];
	[tilespmem:s10+$0x80] =	vst v1  }
0x85: {  	v1 =	vld [tilespmem:s25+$0x90]  }
0x86: {  	v6 =	vld [tilespmem:s26+$0x90]  }
0x87: {  	v7 =	vld [tilespmem:s25+$0x0];
	v2 =	vadd.f32 v2, v3  }
0x88: {  	v3 =	vld [tilespmem:s26+$0x0]  }
0x89: {  	v4 =	vadd.f32 v4, v5;
	v2 =	vmax.f32 v2, $0.0e+00  }
0x8a: {  	[tilespmem:s10+$0xFFFFFF80] =	vst v2  }
0x8b: {  	v4 =	vmax.f32 v4, $0.0e+00;
	v2 =	vld [tilespmem:s25+$0xFFFFFF90];
	v1 =	vadd.f32 v6, v1  }
0x8c: {  	[tilespmem:s10+$0xFFFFFF00] =	vst v4;
	v5 =	vld [tilespmem:s26+$0xFFFFFF90]  }
0x8d: {  	v4 =	vld [tilespmem:s25+$0xFFFFFF10];
	v3 =	vadd.f32 v3, v7;
	v1 =	vmax.f32 v1, $0.0e+00  }
0x8e: {  	v6 =	vld [tilespmem:s26+$0xFFFFFF10];
	[tilespmem:s10+$0x90] =	vst v1  }
0x8f: {  	v1 =	vmax.f32 v3, $0.0e+00;
	v3 =	vld [tilespmem:s25+$0xA0]  }
0x90: {  	[tilespmem:s10+$0x0] =	vst v1;
	v1 =	vld [tilespmem:s26+$0xA0]  }
0x91: {  	v7 =	vld [tilespmem:s25+$0x10];
	v2 =	vadd.f32 v5, v2  }
0x92: {  	v5 =	vld [tilespmem:s26+$0x10]  }
0x93: {  	v2 =	vmax.f32 v2, $0.0e+00  }
0x94: {  	v4 =	vadd.f32 v6, v4;
	[tilespmem:s10+$0xFFFFFF90] =	vst v2  }
0x95: {  	v2 =	vld [tilespmem:s25+$0xFFFFFFA0];
	v1 =	vadd.f32 v1, v3  }
0x96: {  	v4 =	vmax.f32 v4, $0.0e+00;
	v3 =	vld [tilespmem:s26+$0xFFFFFFA0]  }
0x97: {  	[tilespmem:s10+$0xFFFFFF10] =	vst v4;
	v4 =	vadd.f32 v5, v7;
	v1 =	vmax.f32 v1, $0.0e+00  }
0x98: {  	[tilespmem:s10+$0xA0] =	vst v1  }
0x99: {  	v1 =	vmax.f32 v4, $0.0e+00;
	v4 =	vld [tilespmem:s25+$0xB0]  }
0x9a: {  	[tilespmem:s10+$0x10] =	vst v1;
	v1 =	vld [tilespmem:s26+$0xB0]  }
0x9b: {  	v2 =	vadd.f32 v3, v2;
	v3 =	vld [tilespmem:s25+$0x20]  }
0x9c: {  	v7 =	vld [tilespmem:s26+$0x20]  }
0x9d: {  	v6 =	vld [tilespmem:s26+$0xFFFFFF20];
	v2 =	vmax.f32 v2, $0.0e+00  }
0x9e: {  	v5 =	vld [tilespmem:s25+$0xFFFFFF20];
	[tilespmem:s10+$0xFFFFFFA0] =	vst v2  }
0x9f: {  	v2 =	vld [tilespmem:s25+$0xFFFFFFB0];
	v1 =	vadd.f32 v1, v4  }
0xa0: {  	v4 =	vld [tilespmem:s26+$0xFFFFFFB0]  }
0xa1: {  	v3 =	vadd.f32 v7, v3;
	v1 =	vmax.f32 v1, $0.0e+00  }
0xa2: {  	[tilespmem:s10+$0xB0] =	vst v1  }
0xa3: {  	v5 =	vadd.f32 v6, v5;
	v1 =	vmax.f32 v3, $0.0e+00;
	v3 =	vld [tilespmem:s25+$0xC0]  }
0xa4: {  	[tilespmem:s10+$0x20] =	vst v1;
	v1 =	vld [tilespmem:s26+$0xC0]  }
0xa5: {  	v5 =	vmax.f32 v5, $0.0e+00;
	v2 =	vadd.f32 v4, v2;
	v4 =	vld [tilespmem:s25+$0x30]  }
0xa6: {  	[tilespmem:s10+$0xFFFFFF20] =	vst v5;
	v7 =	vld [tilespmem:s26+$0x30]  }
0xa7: {  	v5 =	vld [tilespmem:s25+$0xFFFFFF30];
	v2 =	vmax.f32 v2, $0.0e+00  }
0xa8: {  	v6 =	vld [tilespmem:s26+$0xFFFFFF30];
	[tilespmem:s10+$0xFFFFFFB0] =	vst v2  }
0xa9: {  	v2 =	vld [tilespmem:s25+$0xFFFFFFC0];
	v1 =	vadd.f32 v1, v3  }
0xaa: {  	v3 =	vld [tilespmem:s26+$0xFFFFFFC0]  }
0xab: {  	s20 =	simm.s32 $0x4700;
	v4 =	vadd.f32 v7, v4;
	v1 =	vmax.f32 v1, $0.0e+00  }
0xac: {  	v11 =	vld [tilespmem:s20+$0xFFFFFF00];
	[tilespmem:s10+$0xC0] =	vst v1  }
0xad: {  	v1 =	vmax.f32 v4, $0.0e+00;
	v4 =	vld [tilespmem:s25+$0xD0]  }
0xae: {  	v5 =	vadd.f32 v6, v5;
	[tilespmem:s10+$0x30] =	vst v1;
	v1 =	vld [tilespmem:s26+$0xD0]  }
0xaf: {  	v2 =	vadd.f32 v3, v2;
	v3 =	vld [tilespmem:s25+$0x40]  }
0xb0: {  	s18 =	simm.s32 $0x700;
	v5 =	vmax.f32 v5, $0.0e+00;
	v7 =	vld [tilespmem:s26+$0x40]  }
0xb1: {  	v51 =	vld [tilespmem:s18+$0xFFFFFF00];
	[tilespmem:s10+$0xFFFFFF30] =	vst v5  }
0xb2: {  	v5 =	vld [tilespmem:s25+$0xFFFFFF40]  }
0xb3: {  	v6 =	vld [tilespmem:s26+$0xFFFFFF40];
	v1 =	vadd.f32 v1, v4  }
0xb4: {  	v9 =	vld [tilespmem:s18+$0x80]  }
0xb5: {  	v10 =	vld [tilespmem:s20+$0x80];
	v3 =	vadd.f32 v7, v3;
	v1 =	vmax.f32 v1, $0.0e+00  }
0xb6: {  	v12 =	vld [tilespmem:s20+$0xFFFFFF80];
	v11 =	vadd.f32 v11, v51;
	[tilespmem:s10+$0xD0] =	vst v1  }
0xb7: {  	v1 =	vmax.f32 v3, $0.0e+00;
	v3 =	vld [tilespmem:s25+$0xE0]  }
0xb8: {  	s19 =	simm.s32 $0x8700;
	v11 =	vmax.f32 v11, $0.0e+00;
	v5 =	vadd.f32 v6, v5;
	[tilespmem:s10+$0x40] =	vst v1;
	v1 =	vld [tilespmem:s26+$0xE0]  }
0xb9: {  	v13 =	vld [tilespmem:s18+$0x0];
	[tilespmem:s19+$0xFFFFFF00] =	vst v11;
	v2 =	vmax.f32 v2, $0.0e+00  }
0xba: {  	v11 =	vld [tilespmem:s18+$0xFFFFFF10];
	[tilespmem:s10+$0xFFFFFFC0] =	vst v2;
	v5 =	vmax.f32 v5, $0.0e+00  }
0xbb: {  	v2 =	vld [tilespmem:s25+$0xFFFFFFD0];
	[tilespmem:s10+$0xFFFFFF40] =	vst v5  }
0xbc: {  	v5 =	vld [tilespmem:s25+$0xFFFFFF50]  }
0xbd: {  	v6 =	vld [tilespmem:s26+$0xFFFFFF50];
	v1 =	vadd.f32 v1, v3  }
0xbe: {  	v3 =	vld [tilespmem:s18+$0xFFFFFF80]  }
0xbf: {  	v4 =	vld [tilespmem:s26+$0xFFFFFFD0];
	v1 =	vmax.f32 v1, $0.0e+00  }
0xc0: {  	v7 =	vld [tilespmem:s25+$0x50];
	[tilespmem:s10+$0xE0] =	vst v1;
	v1 =	vadd.f32 v10, v9  }
0xc1: {  	v8 =	vld [tilespmem:s26+$0x50]  }
0xc2: {  	v5 =	vadd.f32 v6, v5;
	v6 =	vld [tilespmem:s20+$0x0];
	v1 =	vmax.f32 v1, $0.0e+00  }
0xc3: {  	v53 =	vld [tilespmem:s20+$0xFFFFFF10];
	v3 =	vadd.f32 v12, v3;
	[tilespmem:s19+$0x80] =	vst v1  }
0xc4: {  	v1 =	vmax.f32 v5, $0.0e+00;
	v5 =	vld [tilespmem:s18+$0x90]  }
0xc5: {  	v2 =	vadd.f32 v4, v2;
	[tilespmem:s10+$0xFFFFFF50] =	vst v1;
	v1 =	vmax.f32 v3, $0.0e+00;
	v3 =	vld [tilespmem:s20+$0x90]  }
0xc6: {  	v7 =	vadd.f32 v8, v7;
	v49 =	vld [tilespmem:s25+$0xF0]  }
0xc7: {  	v2 =	vmax.f32 v2, $0.0e+00;
	v6 =	vadd.f32 v6, v13;
	v50 =	vld [tilespmem:s26+$0xF0];
	[tilespmem:s19+$0xFFFFFF80] =	vst v1  }
0xc8: {  	[tilespmem:s10+$0xFFFFFFD0] =	vst v2;
	v7 =	vmax.f32 v7, $0.0e+00;
	v4 =	vld [tilespmem:s18+$0xFFFFFF90]  }
0xc9: {  	v2 =	vmax.f32 v6, $0.0e+00;
	[tilespmem:s10+$0x50] =	vst v7;
	v52 =	vld [tilespmem:s20+$0xFFFFFF90]  }
0xca: {  	v7 =	vld [tilespmem:s26+$0xFFFFFFE0];
	[tilespmem:s19+$0x0] =	vst v2;
	v2 =	vadd.f32 v3, v5  }
0xcb: {  	v56 =	vld [tilespmem:s25+$0x60]  }
0xcc: {  	v57 =	vld [tilespmem:s26+$0x60];
	v2 =	vmax.f32 v2, $0.0e+00  }
0xcd: {  	v1 =	vld [tilespmem:s25+$0xFFFFFF60];
	[tilespmem:s19+$0x90] =	vst v2  }
0xce: {  	v4 =	vadd.f32 v52, v4;
	v2 =	vld [tilespmem:s18+$0xA0]  }
0xcf: {  	v54 =	vld [tilespmem:s20+$0xA0]  }
0xd0: {  	v5 =	vld [tilespmem:s18+$0x10];
	v4 =	vmax.f32 v4, $0.0e+00  }
0xd1: {  	[tilespmem:s19+$0xFFFFFF90] =	vst v4;
	v4 =	vld [tilespmem:s20+$0x10]  }
0xd2: {  	v11 =	vadd.f32 v53, v11;
	v8 =	vld [tilespmem:s18+$0xFFFFFFA0]  }
0xd3: {  	v55 =	vld [tilespmem:s20+$0xFFFFFFA0]  }
0xd4: {  	v11 =	vmax.f32 v11, $0.0e+00;
	v6 =	vld [tilespmem:s26+$0xFFFFFF60];
	v2 =	vadd.f32 v54, v2  }
0xd5: {  	[tilespmem:s19+$0xFFFFFF10] =	vst v11;
	v3 =	vld [tilespmem:s25+$0xFFFFFFE0]  }
0xd6: {  	v4 =	vadd.f32 v4, v5;
	v5 =	vld [tilespmem:s18+$0xFFFFFF20];
	v2 =	vmax.f32 v2, $0.0e+00  }
0xd7: {  	[tilespmem:s19+$0xA0] =	vst v2;
	v2 =	vld [tilespmem:s20+$0xFFFFFF20]  }
0xd8: {  	v8 =	vadd.f32 v55, v8;
	v4 =	vmax.f32 v4, $0.0e+00;
	v58 =	vld [tilespmem:s18+$0xB0]  }
0xd9: {  	v1 =	vadd.f32 v6, v1;
	[tilespmem:s19+$0x10] =	vst v4;
	v4 =	vld [tilespmem:s20+$0xB0]  }
0xda: {  	v6 =	vmax.f32 v8, $0.0e+00;
	v8 =	vld [tilespmem:s18+$0x20]  }
0xdb: {  	v1 =	vmax.f32 v1, $0.0e+00;
	[tilespmem:s19+$0xFFFFFFA0] =	vst v6;
	v6 =	vld [tilespmem:s20+$0x20]  }
0xdc: {  	[tilespmem:s10+$0xFFFFFF60] =	vst v1;
	v1 =	vld [tilespmem:s20+$0xFFFFFFB0];
	v2 =	vadd.f32 v2, v5  }
0xdd: {  	v5 =	vld [tilespmem:s18+$0xFFFFFFB0]  }
0xde: {  	v59 =	vld [tilespmem:s25+$0xFFFFFF70];
	v4 =	vadd.f32 v4, v58;
	v2 =	vmax.f32 v2, $0.0e+00  }
0xdf: {  	[tilespmem:s19+$0xFFFFFF20] =	vst v2;
	v2 =	vld [tilespmem:s26+$0xFFFFFF70]  }
0xe0: {  	v6 =	vadd.f32 v6, v8;
	v4 =	vmax.f32 v4, $0.0e+00;
	v8 =	vld [tilespmem:s18+$0xFFFFFF30]  }
0xe1: {  	[tilespmem:s19+$0xB0] =	vst v4;
	v4 =	vld [tilespmem:s20+$0xFFFFFF30]  }
0xe2: {  	v1 =	vadd.f32 v1, v5;
	v5 =	vmax.f32 v6, $0.0e+00;
	v6 =	vld [tilespmem:s18+$0xC0]  }
0xe3: {  	[tilespmem:s19+$0x20] =	vst v5;
	v5 =	vld [tilespmem:s20+$0xC0]  }
0xe4: {  	v3 =	vadd.f32 v7, v3;
	v1 =	vmax.f32 v1, $0.0e+00;
	v7 =	vld [tilespmem:s18+$0x30]  }
0xe5: {  	[tilespmem:s19+$0xFFFFFFB0] =	vst v1;
	v1 =	vld [tilespmem:s20+$0x30]  }
0xe6: {  	v3 =	vmax.f32 v3, $0.0e+00;
	v4 =	vadd.f32 v4, v8;
	v8 =	vld [tilespmem:s18+$0xFFFFFFC0]  }
0xe7: {  	[tilespmem:s10+$0xFFFFFFE0] =	vst v3;
	v3 =	vld [tilespmem:s20+$0xFFFFFFC0]  }
0xe8: {  	v4 =	vmax.f32 v4, $0.0e+00;
	v5 =	vadd.f32 v5, v6;
	v6 =	vld [tilespmem:s25+$0xFFFFFFF0]  }
0xe9: {  	[tilespmem:s19+$0xFFFFFF30] =	vst v4;
	v4 =	vld [tilespmem:s26+$0xFFFFFFF0]  }
0xea: {  	v1 =	vadd.f32 v1, v7;
	v7 =	vld [tilespmem:s18+$0xFFFFFF40];
	v5 =	vmax.f32 v5, $0.0e+00  }
0xeb: {  	[tilespmem:s19+$0xC0] =	vst v5;
	v5 =	vld [tilespmem:s20+$0xFFFFFF40]  }
0xec: {  	v3 =	vadd.f32 v3, v8;
	v1 =	vmax.f32 v1, $0.0e+00;
	v8 =	vld [tilespmem:s18+$0xD0]  }
0xed: {  	[tilespmem:s19+$0x30] =	vst v1;
	v1 =	vld [tilespmem:s20+$0xD0]  }
0xee: {  	v11 =	vadd.f32 v57, v56;
	v3 =	vmax.f32 v3, $0.0e+00;
	v60 =	vld [tilespmem:s18+$0x40]  }
0xef: {  	[tilespmem:s19+$0xFFFFFFC0] =	vst v3;
	v3 =	vld [tilespmem:s20+$0x40]  }
0xf0: {  	v11 =	vmax.f32 v11, $0.0e+00;
	v61 =	vld [tilespmem:s20+$0xFFFFFFD0];
	v5 =	vadd.f32 v5, v7  }
0xf1: {  	v9 =	vadd.f32 v50, v49;
	[tilespmem:s10+$0x60] =	vst v11;
	v7 =	vld [tilespmem:s18+$0xFFFFFFD0]  }
0xf2: {  	v11 =	vld [tilespmem:s26+$0x70];
	v5 =	vmax.f32 v5, $0.0e+00;
	v1 =	vadd.f32 v1, v8  }
0xf3: {  	v9 =	vmax.f32 v9, $0.0e+00;
	v2 =	vadd.f32 v2, v59;
	v8 =	vld [tilespmem:s25+$0x70];
	[tilespmem:s19+$0xFFFFFF40] =	vst v5  }
0xf4: {  	[tilespmem:s10+$0xF0] =	vst v9;
	v62 =	vadd.f32 v3, v60;
	v3 =	vld [tilespmem:s18+$0xFFFFFF50];
	v1 =	vmax.f32 v1, $0.0e+00  }
0xf5: {  	v2 =	vmax.f32 v2, $0.0e+00;
	v4 =	vadd.f32 v4, v6;
	v5 =	vld [tilespmem:s20+$0xFFFFFF50];
	[tilespmem:s19+$0xD0] =	vst v1  }
0xf6: {  	[tilespmem:s10+$0xFFFFFF70] =	vst v2;
	v1 =	vadd.f32 v61, v7;
	v6 =	vmax.f32 v62, $0.0e+00;
	v2 =	vld [tilespmem:s18+$0xE0]  }
0xf7: {  	v7 =	vmax.f32 v4, $0.0e+00;
	[tilespmem:s19+$0x40] =	vst v6;
	v4 =	vld [tilespmem:s20+$0xE0]  }
0xf8: {  	[tilespmem:s10+$0xFFFFFFF0] =	vst v7;
	v7 =	vmax.f32 v1, $0.0e+00;
	v6 =	vld [tilespmem:s18+$0x50];
	v1 =	vadd.f32 v11, v8  }
0xf9: {  	s21 =	simm.s32 $0x4700;
	s22 =	simm.s32 $0x4;
	s23 =	simm.s32 $0x900;
	[tilespmem:s19+$0xFFFFFFD0] =	vst v7;
	v7 =	vld [tilespmem:s20+$0x50]  }
.LBB2_4:
0xfa: {  	v8 =	vld [tilespmem:s23+$0x80];
	v3 =	vadd.f32 v5, v3;
	s20 =	sadd.s32 $0x200, s20;
	v1 =	vmax.f32 v1, $0.0e+00  }
0xfb: {  	v5 =	vld [tilespmem:s20+$0x80];
	[tilespmem:s10+$0x70] =	vst v1;
	s10 =	smov.u32 s19  }
0xfc: {  	v1 =	vld [tilespmem:s20+$0xFFFFFF00];
	v3 =	vmax.f32 v3, $0.0e+00;
	v2 =	vadd.f32 v4, v2  }
0xfd: {  	v4 =	vld [tilespmem:s23+$0xFFFFFF80];
	[tilespmem:s19+$0xFFFFFF50] =	vst v3  }
0xfe: {  	v3 =	vld [tilespmem:s20+$0xFFFFFF80];
	v6 =	vadd.f32 v7, v6;
	v2 =	vmax.f32 v2, $0.0e+00  }
0xff: {  	v7 =	vld [tilespmem:s23+$0x0];
	[tilespmem:s19+$0xE0] =	vst v2  }
0x100: {  	v2 =	vadd.f32 v5, v8;
	v5 =	vmax.f32 v6, $0.0e+00;
	v6 =	vld [tilespmem:s18+$0xF0]  }
0x101: {  	[tilespmem:s19+$0x50] =	vst v5;
	v5 =	vld [tilespmem:s21+$0xF0]  }
0x102: {  	s22 =	sadd.s32 $0x4, s22;
	s19 =	sadd.s32 $0x200, s19;
	v8 =	vld [tilespmem:s20+$0x0];
	v2 =	vmax.f32 v2, $0.0e+00  }
0x103: {  	p0 =	slt.u32 s22, $0x3C;
	v9 =	vld [tilespmem:s23+$0xFFFFFF00];
	v3 =	vadd.f32 v3, v4;
	[tilespmem:s19+$0x80] =	vst v2  }
0x104: {  	v2 =	vld [tilespmem:s23+$0x90]  }
0x105: {  	v3 =	vmax.f32 v3, $0.0e+00;
	v4 =	vld [tilespmem:s20+$0x90]  }
0x106: {  	[tilespmem:s19+$0xFFFFFF80] =	vst v3;
	v3 =	vld [tilespmem:s18+$0xFFFFFF60];
	v5 =	vadd.f32 v5, v6  }
0x107: {  	v6 =	vld [tilespmem:s23+$0xFFFFFF90];
	v7 =	vadd.f32 v8, v7  }
0x108: {  	v1 =	vadd.f32 v1, v9;
	v8 =	vld [tilespmem:s20+$0xFFFFFF90];
	v5 =	vmax.f32 v5, $0.0e+00  }
0x109: {  	v7 =	vmax.f32 v7, $0.0e+00;
	v9 =	vld [tilespmem:s21+$0xFFFFFF60];
	[tilespmem:s10+$0xF0] =	vst v5  }
0x10a: {  	v1 =	vmax.f32 v1, $0.0e+00;
	[tilespmem:s19+$0x0] =	vst v7;
	v2 =	vadd.f32 v4, v2;
	v4 =	vld [tilespmem:s18+$0xFFFFFFE0]  }
0x10b: {  	[tilespmem:s19+$0xFFFFFF00] =	vst v1;
	v1 =	vld [tilespmem:s23+$0x10]  }
0x10c: {  	v5 =	vld [tilespmem:s23+$0xFFFFFF10];
	v2 =	vmax.f32 v2, $0.0e+00  }
0x10d: {  	v7 =	vld [tilespmem:s20+$0xFFFFFF10];
	v6 =	vadd.f32 v8, v6;
	[tilespmem:s19+$0x90] =	vst v2  }
0x10e: {  	v2 =	vld [tilespmem:s23+$0xA0];
	v3 =	vadd.f32 v9, v3  }
0x10f: {  	v6 =	vmax.f32 v6, $0.0e+00;
	v8 =	vld [tilespmem:s20+$0xA0]  }
0x110: {  	[tilespmem:s19+$0xFFFFFF90] =	vst v6;
	v6 =	vld [tilespmem:s20+$0x10];
	v3 =	vmax.f32 v3, $0.0e+00  }
0x111: {  	v9 =	vld [tilespmem:s23+$0xFFFFFFA0];
	[tilespmem:s10+$0xFFFFFF60] =	vst v3  }
0x112: {  	v3 =	vadd.f32 v7, v5;
	v5 =	vld [tilespmem:s20+$0xFFFFFFA0]  }
0x113: {  	v7 =	vld [tilespmem:s21+$0xFFFFFFE0]  }
0x114: {  	v3 =	vmax.f32 v3, $0.0e+00;
	v2 =	vadd.f32 v8, v2;
	v8 =	vld [tilespmem:s18+$0x60]  }
0x115: {  	[tilespmem:s19+$0xFFFFFF10] =	vst v3;
	v1 =	vadd.f32 v6, v1;
	v3 =	vld [tilespmem:s21+$0x60]  }
0x116: {  	v6 =	vld [tilespmem:s23+$0xFFFFFF20];
	v2 =	vmax.f32 v2, $0.0e+00  }
0x117: {  	v10 =	vld [tilespmem:s20+$0xFFFFFF20];
	v5 =	vadd.f32 v5, v9;
	v1 =	vmax.f32 v1, $0.0e+00;
	[tilespmem:s19+$0xA0] =	vst v2  }
0x118: {  	[tilespmem:s19+$0x10] =	vst v1;
	v1 =	vld [tilespmem:s23+$0xB0];
	v2 =	vadd.f32 v7, v4  }
0x119: {  	v4 =	vmax.f32 v5, $0.0e+00;
	v5 =	vld [tilespmem:s20+$0xB0]  }
0x11a: {  	[tilespmem:s19+$0xFFFFFFA0] =	vst v4;
	v4 =	vld [tilespmem:s23+$0x20];
	v2 =	vmax.f32 v2, $0.0e+00;
	v3 =	vadd.f32 v3, v8  }
0x11b: {  	v7 =	vld [tilespmem:s20+$0x20];
	[tilespmem:s10+$0xFFFFFFE0] =	vst v2  }
0x11c: {  	v2 =	vadd.f32 v10, v6;
	v6 =	vld [tilespmem:s23+$0xFFFFFFB0];
	v3 =	vmax.f32 v3, $0.0e+00  }
0x11d: {  	v8 =	vld [tilespmem:s20+$0xFFFFFFB0];
	[tilespmem:s10+$0x60] =	vst v3  }
0x11e: {  	v2 =	vmax.f32 v2, $0.0e+00;
	v1 =	vadd.f32 v5, v1;
	v3 =	vld [tilespmem:s18+$0xFFFFFF70]  }
0x11f: {  	[tilespmem:s19+$0xFFFFFF20] =	vst v2;
	v2 =	vld [tilespmem:s21+$0xFFFFFF70]  }
0x120: {  	v5 =	vld [tilespmem:s23+$0xFFFFFF30];
	v4 =	vadd.f32 v7, v4;
	v1 =	vmax.f32 v1, $0.0e+00  }
0x121: {  	v7 =	vld [tilespmem:s20+$0xFFFFFF30];
	[tilespmem:s19+$0xB0] =	vst v1  }
0x122: {  	v1 =	vadd.f32 v8, v6;
	v4 =	vmax.f32 v4, $0.0e+00;
	v6 =	vld [tilespmem:s23+$0xC0]  }
0x123: {  	[tilespmem:s19+$0x20] =	vst v4;
	v4 =	vld [tilespmem:s20+$0xC0]  }
0x124: {  	v1 =	vmax.f32 v1, $0.0e+00;
	v8 =	vld [tilespmem:s23+$0x30];
	v2 =	vadd.f32 v2, v3  }
0x125: {  	[tilespmem:s19+$0xFFFFFFB0] =	vst v1;
	v1 =	vld [tilespmem:s20+$0x30]  }
0x126: {  	v3 =	vadd.f32 v7, v5;
	v5 =	vld [tilespmem:s23+$0xFFFFFFC0];
	v2 =	vmax.f32 v2, $0.0e+00  }
0x127: {  	v7 =	vld [tilespmem:s20+$0xFFFFFFC0];
	[tilespmem:s10+$0xFFFFFF70] =	vst v2  }
0x128: {  	v2 =	vmax.f32 v3, $0.0e+00;
	v3 =	vadd.f32 v4, v6;
	v4 =	vld [tilespmem:s18+$0xFFFFFFF0]  }
0x129: {  	[tilespmem:s19+$0xFFFFFF30] =	vst v2;
	v2 =	vld [tilespmem:s21+$0xFFFFFFF0]  }
0x12a: {  	v6 =	vld [tilespmem:s23+$0xFFFFFF40];
	v1 =	vadd.f32 v1, v8;
	v3 =	vmax.f32 v3, $0.0e+00  }
0x12b: {  	v8 =	vld [tilespmem:s20+$0xFFFFFF40];
	[tilespmem:s19+$0xC0] =	vst v3  }
0x12c: {  	v3 =	vadd.f32 v7, v5;
	v1 =	vmax.f32 v1, $0.0e+00;
	v5 =	vld [tilespmem:s23+$0xD0]  }
0x12d: {  	[tilespmem:s19+$0x30] =	vst v1;
	v1 =	vld [tilespmem:s20+$0xD0]  }
0x12e: {  	v3 =	vmax.f32 v3, $0.0e+00;
	v7 =	vld [tilespmem:s23+$0x40];
	v2 =	vadd.f32 v2, v4  }
0x12f: {  	[tilespmem:s19+$0xFFFFFFC0] =	vst v3;
	v4 =	vld [tilespmem:s20+$0x40]  }
0x130: {  	v3 =	vadd.f32 v8, v6;
	v6 =	vld [tilespmem:s23+$0xFFFFFFD0];
	v2 =	vmax.f32 v2, $0.0e+00  }
0x131: {  	v8 =	vld [tilespmem:s20+$0xFFFFFFD0];
	[tilespmem:s10+$0xFFFFFFF0] =	vst v2  }
0x132: {  	v2 =	vmax.f32 v3, $0.0e+00;
	v1 =	vadd.f32 v1, v5;
	v9 =	vld [tilespmem:s18+$0x70];
	s18 =	smov.u32 s23  }
0x133: {  	[tilespmem:s19+$0xFFFFFF40] =	vst v2;
	v10 =	vld [tilespmem:s21+$0x70];
	s21 =	smov.u32 s20  }
0x134: {  	v3 =	vld [tilespmem:s23+$0xFFFFFF50];
	v2 =	vadd.f32 v4, v7;
	v1 =	vmax.f32 v1, $0.0e+00  }
.Ltmp1:
0x135: {  	v5 =	vld [tilespmem:s20+$0xFFFFFF50];
	[tilespmem:s19+$0xD0] =	vst v1;
	(pc) =	sbr.rel @p0 .LBB2_4-.Ltmp1, $4  }
0x136: {  	v1 =	vadd.f32 v8, v6;
	v4 =	vmax.f32 v2, $0.0e+00;
	v2 =	vld [tilespmem:s23+$0xE0]  }
0x137: {  	[tilespmem:s19+$0x40] =	vst v4;
	v4 =	vld [tilespmem:s20+$0xE0]  }
0x138: {  	v7 =	vmax.f32 v1, $0.0e+00;
	v6 =	vld [tilespmem:s23+$0x50];
	v1 =	vadd.f32 v10, v9  }
0x139: {  	s23 =	sadd.s32 $0x200, s23;
	[tilespmem:s19+$0xFFFFFFD0] =	vst v7;
	v7 =	vld [tilespmem:s20+$0x50]  }
0x13a: {  	v3 =	vadd.f32 v5, v3;
	_ =	sdelay $0x1  }
0x13b: {  	v3 =	vmax.f32 v3, $0.0e+00  }
0x13c: {  	[tilespmem:s19+$0xFFFFFF50] =	vst v3  }
0x13d: {  	v3 =	vadd.f32 v7, v6;
	v5 =	vld [tilespmem:s18+$0xFFFFFF60]  }
0x13e: {  	v6 =	vld [tilespmem:s21+$0xFFFFFF60]  }
0x13f: {  	v7 =	vld [tilespmem:s18+$0xFFFFFFE0];
	v3 =	vmax.f32 v3, $0.0e+00  }
0x140: {  	[tilespmem:s19+$0x50] =	vst v3;
	v3 =	vld [tilespmem:s21+$0xFFFFFFE0]  }
0x141: {  	v2 =	vadd.f32 v4, v2;
	v4 =	vld [tilespmem:s18+$0x60]  }
0x142: {  	v8 =	vld [tilespmem:s21+$0x60]  }
0x143: {  	v2 =	vmax.f32 v2, $0.0e+00;
	v5 =	vadd.f32 v6, v5  }
0x144: {  	[tilespmem:s19+$0xE0] =	vst v2  }
0x145: {  	v2 =	vld [tilespmem:s18+$0xF0];
	v5 =	vmax.f32 v5, $0.0e+00;
	v3 =	vadd.f32 v3, v7  }
0x146: {  	v6 =	vld [tilespmem:s21+$0xF0];
	[tilespmem:s19+$0xFFFFFF60] =	vst v5  }
0x147: {  	v4 =	vadd.f32 v8, v4;
	v5 =	vld [tilespmem:s18+$0xFFFFFF70];
	v3 =	vmax.f32 v3, $0.0e+00  }
0x148: {  	[tilespmem:s19+$0xFFFFFFE0] =	vst v3;
	v3 =	vld [tilespmem:s21+$0xFFFFFF70]  }
0x149: {  	v4 =	vmax.f32 v4, $0.0e+00;
	v7 =	vld [tilespmem:s18+$0xFFFFFFF0]  }
0x14a: {  	[tilespmem:s19+$0x60] =	vst v4;
	v4 =	vld [tilespmem:s21+$0xFFFFFFF0]  }
0x14b: {  	v8 =	vld [tilespmem:s18+$0x70]  }
0x14c: {  	v9 =	vld [tilespmem:s21+$0x70];
	_ =	sdelay $0x1  }
0x14d: {  	v2 =	vadd.f32 v6, v2  }
0x14e: {  	v1 =	vmax.f32 v1, $0.0e+00;
	v3 =	vadd.f32 v3, v5  }
0x14f: {  	[tilespmem:s10+$0x70] =	vst v1;
	v1 =	vmax.f32 v2, $0.0e+00;
	v2 =	vadd.f32 v4, v7  }
0x150: {  	[tilespmem:s19+$0xF0] =	vst v1;
	v1 =	vmax.f32 v3, $0.0e+00;
	v3 =	vadd.f32 v9, v8  }
0x151: {  	[tilespmem:s19+$0xFFFFFF70] =	vst v1;
	v1 =	vmax.f32 v2, $0.0e+00  }
0x152: {  	[tilespmem:s19+$0xFFFFFFF0] =	vst v1;
	v1 =	vmax.f32 v3, $0.0e+00  }
0x153: {  	s22 =	simm.s32 $0x80;
	[tilespmem:s19+$0x70] =	vst v1  }
0x154: {  	[spmem:s2] =	stream.indirect.scatter.add.f32 [tilespmem:s5], [sflag:$0x3], $0x80, s22, s8, $0xb8;
	v63 =	vld [tilespmem:$0x0]  }
0x155: {  	_ =	swait.ge [sflag:s7], $0x100  }
0x156: {  	[sflag:s7] =	ssyncset.done $0x0  }
0x157: {  	s23 =	simm.s32 $0x200;
	[sflag:s7] =	ssyncadd.s32 $0xFFFFFF00  }
0x158: {  	[tilespmem:s9], [sflag:$0x1] =	stream.indirect.gather [hbm4b:s14+s8], $0x80, s23, s8, $0xb8;
	v63 =	vld [tilespmem:$0x0]  }
0x159: {  	s24 =	simm.s32 $0x280  }
0x15a: {  	[tilespmem:s11], [sflag:$0x1] =	stream.indirect.gather [hbm4b:s15+s8], $0x80, s24, s8, $0xb8;
	v63 =	vld [tilespmem:$0x0]  }
0x15b: {  	_ =	swait.ge [sflag:s31], $0x2000  }
0x15c: {  	[sflag:s31] =	ssyncset.done $0x0  }
0x15d: {  	[sflag:s31] =	ssyncadd.s32 $0xFFFFE000  }
0x15e: {  	_ =	swait.ge [sflag:s31], $0x2000  }
0x15f: {  	s17 =	simm.s32 $0x300;
	[sflag:s31] =	ssyncset.done $0x0  }
0x160: {  	s22 =	simm.s32 $0x25F0;
	s25 =	rddreg [dreg:$0x1a];
	[sflag:s31] =	ssyncadd.s32 $0xFFFFE000  }
0x161: {  	[tilespmem:s17], [sflag:$0x5] =	stream.linear.gather [hbm4b:s25+s12], $0x100, $0x38;
	v63 =	vld [tilespmem:$0x0]  }
0x162: {  	s26 =	simm.s32 $0x65F0;
	v1 =	vld [tilespmem:s22+$0xFFFFFF90]  }
0x163: {  	v2 =	vld [tilespmem:s26+$0xFFFFFF90];
	_ =	sdelay $0x4  }
0x164: {  	v3 =	vld [tilespmem:s22+$0xFFFFFE90];
	v1 =	vadd.f32 v2, v1  }
0x165: {  	v2 =	vld [tilespmem:s26+$0xFFFFFE90]  }
0x166: {  	s10 =	simm.s32 $0xA5F0;
	v4 =	vld [tilespmem:s26+$0xFFFFFE10];
	v1 =	vmax.f32 v1, $0.0e+00  }
0x167: {  	v5 =	vld [tilespmem:s22+$0xFFFFFE10];
	[tilespmem:s10+$0xFFFFFF90] =	vst v1  }
0x168: {  	v1 =	vld [tilespmem:s22+$0xFFFFFFA0]  }
0x169: {  	v6 =	vld [tilespmem:s26+$0xFFFFFFA0]  }
0x16a: {  	v7 =	vld [tilespmem:s22+$0xFFFFFF10];
	v2 =	vadd.f32 v2, v3  }
0x16b: {  	v3 =	vld [tilespmem:s26+$0xFFFFFF10]  }
0x16c: {  	v4 =	vadd.f32 v4, v5;
	v2 =	vmax.f32 v2, $0.0e+00  }
0x16d: {  	[tilespmem:s10+$0xFFFFFE90] =	vst v2  }
0x16e: {  	v4 =	vmax.f32 v4, $0.0e+00;
	v2 =	vld [tilespmem:s22+$0xFFFFFEA0];
	v1 =	vadd.f32 v6, v1  }
0x16f: {  	[tilespmem:s10+$0xFFFFFE10] =	vst v4;
	v5 =	vld [tilespmem:s26+$0xFFFFFEA0]  }
0x170: {  	v4 =	vld [tilespmem:s22+$0xFFFFFE20];
	v3 =	vadd.f32 v3, v7;
	v1 =	vmax.f32 v1, $0.0e+00  }
0x171: {  	v6 =	vld [tilespmem:s26+$0xFFFFFE20];
	[tilespmem:s10+$0xFFFFFFA0] =	vst v1  }
0x172: {  	v1 =	vmax.f32 v3, $0.0e+00;
	v3 =	vld [tilespmem:s22+$0xFFFFFFB0]  }
0x173: {  	[tilespmem:s10+$0xFFFFFF10] =	vst v1;
	v1 =	vld [tilespmem:s26+$0xFFFFFFB0]  }
0x174: {  	v7 =	vld [tilespmem:s22+$0xFFFFFF20];
	v2 =	vadd.f32 v5, v2  }
0x175: {  	v5 =	vld [tilespmem:s26+$0xFFFFFF20]  }
0x176: {  	v2 =	vmax.f32 v2, $0.0e+00  }
0x177: {  	v4 =	vadd.f32 v6, v4;
	[tilespmem:s10+$0xFFFFFEA0] =	vst v2  }
0x178: {  	v2 =	vld [tilespmem:s22+$0xFFFFFEB0];
	v1 =	vadd.f32 v1, v3  }
0x179: {  	v4 =	vmax.f32 v4, $0.0e+00;
	v3 =	vld [tilespmem:s26+$0xFFFFFEB0]  }
0x17a: {  	[tilespmem:s10+$0xFFFFFE20] =	vst v4;
	v4 =	vadd.f32 v5, v7;
	v1 =	vmax.f32 v1, $0.0e+00  }
0x17b: {  	[tilespmem:s10+$0xFFFFFFB0] =	vst v1  }
0x17c: {  	v1 =	vmax.f32 v4, $0.0e+00;
	v4 =	vld [tilespmem:s22+$0xFFFFFFC0]  }
0x17d: {  	[tilespmem:s10+$0xFFFFFF20] =	vst v1;
	v1 =	vld [tilespmem:s26+$0xFFFFFFC0]  }
0x17e: {  	v2 =	vadd.f32 v3, v2;
	v3 =	vld [tilespmem:s22+$0xFFFFFF30]  }
0x17f: {  	v7 =	vld [tilespmem:s26+$0xFFFFFF30]  }
0x180: {  	v6 =	vld [tilespmem:s26+$0xFFFFFE30];
	v2 =	vmax.f32 v2, $0.0e+00  }
0x181: {  	v5 =	vld [tilespmem:s22+$0xFFFFFE30];
	[tilespmem:s10+$0xFFFFFEB0] =	vst v2  }
0x182: {  	v2 =	vld [tilespmem:s22+$0xFFFFFEC0];
	v1 =	vadd.f32 v1, v4  }
0x183: {  	v4 =	vld [tilespmem:s26+$0xFFFFFEC0]  }
0x184: {  	v3 =	vadd.f32 v7, v3;
	v1 =	vmax.f32 v1, $0.0e+00  }
0x185: {  	[tilespmem:s10+$0xFFFFFFC0] =	vst v1  }
0x186: {  	v5 =	vadd.f32 v6, v5;
	v1 =	vmax.f32 v3, $0.0e+00;
	v3 =	vld [tilespmem:s22+$0xFFFFFFD0]  }
0x187: {  	[tilespmem:s10+$0xFFFFFF30] =	vst v1;
	v1 =	vld [tilespmem:s26+$0xFFFFFFD0]  }
0x188: {  	v5 =	vmax.f32 v5, $0.0e+00;
	v2 =	vadd.f32 v4, v2;
	v4 =	vld [tilespmem:s22+$0xFFFFFF40]  }
0x189: {  	[tilespmem:s10+$0xFFFFFE30] =	vst v5;
	v7 =	vld [tilespmem:s26+$0xFFFFFF40]  }
0x18a: {  	v5 =	vld [tilespmem:s22+$0xFFFFFE40];
	v2 =	vmax.f32 v2, $0.0e+00  }
0x18b: {  	v6 =	vld [tilespmem:s26+$0xFFFFFE40];
	[tilespmem:s10+$0xFFFFFEC0] =	vst v2  }
0x18c: {  	v2 =	vld [tilespmem:s22+$0xFFFFFED0];
	v1 =	vadd.f32 v1, v3  }
0x18d: {  	v3 =	vld [tilespmem:s26+$0xFFFFFED0]  }
0x18e: {  	s20 =	simm.s32 $0x67F0;
	v4 =	vadd.f32 v7, v4;
	v1 =	vmax.f32 v1, $0.0e+00  }
0x18f: {  	v11 =	vld [tilespmem:s20+$0xFFFFFE10];
	[tilespmem:s10+$0xFFFFFFD0] =	vst v1  }
0x190: {  	v1 =	vmax.f32 v4, $0.0e+00;
	v4 =	vld [tilespmem:s22+$0xFFFFFFE0]  }
0x191: {  	v5 =	vadd.f32 v6, v5;
	[tilespmem:s10+$0xFFFFFF40] =	vst v1;
	v1 =	vld [tilespmem:s26+$0xFFFFFFE0]  }
0x192: {  	v2 =	vadd.f32 v3, v2;
	v3 =	vld [tilespmem:s22+$0xFFFFFF50]  }
0x193: {  	s18 =	simm.s32 $0x27F0;
	v5 =	vmax.f32 v5, $0.0e+00;
	v7 =	vld [tilespmem:s26+$0xFFFFFF50]  }
0x194: {  	v51 =	vld [tilespmem:s18+$0xFFFFFE10];
	[tilespmem:s10+$0xFFFFFE40] =	vst v5  }
0x195: {  	v5 =	vld [tilespmem:s22+$0xFFFFFE50]  }
0x196: {  	v6 =	vld [tilespmem:s26+$0xFFFFFE50];
	v1 =	vadd.f32 v1, v4  }
0x197: {  	v48 =	vld [tilespmem:s18+$0xFFFFFF90]  }
0x198: {  	v10 =	vld [tilespmem:s20+$0xFFFFFF90];
	v3 =	vadd.f32 v7, v3;
	v1 =	vmax.f32 v1, $0.0e+00  }
0x199: {  	v12 =	vld [tilespmem:s20+$0xFFFFFE90];
	v11 =	vadd.f32 v11, v51;
	[tilespmem:s10+$0xFFFFFFE0] =	vst v1  }
0x19a: {  	v1 =	vmax.f32 v3, $0.0e+00;
	v3 =	vld [tilespmem:s22+$0xFFFFFFF0]  }
0x19b: {  	s19 =	simm.s32 $0xA7F0;
	v11 =	vmax.f32 v11, $0.0e+00;
	v5 =	vadd.f32 v6, v5;
	[tilespmem:s10+$0xFFFFFF50] =	vst v1;
	v1 =	vld [tilespmem:s26+$0xFFFFFFF0]  }
0x19c: {  	v13 =	vld [tilespmem:s18+$0xFFFFFF10];
	[tilespmem:s19+$0xFFFFFE10] =	vst v11;
	v2 =	vmax.f32 v2, $0.0e+00  }
0x19d: {  	v11 =	vld [tilespmem:s18+$0xFFFFFE20];
	[tilespmem:s10+$0xFFFFFED0] =	vst v2;
	v5 =	vmax.f32 v5, $0.0e+00  }
0x19e: {  	v2 =	vld [tilespmem:s22+$0xFFFFFEE0];
	[tilespmem:s10+$0xFFFFFE50] =	vst v5  }
0x19f: {  	v5 =	vld [tilespmem:s22+$0xFFFFFE60]  }
0x1a0: {  	v6 =	vld [tilespmem:s26+$0xFFFFFE60];
	v1 =	vadd.f32 v1, v3  }
0x1a1: {  	v3 =	vld [tilespmem:s18+$0xFFFFFE90]  }
0x1a2: {  	v4 =	vld [tilespmem:s26+$0xFFFFFEE0];
	v1 =	vmax.f32 v1, $0.0e+00  }
0x1a3: {  	v7 =	vld [tilespmem:s22+$0xFFFFFF60];
	[tilespmem:s10+$0xFFFFFFF0] =	vst v1;
	v1 =	vadd.f32 v10, v48  }
0x1a4: {  	v8 =	vld [tilespmem:s26+$0xFFFFFF60]  }
0x1a5: {  	v5 =	vadd.f32 v6, v5;
	v6 =	vld [tilespmem:s20+$0xFFFFFF10];
	v1 =	vmax.f32 v1, $0.0e+00  }
0x1a6: {  	v53 =	vld [tilespmem:s20+$0xFFFFFE20];
	v3 =	vadd.f32 v12, v3;
	[tilespmem:s19+$0xFFFFFF90] =	vst v1  }
0x1a7: {  	v1 =	vmax.f32 v5, $0.0e+00;
	v5 =	vld [tilespmem:s18+$0xFFFFFFA0]  }
0x1a8: {  	v2 =	vadd.f32 v4, v2;
	[tilespmem:s10+$0xFFFFFE60] =	vst v1;
	v1 =	vmax.f32 v3, $0.0e+00;
	v3 =	vld [tilespmem:s20+$0xFFFFFFA0]  }
0x1a9: {  	v7 =	vadd.f32 v8, v7;
	v49 =	vld [tilespmem:s22+$0x0]  }
0x1aa: {  	v2 =	vmax.f32 v2, $0.0e+00;
	v6 =	vadd.f32 v6, v13;
	v50 =	vld [tilespmem:s26+$0x0];
	[tilespmem:s19+$0xFFFFFE90] =	vst v1  }
0x1ab: {  	[tilespmem:s10+$0xFFFFFEE0] =	vst v2;
	v7 =	vmax.f32 v7, $0.0e+00;
	v4 =	vld [tilespmem:s18+$0xFFFFFEA0]  }
0x1ac: {  	v2 =	vmax.f32 v6, $0.0e+00;
	[tilespmem:s10+$0xFFFFFF60] =	vst v7;
	v52 =	vld [tilespmem:s20+$0xFFFFFEA0]  }
0x1ad: {  	v7 =	vld [tilespmem:s26+$0xFFFFFEF0];
	[tilespmem:s19+$0xFFFFFF10] =	vst v2;
	v2 =	vadd.f32 v3, v5  }
0x1ae: {  	v56 =	vld [tilespmem:s22+$0xFFFFFF70]  }
0x1af: {  	v57 =	vld [tilespmem:s26+$0xFFFFFF70];
	v2 =	vmax.f32 v2, $0.0e+00  }
0x1b0: {  	v1 =	vld [tilespmem:s22+$0xFFFFFE70];
	[tilespmem:s19+$0xFFFFFFA0] =	vst v2  }
0x1b1: {  	v4 =	vadd.f32 v52, v4;
	v2 =	vld [tilespmem:s18+$0xFFFFFFB0]  }
0x1b2: {  	v54 =	vld [tilespmem:s20+$0xFFFFFFB0]  }
0x1b3: {  	v5 =	vld [tilespmem:s18+$0xFFFFFF20];
	v4 =	vmax.f32 v4, $0.0e+00  }
0x1b4: {  	[tilespmem:s19+$0xFFFFFEA0] =	vst v4;
	v4 =	vld [tilespmem:s20+$0xFFFFFF20]  }
0x1b5: {  	v11 =	vadd.f32 v53, v11;
	v8 =	vld [tilespmem:s18+$0xFFFFFEB0]  }
0x1b6: {  	v55 =	vld [tilespmem:s20+$0xFFFFFEB0]  }
0x1b7: {  	v11 =	vmax.f32 v11, $0.0e+00;
	v6 =	vld [tilespmem:s26+$0xFFFFFE70];
	v2 =	vadd.f32 v54, v2  }
0x1b8: {  	[tilespmem:s19+$0xFFFFFE20] =	vst v11;
	v3 =	vld [tilespmem:s22+$0xFFFFFEF0]  }
0x1b9: {  	v4 =	vadd.f32 v4, v5;
	v5 =	vld [tilespmem:s18+$0xFFFFFE30];
	v2 =	vmax.f32 v2, $0.0e+00  }
0x1ba: {  	[tilespmem:s19+$0xFFFFFFB0] =	vst v2;
	v2 =	vld [tilespmem:s20+$0xFFFFFE30]  }
0x1bb: {  	v8 =	vadd.f32 v55, v8;
	v4 =	vmax.f32 v4, $0.0e+00;
	v58 =	vld [tilespmem:s18+$0xFFFFFFC0]  }
0x1bc: {  	v1 =	vadd.f32 v6, v1;
	[tilespmem:s19+$0xFFFFFF20] =	vst v4;
	v4 =	vld [tilespmem:s20+$0xFFFFFFC0]  }
0x1bd: {  	v6 =	vmax.f32 v8, $0.0e+00;
	v8 =	vld [tilespmem:s18+$0xFFFFFF30]  }
0x1be: {  	v1 =	vmax.f32 v1, $0.0e+00;
	[tilespmem:s19+$0xFFFFFEB0] =	vst v6;
	v6 =	vld [tilespmem:s20+$0xFFFFFF30]  }
0x1bf: {  	[tilespmem:s10+$0xFFFFFE70] =	vst v1;
	v1 =	vld [tilespmem:s20+$0xFFFFFEC0];
	v2 =	vadd.f32 v2, v5  }
0x1c0: {  	v5 =	vld [tilespmem:s18+$0xFFFFFEC0]  }
0x1c1: {  	v59 =	vld [tilespmem:s22+$0xFFFFFE80];
	v4 =	vadd.f32 v4, v58;
	v2 =	vmax.f32 v2, $0.0e+00  }
0x1c2: {  	[tilespmem:s19+$0xFFFFFE30] =	vst v2;
	v2 =	vld [tilespmem:s26+$0xFFFFFE80]  }
0x1c3: {  	v6 =	vadd.f32 v6, v8;
	v4 =	vmax.f32 v4, $0.0e+00;
	v8 =	vld [tilespmem:s18+$0xFFFFFE40]  }
0x1c4: {  	[tilespmem:s19+$0xFFFFFFC0] =	vst v4;
	v4 =	vld [tilespmem:s20+$0xFFFFFE40]  }
0x1c5: {  	v1 =	vadd.f32 v1, v5;
	v5 =	vmax.f32 v6, $0.0e+00;
	v6 =	vld [tilespmem:s18+$0xFFFFFFD0]  }
0x1c6: {  	[tilespmem:s19+$0xFFFFFF30] =	vst v5;
	v5 =	vld [tilespmem:s20+$0xFFFFFFD0]  }
0x1c7: {  	v3 =	vadd.f32 v7, v3;
	v1 =	vmax.f32 v1, $0.0e+00;
	v7 =	vld [tilespmem:s18+$0xFFFFFF40]  }
0x1c8: {  	[tilespmem:s19+$0xFFFFFEC0] =	vst v1;
	v1 =	vld [tilespmem:s20+$0xFFFFFF40]  }
0x1c9: {  	v3 =	vmax.f32 v3, $0.0e+00;
	v4 =	vadd.f32 v4, v8;
	v8 =	vld [tilespmem:s18+$0xFFFFFED0]  }
0x1ca: {  	[tilespmem:s10+$0xFFFFFEF0] =	vst v3;
	v3 =	vld [tilespmem:s20+$0xFFFFFED0]  }
0x1cb: {  	v4 =	vmax.f32 v4, $0.0e+00;
	v5 =	vadd.f32 v5, v6;
	v6 =	vld [tilespmem:s22+$0xFFFFFF00]  }
0x1cc: {  	[tilespmem:s19+$0xFFFFFE40] =	vst v4;
	v4 =	vld [tilespmem:s26+$0xFFFFFF00]  }
0x1cd: {  	v1 =	vadd.f32 v1, v7;
	v7 =	vld [tilespmem:s18+$0xFFFFFE50];
	v5 =	vmax.f32 v5, $0.0e+00  }
0x1ce: {  	[tilespmem:s19+$0xFFFFFFD0] =	vst v5;
	v5 =	vld [tilespmem:s20+$0xFFFFFE50]  }
0x1cf: {  	v3 =	vadd.f32 v3, v8;
	v1 =	vmax.f32 v1, $0.0e+00;
	v8 =	vld [tilespmem:s18+$0xFFFFFFE0]  }
0x1d0: {  	[tilespmem:s19+$0xFFFFFF40] =	vst v1;
	v1 =	vld [tilespmem:s20+$0xFFFFFFE0]  }
0x1d1: {  	v11 =	vadd.f32 v57, v56;
	v3 =	vmax.f32 v3, $0.0e+00;
	v60 =	vld [tilespmem:s18+$0xFFFFFF50]  }
0x1d2: {  	[tilespmem:s19+$0xFFFFFED0] =	vst v3;
	v3 =	vld [tilespmem:s20+$0xFFFFFF50]  }
0x1d3: {  	v11 =	vmax.f32 v11, $0.0e+00;
	v61 =	vld [tilespmem:s20+$0xFFFFFEE0];
	v5 =	vadd.f32 v5, v7  }
0x1d4: {  	v9 =	vadd.f32 v50, v49;
	[tilespmem:s10+$0xFFFFFF70] =	vst v11;
	v7 =	vld [tilespmem:s18+$0xFFFFFEE0]  }
0x1d5: {  	v11 =	vld [tilespmem:s26+$0xFFFFFF80];
	v5 =	vmax.f32 v5, $0.0e+00;
	v1 =	vadd.f32 v1, v8  }
0x1d6: {  	v9 =	vmax.f32 v9, $0.0e+00;
	v2 =	vadd.f32 v2, v59;
	v8 =	vld [tilespmem:s22+$0xFFFFFF80];
	[tilespmem:s19+$0xFFFFFE50] =	vst v5  }
0x1d7: {  	[tilespmem:s10+$0x0] =	vst v9;
	v62 =	vadd.f32 v3, v60;
	v3 =	vld [tilespmem:s18+$0xFFFFFE60];
	v1 =	vmax.f32 v1, $0.0e+00  }
0x1d8: {  	v2 =	vmax.f32 v2, $0.0e+00;
	v4 =	vadd.f32 v4, v6;
	v5 =	vld [tilespmem:s20+$0xFFFFFE60];
	[tilespmem:s19+$0xFFFFFFE0] =	vst v1  }
0x1d9: {  	[tilespmem:s10+$0xFFFFFE80] =	vst v2;
	v1 =	vadd.f32 v61, v7;
	v6 =	vmax.f32 v62, $0.0e+00;
	v2 =	vld [tilespmem:s18+$0xFFFFFFF0]  }
0x1da: {  	v7 =	vmax.f32 v4, $0.0e+00;
	[tilespmem:s19+$0xFFFFFF50] =	vst v6;
	v4 =	vld [tilespmem:s20+$0xFFFFFFF0]  }
0x1db: {  	[tilespmem:s10+$0xFFFFFF00] =	vst v7;
	v7 =	vmax.f32 v1, $0.0e+00;
	v6 =	vld [tilespmem:s18+$0xFFFFFF60];
	v1 =	vadd.f32 v11, v8  }
0x1dc: {  	s21 =	simm.s32 $0x67F0;
	s23 =	simm.s32 $0x29F0;
	s22 =	simm.s32 $0x4;
	[tilespmem:s19+$0xFFFFFEE0] =	vst v7;
	v7 =	vld [tilespmem:s20+$0xFFFFFF60]  }
.LBB2_6:
0x1dd: {  	v8 =	vld [tilespmem:s23+$0xFFFFFF90];
	v3 =	vadd.f32 v5, v3;
	s20 =	sadd.s32 $0x200, s20;
	v1 =	vmax.f32 v1, $0.0e+00  }
0x1de: {  	v5 =	vld [tilespmem:s20+$0xFFFFFF90];
	[tilespmem:s10+$0xFFFFFF80] =	vst v1;
	s10 =	smov.u32 s19  }
0x1df: {  	v1 =	vld [tilespmem:s20+$0xFFFFFE10];
	v3 =	vmax.f32 v3, $0.0e+00;
	v2 =	vadd.f32 v4, v2  }
0x1e0: {  	v4 =	vld [tilespmem:s23+$0xFFFFFE90];
	[tilespmem:s19+$0xFFFFFE60] =	vst v3  }
0x1e1: {  	v3 =	vld [tilespmem:s20+$0xFFFFFE90];
	v6 =	vadd.f32 v7, v6;
	v2 =	vmax.f32 v2, $0.0e+00  }
0x1e2: {  	v7 =	vld [tilespmem:s23+$0xFFFFFF10];
	[tilespmem:s19+$0xFFFFFFF0] =	vst v2  }
0x1e3: {  	v2 =	vadd.f32 v5, v8;
	v5 =	vmax.f32 v6, $0.0e+00;
	v6 =	vld [tilespmem:s18+$0x0]  }
0x1e4: {  	[tilespmem:s19+$0xFFFFFF60] =	vst v5;
	v5 =	vld [tilespmem:s21+$0x0]  }
0x1e5: {  	s22 =	sadd.s32 $0x4, s22;
	s19 =	sadd.s32 $0x200, s19;
	v8 =	vld [tilespmem:s20+$0xFFFFFF10];
	v2 =	vmax.f32 v2, $0.0e+00  }
0x1e6: {  	p0 =	slt.u32 s22, $0x3C;
	v9 =	vld [tilespmem:s23+$0xFFFFFE10];
	v3 =	vadd.f32 v3, v4;
	[tilespmem:s19+$0xFFFFFF90] =	vst v2  }
0x1e7: {  	v2 =	vld [tilespmem:s23+$0xFFFFFFA0]  }
0x1e8: {  	v3 =	vmax.f32 v3, $0.0e+00;
	v4 =	vld [tilespmem:s20+$0xFFFFFFA0]  }
0x1e9: {  	[tilespmem:s19+$0xFFFFFE90] =	vst v3;
	v3 =	vld [tilespmem:s18+$0xFFFFFE70];
	v5 =	vadd.f32 v5, v6  }
0x1ea: {  	v6 =	vld [tilespmem:s23+$0xFFFFFEA0];
	v7 =	vadd.f32 v8, v7  }
0x1eb: {  	v1 =	vadd.f32 v1, v9;
	v8 =	vld [tilespmem:s20+$0xFFFFFEA0];
	v5 =	vmax.f32 v5, $0.0e+00  }
0x1ec: {  	v7 =	vmax.f32 v7, $0.0e+00;
	v9 =	vld [tilespmem:s21+$0xFFFFFE70];
	[tilespmem:s10+$0x0] =	vst v5  }
0x1ed: {  	v1 =	vmax.f32 v1, $0.0e+00;
	[tilespmem:s19+$0xFFFFFF10] =	vst v7;
	v2 =	vadd.f32 v4, v2;
	v4 =	vld [tilespmem:s18+$0xFFFFFEF0]  }
0x1ee: {  	[tilespmem:s19+$0xFFFFFE10] =	vst v1;
	v1 =	vld [tilespmem:s23+$0xFFFFFF20]  }
0x1ef: {  	v5 =	vld [tilespmem:s23+$0xFFFFFE20];
	v2 =	vmax.f32 v2, $0.0e+00  }
0x1f0: {  	v7 =	vld [tilespmem:s20+$0xFFFFFE20];
	v6 =	vadd.f32 v8, v6;
	[tilespmem:s19+$0xFFFFFFA0] =	vst v2  }
0x1f1: {  	v2 =	vld [tilespmem:s23+$0xFFFFFFB0];
	v3 =	vadd.f32 v9, v3  }
0x1f2: {  	v6 =	vmax.f32 v6, $0.0e+00;
	v8 =	vld [tilespmem:s20+$0xFFFFFFB0]  }
0x1f3: {  	[tilespmem:s19+$0xFFFFFEA0] =	vst v6;
	v6 =	vld [tilespmem:s20+$0xFFFFFF20];
	v3 =	vmax.f32 v3, $0.0e+00  }
0x1f4: {  	v9 =	vld [tilespmem:s23+$0xFFFFFEB0];
	[tilespmem:s10+$0xFFFFFE70] =	vst v3  }
0x1f5: {  	v3 =	vadd.f32 v7, v5;
	v5 =	vld [tilespmem:s20+$0xFFFFFEB0]  }
0x1f6: {  	v7 =	vld [tilespmem:s21+$0xFFFFFEF0]  }
0x1f7: {  	v3 =	vmax.f32 v3, $0.0e+00;
	v2 =	vadd.f32 v8, v2;
	v8 =	vld [tilespmem:s18+$0xFFFFFF70]  }
0x1f8: {  	[tilespmem:s19+$0xFFFFFE20] =	vst v3;
	v1 =	vadd.f32 v6, v1;
	v3 =	vld [tilespmem:s21+$0xFFFFFF70]  }
0x1f9: {  	v6 =	vld [tilespmem:s23+$0xFFFFFE30];
	v2 =	vmax.f32 v2, $0.0e+00  }
0x1fa: {  	v10 =	vld [tilespmem:s20+$0xFFFFFE30];
	v5 =	vadd.f32 v5, v9;
	v1 =	vmax.f32 v1, $0.0e+00;
	[tilespmem:s19+$0xFFFFFFB0] =	vst v2  }
0x1fb: {  	[tilespmem:s19+$0xFFFFFF20] =	vst v1;
	v1 =	vld [tilespmem:s23+$0xFFFFFFC0];
	v2 =	vadd.f32 v7, v4  }
0x1fc: {  	v4 =	vmax.f32 v5, $0.0e+00;
	v5 =	vld [tilespmem:s20+$0xFFFFFFC0]  }
0x1fd: {  	[tilespmem:s19+$0xFFFFFEB0] =	vst v4;
	v4 =	vld [tilespmem:s23+$0xFFFFFF30];
	v2 =	vmax.f32 v2, $0.0e+00;
	v3 =	vadd.f32 v3, v8  }
0x1fe: {  	v7 =	vld [tilespmem:s20+$0xFFFFFF30];
	[tilespmem:s10+$0xFFFFFEF0] =	vst v2  }
0x1ff: {  	v2 =	vadd.f32 v10, v6;
	v6 =	vld [tilespmem:s23+$0xFFFFFEC0];
	v3 =	vmax.f32 v3, $0.0e+00  }
0x200: {  	v8 =	vld [tilespmem:s20+$0xFFFFFEC0];
	[tilespmem:s10+$0xFFFFFF70] =	vst v3  }
0x201: {  	v2 =	vmax.f32 v2, $0.0e+00;
	v1 =	vadd.f32 v5, v1;
	v3 =	vld [tilespmem:s18+$0xFFFFFE80]  }
0x202: {  	[tilespmem:s19+$0xFFFFFE30] =	vst v2;
	v2 =	vld [tilespmem:s21+$0xFFFFFE80]  }
0x203: {  	v5 =	vld [tilespmem:s23+$0xFFFFFE40];
	v4 =	vadd.f32 v7, v4;
	v1 =	vmax.f32 v1, $0.0e+00  }
0x204: {  	v7 =	vld [tilespmem:s20+$0xFFFFFE40];
	[tilespmem:s19+$0xFFFFFFC0] =	vst v1  }
0x205: {  	v1 =	vadd.f32 v8, v6;
	v4 =	vmax.f32 v4, $0.0e+00;
	v6 =	vld [tilespmem:s23+$0xFFFFFFD0]  }
0x206: {  	[tilespmem:s19+$0xFFFFFF30] =	vst v4;
	v4 =	vld [tilespmem:s20+$0xFFFFFFD0]  }
0x207: {  	v1 =	vmax.f32 v1, $0.0e+00;
	v8 =	vld [tilespmem:s23+$0xFFFFFF40];
	v2 =	vadd.f32 v2, v3  }
0x208: {  	[tilespmem:s19+$0xFFFFFEC0] =	vst v1;
	v1 =	vld [tilespmem:s20+$0xFFFFFF40]  }
0x209: {  	v3 =	vadd.f32 v7, v5;
	v5 =	vld [tilespmem:s23+$0xFFFFFED0];
	v2 =	vmax.f32 v2, $0.0e+00  }
0x20a: {  	v7 =	vld [tilespmem:s20+$0xFFFFFED0];
	[tilespmem:s10+$0xFFFFFE80] =	vst v2  }
0x20b: {  	v2 =	vmax.f32 v3, $0.0e+00;
	v3 =	vadd.f32 v4, v6;
	v4 =	vld [tilespmem:s18+$0xFFFFFF00]  }
0x20c: {  	[tilespmem:s19+$0xFFFFFE40] =	vst v2;
	v2 =	vld [tilespmem:s21+$0xFFFFFF00]  }
0x20d: {  	v6 =	vld [tilespmem:s23+$0xFFFFFE50];
	v1 =	vadd.f32 v1, v8;
	v3 =	vmax.f32 v3, $0.0e+00  }
0x20e: {  	v8 =	vld [tilespmem:s20+$0xFFFFFE50];
	[tilespmem:s19+$0xFFFFFFD0] =	vst v3  }
0x20f: {  	v3 =	vadd.f32 v7, v5;
	v1 =	vmax.f32 v1, $0.0e+00;
	v5 =	vld [tilespmem:s23+$0xFFFFFFE0]  }
0x210: {  	[tilespmem:s19+$0xFFFFFF40] =	vst v1;
	v1 =	vld [tilespmem:s20+$0xFFFFFFE0]  }
0x211: {  	v3 =	vmax.f32 v3, $0.0e+00;
	v7 =	vld [tilespmem:s23+$0xFFFFFF50];
	v2 =	vadd.f32 v2, v4  }
0x212: {  	[tilespmem:s19+$0xFFFFFED0] =	vst v3;
	v4 =	vld [tilespmem:s20+$0xFFFFFF50]  }
0x213: {  	v3 =	vadd.f32 v8, v6;
	v6 =	vld [tilespmem:s23+$0xFFFFFEE0];
	v2 =	vmax.f32 v2, $0.0e+00  }
0x214: {  	v8 =	vld [tilespmem:s20+$0xFFFFFEE0];
	[tilespmem:s10+$0xFFFFFF00] =	vst v2  }
0x215: {  	v2 =	vmax.f32 v3, $0.0e+00;
	v1 =	vadd.f32 v1, v5;
	v9 =	vld [tilespmem:s18+$0xFFFFFF80];
	s18 =	smov.u32 s23  }
0x216: {  	[tilespmem:s19+$0xFFFFFE50] =	vst v2;
	v10 =	vld [tilespmem:s21+$0xFFFFFF80];
	s21 =	smov.u32 s20  }
0x217: {  	v3 =	vld [tilespmem:s23+$0xFFFFFE60];
	v2 =	vadd.f32 v4, v7;
	v1 =	vmax.f32 v1, $0.0e+00  }
.Ltmp2:
0x218: {  	v5 =	vld [tilespmem:s20+$0xFFFFFE60];
	[tilespmem:s19+$0xFFFFFFE0] =	vst v1;
	(pc) =	sbr.rel @p0 .LBB2_6-.Ltmp2, $4  }
0x219: {  	v1 =	vadd.f32 v8, v6;
	v4 =	vmax.f32 v2, $0.0e+00;
	v2 =	vld [tilespmem:s23+$0xFFFFFFF0]  }
0x21a: {  	[tilespmem:s19+$0xFFFFFF50] =	vst v4;
	v4 =	vld [tilespmem:s20+$0xFFFFFFF0]  }
0x21b: {  	v7 =	vmax.f32 v1, $0.0e+00;
	v6 =	vld [tilespmem:s23+$0xFFFFFF60];
	v1 =	vadd.f32 v10, v9  }
0x21c: {  	s23 =	sadd.s32 $0x200, s23;
	[tilespmem:s19+$0xFFFFFEE0] =	vst v7;
	v7 =	vld [tilespmem:s20+$0xFFFFFF60]  }
0x21d: {  	v3 =	vadd.f32 v5, v3;
	_ =	sdelay $0x1  }
0x21e: {  	v3 =	vmax.f32 v3, $0.0e+00  }
0x21f: {  	[tilespmem:s19+$0xFFFFFE60] =	vst v3  }
0x220: {  	v3 =	vadd.f32 v7, v6;
	v55 =	vld [tilespmem:s18+$0xFFFFFE70]  }
0x221: {  	v56 =	vld [tilespmem:s21+$0xFFFFFE70]  }
0x222: {  	v57 =	vld [tilespmem:s18+$0xFFFFFEF0];
	v3 =	vmax.f32 v3, $0.0e+00  }
0x223: {  	[tilespmem:s19+$0xFFFFFF60] =	vst v3;
	v3 =	vld [tilespmem:s21+$0xFFFFFEF0]  }
0x224: {  	v2 =	vadd.f32 v4, v2;
	v58 =	vld [tilespmem:s18+$0xFFFFFF70]  }
0x225: {  	v8 =	vld [tilespmem:s21+$0xFFFFFF70]  }
0x226: {  	v2 =	vmax.f32 v2, $0.0e+00;
	v5 =	vadd.f32 v56, v55  }
0x227: {  	[tilespmem:s19+$0xFFFFFFF0] =	vst v2  }
0x228: {  	v2 =	vld [tilespmem:s18+$0x0];
	v5 =	vmax.f32 v5, $0.0e+00;
	v3 =	vadd.f32 v3, v57  }
0x229: {  	v59 =	vld [tilespmem:s21+$0x0];
	[tilespmem:s19+$0xFFFFFE70] =	vst v5  }
0x22a: {  	v4 =	vadd.f32 v8, v58;
	v5 =	vld [tilespmem:s18+$0xFFFFFE80];
	v3 =	vmax.f32 v3, $0.0e+00  }
0x22b: {  	[tilespmem:s19+$0xFFFFFEF0] =	vst v3;
	v3 =	vld [tilespmem:s21+$0xFFFFFE80]  }
0x22c: {  	v4 =	vmax.f32 v4, $0.0e+00;
	v60 =	vld [tilespmem:s18+$0xFFFFFF00]  }
0x22d: {  	[tilespmem:s19+$0xFFFFFF70] =	vst v4;
	v61 =	vld [tilespmem:s21+$0xFFFFFF00]  }
0x22e: {  	v62 =	vld [tilespmem:s18+$0xFFFFFF80]  }
0x22f: {  	v9 =	vld [tilespmem:s21+$0xFFFFFF80];
	_ =	sdelay $0x1  }
0x230: {  	v2 =	vadd.f32 v59, v2  }
0x231: {  	v1 =	vmax.f32 v1, $0.0e+00;
	v3 =	vadd.f32 v3, v5  }
0x232: {  	[tilespmem:s10+$0xFFFFFF80] =	vst v1;
	v1 =	vmax.f32 v2, $0.0e+00;
	v2 =	vadd.f32 v61, v60  }
0x233: {  	[tilespmem:s19+$0x0] =	vst v1;
	v1 =	vmax.f32 v3, $0.0e+00;
	v3 =	vadd.f32 v9, v62  }
0x234: {  	[tilespmem:s19+$0xFFFFFE80] =	vst v1;
	v1 =	vmax.f32 v2, $0.0e+00  }
0x235: {  	[tilespmem:s19+$0xFFFFFF00] =	vst v1;
	v1 =	vmax.f32 v3, $0.0e+00  }
0x236: {  	s24 =	simm.s32 $0x180;
	[tilespmem:s19+$0xFFFFFF80] =	vst v1  }
0x237: {  	[spmem:s2] =	stream.indirect.scatter.add.f32 [tilespmem:s0], [sflag:$0x4], $0x80, s24, s8, $0xb8;
	v63 =	vld [tilespmem:$0x0]  }
0x238: {  	_ =	swait.ge [sflag:s7], $0x100  }
0x239: {  	[sflag:s7] =	ssyncset.done $0x0  }
0x23a: {  	s25 =	simm.s32 $0x300;
	[sflag:s7] =	ssyncadd.s32 $0xFFFFFF00  }
0x23b: {  	[tilespmem:s13], [sflag:$0x2] =	stream.indirect.gather [hbm4b:s14+s8], $0x80, s25, s8, $0xb8;
	v63 =	vld [tilespmem:$0x0]  }
0x23c: {  	s26 =	simm.s32 $0x380;
	s18 =	simm.s32 $0x0  }
0x23d: {  	[tilespmem:s29], [sflag:$0x2] =	stream.indirect.gather [hbm4b:s15+s8], $0x80, s26, s8, $0xb8;
	v63 =	vld [tilespmem:$0x0]  }
.LBB2_8:
0x23e: {  	_ =	swait.ge [sflag:s30], $0x2000  }
0x23f: {  	[sflag:s30] =	ssyncset.done $0x0  }
0x240: {  	[sflag:s30] =	ssyncadd.s32 $0xFFFFE000  }
0x241: {  	_ =	swait.ge [sflag:s30], $0x2000  }
0x242: {  	s19 =	sshll.u32 s18, $0x1;
	[sflag:s30] =	ssyncset.done $0x0  }
0x243: {  	s10 =	sadd.s32 s19, s4;
	[sflag:s30] =	ssyncadd.s32 $0xFFFFE000  }
0x244: {  	s26 =	simm.s32 $0x500;
	s17 =	sshll.u32 s10, $0x5;
	_ =	swait.ge [sflag:s1], $0x2000  }
0x245: {  	s10 =	sshll.u32 s18, $0x9;
	s17 =	sand.u32 $0x1FFFFFE0, s17;
	[sflag:s1] =	ssyncset.done $0x0  }
0x246: {  	s20 =	sand.u32 $0x200, s10;
	s17 =	sadd.s32 s16, s17;
	[sflag:s1] =	ssyncadd.s32 $0xFFFFE000  }
0x247: {  	[tilespmem:s20], [sflag:$0x5] =	stream.linear.gather [hbm4b:s17+s12], $0x100, $0x38;
	v63 =	vld [tilespmem:$0x0]  }
0x248: {  	s25 =	simm.s32 $0x4500;
	v1 =	vld [tilespmem:s26+$0x80]  }
0x249: {  	v2 =	vld [tilespmem:s25+$0x80];
	_ =	sdelay $0x4  }
0x24a: {  	v3 =	vld [tilespmem:s26+$0xFFFFFF80];
	v1 =	vadd.f32 v2, v1  }
0x24b: {  	v2 =	vld [tilespmem:s25+$0xFFFFFF80]  }
0x24c: {  	s21 =	simm.s32 $0x8500;
	v4 =	vld [tilespmem:s25+$0xFFFFFF00];
	v1 =	vmax.f32 v1, $0.0e+00  }
0x24d: {  	v5 =	vld [tilespmem:s26+$0xFFFFFF00];
	[tilespmem:s21+$0x80] =	vst v1  }
0x24e: {  	v1 =	vld [tilespmem:s26+$0x90]  }
0x24f: {  	v6 =	vld [tilespmem:s25+$0x90]  }
0x250: {  	v7 =	vld [tilespmem:s26+$0x0];
	v2 =	vadd.f32 v2, v3  }
0x251: {  	v3 =	vld [tilespmem:s25+$0x0]  }
0x252: {  	v4 =	vadd.f32 v4, v5;
	v2 =	vmax.f32 v2, $0.0e+00  }
0x253: {  	[tilespmem:s21+$0xFFFFFF80] =	vst v2  }
0x254: {  	v4 =	vmax.f32 v4, $0.0e+00;
	v2 =	vld [tilespmem:s26+$0xFFFFFF90];
	v1 =	vadd.f32 v6, v1  }
0x255: {  	[tilespmem:s21+$0xFFFFFF00] =	vst v4;
	v5 =	vld [tilespmem:s25+$0xFFFFFF90]  }
0x256: {  	v4 =	vld [tilespmem:s26+$0xFFFFFF10];
	v3 =	vadd.f32 v3, v7;
	v1 =	vmax.f32 v1, $0.0e+00  }
0x257: {  	v6 =	vld [tilespmem:s25+$0xFFFFFF10];
	[tilespmem:s21+$0x90] =	vst v1  }
0x258: {  	v1 =	vmax.f32 v3, $0.0e+00;
	v3 =	vld [tilespmem:s26+$0xA0]  }
0x259: {  	[tilespmem:s21+$0x0] =	vst v1;
	v1 =	vld [tilespmem:s25+$0xA0]  }
0x25a: {  	v7 =	vld [tilespmem:s26+$0x10];
	v2 =	vadd.f32 v5, v2  }
0x25b: {  	v5 =	vld [tilespmem:s25+$0x10]  }
0x25c: {  	v2 =	vmax.f32 v2, $0.0e+00  }
0x25d: {  	v4 =	vadd.f32 v6, v4;
	[tilespmem:s21+$0xFFFFFF90] =	vst v2  }
0x25e: {  	v2 =	vld [tilespmem:s26+$0xFFFFFFA0];
	v1 =	vadd.f32 v1, v3  }
0x25f: {  	v4 =	vmax.f32 v4, $0.0e+00;
	v3 =	vld [tilespmem:s25+$0xFFFFFFA0]  }
0x260: {  	[tilespmem:s21+$0xFFFFFF10] =	vst v4;
	v4 =	vadd.f32 v5, v7;
	v1 =	vmax.f32 v1, $0.0e+00  }
0x261: {  	[tilespmem:s21+$0xA0] =	vst v1  }
0x262: {  	v1 =	vmax.f32 v4, $0.0e+00;
	v4 =	vld [tilespmem:s26+$0xB0]  }
0x263: {  	[tilespmem:s21+$0x10] =	vst v1;
	v1 =	vld [tilespmem:s25+$0xB0]  }
0x264: {  	v2 =	vadd.f32 v3, v2;
	v3 =	vld [tilespmem:s26+$0x20]  }
0x265: {  	v7 =	vld [tilespmem:s25+$0x20]  }
0x266: {  	v6 =	vld [tilespmem:s25+$0xFFFFFF20];
	v2 =	vmax.f32 v2, $0.0e+00  }
0x267: {  	v5 =	vld [tilespmem:s26+$0xFFFFFF20];
	[tilespmem:s21+$0xFFFFFFA0] =	vst v2  }
0x268: {  	v2 =	vld [tilespmem:s26+$0xFFFFFFB0];
	v1 =	vadd.f32 v1, v4  }
0x269: {  	v4 =	vld [tilespmem:s25+$0xFFFFFFB0]  }
0x26a: {  	v3 =	vadd.f32 v7, v3;
	v1 =	vmax.f32 v1, $0.0e+00  }
0x26b: {  	[tilespmem:s21+$0xB0] =	vst v1  }
0x26c: {  	v5 =	vadd.f32 v6, v5;
	v1 =	vmax.f32 v3, $0.0e+00;
	v3 =	vld [tilespmem:s26+$0xC0]  }
0x26d: {  	[tilespmem:s21+$0x20] =	vst v1;
	v1 =	vld [tilespmem:s25+$0xC0]  }
0x26e: {  	v5 =	vmax.f32 v5, $0.0e+00;
	v2 =	vadd.f32 v4, v2;
	v4 =	vld [tilespmem:s26+$0x30]  }
0x26f: {  	[tilespmem:s21+$0xFFFFFF20] =	vst v5;
	v7 =	vld [tilespmem:s25+$0x30]  }
0x270: {  	v5 =	vld [tilespmem:s26+$0xFFFFFF30];
	v2 =	vmax.f32 v2, $0.0e+00  }
0x271: {  	v6 =	vld [tilespmem:s25+$0xFFFFFF30];
	[tilespmem:s21+$0xFFFFFFB0] =	vst v2  }
0x272: {  	v2 =	vld [tilespmem:s26+$0xFFFFFFC0];
	v1 =	vadd.f32 v1, v3  }
0x273: {  	v3 =	vld [tilespmem:s25+$0xFFFFFFC0]  }
0x274: {  	s24 =	simm.s32 $0x4700;
	v4 =	vadd.f32 v7, v4;
	v1 =	vmax.f32 v1, $0.0e+00  }
0x275: {  	v11 =	vld [tilespmem:s24+$0xFFFFFF00];
	[tilespmem:s21+$0xC0] =	vst v1  }
0x276: {  	v1 =	vmax.f32 v4, $0.0e+00;
	v4 =	vld [tilespmem:s26+$0xD0]  }
0x277: {  	v5 =	vadd.f32 v6, v5;
	[tilespmem:s21+$0x30] =	vst v1;
	v1 =	vld [tilespmem:s25+$0xD0]  }
0x278: {  	v2 =	vadd.f32 v3, v2;
	v3 =	vld [tilespmem:s26+$0x40]  }
0x279: {  	s22 =	simm.s32 $0x700;
	v5 =	vmax.f32 v5, $0.0e+00;
	v7 =	vld [tilespmem:s25+$0x40]  }
0x27a: {  	v51 =	vld [tilespmem:s22+$0xFFFFFF00];
	[tilespmem:s21+$0xFFFFFF30] =	vst v5  }
0x27b: {  	v5 =	vld [tilespmem:s26+$0xFFFFFF40]  }
0x27c: {  	v6 =	vld [tilespmem:s25+$0xFFFFFF40];
	v1 =	vadd.f32 v1, v4  }
0x27d: {  	v9 =	vld [tilespmem:s22+$0x80]  }
0x27e: {  	v10 =	vld [tilespmem:s24+$0x80];
	v3 =	vadd.f32 v7, v3;
	v1 =	vmax.f32 v1, $0.0e+00  }
0x27f: {  	v12 =	vld [tilespmem:s24+$0xFFFFFF80];
	v11 =	vadd.f32 v11, v51;
	[tilespmem:s21+$0xD0] =	vst v1  }
0x280: {  	v1 =	vmax.f32 v3, $0.0e+00;
	v3 =	vld [tilespmem:s26+$0xE0]  }
0x281: {  	s23 =	simm.s32 $0x8700;
	v11 =	vmax.f32 v11, $0.0e+00;
	v5 =	vadd.f32 v6, v5;
	[tilespmem:s21+$0x40] =	vst v1;
	v1 =	vld [tilespmem:s25+$0xE0]  }
0x282: {  	v13 =	vld [tilespmem:s22+$0x0];
	[tilespmem:s23+$0xFFFFFF00] =	vst v11;
	v2 =	vmax.f32 v2, $0.0e+00  }
0x283: {  	v11 =	vld [tilespmem:s22+$0xFFFFFF10];
	[tilespmem:s21+$0xFFFFFFC0] =	vst v2;
	v5 =	vmax.f32 v5, $0.0e+00  }
0x284: {  	v2 =	vld [tilespmem:s26+$0xFFFFFFD0];
	[tilespmem:s21+$0xFFFFFF40] =	vst v5  }
0x285: {  	v5 =	vld [tilespmem:s26+$0xFFFFFF50]  }
0x286: {  	v6 =	vld [tilespmem:s25+$0xFFFFFF50];
	v1 =	vadd.f32 v1, v3  }
0x287: {  	v3 =	vld [tilespmem:s22+$0xFFFFFF80]  }
0x288: {  	v4 =	vld [tilespmem:s25+$0xFFFFFFD0];
	v1 =	vmax.f32 v1, $0.0e+00  }
0x289: {  	v7 =	vld [tilespmem:s26+$0x50];
	[tilespmem:s21+$0xE0] =	vst v1;
	v1 =	vadd.f32 v10, v9  }
0x28a: {  	v8 =	vld [tilespmem:s25+$0x50]  }
0x28b: {  	v5 =	vadd.f32 v6, v5;
	v6 =	vld [tilespmem:s24+$0x0];
	v1 =	vmax.f32 v1, $0.0e+00  }
0x28c: {  	v53 =	vld [tilespmem:s24+$0xFFFFFF10];
	v3 =	vadd.f32 v12, v3;
	[tilespmem:s23+$0x80] =	vst v1  }
0x28d: {  	v1 =	vmax.f32 v5, $0.0e+00;
	v5 =	vld [tilespmem:s22+$0x90]  }
0x28e: {  	v2 =	vadd.f32 v4, v2;
	[tilespmem:s21+$0xFFFFFF50] =	vst v1;
	v1 =	vmax.f32 v3, $0.0e+00;
	v3 =	vld [tilespmem:s24+$0x90]  }
0x28f: {  	v7 =	vadd.f32 v8, v7;
	v49 =	vld [tilespmem:s26+$0xF0]  }
0x290: {  	v2 =	vmax.f32 v2, $0.0e+00;
	v6 =	vadd.f32 v6, v13;
	v50 =	vld [tilespmem:s25+$0xF0];
	[tilespmem:s23+$0xFFFFFF80] =	vst v1  }
0x291: {  	[tilespmem:s21+$0xFFFFFFD0] =	vst v2;
	v7 =	vmax.f32 v7, $0.0e+00;
	v4 =	vld [tilespmem:s22+$0xFFFFFF90]  }
0x292: {  	v2 =	vmax.f32 v6, $0.0e+00;
	[tilespmem:s21+$0x50] =	vst v7;
	v52 =	vld [tilespmem:s24+$0xFFFFFF90]  }
0x293: {  	v7 =	vld [tilespmem:s25+$0xFFFFFFE0];
	[tilespmem:s23+$0x0] =	vst v2;
	v2 =	vadd.f32 v3, v5  }
0x294: {  	v56 =	vld [tilespmem:s26+$0x60]  }
0x295: {  	v57 =	vld [tilespmem:s25+$0x60];
	v2 =	vmax.f32 v2, $0.0e+00  }
0x296: {  	v1 =	vld [tilespmem:s26+$0xFFFFFF60];
	[tilespmem:s23+$0x90] =	vst v2  }
0x297: {  	v4 =	vadd.f32 v52, v4;
	v2 =	vld [tilespmem:s22+$0xA0]  }
0x298: {  	v54 =	vld [tilespmem:s24+$0xA0]  }
0x299: {  	v5 =	vld [tilespmem:s22+$0x10];
	v4 =	vmax.f32 v4, $0.0e+00  }
0x29a: {  	[tilespmem:s23+$0xFFFFFF90] =	vst v4;
	v4 =	vld [tilespmem:s24+$0x10]  }
0x29b: {  	v11 =	vadd.f32 v53, v11;
	v8 =	vld [tilespmem:s22+$0xFFFFFFA0]  }
0x29c: {  	v55 =	vld [tilespmem:s24+$0xFFFFFFA0]  }
0x29d: {  	v11 =	vmax.f32 v11, $0.0e+00;
	v6 =	vld [tilespmem:s25+$0xFFFFFF60];
	v2 =	vadd.f32 v54, v2  }
0x29e: {  	[tilespmem:s23+$0xFFFFFF10] =	vst v11;
	v3 =	vld [tilespmem:s26+$0xFFFFFFE0]  }
0x29f: {  	v4 =	vadd.f32 v4, v5;
	v5 =	vld [tilespmem:s22+$0xFFFFFF20];
	v2 =	vmax.f32 v2, $0.0e+00  }
0x2a0: {  	[tilespmem:s23+$0xA0] =	vst v2;
	v2 =	vld [tilespmem:s24+$0xFFFFFF20]  }
0x2a1: {  	v8 =	vadd.f32 v55, v8;
	v4 =	vmax.f32 v4, $0.0e+00;
	v58 =	vld [tilespmem:s22+$0xB0]  }
0x2a2: {  	v1 =	vadd.f32 v6, v1;
	[tilespmem:s23+$0x10] =	vst v4;
	v4 =	vld [tilespmem:s24+$0xB0]  }
0x2a3: {  	v6 =	vmax.f32 v8, $0.0e+00;
	v8 =	vld [tilespmem:s22+$0x20]  }
0x2a4: {  	v1 =	vmax.f32 v1, $0.0e+00;
	[tilespmem:s23+$0xFFFFFFA0] =	vst v6;
	v6 =	vld [tilespmem:s24+$0x20]  }
0x2a5: {  	[tilespmem:s21+$0xFFFFFF60] =	vst v1;
	v1 =	vld [tilespmem:s24+$0xFFFFFFB0];
	v2 =	vadd.f32 v2, v5  }
0x2a6: {  	v5 =	vld [tilespmem:s22+$0xFFFFFFB0]  }
0x2a7: {  	v59 =	vld [tilespmem:s26+$0xFFFFFF70];
	v4 =	vadd.f32 v4, v58;
	v2 =	vmax.f32 v2, $0.0e+00  }
0x2a8: {  	[tilespmem:s23+$0xFFFFFF20] =	vst v2;
	v2 =	vld [tilespmem:s25+$0xFFFFFF70]  }
0x2a9: {  	v6 =	vadd.f32 v6, v8;
	v4 =	vmax.f32 v4, $0.0e+00;
	v8 =	vld [tilespmem:s22+$0xFFFFFF30]  }
0x2aa: {  	[tilespmem:s23+$0xB0] =	vst v4;
	v4 =	vld [tilespmem:s24+$0xFFFFFF30]  }
0x2ab: {  	v1 =	vadd.f32 v1, v5;
	v5 =	vmax.f32 v6, $0.0e+00;
	v6 =	vld [tilespmem:s22+$0xC0]  }
0x2ac: {  	[tilespmem:s23+$0x20] =	vst v5;
	v5 =	vld [tilespmem:s24+$0xC0]  }
0x2ad: {  	v3 =	vadd.f32 v7, v3;
	v1 =	vmax.f32 v1, $0.0e+00;
	v7 =	vld [tilespmem:s22+$0x30]  }
0x2ae: {  	[tilespmem:s23+$0xFFFFFFB0] =	vst v1;
	v1 =	vld [tilespmem:s24+$0x30]  }
0x2af: {  	v3 =	vmax.f32 v3, $0.0e+00;
	v4 =	vadd.f32 v4, v8;
	v8 =	vld [tilespmem:s22+$0xFFFFFFC0]  }
0x2b0: {  	[tilespmem:s21+$0xFFFFFFE0] =	vst v3;
	v3 =	vld [tilespmem:s24+$0xFFFFFFC0]  }
0x2b1: {  	v4 =	vmax.f32 v4, $0.0e+00;
	v5 =	vadd.f32 v5, v6;
	v6 =	vld [tilespmem:s26+$0xFFFFFFF0]  }
0x2b2: {  	[tilespmem:s23+$0xFFFFFF30] =	vst v4;
	v4 =	vld [tilespmem:s25+$0xFFFFFFF0]  }
0x2b3: {  	v1 =	vadd.f32 v1, v7;
	v7 =	vld [tilespmem:s22+$0xFFFFFF40];
	v5 =	vmax.f32 v5, $0.0e+00  }
0x2b4: {  	[tilespmem:s23+$0xC0] =	vst v5;
	v5 =	vld [tilespmem:s24+$0xFFFFFF40]  }
0x2b5: {  	v3 =	vadd.f32 v3, v8;
	v1 =	vmax.f32 v1, $0.0e+00;
	v8 =	vld [tilespmem:s22+$0xD0]  }
0x2b6: {  	[tilespmem:s23+$0x30] =	vst v1;
	v1 =	vld [tilespmem:s24+$0xD0]  }
0x2b7: {  	v11 =	vadd.f32 v57, v56;
	v3 =	vmax.f32 v3, $0.0e+00;
	v60 =	vld [tilespmem:s22+$0x40]  }
0x2b8: {  	[tilespmem:s23+$0xFFFFFFC0] =	vst v3;
	v3 =	vld [tilespmem:s24+$0x40]  }
0x2b9: {  	v11 =	vmax.f32 v11, $0.0e+00;
	v61 =	vld [tilespmem:s24+$0xFFFFFFD0];
	v5 =	vadd.f32 v5, v7  }
0x2ba: {  	v9 =	vadd.f32 v50, v49;
	[tilespmem:s21+$0x60] =	vst v11;
	v7 =	vld [tilespmem:s22+$0xFFFFFFD0]  }
0x2bb: {  	v11 =	vld [tilespmem:s25+$0x70];
	v5 =	vmax.f32 v5, $0.0e+00;
	v1 =	vadd.f32 v1, v8  }
0x2bc: {  	v9 =	vmax.f32 v9, $0.0e+00;
	v2 =	vadd.f32 v2, v59;
	v8 =	vld [tilespmem:s26+$0x70];
	[tilespmem:s23+$0xFFFFFF40] =	vst v5  }
0x2bd: {  	[tilespmem:s21+$0xF0] =	vst v9;
	v62 =	vadd.f32 v3, v60;
	v3 =	vld [tilespmem:s22+$0xFFFFFF50];
	v1 =	vmax.f32 v1, $0.0e+00  }
0x2be: {  	v2 =	vmax.f32 v2, $0.0e+00;
	v4 =	vadd.f32 v4, v6;
	v5 =	vld [tilespmem:s24+$0xFFFFFF50];
	[tilespmem:s23+$0xD0] =	vst v1  }
0x2bf: {  	[tilespmem:s21+$0xFFFFFF70] =	vst v2;
	v1 =	vadd.f32 v61, v7;
	v6 =	vmax.f32 v62, $0.0e+00;
	v2 =	vld [tilespmem:s22+$0xE0]  }
0x2c0: {  	v7 =	vmax.f32 v4, $0.0e+00;
	[tilespmem:s23+$0x40] =	vst v6;
	v4 =	vld [tilespmem:s24+$0xE0]  }
0x2c1: {  	[tilespmem:s21+$0xFFFFFFF0] =	vst v7;
	v7 =	vmax.f32 v1, $0.0e+00;
	v6 =	vld [tilespmem:s22+$0x50];
	v1 =	vadd.f32 v11, v8  }
0x2c2: {  	s17 =	simm.s32 $0x900;
	s25 =	simm.s32 $0x4700;
	s26 =	simm.s32 $0x4;
	[tilespmem:s23+$0xFFFFFFD0] =	vst v7;
	v7 =	vld [tilespmem:s24+$0x50]  }
.LBB2_9:
0x2c3: {  	v8 =	vld [tilespmem:s17+$0x80];
	v3 =	vadd.f32 v5, v3;
	s24 =	sadd.s32 $0x200, s24;
	v1 =	vmax.f32 v1, $0.0e+00  }
0x2c4: {  	v5 =	vld [tilespmem:s24+$0x80];
	[tilespmem:s21+$0x70] =	vst v1;
	s21 =	smov.u32 s23  }
0x2c5: {  	v1 =	vld [tilespmem:s24+$0xFFFFFF00];
	v3 =	vmax.f32 v3, $0.0e+00;
	v2 =	vadd.f32 v4, v2  }
0x2c6: {  	v4 =	vld [tilespmem:s17+$0xFFFFFF80];
	[tilespmem:s23+$0xFFFFFF50] =	vst v3  }
0x2c7: {  	v3 =	vld [tilespmem:s24+$0xFFFFFF80];
	v6 =	vadd.f32 v7, v6;
	v2 =	vmax.f32 v2, $0.0e+00  }
0x2c8: {  	v7 =	vld [tilespmem:s17+$0x0];
	[tilespmem:s23+$0xE0] =	vst v2  }
0x2c9: {  	v2 =	vadd.f32 v5, v8;
	v5 =	vmax.f32 v6, $0.0e+00;
	v6 =	vld [tilespmem:s22+$0xF0]  }
0x2ca: {  	[tilespmem:s23+$0x50] =	vst v5;
	v5 =	vld [tilespmem:s25+$0xF0]  }
0x2cb: {  	s26 =	sadd.s32 $0x4, s26;
	s23 =	sadd.s32 $0x200, s23;
	v8 =	vld [tilespmem:s24+$0x0];
	v2 =	vmax.f32 v2, $0.0e+00  }
0x2cc: {  	p0 =	slt.u32 s26, $0x3C;
	v9 =	vld [tilespmem:s17+$0xFFFFFF00];
	v3 =	vadd.f32 v3, v4;
	[tilespmem:s23+$0x80] =	vst v2  }
0x2cd: {  	v2 =	vld [tilespmem:s17+$0x90]  }
0x2ce: {  	v3 =	vmax.f32 v3, $0.0e+00;
	v4 =	vld [tilespmem:s24+$0x90]  }
0x2cf: {  	[tilespmem:s23+$0xFFFFFF80] =	vst v3;
	v3 =	vld [tilespmem:s22+$0xFFFFFF60];
	v5 =	vadd.f32 v5, v6  }
0x2d0: {  	v6 =	vld [tilespmem:s17+$0xFFFFFF90];
	v7 =	vadd.f32 v8, v7  }
0x2d1: {  	v1 =	vadd.f32 v1, v9;
	v8 =	vld [tilespmem:s24+$0xFFFFFF90];
	v5 =	vmax.f32 v5, $0.0e+00  }
0x2d2: {  	v7 =	vmax.f32 v7, $0.0e+00;
	v9 =	vld [tilespmem:s25+$0xFFFFFF60];
	[tilespmem:s21+$0xF0] =	vst v5  }
0x2d3: {  	v1 =	vmax.f32 v1, $0.0e+00;
	[tilespmem:s23+$0x0] =	vst v7;
	v2 =	vadd.f32 v4, v2;
	v4 =	vld [tilespmem:s22+$0xFFFFFFE0]  }
0x2d4: {  	[tilespmem:s23+$0xFFFFFF00] =	vst v1;
	v1 =	vld [tilespmem:s17+$0x10]  }
0x2d5: {  	v5 =	vld [tilespmem:s17+$0xFFFFFF10];
	v2 =	vmax.f32 v2, $0.0e+00  }
0x2d6: {  	v7 =	vld [tilespmem:s24+$0xFFFFFF10];
	v6 =	vadd.f32 v8, v6;
	[tilespmem:s23+$0x90] =	vst v2  }
0x2d7: {  	v2 =	vld [tilespmem:s17+$0xA0];
	v3 =	vadd.f32 v9, v3  }
0x2d8: {  	v6 =	vmax.f32 v6, $0.0e+00;
	v8 =	vld [tilespmem:s24+$0xA0]  }
0x2d9: {  	[tilespmem:s23+$0xFFFFFF90] =	vst v6;
	v6 =	vld [tilespmem:s24+$0x10];
	v3 =	vmax.f32 v3, $0.0e+00  }
0x2da: {  	v9 =	vld [tilespmem:s17+$0xFFFFFFA0];
	[tilespmem:s21+$0xFFFFFF60] =	vst v3  }
0x2db: {  	v3 =	vadd.f32 v7, v5;
	v5 =	vld [tilespmem:s24+$0xFFFFFFA0]  }
0x2dc: {  	v7 =	vld [tilespmem:s25+$0xFFFFFFE0]  }
0x2dd: {  	v3 =	vmax.f32 v3, $0.0e+00;
	v2 =	vadd.f32 v8, v2;
	v8 =	vld [tilespmem:s22+$0x60]  }
0x2de: {  	[tilespmem:s23+$0xFFFFFF10] =	vst v3;
	v1 =	vadd.f32 v6, v1;
	v3 =	vld [tilespmem:s25+$0x60]  }
0x2df: {  	v6 =	vld [tilespmem:s17+$0xFFFFFF20];
	v2 =	vmax.f32 v2, $0.0e+00  }
0x2e0: {  	v10 =	vld [tilespmem:s24+$0xFFFFFF20];
	v5 =	vadd.f32 v5, v9;
	v1 =	vmax.f32 v1, $0.0e+00;
	[tilespmem:s23+$0xA0] =	vst v2  }
0x2e1: {  	[tilespmem:s23+$0x10] =	vst v1;
	v1 =	vld [tilespmem:s17+$0xB0];
	v2 =	vadd.f32 v7, v4  }
0x2e2: {  	v4 =	vmax.f32 v5, $0.0e+00;
	v5 =	vld [tilespmem:s24+$0xB0]  }
0x2e3: {  	[tilespmem:s23+$0xFFFFFFA0] =	vst v4;
	v4 =	vld [tilespmem:s17+$0x20];
	v2 =	vmax.f32 v2, $0.0e+00;
	v3 =	vadd.f32 v3, v8  }
0x2e4: {  	v7 =	vld [tilespmem:s24+$0x20];
	[tilespmem:s21+$0xFFFFFFE0] =	vst v2  }
0x2e5: {  	v2 =	vadd.f32 v10, v6;
	v6 =	vld [tilespmem:s17+$0xFFFFFFB0];
	v3 =	vmax.f32 v3, $0.0e+00  }
0x2e6: {  	v8 =	vld [tilespmem:s24+$0xFFFFFFB0];
	[tilespmem:s21+$0x60] =	vst v3  }
0x2e7: {  	v2 =	vmax.f32 v2, $0.0e+00;
	v1 =	vadd.f32 v5, v1;
	v3 =	vld [tilespmem:s22+$0xFFFFFF70]  }
0x2e8: {  	[tilespmem:s23+$0xFFFFFF20] =	vst v2;
	v2 =	vld [tilespmem:s25+$0xFFFFFF70]  }
0x2e9: {  	v5 =	vld [tilespmem:s17+$0xFFFFFF30];
	v4 =	vadd.f32 v7, v4;
	v1 =	vmax.f32 v1, $0.0e+00  }
0x2ea: {  	v7 =	vld [tilespmem:s24+$0xFFFFFF30];
	[tilespmem:s23+$0xB0] =	vst v1  }
0x2eb: {  	v1 =	vadd.f32 v8, v6;
	v4 =	vmax.f32 v4, $0.0e+00;
	v6 =	vld [tilespmem:s17+$0xC0]  }
0x2ec: {  	[tilespmem:s23+$0x20] =	vst v4;
	v4 =	vld [tilespmem:s24+$0xC0]  }
0x2ed: {  	v1 =	vmax.f32 v1, $0.0e+00;
	v8 =	vld [tilespmem:s17+$0x30];
	v2 =	vadd.f32 v2, v3  }
0x2ee: {  	[tilespmem:s23+$0xFFFFFFB0] =	vst v1;
	v1 =	vld [tilespmem:s24+$0x30]  }
0x2ef: {  	v3 =	vadd.f32 v7, v5;
	v5 =	vld [tilespmem:s17+$0xFFFFFFC0];
	v2 =	vmax.f32 v2, $0.0e+00  }
0x2f0: {  	v7 =	vld [tilespmem:s24+$0xFFFFFFC0];
	[tilespmem:s21+$0xFFFFFF70] =	vst v2  }
0x2f1: {  	v2 =	vmax.f32 v3, $0.0e+00;
	v3 =	vadd.f32 v4, v6;
	v4 =	vld [tilespmem:s22+$0xFFFFFFF0]  }
0x2f2: {  	[tilespmem:s23+$0xFFFFFF30] =	vst v2;
	v2 =	vld [tilespmem:s25+$0xFFFFFFF0]  }
0x2f3: {  	v6 =	vld [tilespmem:s17+$0xFFFFFF40];
	v1 =	vadd.f32 v1, v8;
	v3 =	vmax.f32 v3, $0.0e+00  }
0x2f4: {  	v8 =	vld [tilespmem:s24+$0xFFFFFF40];
	[tilespmem:s23+$0xC0] =	vst v3  }
0x2f5: {  	v3 =	vadd.f32 v7, v5;
	v1 =	vmax.f32 v1, $0.0e+00;
	v5 =	vld [tilespmem:s17+$0xD0]  }
0x2f6: {  	[tilespmem:s23+$0x30] =	vst v1;
	v1 =	vld [tilespmem:s24+$0xD0]  }
0x2f7: {  	v3 =	vmax.f32 v3, $0.0e+00;
	v7 =	vld [tilespmem:s17+$0x40];
	v2 =	vadd.f32 v2, v4  }
0x2f8: {  	[tilespmem:s23+$0xFFFFFFC0] =	vst v3;
	v4 =	vld [tilespmem:s24+$0x40]  }
0x2f9: {  	v3 =	vadd.f32 v8, v6;
	v6 =	vld [tilespmem:s17+$0xFFFFFFD0];
	v2 =	vmax.f32 v2, $0.0e+00  }
0x2fa: {  	v8 =	vld [tilespmem:s24+$0xFFFFFFD0];
	[tilespmem:s21+$0xFFFFFFF0] =	vst v2  }
0x2fb: {  	v2 =	vmax.f32 v3, $0.0e+00;
	v1 =	vadd.f32 v1, v5;
	v9 =	vld [tilespmem:s22+$0x70];
	s22 =	smov.u32 s17  }
0x2fc: {  	[tilespmem:s23+$0xFFFFFF40] =	vst v2;
	v10 =	vld [tilespmem:s25+$0x70];
	s25 =	smov.u32 s24  }
0x2fd: {  	v3 =	vld [tilespmem:s17+$0xFFFFFF50];
	v2 =	vadd.f32 v4, v7;
	v1 =	vmax.f32 v1, $0.0e+00  }
.Ltmp3:
0x2fe: {  	v5 =	vld [tilespmem:s24+$0xFFFFFF50];
	[tilespmem:s23+$0xD0] =	vst v1;
	(pc) =	sbr.rel @p0 .LBB2_9-.Ltmp3, $4  }
0x2ff: {  	v1 =	vadd.f32 v8, v6;
	v4 =	vmax.f32 v2, $0.0e+00;
	v2 =	vld [tilespmem:s17+$0xE0]  }
0x300: {  	[tilespmem:s23+$0x40] =	vst v4;
	v4 =	vld [tilespmem:s24+$0xE0]  }
0x301: {  	v7 =	vmax.f32 v1, $0.0e+00;
	v6 =	vld [tilespmem:s17+$0x50];
	v1 =	vadd.f32 v10, v9  }
0x302: {  	s17 =	sadd.s32 $0x200, s17;
	[tilespmem:s23+$0xFFFFFFD0] =	vst v7;
	v7 =	vld [tilespmem:s24+$0x50]  }
0x303: {  	v3 =	vadd.f32 v5, v3;
	_ =	sdelay $0x1  }
0x304: {  	v3 =	vmax.f32 v3, $0.0e+00  }
0x305: {  	[tilespmem:s23+$0xFFFFFF50] =	vst v3  }
0x306: {  	v3 =	vadd.f32 v7, v6;
	v5 =	vld [tilespmem:s22+$0xFFFFFF60]  }
0x307: {  	v6 =	vld [tilespmem:s25+$0xFFFFFF60]  }
0x308: {  	v7 =	vld [tilespmem:s22+$0xFFFFFFE0];
	v3 =	vmax.f32 v3, $0.0e+00  }
0x309: {  	[tilespmem:s23+$0x50] =	vst v3;
	v3 =	vld [tilespmem:s25+$0xFFFFFFE0]  }
0x30a: {  	v2 =	vadd.f32 v4, v2;
	v4 =	vld [tilespmem:s22+$0x60]  }
0x30b: {  	v8 =	vld [tilespmem:s25+$0x60]  }
0x30c: {  	v2 =	vmax.f32 v2, $0.0e+00;
	v5 =	vadd.f32 v6, v5  }
0x30d: {  	[tilespmem:s23+$0xE0] =	vst v2  }
0x30e: {  	v2 =	vld [tilespmem:s22+$0xF0];
	v5 =	vmax.f32 v5, $0.0e+00;
	v3 =	vadd.f32 v3, v7  }
0x30f: {  	v6 =	vld [tilespmem:s25+$0xF0];
	[tilespmem:s23+$0xFFFFFF60] =	vst v5  }
0x310: {  	v4 =	vadd.f32 v8, v4;
	v5 =	vld [tilespmem:s22+$0xFFFFFF70];
	v3 =	vmax.f32 v3, $0.0e+00  }
0x311: {  	[tilespmem:s23+$0xFFFFFFE0] =	vst v3;
	v3 =	vld [tilespmem:s25+$0xFFFFFF70]  }
0x312: {  	v4 =	vmax.f32 v4, $0.0e+00;
	v7 =	vld [tilespmem:s22+$0xFFFFFFF0]  }
0x313: {  	[tilespmem:s23+$0x60] =	vst v4;
	v4 =	vld [tilespmem:s25+$0xFFFFFFF0]  }
0x314: {  	v8 =	vld [tilespmem:s22+$0x70]  }
0x315: {  	v9 =	vld [tilespmem:s25+$0x70];
	_ =	sdelay $0x1  }
0x316: {  	v2 =	vadd.f32 v6, v2  }
0x317: {  	v1 =	vmax.f32 v1, $0.0e+00;
	v3 =	vadd.f32 v3, v5  }
0x318: {  	[tilespmem:s21+$0x70] =	vst v1;
	v1 =	vmax.f32 v2, $0.0e+00;
	v2 =	vadd.f32 v4, v7  }
0x319: {  	[tilespmem:s23+$0xF0] =	vst v1;
	v1 =	vmax.f32 v3, $0.0e+00;
	v3 =	vadd.f32 v9, v8  }
0x31a: {  	[tilespmem:s23+$0xFFFFFF70] =	vst v1;
	v1 =	vmax.f32 v2, $0.0e+00  }
0x31b: {  	[tilespmem:s23+$0xFFFFFFF0] =	vst v1;
	v1 =	vmax.f32 v3, $0.0e+00  }
0x31c: {  	s17 =	ssub.s32 $0x280, s20;
	[tilespmem:s23+$0x70] =	vst v1  }
0x31d: {  	[spmem:s2] =	stream.indirect.scatter.add.f32 [tilespmem:s5], [sflag:$0x3], $0x80, s17, s8, $0xb8;
	v63 =	vld [tilespmem:$0x0]  }
0x31e: {  	_ =	swait.ge [sflag:s7], $0x100  }
0x31f: {  	[sflag:s7] =	ssyncset.done $0x0  }
0x320: {  	[sflag:s7] =	ssyncadd.s32 $0xFFFFFF00  }
0x321: {  	[tilespmem:s9], [sflag:$0x1] =	stream.indirect.gather [hbm4b:s14+s8], $0x80, s20, s8, $0xb8;
	v63 =	vld [tilespmem:$0x0]  }
0x322: {  	s22 =	sadd.s32 $0x80, s20  }
0x323: {  	[tilespmem:s11], [sflag:$0x1] =	stream.indirect.gather [hbm4b:s15+s8], $0x80, s22, s8, $0xb8;
	v63 =	vld [tilespmem:$0x0]  }
0x324: {  	_ =	swait.ge [sflag:s31], $0x2000  }
0x325: {  	[sflag:s31] =	ssyncset.done $0x0  }
0x326: {  	[sflag:s31] =	ssyncadd.s32 $0xFFFFE000  }
0x327: {  	_ =	swait.ge [sflag:s31], $0x2000  }
0x328: {  	s23 =	sadd.s32 $0x5, s19;
	[sflag:s31] =	ssyncset.done $0x0  }
0x329: {  	s19 =	sadd.s32 s28, s23;
	[sflag:s31] =	ssyncadd.s32 $0xFFFFE000  }
0x32a: {  	s26 =	simm.s32 $0x25F0;
	s19 =	sshll.u32 s19, $0x5;
	_ =	swait.ge [sflag:s3], $0x2000  }
0x32b: {  	s17 =	sshll.u32 s23, $0x8;
	s24 =	sand.u32 $0x1FFFFFE0, s19;
	[sflag:s3] =	ssyncset.done $0x0  }
0x32c: {  	s19 =	sand.u32 $0x300, s17;
	s25 =	sadd.s32 s16, s24;
	[sflag:s3] =	ssyncadd.s32 $0xFFFFE000  }
0x32d: {  	[tilespmem:s19], [sflag:$0x5] =	stream.linear.gather [hbm4b:s25+s12], $0x100, $0x38;
	v63 =	vld [tilespmem:$0x0]  }
0x32e: {  	s24 =	simm.s32 $0x65F0;
	v1 =	vld [tilespmem:s26+$0xFFFFFF90]  }
0x32f: {  	v2 =	vld [tilespmem:s24+$0xFFFFFF90];
	_ =	sdelay $0x4  }
0x330: {  	v3 =	vld [tilespmem:s26+$0xFFFFFE90];
	v1 =	vadd.f32 v2, v1  }
0x331: {  	v2 =	vld [tilespmem:s24+$0xFFFFFE90]  }
0x332: {  	s20 =	simm.s32 $0xA5F0;
	v4 =	vld [tilespmem:s24+$0xFFFFFE10];
	v1 =	vmax.f32 v1, $0.0e+00  }
0x333: {  	v5 =	vld [tilespmem:s26+$0xFFFFFE10];
	[tilespmem:s20+$0xFFFFFF90] =	vst v1  }
0x334: {  	v1 =	vld [tilespmem:s26+$0xFFFFFFA0]  }
0x335: {  	v6 =	vld [tilespmem:s24+$0xFFFFFFA0]  }
0x336: {  	v7 =	vld [tilespmem:s26+$0xFFFFFF10];
	v2 =	vadd.f32 v2, v3  }
0x337: {  	v3 =	vld [tilespmem:s24+$0xFFFFFF10]  }
0x338: {  	v4 =	vadd.f32 v4, v5;
	v2 =	vmax.f32 v2, $0.0e+00  }
0x339: {  	[tilespmem:s20+$0xFFFFFE90] =	vst v2  }
0x33a: {  	v4 =	vmax.f32 v4, $0.0e+00;
	v2 =	vld [tilespmem:s26+$0xFFFFFEA0];
	v1 =	vadd.f32 v6, v1  }
0x33b: {  	[tilespmem:s20+$0xFFFFFE10] =	vst v4;
	v5 =	vld [tilespmem:s24+$0xFFFFFEA0]  }
0x33c: {  	v4 =	vld [tilespmem:s26+$0xFFFFFE20];
	v3 =	vadd.f32 v3, v7;
	v1 =	vmax.f32 v1, $0.0e+00  }
0x33d: {  	v6 =	vld [tilespmem:s24+$0xFFFFFE20];
	[tilespmem:s20+$0xFFFFFFA0] =	vst v1  }
0x33e: {  	v1 =	vmax.f32 v3, $0.0e+00;
	v3 =	vld [tilespmem:s26+$0xFFFFFFB0]  }
0x33f: {  	[tilespmem:s20+$0xFFFFFF10] =	vst v1;
	v1 =	vld [tilespmem:s24+$0xFFFFFFB0]  }
0x340: {  	v7 =	vld [tilespmem:s26+$0xFFFFFF20];
	v2 =	vadd.f32 v5, v2  }
0x341: {  	v5 =	vld [tilespmem:s24+$0xFFFFFF20]  }
0x342: {  	v2 =	vmax.f32 v2, $0.0e+00  }
0x343: {  	v4 =	vadd.f32 v6, v4;
	[tilespmem:s20+$0xFFFFFEA0] =	vst v2  }
0x344: {  	v2 =	vld [tilespmem:s26+$0xFFFFFEB0];
	v1 =	vadd.f32 v1, v3  }
0x345: {  	v4 =	vmax.f32 v4, $0.0e+00;
	v3 =	vld [tilespmem:s24+$0xFFFFFEB0]  }
0x346: {  	[tilespmem:s20+$0xFFFFFE20] =	vst v4;
	v4 =	vadd.f32 v5, v7;
	v1 =	vmax.f32 v1, $0.0e+00  }
0x347: {  	[tilespmem:s20+$0xFFFFFFB0] =	vst v1  }
0x348: {  	v1 =	vmax.f32 v4, $0.0e+00;
	v4 =	vld [tilespmem:s26+$0xFFFFFFC0]  }
0x349: {  	[tilespmem:s20+$0xFFFFFF20] =	vst v1;
	v1 =	vld [tilespmem:s24+$0xFFFFFFC0]  }
0x34a: {  	v2 =	vadd.f32 v3, v2;
	v3 =	vld [tilespmem:s26+$0xFFFFFF30]  }
0x34b: {  	v7 =	vld [tilespmem:s24+$0xFFFFFF30]  }
0x34c: {  	v6 =	vld [tilespmem:s24+$0xFFFFFE30];
	v2 =	vmax.f32 v2, $0.0e+00  }
0x34d: {  	v5 =	vld [tilespmem:s26+$0xFFFFFE30];
	[tilespmem:s20+$0xFFFFFEB0] =	vst v2  }
0x34e: {  	v2 =	vld [tilespmem:s26+$0xFFFFFEC0];
	v1 =	vadd.f32 v1, v4  }
0x34f: {  	v4 =	vld [tilespmem:s24+$0xFFFFFEC0]  }
0x350: {  	v3 =	vadd.f32 v7, v3;
	v1 =	vmax.f32 v1, $0.0e+00  }
0x351: {  	[tilespmem:s20+$0xFFFFFFC0] =	vst v1  }
0x352: {  	v5 =	vadd.f32 v6, v5;
	v1 =	vmax.f32 v3, $0.0e+00;
	v3 =	vld [tilespmem:s26+$0xFFFFFFD0]  }
0x353: {  	[tilespmem:s20+$0xFFFFFF30] =	vst v1;
	v1 =	vld [tilespmem:s24+$0xFFFFFFD0]  }
0x354: {  	v5 =	vmax.f32 v5, $0.0e+00;
	v2 =	vadd.f32 v4, v2;
	v4 =	vld [tilespmem:s26+$0xFFFFFF40]  }
0x355: {  	[tilespmem:s20+$0xFFFFFE30] =	vst v5;
	v7 =	vld [tilespmem:s24+$0xFFFFFF40]  }
0x356: {  	v5 =	vld [tilespmem:s26+$0xFFFFFE40];
	v2 =	vmax.f32 v2, $0.0e+00  }
0x357: {  	v6 =	vld [tilespmem:s24+$0xFFFFFE40];
	[tilespmem:s20+$0xFFFFFEC0] =	vst v2  }
0x358: {  	v2 =	vld [tilespmem:s26+$0xFFFFFED0];
	v1 =	vadd.f32 v1, v3  }
0x359: {  	v3 =	vld [tilespmem:s24+$0xFFFFFED0]  }
0x35a: {  	s23 =	simm.s32 $0x67F0;
	v4 =	vadd.f32 v7, v4;
	v1 =	vmax.f32 v1, $0.0e+00  }
0x35b: {  	v11 =	vld [tilespmem:s23+$0xFFFFFE10];
	[tilespmem:s20+$0xFFFFFFD0] =	vst v1  }
0x35c: {  	v1 =	vmax.f32 v4, $0.0e+00;
	v4 =	vld [tilespmem:s26+$0xFFFFFFE0]  }
0x35d: {  	v5 =	vadd.f32 v6, v5;
	[tilespmem:s20+$0xFFFFFF40] =	vst v1;
	v1 =	vld [tilespmem:s24+$0xFFFFFFE0]  }
0x35e: {  	v2 =	vadd.f32 v3, v2;
	v3 =	vld [tilespmem:s26+$0xFFFFFF50]  }
0x35f: {  	s22 =	simm.s32 $0x27F0;
	v5 =	vmax.f32 v5, $0.0e+00;
	v7 =	vld [tilespmem:s24+$0xFFFFFF50]  }
0x360: {  	v51 =	vld [tilespmem:s22+$0xFFFFFE10];
	[tilespmem:s20+$0xFFFFFE40] =	vst v5  }
0x361: {  	v5 =	vld [tilespmem:s26+$0xFFFFFE50]  }
0x362: {  	v6 =	vld [tilespmem:s24+$0xFFFFFE50];
	v1 =	vadd.f32 v1, v4  }
0x363: {  	v48 =	vld [tilespmem:s22+$0xFFFFFF90]  }
0x364: {  	v10 =	vld [tilespmem:s23+$0xFFFFFF90];
	v3 =	vadd.f32 v7, v3;
	v1 =	vmax.f32 v1, $0.0e+00  }
0x365: {  	v12 =	vld [tilespmem:s23+$0xFFFFFE90];
	v11 =	vadd.f32 v11, v51;
	[tilespmem:s20+$0xFFFFFFE0] =	vst v1  }
0x366: {  	v1 =	vmax.f32 v3, $0.0e+00;
	v3 =	vld [tilespmem:s26+$0xFFFFFFF0]  }
0x367: {  	s21 =	simm.s32 $0xA7F0;
	v11 =	vmax.f32 v11, $0.0e+00;
	v5 =	vadd.f32 v6, v5;
	[tilespmem:s20+$0xFFFFFF50] =	vst v1;
	v1 =	vld [tilespmem:s24+$0xFFFFFFF0]  }
0x368: {  	v13 =	vld [tilespmem:s22+$0xFFFFFF10];
	[tilespmem:s21+$0xFFFFFE10] =	vst v11;
	v2 =	vmax.f32 v2, $0.0e+00  }
0x369: {  	v11 =	vld [tilespmem:s22+$0xFFFFFE20];
	[tilespmem:s20+$0xFFFFFED0] =	vst v2;
	v5 =	vmax.f32 v5, $0.0e+00  }
0x36a: {  	v2 =	vld [tilespmem:s26+$0xFFFFFEE0];
	[tilespmem:s20+$0xFFFFFE50] =	vst v5  }
0x36b: {  	v5 =	vld [tilespmem:s26+$0xFFFFFE60]  }
0x36c: {  	v6 =	vld [tilespmem:s24+$0xFFFFFE60];
	v1 =	vadd.f32 v1, v3  }
0x36d: {  	v3 =	vld [tilespmem:s22+$0xFFFFFE90]  }
0x36e: {  	v4 =	vld [tilespmem:s24+$0xFFFFFEE0];
	v1 =	vmax.f32 v1, $0.0e+00  }
0x36f: {  	v7 =	vld [tilespmem:s26+$0xFFFFFF60];
	[tilespmem:s20+$0xFFFFFFF0] =	vst v1;
	v1 =	vadd.f32 v10, v48  }
0x370: {  	v8 =	vld [tilespmem:s24+$0xFFFFFF60]  }
0x371: {  	v5 =	vadd.f32 v6, v5;
	v6 =	vld [tilespmem:s23+$0xFFFFFF10];
	v1 =	vmax.f32 v1, $0.0e+00  }
0x372: {  	v53 =	vld [tilespmem:s23+$0xFFFFFE20];
	v3 =	vadd.f32 v12, v3;
	[tilespmem:s21+$0xFFFFFF90] =	vst v1  }
0x373: {  	v1 =	vmax.f32 v5, $0.0e+00;
	v5 =	vld [tilespmem:s22+$0xFFFFFFA0]  }
0x374: {  	v2 =	vadd.f32 v4, v2;
	[tilespmem:s20+$0xFFFFFE60] =	vst v1;
	v1 =	vmax.f32 v3, $0.0e+00;
	v3 =	vld [tilespmem:s23+$0xFFFFFFA0]  }
0x375: {  	v7 =	vadd.f32 v8, v7;
	v49 =	vld [tilespmem:s26+$0x0]  }
0x376: {  	v2 =	vmax.f32 v2, $0.0e+00;
	v6 =	vadd.f32 v6, v13;
	v50 =	vld [tilespmem:s24+$0x0];
	[tilespmem:s21+$0xFFFFFE90] =	vst v1  }
0x377: {  	[tilespmem:s20+$0xFFFFFEE0] =	vst v2;
	v7 =	vmax.f32 v7, $0.0e+00;
	v4 =	vld [tilespmem:s22+$0xFFFFFEA0]  }
0x378: {  	v2 =	vmax.f32 v6, $0.0e+00;
	[tilespmem:s20+$0xFFFFFF60] =	vst v7;
	v52 =	vld [tilespmem:s23+$0xFFFFFEA0]  }
0x379: {  	v7 =	vld [tilespmem:s24+$0xFFFFFEF0];
	[tilespmem:s21+$0xFFFFFF10] =	vst v2;
	v2 =	vadd.f32 v3, v5  }
0x37a: {  	v56 =	vld [tilespmem:s26+$0xFFFFFF70]  }
0x37b: {  	v57 =	vld [tilespmem:s24+$0xFFFFFF70];
	v2 =	vmax.f32 v2, $0.0e+00  }
0x37c: {  	v1 =	vld [tilespmem:s26+$0xFFFFFE70];
	[tilespmem:s21+$0xFFFFFFA0] =	vst v2  }
0x37d: {  	v4 =	vadd.f32 v52, v4;
	v2 =	vld [tilespmem:s22+$0xFFFFFFB0]  }
0x37e: {  	v54 =	vld [tilespmem:s23+$0xFFFFFFB0]  }
0x37f: {  	v5 =	vld [tilespmem:s22+$0xFFFFFF20];
	v4 =	vmax.f32 v4, $0.0e+00  }
0x380: {  	[tilespmem:s21+$0xFFFFFEA0] =	vst v4;
	v4 =	vld [tilespmem:s23+$0xFFFFFF20]  }
0x381: {  	v11 =	vadd.f32 v53, v11;
	v8 =	vld [tilespmem:s22+$0xFFFFFEB0]  }
0x382: {  	v55 =	vld [tilespmem:s23+$0xFFFFFEB0]  }
0x383: {  	v11 =	vmax.f32 v11, $0.0e+00;
	v6 =	vld [tilespmem:s24+$0xFFFFFE70];
	v2 =	vadd.f32 v54, v2  }
0x384: {  	[tilespmem:s21+$0xFFFFFE20] =	vst v11;
	v3 =	vld [tilespmem:s26+$0xFFFFFEF0]  }
0x385: {  	v4 =	vadd.f32 v4, v5;
	v5 =	vld [tilespmem:s22+$0xFFFFFE30];
	v2 =	vmax.f32 v2, $0.0e+00  }
0x386: {  	[tilespmem:s21+$0xFFFFFFB0] =	vst v2;
	v2 =	vld [tilespmem:s23+$0xFFFFFE30]  }
0x387: {  	v8 =	vadd.f32 v55, v8;
	v4 =	vmax.f32 v4, $0.0e+00;
	v58 =	vld [tilespmem:s22+$0xFFFFFFC0]  }
0x388: {  	v1 =	vadd.f32 v6, v1;
	[tilespmem:s21+$0xFFFFFF20] =	vst v4;
	v4 =	vld [tilespmem:s23+$0xFFFFFFC0]  }
0x389: {  	v6 =	vmax.f32 v8, $0.0e+00;
	v8 =	vld [tilespmem:s22+$0xFFFFFF30]  }
0x38a: {  	v1 =	vmax.f32 v1, $0.0e+00;
	[tilespmem:s21+$0xFFFFFEB0] =	vst v6;
	v6 =	vld [tilespmem:s23+$0xFFFFFF30]  }
0x38b: {  	[tilespmem:s20+$0xFFFFFE70] =	vst v1;
	v1 =	vld [tilespmem:s23+$0xFFFFFEC0];
	v2 =	vadd.f32 v2, v5  }
0x38c: {  	v5 =	vld [tilespmem:s22+$0xFFFFFEC0]  }
0x38d: {  	v59 =	vld [tilespmem:s26+$0xFFFFFE80];
	v4 =	vadd.f32 v4, v58;
	v2 =	vmax.f32 v2, $0.0e+00  }
0x38e: {  	[tilespmem:s21+$0xFFFFFE30] =	vst v2;
	v2 =	vld [tilespmem:s24+$0xFFFFFE80]  }
0x38f: {  	v6 =	vadd.f32 v6, v8;
	v4 =	vmax.f32 v4, $0.0e+00;
	v8 =	vld [tilespmem:s22+$0xFFFFFE40]  }
0x390: {  	[tilespmem:s21+$0xFFFFFFC0] =	vst v4;
	v4 =	vld [tilespmem:s23+$0xFFFFFE40]  }
0x391: {  	v1 =	vadd.f32 v1, v5;
	v5 =	vmax.f32 v6, $0.0e+00;
	v6 =	vld [tilespmem:s22+$0xFFFFFFD0]  }
0x392: {  	[tilespmem:s21+$0xFFFFFF30] =	vst v5;
	v5 =	vld [tilespmem:s23+$0xFFFFFFD0]  }
0x393: {  	v3 =	vadd.f32 v7, v3;
	v1 =	vmax.f32 v1, $0.0e+00;
	v7 =	vld [tilespmem:s22+$0xFFFFFF40]  }
0x394: {  	[tilespmem:s21+$0xFFFFFEC0] =	vst v1;
	v1 =	vld [tilespmem:s23+$0xFFFFFF40]  }
0x395: {  	v3 =	vmax.f32 v3, $0.0e+00;
	v4 =	vadd.f32 v4, v8;
	v8 =	vld [tilespmem:s22+$0xFFFFFED0]  }
0x396: {  	[tilespmem:s20+$0xFFFFFEF0] =	vst v3;
	v3 =	vld [tilespmem:s23+$0xFFFFFED0]  }
0x397: {  	v4 =	vmax.f32 v4, $0.0e+00;
	v5 =	vadd.f32 v5, v6;
	v6 =	vld [tilespmem:s26+$0xFFFFFF00]  }
0x398: {  	[tilespmem:s21+$0xFFFFFE40] =	vst v4;
	v4 =	vld [tilespmem:s24+$0xFFFFFF00]  }
0x399: {  	v1 =	vadd.f32 v1, v7;
	v7 =	vld [tilespmem:s22+$0xFFFFFE50];
	v5 =	vmax.f32 v5, $0.0e+00  }
0x39a: {  	[tilespmem:s21+$0xFFFFFFD0] =	vst v5;
	v5 =	vld [tilespmem:s23+$0xFFFFFE50]  }
0x39b: {  	v3 =	vadd.f32 v3, v8;
	v1 =	vmax.f32 v1, $0.0e+00;
	v8 =	vld [tilespmem:s22+$0xFFFFFFE0]  }
0x39c: {  	[tilespmem:s21+$0xFFFFFF40] =	vst v1;
	v1 =	vld [tilespmem:s23+$0xFFFFFFE0]  }
0x39d: {  	v11 =	vadd.f32 v57, v56;
	v3 =	vmax.f32 v3, $0.0e+00;
	v60 =	vld [tilespmem:s22+$0xFFFFFF50]  }
0x39e: {  	[tilespmem:s21+$0xFFFFFED0] =	vst v3;
	v3 =	vld [tilespmem:s23+$0xFFFFFF50]  }
0x39f: {  	v11 =	vmax.f32 v11, $0.0e+00;
	v61 =	vld [tilespmem:s23+$0xFFFFFEE0];
	v5 =	vadd.f32 v5, v7  }
0x3a0: {  	v9 =	vadd.f32 v50, v49;
	[tilespmem:s20+$0xFFFFFF70] =	vst v11;
	v7 =	vld [tilespmem:s22+$0xFFFFFEE0]  }
0x3a1: {  	v11 =	vld [tilespmem:s24+$0xFFFFFF80];
	v5 =	vmax.f32 v5, $0.0e+00;
	v1 =	vadd.f32 v1, v8  }
0x3a2: {  	v9 =	vmax.f32 v9, $0.0e+00;
	v2 =	vadd.f32 v2, v59;
	v8 =	vld [tilespmem:s26+$0xFFFFFF80];
	[tilespmem:s21+$0xFFFFFE50] =	vst v5  }
0x3a3: {  	[tilespmem:s20+$0x0] =	vst v9;
	v62 =	vadd.f32 v3, v60;
	v3 =	vld [tilespmem:s22+$0xFFFFFE60];
	v1 =	vmax.f32 v1, $0.0e+00  }
0x3a4: {  	v2 =	vmax.f32 v2, $0.0e+00;
	v4 =	vadd.f32 v4, v6;
	v5 =	vld [tilespmem:s23+$0xFFFFFE60];
	[tilespmem:s21+$0xFFFFFFE0] =	vst v1  }
0x3a5: {  	[tilespmem:s20+$0xFFFFFE80] =	vst v2;
	v1 =	vadd.f32 v61, v7;
	v6 =	vmax.f32 v62, $0.0e+00;
	v2 =	vld [tilespmem:s22+$0xFFFFFFF0]  }
0x3a6: {  	v7 =	vmax.f32 v4, $0.0e+00;
	[tilespmem:s21+$0xFFFFFF50] =	vst v6;
	v4 =	vld [tilespmem:s23+$0xFFFFFFF0]  }
0x3a7: {  	[tilespmem:s20+$0xFFFFFF00] =	vst v7;
	v7 =	vmax.f32 v1, $0.0e+00;
	v6 =	vld [tilespmem:s22+$0xFFFFFF60];
	v1 =	vadd.f32 v11, v8  }
0x3a8: {  	s17 =	simm.s32 $0x29F0;
	s25 =	simm.s32 $0x4;
	s24 =	simm.s32 $0x67F0;
	[tilespmem:s21+$0xFFFFFEE0] =	vst v7;
	v7 =	vld [tilespmem:s23+$0xFFFFFF60]  }
.LBB2_11:
0x3a9: {  	v8 =	vld [tilespmem:s17+$0xFFFFFF90];
	v3 =	vadd.f32 v5, v3;
	s23 =	sadd.s32 $0x200, s23;
	v1 =	vmax.f32 v1, $0.0e+00  }
0x3aa: {  	v5 =	vld [tilespmem:s23+$0xFFFFFF90];
	[tilespmem:s20+$0xFFFFFF80] =	vst v1;
	s20 =	smov.u32 s21  }
0x3ab: {  	v1 =	vld [tilespmem:s23+$0xFFFFFE10];
	v3 =	vmax.f32 v3, $0.0e+00;
	v2 =	vadd.f32 v4, v2  }
0x3ac: {  	v4 =	vld [tilespmem:s17+$0xFFFFFE90];
	[tilespmem:s21+$0xFFFFFE60] =	vst v3  }
0x3ad: {  	v3 =	vld [tilespmem:s23+$0xFFFFFE90];
	v6 =	vadd.f32 v7, v6;
	v2 =	vmax.f32 v2, $0.0e+00  }
0x3ae: {  	v7 =	vld [tilespmem:s17+$0xFFFFFF10];
	[tilespmem:s21+$0xFFFFFFF0] =	vst v2  }
0x3af: {  	v2 =	vadd.f32 v5, v8;
	v5 =	vmax.f32 v6, $0.0e+00;
	v6 =	vld [tilespmem:s22+$0x0]  }
0x3b0: {  	[tilespmem:s21+$0xFFFFFF60] =	vst v5;
	v5 =	vld [tilespmem:s24+$0x0]  }
0x3b1: {  	s25 =	sadd.s32 $0x4, s25;
	s21 =	sadd.s32 $0x200, s21;
	v8 =	vld [tilespmem:s23+$0xFFFFFF10];
	v2 =	vmax.f32 v2, $0.0e+00  }
0x3b2: {  	p0 =	slt.u32 s25, $0x3C;
	v9 =	vld [tilespmem:s17+$0xFFFFFE10];
	v3 =	vadd.f32 v3, v4;
	[tilespmem:s21+$0xFFFFFF90] =	vst v2  }
0x3b3: {  	v2 =	vld [tilespmem:s17+$0xFFFFFFA0]  }
0x3b4: {  	v3 =	vmax.f32 v3, $0.0e+00;
	v4 =	vld [tilespmem:s23+$0xFFFFFFA0]  }
0x3b5: {  	[tilespmem:s21+$0xFFFFFE90] =	vst v3;
	v3 =	vld [tilespmem:s22+$0xFFFFFE70];
	v5 =	vadd.f32 v5, v6  }
0x3b6: {  	v6 =	vld [tilespmem:s17+$0xFFFFFEA0];
	v7 =	vadd.f32 v8, v7  }
0x3b7: {  	v1 =	vadd.f32 v1, v9;
	v8 =	vld [tilespmem:s23+$0xFFFFFEA0];
	v5 =	vmax.f32 v5, $0.0e+00  }
0x3b8: {  	v7 =	vmax.f32 v7, $0.0e+00;
	v9 =	vld [tilespmem:s24+$0xFFFFFE70];
	[tilespmem:s20+$0x0] =	vst v5  }
0x3b9: {  	v1 =	vmax.f32 v1, $0.0e+00;
	[tilespmem:s21+$0xFFFFFF10] =	vst v7;
	v2 =	vadd.f32 v4, v2;
	v4 =	vld [tilespmem:s22+$0xFFFFFEF0]  }
0x3ba: {  	[tilespmem:s21+$0xFFFFFE10] =	vst v1;
	v1 =	vld [tilespmem:s17+$0xFFFFFF20]  }
0x3bb: {  	v5 =	vld [tilespmem:s17+$0xFFFFFE20];
	v2 =	vmax.f32 v2, $0.0e+00  }
0x3bc: {  	v7 =	vld [tilespmem:s23+$0xFFFFFE20];
	v6 =	vadd.f32 v8, v6;
	[tilespmem:s21+$0xFFFFFFA0] =	vst v2  }
0x3bd: {  	v2 =	vld [tilespmem:s17+$0xFFFFFFB0];
	v3 =	vadd.f32 v9, v3  }
0x3be: {  	v6 =	vmax.f32 v6, $0.0e+00;
	v8 =	vld [tilespmem:s23+$0xFFFFFFB0]  }
0x3bf: {  	[tilespmem:s21+$0xFFFFFEA0] =	vst v6;
	v6 =	vld [tilespmem:s23+$0xFFFFFF20];
	v3 =	vmax.f32 v3, $0.0e+00  }
0x3c0: {  	v9 =	vld [tilespmem:s17+$0xFFFFFEB0];
	[tilespmem:s20+$0xFFFFFE70] =	vst v3  }
0x3c1: {  	v3 =	vadd.f32 v7, v5;
	v5 =	vld [tilespmem:s23+$0xFFFFFEB0]  }
0x3c2: {  	v7 =	vld [tilespmem:s24+$0xFFFFFEF0]  }
0x3c3: {  	v3 =	vmax.f32 v3, $0.0e+00;
	v2 =	vadd.f32 v8, v2;
	v8 =	vld [tilespmem:s22+$0xFFFFFF70]  }
0x3c4: {  	[tilespmem:s21+$0xFFFFFE20] =	vst v3;
	v1 =	vadd.f32 v6, v1;
	v3 =	vld [tilespmem:s24+$0xFFFFFF70]  }
0x3c5: {  	v6 =	vld [tilespmem:s17+$0xFFFFFE30];
	v2 =	vmax.f32 v2, $0.0e+00  }
0x3c6: {  	v10 =	vld [tilespmem:s23+$0xFFFFFE30];
	v5 =	vadd.f32 v5, v9;
	v1 =	vmax.f32 v1, $0.0e+00;
	[tilespmem:s21+$0xFFFFFFB0] =	vst v2  }
0x3c7: {  	[tilespmem:s21+$0xFFFFFF20] =	vst v1;
	v1 =	vld [tilespmem:s17+$0xFFFFFFC0];
	v2 =	vadd.f32 v7, v4  }
0x3c8: {  	v4 =	vmax.f32 v5, $0.0e+00;
	v5 =	vld [tilespmem:s23+$0xFFFFFFC0]  }
0x3c9: {  	[tilespmem:s21+$0xFFFFFEB0] =	vst v4;
	v4 =	vld [tilespmem:s17+$0xFFFFFF30];
	v2 =	vmax.f32 v2, $0.0e+00;
	v3 =	vadd.f32 v3, v8  }
0x3ca: {  	v7 =	vld [tilespmem:s23+$0xFFFFFF30];
	[tilespmem:s20+$0xFFFFFEF0] =	vst v2  }
0x3cb: {  	v2 =	vadd.f32 v10, v6;
	v6 =	vld [tilespmem:s17+$0xFFFFFEC0];
	v3 =	vmax.f32 v3, $0.0e+00  }
0x3cc: {  	v8 =	vld [tilespmem:s23+$0xFFFFFEC0];
	[tilespmem:s20+$0xFFFFFF70] =	vst v3  }
0x3cd: {  	v2 =	vmax.f32 v2, $0.0e+00;
	v1 =	vadd.f32 v5, v1;
	v3 =	vld [tilespmem:s22+$0xFFFFFE80]  }
0x3ce: {  	[tilespmem:s21+$0xFFFFFE30] =	vst v2;
	v2 =	vld [tilespmem:s24+$0xFFFFFE80]  }
0x3cf: {  	v5 =	vld [tilespmem:s17+$0xFFFFFE40];
	v4 =	vadd.f32 v7, v4;
	v1 =	vmax.f32 v1, $0.0e+00  }
0x3d0: {  	v7 =	vld [tilespmem:s23+$0xFFFFFE40];
	[tilespmem:s21+$0xFFFFFFC0] =	vst v1  }
0x3d1: {  	v1 =	vadd.f32 v8, v6;
	v4 =	vmax.f32 v4, $0.0e+00;
	v6 =	vld [tilespmem:s17+$0xFFFFFFD0]  }
0x3d2: {  	[tilespmem:s21+$0xFFFFFF30] =	vst v4;
	v4 =	vld [tilespmem:s23+$0xFFFFFFD0]  }
0x3d3: {  	v1 =	vmax.f32 v1, $0.0e+00;
	v8 =	vld [tilespmem:s17+$0xFFFFFF40];
	v2 =	vadd.f32 v2, v3  }
0x3d4: {  	[tilespmem:s21+$0xFFFFFEC0] =	vst v1;
	v1 =	vld [tilespmem:s23+$0xFFFFFF40]  }
0x3d5: {  	v3 =	vadd.f32 v7, v5;
	v5 =	vld [tilespmem:s17+$0xFFFFFED0];
	v2 =	vmax.f32 v2, $0.0e+00  }
0x3d6: {  	v7 =	vld [tilespmem:s23+$0xFFFFFED0];
	[tilespmem:s20+$0xFFFFFE80] =	vst v2  }
0x3d7: {  	v2 =	vmax.f32 v3, $0.0e+00;
	v3 =	vadd.f32 v4, v6;
	v4 =	vld [tilespmem:s22+$0xFFFFFF00]  }
0x3d8: {  	[tilespmem:s21+$0xFFFFFE40] =	vst v2;
	v2 =	vld [tilespmem:s24+$0xFFFFFF00]  }
0x3d9: {  	v6 =	vld [tilespmem:s17+$0xFFFFFE50];
	v1 =	vadd.f32 v1, v8;
	v3 =	vmax.f32 v3, $0.0e+00  }
0x3da: {  	v8 =	vld [tilespmem:s23+$0xFFFFFE50];
	[tilespmem:s21+$0xFFFFFFD0] =	vst v3  }
0x3db: {  	v3 =	vadd.f32 v7, v5;
	v1 =	vmax.f32 v1, $0.0e+00;
	v5 =	vld [tilespmem:s17+$0xFFFFFFE0]  }
0x3dc: {  	[tilespmem:s21+$0xFFFFFF40] =	vst v1;
	v1 =	vld [tilespmem:s23+$0xFFFFFFE0]  }
0x3dd: {  	v3 =	vmax.f32 v3, $0.0e+00;
	v7 =	vld [tilespmem:s17+$0xFFFFFF50];
	v2 =	vadd.f32 v2, v4  }
0x3de: {  	[tilespmem:s21+$0xFFFFFED0] =	vst v3;
	v4 =	vld [tilespmem:s23+$0xFFFFFF50]  }
0x3df: {  	v3 =	vadd.f32 v8, v6;
	v6 =	vld [tilespmem:s17+$0xFFFFFEE0];
	v2 =	vmax.f32 v2, $0.0e+00  }
0x3e0: {  	v8 =	vld [tilespmem:s23+$0xFFFFFEE0];
	[tilespmem:s20+$0xFFFFFF00] =	vst v2  }
0x3e1: {  	v2 =	vmax.f32 v3, $0.0e+00;
	v1 =	vadd.f32 v1, v5;
	v9 =	vld [tilespmem:s22+$0xFFFFFF80];
	s22 =	smov.u32 s17  }
0x3e2: {  	[tilespmem:s21+$0xFFFFFE50] =	vst v2;
	v10 =	vld [tilespmem:s24+$0xFFFFFF80];
	s24 =	smov.u32 s23  }
0x3e3: {  	v3 =	vld [tilespmem:s17+$0xFFFFFE60];
	v2 =	vadd.f32 v4, v7;
	v1 =	vmax.f32 v1, $0.0e+00  }
.Ltmp4:
0x3e4: {  	v5 =	vld [tilespmem:s23+$0xFFFFFE60];
	[tilespmem:s21+$0xFFFFFFE0] =	vst v1;
	(pc) =	sbr.rel @p0 .LBB2_11-.Ltmp4, $4  }
0x3e5: {  	v1 =	vadd.f32 v8, v6;
	v4 =	vmax.f32 v2, $0.0e+00;
	v2 =	vld [tilespmem:s17+$0xFFFFFFF0]  }
0x3e6: {  	[tilespmem:s21+$0xFFFFFF50] =	vst v4;
	v4 =	vld [tilespmem:s23+$0xFFFFFFF0]  }
0x3e7: {  	v7 =	vmax.f32 v1, $0.0e+00;
	v6 =	vld [tilespmem:s17+$0xFFFFFF60];
	v1 =	vadd.f32 v10, v9  }
0x3e8: {  	s17 =	sadd.s32 $0x200, s17;
	[tilespmem:s21+$0xFFFFFEE0] =	vst v7;
	v7 =	vld [tilespmem:s23+$0xFFFFFF60]  }
0x3e9: {  	v3 =	vadd.f32 v5, v3;
	_ =	sdelay $0x1  }
0x3ea: {  	v3 =	vmax.f32 v3, $0.0e+00  }
0x3eb: {  	[tilespmem:s21+$0xFFFFFE60] =	vst v3  }
0x3ec: {  	v3 =	vadd.f32 v7, v6;
	v55 =	vld [tilespmem:s22+$0xFFFFFE70]  }
0x3ed: {  	v56 =	vld [tilespmem:s24+$0xFFFFFE70]  }
0x3ee: {  	v57 =	vld [tilespmem:s22+$0xFFFFFEF0];
	v3 =	vmax.f32 v3, $0.0e+00  }
0x3ef: {  	[tilespmem:s21+$0xFFFFFF60] =	vst v3;
	v3 =	vld [tilespmem:s24+$0xFFFFFEF0]  }
0x3f0: {  	v2 =	vadd.f32 v4, v2;
	v58 =	vld [tilespmem:s22+$0xFFFFFF70]  }
0x3f1: {  	v8 =	vld [tilespmem:s24+$0xFFFFFF70]  }
0x3f2: {  	v2 =	vmax.f32 v2, $0.0e+00;
	v5 =	vadd.f32 v56, v55  }
0x3f3: {  	[tilespmem:s21+$0xFFFFFFF0] =	vst v2  }
0x3f4: {  	v2 =	vld [tilespmem:s22+$0x0];
	v5 =	vmax.f32 v5, $0.0e+00;
	v3 =	vadd.f32 v3, v57  }
0x3f5: {  	v59 =	vld [tilespmem:s24+$0x0];
	[tilespmem:s21+$0xFFFFFE70] =	vst v5  }
0x3f6: {  	v4 =	vadd.f32 v8, v58;
	v5 =	vld [tilespmem:s22+$0xFFFFFE80];
	v3 =	vmax.f32 v3, $0.0e+00  }
0x3f7: {  	[tilespmem:s21+$0xFFFFFEF0] =	vst v3;
	v3 =	vld [tilespmem:s24+$0xFFFFFE80]  }
0x3f8: {  	v4 =	vmax.f32 v4, $0.0e+00;
	v60 =	vld [tilespmem:s22+$0xFFFFFF00]  }
0x3f9: {  	[tilespmem:s21+$0xFFFFFF70] =	vst v4;
	v61 =	vld [tilespmem:s24+$0xFFFFFF00]  }
0x3fa: {  	v62 =	vld [tilespmem:s22+$0xFFFFFF80]  }
0x3fb: {  	v9 =	vld [tilespmem:s24+$0xFFFFFF80];
	_ =	sdelay $0x1  }
0x3fc: {  	v2 =	vadd.f32 v59, v2  }
0x3fd: {  	v1 =	vmax.f32 v1, $0.0e+00;
	v3 =	vadd.f32 v3, v5  }
0x3fe: {  	[tilespmem:s20+$0xFFFFFF80] =	vst v1;
	v1 =	vmax.f32 v2, $0.0e+00;
	v2 =	vadd.f32 v61, v60  }
0x3ff: {  	[tilespmem:s21+$0x0] =	vst v1;
	v1 =	vmax.f32 v3, $0.0e+00;
	v3 =	vadd.f32 v9, v62  }
0x400: {  	s10 =	sadd.s32 $0x300, s10;
	[tilespmem:s21+$0xFFFFFE80] =	vst v1;
	v1 =	vmax.f32 v2, $0.0e+00  }
0x401: {  	s10 =	sand.u32 $0x300, s10;
	[tilespmem:s21+$0xFFFFFF00] =	vst v1;
	v1 =	vmax.f32 v3, $0.0e+00  }
0x402: {  	s18 =	sadd.s32 $0x1, s18;
	s10 =	sor.u32 $0x80, s10;
	[tilespmem:s21+$0xFFFFFF80] =	vst v1  }
0x403: {  	[spmem:s2] =	stream.indirect.scatter.add.f32 [tilespmem:s0], [sflag:$0x4], $0x80, s10, s8, $0xb8;
	v63 =	vld [tilespmem:$0x0]  }
0x404: {  	p0 =	sne.s32 s18, $0x4C;
	_ =	swait.ge [sflag:s7], $0x100  }
.Ltmp5:
0x405: {  	[sflag:s7] =	ssyncset.done $0x0;
	(pc) =	sbr.rel @p0 .LBB2_8-.Ltmp5, $4  }
0x406: {  	[sflag:s7] =	ssyncadd.s32 $0xFFFFFF00  }
0x407: {  	[tilespmem:s13], [sflag:$0x2] =	stream.indirect.gather [hbm4b:s14+s8], $0x80, s19, s8, $0xb8;
	v63 =	vld [tilespmem:$0x0]  }
0x408: {  	s26 =	sadd.s32 $0x80, s19  }
0x409: {  	[tilespmem:s29], [sflag:$0x2] =	stream.indirect.gather [hbm4b:s15+s8], $0x80, s26, s8, $0xb8;
	v63 =	vld [tilespmem:$0x0]  }
0x40a: {  	_ =	swait.ge [sflag:s30], $0x2000  }
0x40b: {  	[sflag:s30] =	ssyncset.done $0x0  }
0x40c: {  	[sflag:s30] =	ssyncadd.s32 $0xFFFFE000  }
0x40d: {  	_ =	swait.ge [sflag:s30], $0x2000  }
0x40e: {  	[sflag:s30] =	ssyncset.done $0x0  }
0x40f: {  	[sflag:s30] =	ssyncadd.s32 $0xFFFFE000  }
0x410: {  	_ =	swait.ge [sflag:s1], $0x2000  }
0x411: {  	[sflag:s1] =	ssyncset.done $0x0  }
0x412: {  	s22 =	simm.s32 $0x500;
	s10 =	rddreg [dreg:$0x1b];
	[sflag:s1] =	ssyncadd.s32 $0xFFFFE000  }
0x413: {  	[tilespmem:s12], [sflag:$0x5] =	stream.linear.gather [hbm4b:s10+s12], $0x100, $0x38;
	v63 =	vld [tilespmem:$0x0]  }
0x414: {  	s21 =	simm.s32 $0x4500;
	v1 =	vld [tilespmem:s22+$0x80]  }
0x415: {  	v2 =	vld [tilespmem:s21+$0x80];
	_ =	sdelay $0x4  }
0x416: {  	v3 =	vld [tilespmem:s22+$0xFFFFFF80];
	v1 =	vadd.f32 v2, v1  }
0x417: {  	v2 =	vld [tilespmem:s21+$0xFFFFFF80]  }
0x418: {  	s10 =	simm.s32 $0x8500;
	v4 =	vld [tilespmem:s21+$0xFFFFFF00];
	v1 =	vmax.f32 v1, $0.0e+00  }
0x419: {  	v5 =	vld [tilespmem:s22+$0xFFFFFF00];
	[tilespmem:s10+$0x80] =	vst v1  }
0x41a: {  	v1 =	vld [tilespmem:s22+$0x90]  }
0x41b: {  	v6 =	vld [tilespmem:s21+$0x90]  }
0x41c: {  	v7 =	vld [tilespmem:s22+$0x0];
	v2 =	vadd.f32 v2, v3  }
0x41d: {  	v3 =	vld [tilespmem:s21+$0x0]  }
0x41e: {  	v4 =	vadd.f32 v4, v5;
	v2 =	vmax.f32 v2, $0.0e+00  }
0x41f: {  	[tilespmem:s10+$0xFFFFFF80] =	vst v2  }
0x420: {  	v4 =	vmax.f32 v4, $0.0e+00;
	v2 =	vld [tilespmem:s22+$0xFFFFFF90];
	v1 =	vadd.f32 v6, v1  }
0x421: {  	[tilespmem:s10+$0xFFFFFF00] =	vst v4;
	v5 =	vld [tilespmem:s21+$0xFFFFFF90]  }
0x422: {  	v4 =	vld [tilespmem:s22+$0xFFFFFF10];
	v3 =	vadd.f32 v3, v7;
	v1 =	vmax.f32 v1, $0.0e+00  }
0x423: {  	v6 =	vld [tilespmem:s21+$0xFFFFFF10];
	[tilespmem:s10+$0x90] =	vst v1  }
0x424: {  	v1 =	vmax.f32 v3, $0.0e+00;
	v3 =	vld [tilespmem:s22+$0xA0]  }
0x425: {  	[tilespmem:s10+$0x0] =	vst v1;
	v1 =	vld [tilespmem:s21+$0xA0]  }
0x426: {  	v7 =	vld [tilespmem:s22+$0x10];
	v2 =	vadd.f32 v5, v2  }
0x427: {  	v5 =	vld [tilespmem:s21+$0x10]  }
0x428: {  	v2 =	vmax.f32 v2, $0.0e+00  }
0x429: {  	v4 =	vadd.f32 v6, v4;
	[tilespmem:s10+$0xFFFFFF90] =	vst v2  }
0x42a: {  	v2 =	vld [tilespmem:s22+$0xFFFFFFA0];
	v1 =	vadd.f32 v1, v3  }
0x42b: {  	v4 =	vmax.f32 v4, $0.0e+00;
	v3 =	vld [tilespmem:s21+$0xFFFFFFA0]  }
0x42c: {  	[tilespmem:s10+$0xFFFFFF10] =	vst v4;
	v4 =	vadd.f32 v5, v7;
	v1 =	vmax.f32 v1, $0.0e+00  }
0x42d: {  	[tilespmem:s10+$0xA0] =	vst v1  }
0x42e: {  	v1 =	vmax.f32 v4, $0.0e+00;
	v4 =	vld [tilespmem:s22+$0xB0]  }
0x42f: {  	[tilespmem:s10+$0x10] =	vst v1;
	v1 =	vld [tilespmem:s21+$0xB0]  }
0x430: {  	v2 =	vadd.f32 v3, v2;
	v3 =	vld [tilespmem:s22+$0x20]  }
0x431: {  	v7 =	vld [tilespmem:s21+$0x20]  }
0x432: {  	v6 =	vld [tilespmem:s21+$0xFFFFFF20];
	v2 =	vmax.f32 v2, $0.0e+00  }
0x433: {  	v5 =	vld [tilespmem:s22+$0xFFFFFF20];
	[tilespmem:s10+$0xFFFFFFA0] =	vst v2  }
0x434: {  	v2 =	vld [tilespmem:s22+$0xFFFFFFB0];
	v1 =	vadd.f32 v1, v4  }
0x435: {  	v4 =	vld [tilespmem:s21+$0xFFFFFFB0]  }
0x436: {  	v3 =	vadd.f32 v7, v3;
	v1 =	vmax.f32 v1, $0.0e+00  }
0x437: {  	[tilespmem:s10+$0xB0] =	vst v1  }
0x438: {  	v5 =	vadd.f32 v6, v5;
	v1 =	vmax.f32 v3, $0.0e+00;
	v3 =	vld [tilespmem:s22+$0xC0]  }
0x439: {  	[tilespmem:s10+$0x20] =	vst v1;
	v1 =	vld [tilespmem:s21+$0xC0]  }
0x43a: {  	v5 =	vmax.f32 v5, $0.0e+00;
	v2 =	vadd.f32 v4, v2;
	v4 =	vld [tilespmem:s22+$0x30]  }
0x43b: {  	[tilespmem:s10+$0xFFFFFF20] =	vst v5;
	v7 =	vld [tilespmem:s21+$0x30]  }
0x43c: {  	v5 =	vld [tilespmem:s22+$0xFFFFFF30];
	v2 =	vmax.f32 v2, $0.0e+00  }
0x43d: {  	v6 =	vld [tilespmem:s21+$0xFFFFFF30];
	[tilespmem:s10+$0xFFFFFFB0] =	vst v2  }
0x43e: {  	v2 =	vld [tilespmem:s22+$0xFFFFFFC0];
	v1 =	vadd.f32 v1, v3  }
0x43f: {  	v3 =	vld [tilespmem:s21+$0xFFFFFFC0]  }
0x440: {  	s20 =	simm.s32 $0x4700;
	v4 =	vadd.f32 v7, v4;
	v1 =	vmax.f32 v1, $0.0e+00  }
0x441: {  	v11 =	vld [tilespmem:s20+$0xFFFFFF00];
	[tilespmem:s10+$0xC0] =	vst v1  }
0x442: {  	v1 =	vmax.f32 v4, $0.0e+00;
	v4 =	vld [tilespmem:s22+$0xD0]  }
0x443: {  	v5 =	vadd.f32 v6, v5;
	[tilespmem:s10+$0x30] =	vst v1;
	v1 =	vld [tilespmem:s21+$0xD0]  }
0x444: {  	v2 =	vadd.f32 v3, v2;
	v3 =	vld [tilespmem:s22+$0x40]  }
0x445: {  	s18 =	simm.s32 $0x700;
	v5 =	vmax.f32 v5, $0.0e+00;
	v7 =	vld [tilespmem:s21+$0x40]  }
0x446: {  	v51 =	vld [tilespmem:s18+$0xFFFFFF00];
	[tilespmem:s10+$0xFFFFFF30] =	vst v5  }
0x447: {  	v5 =	vld [tilespmem:s22+$0xFFFFFF40]  }
0x448: {  	v6 =	vld [tilespmem:s21+$0xFFFFFF40];
	v1 =	vadd.f32 v1, v4  }
0x449: {  	v9 =	vld [tilespmem:s18+$0x80]  }
0x44a: {  	v10 =	vld [tilespmem:s20+$0x80];
	v3 =	vadd.f32 v7, v3;
	v1 =	vmax.f32 v1, $0.0e+00  }
0x44b: {  	v12 =	vld [tilespmem:s20+$0xFFFFFF80];
	v11 =	vadd.f32 v11, v51;
	[tilespmem:s10+$0xD0] =	vst v1  }
0x44c: {  	v1 =	vmax.f32 v3, $0.0e+00;
	v3 =	vld [tilespmem:s22+$0xE0]  }
0x44d: {  	s19 =	simm.s32 $0x8700;
	v11 =	vmax.f32 v11, $0.0e+00;
	v5 =	vadd.f32 v6, v5;
	[tilespmem:s10+$0x40] =	vst v1;
	v1 =	vld [tilespmem:s21+$0xE0]  }
0x44e: {  	v13 =	vld [tilespmem:s18+$0x0];
	[tilespmem:s19+$0xFFFFFF00] =	vst v11;
	v2 =	vmax.f32 v2, $0.0e+00  }
0x44f: {  	v11 =	vld [tilespmem:s18+$0xFFFFFF10];
	[tilespmem:s10+$0xFFFFFFC0] =	vst v2;
	v5 =	vmax.f32 v5, $0.0e+00  }
0x450: {  	v2 =	vld [tilespmem:s22+$0xFFFFFFD0];
	[tilespmem:s10+$0xFFFFFF40] =	vst v5  }
0x451: {  	v5 =	vld [tilespmem:s22+$0xFFFFFF50]  }
0x452: {  	v6 =	vld [tilespmem:s21+$0xFFFFFF50];
	v1 =	vadd.f32 v1, v3  }
0x453: {  	v3 =	vld [tilespmem:s18+$0xFFFFFF80]  }
0x454: {  	v4 =	vld [tilespmem:s21+$0xFFFFFFD0];
	v1 =	vmax.f32 v1, $0.0e+00  }
0x455: {  	v7 =	vld [tilespmem:s22+$0x50];
	[tilespmem:s10+$0xE0] =	vst v1;
	v1 =	vadd.f32 v10, v9  }
0x456: {  	v8 =	vld [tilespmem:s21+$0x50]  }
0x457: {  	v5 =	vadd.f32 v6, v5;
	v6 =	vld [tilespmem:s20+$0x0];
	v1 =	vmax.f32 v1, $0.0e+00  }
0x458: {  	v53 =	vld [tilespmem:s20+$0xFFFFFF10];
	v3 =	vadd.f32 v12, v3;
	[tilespmem:s19+$0x80] =	vst v1  }
0x459: {  	v1 =	vmax.f32 v5, $0.0e+00;
	v5 =	vld [tilespmem:s18+$0x90]  }
0x45a: {  	v2 =	vadd.f32 v4, v2;
	[tilespmem:s10+$0xFFFFFF50] =	vst v1;
	v1 =	vmax.f32 v3, $0.0e+00;
	v3 =	vld [tilespmem:s20+$0x90]  }
0x45b: {  	v7 =	vadd.f32 v8, v7;
	v49 =	vld [tilespmem:s22+$0xF0]  }
0x45c: {  	v2 =	vmax.f32 v2, $0.0e+00;
	v6 =	vadd.f32 v6, v13;
	v50 =	vld [tilespmem:s21+$0xF0];
	[tilespmem:s19+$0xFFFFFF80] =	vst v1  }
0x45d: {  	[tilespmem:s10+$0xFFFFFFD0] =	vst v2;
	v7 =	vmax.f32 v7, $0.0e+00;
	v4 =	vld [tilespmem:s18+$0xFFFFFF90]  }
0x45e: {  	v2 =	vmax.f32 v6, $0.0e+00;
	[tilespmem:s10+$0x50] =	vst v7;
	v52 =	vld [tilespmem:s20+$0xFFFFFF90]  }
0x45f: {  	v7 =	vld [tilespmem:s21+$0xFFFFFFE0];
	[tilespmem:s19+$0x0] =	vst v2;
	v2 =	vadd.f32 v3, v5  }
0x460: {  	v56 =	vld [tilespmem:s22+$0x60]  }
0x461: {  	v57 =	vld [tilespmem:s21+$0x60];
	v2 =	vmax.f32 v2, $0.0e+00  }
0x462: {  	v1 =	vld [tilespmem:s22+$0xFFFFFF60];
	[tilespmem:s19+$0x90] =	vst v2  }
0x463: {  	v4 =	vadd.f32 v52, v4;
	v2 =	vld [tilespmem:s18+$0xA0]  }
0x464: {  	v54 =	vld [tilespmem:s20+$0xA0]  }
0x465: {  	v5 =	vld [tilespmem:s18+$0x10];
	v4 =	vmax.f32 v4, $0.0e+00  }
0x466: {  	[tilespmem:s19+$0xFFFFFF90] =	vst v4;
	v4 =	vld [tilespmem:s20+$0x10]  }
0x467: {  	v11 =	vadd.f32 v53, v11;
	v8 =	vld [tilespmem:s18+$0xFFFFFFA0]  }
0x468: {  	v55 =	vld [tilespmem:s20+$0xFFFFFFA0]  }
0x469: {  	v11 =	vmax.f32 v11, $0.0e+00;
	v6 =	vld [tilespmem:s21+$0xFFFFFF60];
	v2 =	vadd.f32 v54, v2  }
0x46a: {  	[tilespmem:s19+$0xFFFFFF10] =	vst v11;
	v3 =	vld [tilespmem:s22+$0xFFFFFFE0]  }
0x46b: {  	v4 =	vadd.f32 v4, v5;
	v5 =	vld [tilespmem:s18+$0xFFFFFF20];
	v2 =	vmax.f32 v2, $0.0e+00  }
0x46c: {  	[tilespmem:s19+$0xA0] =	vst v2;
	v2 =	vld [tilespmem:s20+$0xFFFFFF20]  }
0x46d: {  	v8 =	vadd.f32 v55, v8;
	v4 =	vmax.f32 v4, $0.0e+00;
	v58 =	vld [tilespmem:s18+$0xB0]  }
0x46e: {  	v1 =	vadd.f32 v6, v1;
	[tilespmem:s19+$0x10] =	vst v4;
	v4 =	vld [tilespmem:s20+$0xB0]  }
0x46f: {  	v6 =	vmax.f32 v8, $0.0e+00;
	v8 =	vld [tilespmem:s18+$0x20]  }
0x470: {  	v1 =	vmax.f32 v1, $0.0e+00;
	[tilespmem:s19+$0xFFFFFFA0] =	vst v6;
	v6 =	vld [tilespmem:s20+$0x20]  }
0x471: {  	[tilespmem:s10+$0xFFFFFF60] =	vst v1;
	v1 =	vld [tilespmem:s20+$0xFFFFFFB0];
	v2 =	vadd.f32 v2, v5  }
0x472: {  	v5 =	vld [tilespmem:s18+$0xFFFFFFB0]  }
0x473: {  	v59 =	vld [tilespmem:s22+$0xFFFFFF70];
	v4 =	vadd.f32 v4, v58;
	v2 =	vmax.f32 v2, $0.0e+00  }
0x474: {  	[tilespmem:s19+$0xFFFFFF20] =	vst v2;
	v2 =	vld [tilespmem:s21+$0xFFFFFF70]  }
0x475: {  	v6 =	vadd.f32 v6, v8;
	v4 =	vmax.f32 v4, $0.0e+00;
	v8 =	vld [tilespmem:s18+$0xFFFFFF30]  }
0x476: {  	[tilespmem:s19+$0xB0] =	vst v4;
	v4 =	vld [tilespmem:s20+$0xFFFFFF30]  }
0x477: {  	v1 =	vadd.f32 v1, v5;
	v5 =	vmax.f32 v6, $0.0e+00;
	v6 =	vld [tilespmem:s18+$0xC0]  }
0x478: {  	[tilespmem:s19+$0x20] =	vst v5;
	v5 =	vld [tilespmem:s20+$0xC0]  }
0x479: {  	v3 =	vadd.f32 v7, v3;
	v1 =	vmax.f32 v1, $0.0e+00;
	v7 =	vld [tilespmem:s18+$0x30]  }
0x47a: {  	[tilespmem:s19+$0xFFFFFFB0] =	vst v1;
	v1 =	vld [tilespmem:s20+$0x30]  }
0x47b: {  	v3 =	vmax.f32 v3, $0.0e+00;
	v4 =	vadd.f32 v4, v8;
	v8 =	vld [tilespmem:s18+$0xFFFFFFC0]  }
0x47c: {  	[tilespmem:s10+$0xFFFFFFE0] =	vst v3;
	v3 =	vld [tilespmem:s20+$0xFFFFFFC0]  }
0x47d: {  	v4 =	vmax.f32 v4, $0.0e+00;
	v5 =	vadd.f32 v5, v6;
	v6 =	vld [tilespmem:s22+$0xFFFFFFF0]  }
0x47e: {  	[tilespmem:s19+$0xFFFFFF30] =	vst v4;
	v4 =	vld [tilespmem:s21+$0xFFFFFFF0]  }
0x47f: {  	v1 =	vadd.f32 v1, v7;
	v7 =	vld [tilespmem:s18+$0xFFFFFF40];
	v5 =	vmax.f32 v5, $0.0e+00  }
0x480: {  	[tilespmem:s19+$0xC0] =	vst v5;
	v5 =	vld [tilespmem:s20+$0xFFFFFF40]  }
0x481: {  	v3 =	vadd.f32 v3, v8;
	v1 =	vmax.f32 v1, $0.0e+00;
	v8 =	vld [tilespmem:s18+$0xD0]  }
0x482: {  	[tilespmem:s19+$0x30] =	vst v1;
	v1 =	vld [tilespmem:s20+$0xD0]  }
0x483: {  	v3 =	vmax.f32 v3, $0.0e+00;
	v60 =	vld [tilespmem:s18+$0x40]  }
0x484: {  	v11 =	vadd.f32 v57, v56;
	[tilespmem:s19+$0xFFFFFFC0] =	vst v3;
	v3 =	vld [tilespmem:s20+$0x40]  }
0x485: {  	v9 =	vadd.f32 v50, v49;
	v61 =	vld [tilespmem:s20+$0xFFFFFFD0]  }
0x486: {  	v11 =	vmax.f32 v11, $0.0e+00;
	v5 =	vadd.f32 v5, v7;
	v7 =	vld [tilespmem:s18+$0xFFFFFFD0]  }
0x487: {  	v9 =	vmax.f32 v9, $0.0e+00;
	[tilespmem:s10+$0x60] =	vst v11;
	v2 =	vadd.f32 v2, v59  }
0x488: {  	[tilespmem:s10+$0xF0] =	vst v9;
	v11 =	vld [tilespmem:s21+$0x70];
	v5 =	vmax.f32 v5, $0.0e+00;
	v1 =	vadd.f32 v1, v8  }
0x489: {  	v2 =	vmax.f32 v2, $0.0e+00;
	v8 =	vld [tilespmem:s22+$0x70];
	[tilespmem:s19+$0xFFFFFF40] =	vst v5;
	v62 =	vadd.f32 v3, v60  }
0x48a: {  	[tilespmem:s10+$0xFFFFFF70] =	vst v2;
	v4 =	vadd.f32 v4, v6;
	v3 =	vld [tilespmem:s18+$0xFFFFFF50];
	v1 =	vmax.f32 v1, $0.0e+00  }
0x48b: {  	v5 =	vld [tilespmem:s20+$0xFFFFFF50];
	[tilespmem:s19+$0xD0] =	vst v1;
	v1 =	vadd.f32 v61, v7;
	v6 =	vmax.f32 v62, $0.0e+00  }
0x48c: {  	v7 =	vmax.f32 v4, $0.0e+00;
	v2 =	vld [tilespmem:s18+$0xE0];
	[tilespmem:s19+$0x40] =	vst v6  }
0x48d: {  	v4 =	vld [tilespmem:s20+$0xE0];
	[tilespmem:s10+$0xFFFFFFF0] =	vst v7;
	v7 =	vmax.f32 v1, $0.0e+00  }
0x48e: {  	s17 =	simm.s32 $0x900;
	v6 =	vld [tilespmem:s18+$0x50];
	v1 =	vadd.f32 v11, v8;
	[tilespmem:s19+$0xFFFFFFD0] =	vst v7  }
0x48f: {  	s21 =	simm.s32 $0x4700;
	s22 =	simm.s32 $0x4;
	v7 =	vld [tilespmem:s20+$0x50];
	s23 =	rddreg [dreg:$0x11]  }
.LBB2_14:
0x490: {  	v8 =	vld [tilespmem:s17+$0x80];
	v3 =	vadd.f32 v5, v3;
	s20 =	sadd.s32 $0x200, s20;
	v1 =	vmax.f32 v1, $0.0e+00  }
0x491: {  	v5 =	vld [tilespmem:s20+$0x80];
	[tilespmem:s10+$0x70] =	vst v1;
	s10 =	smov.u32 s19  }
0x492: {  	v1 =	vld [tilespmem:s20+$0xFFFFFF00];
	v3 =	vmax.f32 v3, $0.0e+00;
	v2 =	vadd.f32 v4, v2  }
0x493: {  	v4 =	vld [tilespmem:s17+$0xFFFFFF80];
	[tilespmem:s19+$0xFFFFFF50] =	vst v3  }
0x494: {  	v3 =	vld [tilespmem:s20+$0xFFFFFF80];
	v6 =	vadd.f32 v7, v6;
	v2 =	vmax.f32 v2, $0.0e+00  }
0x495: {  	v7 =	vld [tilespmem:s17+$0x0];
	[tilespmem:s19+$0xE0] =	vst v2  }
0x496: {  	v2 =	vadd.f32 v5, v8;
	v5 =	vmax.f32 v6, $0.0e+00;
	v6 =	vld [tilespmem:s18+$0xF0]  }
0x497: {  	[tilespmem:s19+$0x50] =	vst v5;
	v5 =	vld [tilespmem:s21+$0xF0]  }
0x498: {  	s22 =	sadd.s32 $0x4, s22;
	s19 =	sadd.s32 $0x200, s19;
	v8 =	vld [tilespmem:s20+$0x0];
	v2 =	vmax.f32 v2, $0.0e+00  }
0x499: {  	p0 =	slt.u32 s22, $0x3C;
	v9 =	vld [tilespmem:s17+$0xFFFFFF00];
	v3 =	vadd.f32 v3, v4;
	[tilespmem:s19+$0x80] =	vst v2  }
0x49a: {  	v2 =	vld [tilespmem:s17+$0x90]  }
0x49b: {  	v3 =	vmax.f32 v3, $0.0e+00;
	v4 =	vld [tilespmem:s20+$0x90]  }
0x49c: {  	[tilespmem:s19+$0xFFFFFF80] =	vst v3;
	v3 =	vld [tilespmem:s18+$0xFFFFFF60];
	v5 =	vadd.f32 v5, v6  }
0x49d: {  	v6 =	vld [tilespmem:s17+$0xFFFFFF90];
	v7 =	vadd.f32 v8, v7  }
0x49e: {  	v1 =	vadd.f32 v1, v9;
	v8 =	vld [tilespmem:s20+$0xFFFFFF90];
	v5 =	vmax.f32 v5, $0.0e+00  }
0x49f: {  	v7 =	vmax.f32 v7, $0.0e+00;
	v9 =	vld [tilespmem:s21+$0xFFFFFF60];
	[tilespmem:s10+$0xF0] =	vst v5  }
0x4a0: {  	v1 =	vmax.f32 v1, $0.0e+00;
	[tilespmem:s19+$0x0] =	vst v7;
	v2 =	vadd.f32 v4, v2;
	v4 =	vld [tilespmem:s18+$0xFFFFFFE0]  }
0x4a1: {  	[tilespmem:s19+$0xFFFFFF00] =	vst v1;
	v1 =	vld [tilespmem:s17+$0x10]  }
0x4a2: {  	v5 =	vld [tilespmem:s17+$0xFFFFFF10];
	v2 =	vmax.f32 v2, $0.0e+00  }
0x4a3: {  	v7 =	vld [tilespmem:s20+$0xFFFFFF10];
	v6 =	vadd.f32 v8, v6;
	[tilespmem:s19+$0x90] =	vst v2  }
0x4a4: {  	v2 =	vld [tilespmem:s17+$0xA0];
	v3 =	vadd.f32 v9, v3  }
0x4a5: {  	v6 =	vmax.f32 v6, $0.0e+00;
	v8 =	vld [tilespmem:s20+$0xA0]  }
0x4a6: {  	[tilespmem:s19+$0xFFFFFF90] =	vst v6;
	v6 =	vld [tilespmem:s20+$0x10];
	v3 =	vmax.f32 v3, $0.0e+00  }
0x4a7: {  	v9 =	vld [tilespmem:s17+$0xFFFFFFA0];
	[tilespmem:s10+$0xFFFFFF60] =	vst v3  }
0x4a8: {  	v3 =	vadd.f32 v7, v5;
	v5 =	vld [tilespmem:s20+$0xFFFFFFA0]  }
0x4a9: {  	v7 =	vld [tilespmem:s21+$0xFFFFFFE0]  }
0x4aa: {  	v3 =	vmax.f32 v3, $0.0e+00;
	v2 =	vadd.f32 v8, v2;
	v8 =	vld [tilespmem:s18+$0x60]  }
0x4ab: {  	[tilespmem:s19+$0xFFFFFF10] =	vst v3;
	v1 =	vadd.f32 v6, v1;
	v3 =	vld [tilespmem:s21+$0x60]  }
0x4ac: {  	v6 =	vld [tilespmem:s17+$0xFFFFFF20];
	v2 =	vmax.f32 v2, $0.0e+00  }
0x4ad: {  	v10 =	vld [tilespmem:s20+$0xFFFFFF20];
	v5 =	vadd.f32 v5, v9;
	v1 =	vmax.f32 v1, $0.0e+00;
	[tilespmem:s19+$0xA0] =	vst v2  }
0x4ae: {  	[tilespmem:s19+$0x10] =	vst v1;
	v1 =	vld [tilespmem:s17+$0xB0];
	v2 =	vadd.f32 v7, v4  }
0x4af: {  	v4 =	vmax.f32 v5, $0.0e+00;
	v5 =	vld [tilespmem:s20+$0xB0]  }
0x4b0: {  	[tilespmem:s19+$0xFFFFFFA0] =	vst v4;
	v4 =	vld [tilespmem:s17+$0x20];
	v2 =	vmax.f32 v2, $0.0e+00;
	v3 =	vadd.f32 v3, v8  }
0x4b1: {  	v7 =	vld [tilespmem:s20+$0x20];
	[tilespmem:s10+$0xFFFFFFE0] =	vst v2  }
0x4b2: {  	v2 =	vadd.f32 v10, v6;
	v6 =	vld [tilespmem:s17+$0xFFFFFFB0];
	v3 =	vmax.f32 v3, $0.0e+00  }
0x4b3: {  	v8 =	vld [tilespmem:s20+$0xFFFFFFB0];
	[tilespmem:s10+$0x60] =	vst v3  }
0x4b4: {  	v2 =	vmax.f32 v2, $0.0e+00;
	v1 =	vadd.f32 v5, v1;
	v3 =	vld [tilespmem:s18+$0xFFFFFF70]  }
0x4b5: {  	[tilespmem:s19+$0xFFFFFF20] =	vst v2;
	v2 =	vld [tilespmem:s21+$0xFFFFFF70]  }
0x4b6: {  	v5 =	vld [tilespmem:s17+$0xFFFFFF30];
	v4 =	vadd.f32 v7, v4;
	v1 =	vmax.f32 v1, $0.0e+00  }
0x4b7: {  	v7 =	vld [tilespmem:s20+$0xFFFFFF30];
	[tilespmem:s19+$0xB0] =	vst v1  }
0x4b8: {  	v1 =	vadd.f32 v8, v6;
	v4 =	vmax.f32 v4, $0.0e+00;
	v6 =	vld [tilespmem:s17+$0xC0]  }
0x4b9: {  	[tilespmem:s19+$0x20] =	vst v4;
	v4 =	vld [tilespmem:s20+$0xC0]  }
0x4ba: {  	v1 =	vmax.f32 v1, $0.0e+00;
	v8 =	vld [tilespmem:s17+$0x30];
	v2 =	vadd.f32 v2, v3  }
0x4bb: {  	[tilespmem:s19+$0xFFFFFFB0] =	vst v1;
	v1 =	vld [tilespmem:s20+$0x30]  }
0x4bc: {  	v3 =	vadd.f32 v7, v5;
	v5 =	vld [tilespmem:s17+$0xFFFFFFC0];
	v2 =	vmax.f32 v2, $0.0e+00  }
0x4bd: {  	v7 =	vld [tilespmem:s20+$0xFFFFFFC0];
	[tilespmem:s10+$0xFFFFFF70] =	vst v2  }
0x4be: {  	v2 =	vmax.f32 v3, $0.0e+00;
	v3 =	vadd.f32 v4, v6;
	v4 =	vld [tilespmem:s18+$0xFFFFFFF0]  }
0x4bf: {  	[tilespmem:s19+$0xFFFFFF30] =	vst v2;
	v2 =	vld [tilespmem:s21+$0xFFFFFFF0]  }
0x4c0: {  	v6 =	vld [tilespmem:s17+$0xFFFFFF40];
	v1 =	vadd.f32 v1, v8;
	v3 =	vmax.f32 v3, $0.0e+00  }
0x4c1: {  	v8 =	vld [tilespmem:s20+$0xFFFFFF40];
	[tilespmem:s19+$0xC0] =	vst v3  }
0x4c2: {  	v3 =	vadd.f32 v7, v5;
	v1 =	vmax.f32 v1, $0.0e+00;
	v5 =	vld [tilespmem:s17+$0xD0]  }
0x4c3: {  	[tilespmem:s19+$0x30] =	vst v1;
	v1 =	vld [tilespmem:s20+$0xD0]  }
0x4c4: {  	v3 =	vmax.f32 v3, $0.0e+00;
	v7 =	vld [tilespmem:s17+$0x40];
	v2 =	vadd.f32 v2, v4  }
0x4c5: {  	[tilespmem:s19+$0xFFFFFFC0] =	vst v3;
	v4 =	vld [tilespmem:s20+$0x40]  }
0x4c6: {  	v3 =	vadd.f32 v8, v6;
	v6 =	vld [tilespmem:s17+$0xFFFFFFD0];
	v2 =	vmax.f32 v2, $0.0e+00  }
0x4c7: {  	v8 =	vld [tilespmem:s20+$0xFFFFFFD0];
	[tilespmem:s10+$0xFFFFFFF0] =	vst v2  }
0x4c8: {  	v2 =	vmax.f32 v3, $0.0e+00;
	v1 =	vadd.f32 v1, v5;
	v9 =	vld [tilespmem:s18+$0x70];
	s18 =	smov.u32 s17  }
0x4c9: {  	[tilespmem:s19+$0xFFFFFF40] =	vst v2;
	v10 =	vld [tilespmem:s21+$0x70];
	s21 =	smov.u32 s20  }
0x4ca: {  	v3 =	vld [tilespmem:s17+$0xFFFFFF50];
	v2 =	vadd.f32 v4, v7;
	v1 =	vmax.f32 v1, $0.0e+00  }
.Ltmp6:
0x4cb: {  	v5 =	vld [tilespmem:s20+$0xFFFFFF50];
	[tilespmem:s19+$0xD0] =	vst v1;
	(pc) =	sbr.rel @p0 .LBB2_14-.Ltmp6, $4  }
0x4cc: {  	v1 =	vadd.f32 v8, v6;
	v4 =	vmax.f32 v2, $0.0e+00;
	v2 =	vld [tilespmem:s17+$0xE0]  }
0x4cd: {  	[tilespmem:s19+$0x40] =	vst v4;
	v4 =	vld [tilespmem:s20+$0xE0]  }
0x4ce: {  	v7 =	vmax.f32 v1, $0.0e+00;
	v6 =	vld [tilespmem:s17+$0x50];
	v1 =	vadd.f32 v10, v9  }
0x4cf: {  	s17 =	sadd.s32 $0x200, s17;
	[tilespmem:s19+$0xFFFFFFD0] =	vst v7;
	v7 =	vld [tilespmem:s20+$0x50]  }
0x4d0: {  	v3 =	vadd.f32 v5, v3;
	_ =	sdelay $0x1  }
0x4d1: {  	v3 =	vmax.f32 v3, $0.0e+00  }
0x4d2: {  	[tilespmem:s19+$0xFFFFFF50] =	vst v3  }
0x4d3: {  	v3 =	vadd.f32 v7, v6;
	v5 =	vld [tilespmem:s18+$0xFFFFFF60]  }
0x4d4: {  	v6 =	vld [tilespmem:s21+$0xFFFFFF60]  }
0x4d5: {  	v7 =	vld [tilespmem:s18+$0xFFFFFFE0];
	v3 =	vmax.f32 v3, $0.0e+00  }
0x4d6: {  	[tilespmem:s19+$0x50] =	vst v3;
	v3 =	vld [tilespmem:s21+$0xFFFFFFE0]  }
0x4d7: {  	v2 =	vadd.f32 v4, v2;
	v4 =	vld [tilespmem:s18+$0x60]  }
0x4d8: {  	v8 =	vld [tilespmem:s21+$0x60]  }
0x4d9: {  	v2 =	vmax.f32 v2, $0.0e+00;
	v5 =	vadd.f32 v6, v5  }
0x4da: {  	[tilespmem:s19+$0xE0] =	vst v2  }
0x4db: {  	v2 =	vld [tilespmem:s18+$0xF0];
	v5 =	vmax.f32 v5, $0.0e+00;
	v3 =	vadd.f32 v3, v7  }
0x4dc: {  	v6 =	vld [tilespmem:s21+$0xF0];
	[tilespmem:s19+$0xFFFFFF60] =	vst v5  }
0x4dd: {  	v4 =	vadd.f32 v8, v4;
	v5 =	vld [tilespmem:s18+$0xFFFFFF70];
	v3 =	vmax.f32 v3, $0.0e+00  }
0x4de: {  	[tilespmem:s19+$0xFFFFFFE0] =	vst v3;
	v3 =	vld [tilespmem:s21+$0xFFFFFF70]  }
0x4df: {  	v4 =	vmax.f32 v4, $0.0e+00;
	v7 =	vld [tilespmem:s18+$0xFFFFFFF0]  }
0x4e0: {  	[tilespmem:s19+$0x60] =	vst v4;
	v4 =	vld [tilespmem:s21+$0xFFFFFFF0]  }
0x4e1: {  	v8 =	vld [tilespmem:s18+$0x70]  }
0x4e2: {  	v9 =	vld [tilespmem:s21+$0x70];
	_ =	sdelay $0x1  }
0x4e3: {  	v2 =	vadd.f32 v6, v2  }
0x4e4: {  	v1 =	vmax.f32 v1, $0.0e+00;
	v3 =	vadd.f32 v3, v5  }
0x4e5: {  	[tilespmem:s10+$0x70] =	vst v1;
	v1 =	vmax.f32 v2, $0.0e+00;
	v2 =	vadd.f32 v4, v7  }
0x4e6: {  	[tilespmem:s19+$0xF0] =	vst v1;
	v1 =	vmax.f32 v3, $0.0e+00;
	v3 =	vadd.f32 v9, v8  }
0x4e7: {  	[tilespmem:s19+$0xFFFFFF70] =	vst v1;
	v1 =	vmax.f32 v2, $0.0e+00  }
0x4e8: {  	[tilespmem:s19+$0xFFFFFFF0] =	vst v1;
	v1 =	vmax.f32 v3, $0.0e+00  }
0x4e9: {  	s24 =	simm.s32 $0x280;
	[tilespmem:s19+$0x70] =	vst v1  }
0x4ea: {  	[spmem:s2] =	stream.indirect.scatter.add.f32 [tilespmem:s5], [sflag:$0x3], $0x80, s24, s8, $0xb8;
	v63 =	vld [tilespmem:$0x0]  }
0x4eb: {  	_ =	swait.ge [sflag:s7], $0x100  }
0x4ec: {  	[sflag:s7] =	ssyncset.done $0x0  }
0x4ed: {  	[sflag:s7] =	ssyncadd.s32 $0xFFFFFF00  }
0x4ee: {  	[tilespmem:s9], [sflag:$0x1] =	stream.indirect.gather [hbm4b:s14+s8], $0x80, s12, s8, $0xb8;
	v63 =	vld [tilespmem:$0x0]  }
0x4ef: {  	s25 =	simm.s32 $0x80  }
0x4f0: {  	[tilespmem:s11], [sflag:$0x1] =	stream.indirect.gather [hbm4b:s15+s8], $0x80, s25, s8, $0xb8;
	v63 =	vld [tilespmem:$0x0]  }
0x4f1: {  	_ =	swait.ge [sflag:s31], $0x2000  }
0x4f2: {  	[sflag:s31] =	ssyncset.done $0x0  }
0x4f3: {  	[sflag:s31] =	ssyncadd.s32 $0xFFFFE000  }
0x4f4: {  	_ =	swait.ge [sflag:s31], $0x2000  }
0x4f5: {  	[sflag:s31] =	ssyncset.done $0x0  }
0x4f6: {  	[sflag:s31] =	ssyncadd.s32 $0xFFFFE000  }
0x4f7: {  	_ =	swait.ge [sflag:s3], $0x2000  }
0x4f8: {  	[sflag:s3] =	ssyncset.done $0x0  }
0x4f9: {  	s22 =	simm.s32 $0x25F0;
	[sflag:s3] =	ssyncadd.s32 $0xFFFFE000  }
0x4fa: {  	s26 =	simm.s32 $0x65F0;
	v1 =	vld [tilespmem:s22+$0xFFFFFF90]  }
0x4fb: {  	v2 =	vld [tilespmem:s26+$0xFFFFFF90];
	_ =	sdelay $0x4  }
0x4fc: {  	v3 =	vld [tilespmem:s22+$0xFFFFFE90];
	v1 =	vadd.f32 v2, v1  }
0x4fd: {  	v2 =	vld [tilespmem:s26+$0xFFFFFE90]  }
0x4fe: {  	s10 =	simm.s32 $0xA5F0;
	v4 =	vld [tilespmem:s26+$0xFFFFFE10];
	v1 =	vmax.f32 v1, $0.0e+00  }
0x4ff: {  	v5 =	vld [tilespmem:s22+$0xFFFFFE10];
	[tilespmem:s10+$0xFFFFFF90] =	vst v1  }
0x500: {  	v1 =	vld [tilespmem:s22+$0xFFFFFFA0]  }
0x501: {  	v6 =	vld [tilespmem:s26+$0xFFFFFFA0]  }
0x502: {  	v7 =	vld [tilespmem:s22+$0xFFFFFF10];
	v2 =	vadd.f32 v2, v3  }
0x503: {  	v3 =	vld [tilespmem:s26+$0xFFFFFF10]  }
0x504: {  	v4 =	vadd.f32 v4, v5;
	v2 =	vmax.f32 v2, $0.0e+00  }
0x505: {  	[tilespmem:s10+$0xFFFFFE90] =	vst v2  }
0x506: {  	v4 =	vmax.f32 v4, $0.0e+00;
	v2 =	vld [tilespmem:s22+$0xFFFFFEA0];
	v1 =	vadd.f32 v6, v1  }
0x507: {  	[tilespmem:s10+$0xFFFFFE10] =	vst v4;
	v5 =	vld [tilespmem:s26+$0xFFFFFEA0]  }
0x508: {  	v4 =	vld [tilespmem:s22+$0xFFFFFE20];
	v3 =	vadd.f32 v3, v7;
	v1 =	vmax.f32 v1, $0.0e+00  }
0x509: {  	v6 =	vld [tilespmem:s26+$0xFFFFFE20];
	[tilespmem:s10+$0xFFFFFFA0] =	vst v1  }
0x50a: {  	v1 =	vmax.f32 v3, $0.0e+00;
	v3 =	vld [tilespmem:s22+$0xFFFFFFB0]  }
0x50b: {  	[tilespmem:s10+$0xFFFFFF10] =	vst v1;
	v1 =	vld [tilespmem:s26+$0xFFFFFFB0]  }
0x50c: {  	v7 =	vld [tilespmem:s22+$0xFFFFFF20];
	v2 =	vadd.f32 v5, v2  }
0x50d: {  	v5 =	vld [tilespmem:s26+$0xFFFFFF20]  }
0x50e: {  	v2 =	vmax.f32 v2, $0.0e+00  }
0x50f: {  	v4 =	vadd.f32 v6, v4;
	[tilespmem:s10+$0xFFFFFEA0] =	vst v2  }
0x510: {  	v2 =	vld [tilespmem:s22+$0xFFFFFEB0];
	v1 =	vadd.f32 v1, v3  }
0x511: {  	v4 =	vmax.f32 v4, $0.0e+00;
	v3 =	vld [tilespmem:s26+$0xFFFFFEB0]  }
0x512: {  	[tilespmem:s10+$0xFFFFFE20] =	vst v4;
	v4 =	vadd.f32 v5, v7;
	v1 =	vmax.f32 v1, $0.0e+00  }
0x513: {  	[tilespmem:s10+$0xFFFFFFB0] =	vst v1  }
0x514: {  	v1 =	vmax.f32 v4, $0.0e+00;
	v4 =	vld [tilespmem:s22+$0xFFFFFFC0]  }
0x515: {  	[tilespmem:s10+$0xFFFFFF20] =	vst v1;
	v1 =	vld [tilespmem:s26+$0xFFFFFFC0]  }
0x516: {  	v2 =	vadd.f32 v3, v2;
	v3 =	vld [tilespmem:s22+$0xFFFFFF30]  }
0x517: {  	v7 =	vld [tilespmem:s26+$0xFFFFFF30]  }
0x518: {  	v6 =	vld [tilespmem:s26+$0xFFFFFE30];
	v2 =	vmax.f32 v2, $0.0e+00  }
0x519: {  	v5 =	vld [tilespmem:s22+$0xFFFFFE30];
	[tilespmem:s10+$0xFFFFFEB0] =	vst v2  }
0x51a: {  	v2 =	vld [tilespmem:s22+$0xFFFFFEC0];
	v1 =	vadd.f32 v1, v4  }
0x51b: {  	v4 =	vld [tilespmem:s26+$0xFFFFFEC0]  }
0x51c: {  	v3 =	vadd.f32 v7, v3;
	v1 =	vmax.f32 v1, $0.0e+00  }
0x51d: {  	[tilespmem:s10+$0xFFFFFFC0] =	vst v1  }
0x51e: {  	v5 =	vadd.f32 v6, v5;
	v1 =	vmax.f32 v3, $0.0e+00;
	v3 =	vld [tilespmem:s22+$0xFFFFFFD0]  }
0x51f: {  	[tilespmem:s10+$0xFFFFFF30] =	vst v1;
	v1 =	vld [tilespmem:s26+$0xFFFFFFD0]  }
0x520: {  	v5 =	vmax.f32 v5, $0.0e+00;
	v2 =	vadd.f32 v4, v2;
	v4 =	vld [tilespmem:s22+$0xFFFFFF40]  }
0x521: {  	[tilespmem:s10+$0xFFFFFE30] =	vst v5;
	v7 =	vld [tilespmem:s26+$0xFFFFFF40]  }
0x522: {  	v5 =	vld [tilespmem:s22+$0xFFFFFE40];
	v2 =	vmax.f32 v2, $0.0e+00  }
0x523: {  	v6 =	vld [tilespmem:s26+$0xFFFFFE40];
	[tilespmem:s10+$0xFFFFFEC0] =	vst v2  }
0x524: {  	v2 =	vld [tilespmem:s22+$0xFFFFFED0];
	v1 =	vadd.f32 v1, v3  }
0x525: {  	v3 =	vld [tilespmem:s26+$0xFFFFFED0]  }
0x526: {  	s20 =	simm.s32 $0x67F0;
	v4 =	vadd.f32 v7, v4;
	v1 =	vmax.f32 v1, $0.0e+00  }
0x527: {  	v11 =	vld [tilespmem:s20+$0xFFFFFE10];
	[tilespmem:s10+$0xFFFFFFD0] =	vst v1  }
0x528: {  	v1 =	vmax.f32 v4, $0.0e+00;
	v4 =	vld [tilespmem:s22+$0xFFFFFFE0]  }
0x529: {  	v5 =	vadd.f32 v6, v5;
	[tilespmem:s10+$0xFFFFFF40] =	vst v1;
	v1 =	vld [tilespmem:s26+$0xFFFFFFE0]  }
0x52a: {  	v2 =	vadd.f32 v3, v2;
	v3 =	vld [tilespmem:s22+$0xFFFFFF50]  }
0x52b: {  	s18 =	simm.s32 $0x27F0;
	v5 =	vmax.f32 v5, $0.0e+00;
	v7 =	vld [tilespmem:s26+$0xFFFFFF50]  }
0x52c: {  	v51 =	vld [tilespmem:s18+$0xFFFFFE10];
	[tilespmem:s10+$0xFFFFFE40] =	vst v5  }
0x52d: {  	v5 =	vld [tilespmem:s22+$0xFFFFFE50]  }
0x52e: {  	v6 =	vld [tilespmem:s26+$0xFFFFFE50];
	v1 =	vadd.f32 v1, v4  }
0x52f: {  	v48 =	vld [tilespmem:s18+$0xFFFFFF90]  }
0x530: {  	v10 =	vld [tilespmem:s20+$0xFFFFFF90];
	v3 =	vadd.f32 v7, v3;
	v1 =	vmax.f32 v1, $0.0e+00  }
0x531: {  	v12 =	vld [tilespmem:s20+$0xFFFFFE90];
	v11 =	vadd.f32 v11, v51;
	[tilespmem:s10+$0xFFFFFFE0] =	vst v1  }
0x532: {  	v1 =	vmax.f32 v3, $0.0e+00;
	v3 =	vld [tilespmem:s22+$0xFFFFFFF0]  }
0x533: {  	s19 =	simm.s32 $0xA7F0;
	v11 =	vmax.f32 v11, $0.0e+00;
	v5 =	vadd.f32 v6, v5;
	[tilespmem:s10+$0xFFFFFF50] =	vst v1;
	v1 =	vld [tilespmem:s26+$0xFFFFFFF0]  }
0x534: {  	v13 =	vld [tilespmem:s18+$0xFFFFFF10];
	[tilespmem:s19+$0xFFFFFE10] =	vst v11;
	v2 =	vmax.f32 v2, $0.0e+00  }
0x535: {  	v11 =	vld [tilespmem:s18+$0xFFFFFE20];
	[tilespmem:s10+$0xFFFFFED0] =	vst v2;
	v5 =	vmax.f32 v5, $0.0e+00  }
0x536: {  	v2 =	vld [tilespmem:s22+$0xFFFFFEE0];
	[tilespmem:s10+$0xFFFFFE50] =	vst v5  }
0x537: {  	v5 =	vld [tilespmem:s22+$0xFFFFFE60]  }
0x538: {  	v6 =	vld [tilespmem:s26+$0xFFFFFE60];
	v1 =	vadd.f32 v1, v3  }
0x539: {  	v3 =	vld [tilespmem:s18+$0xFFFFFE90]  }
0x53a: {  	v4 =	vld [tilespmem:s26+$0xFFFFFEE0];
	v1 =	vmax.f32 v1, $0.0e+00  }
0x53b: {  	v7 =	vld [tilespmem:s22+$0xFFFFFF60];
	[tilespmem:s10+$0xFFFFFFF0] =	vst v1;
	v1 =	vadd.f32 v10, v48  }
0x53c: {  	v8 =	vld [tilespmem:s26+$0xFFFFFF60]  }
0x53d: {  	v5 =	vadd.f32 v6, v5;
	v6 =	vld [tilespmem:s20+$0xFFFFFF10];
	v1 =	vmax.f32 v1, $0.0e+00  }
0x53e: {  	v53 =	vld [tilespmem:s20+$0xFFFFFE20];
	v3 =	vadd.f32 v12, v3;
	[tilespmem:s19+$0xFFFFFF90] =	vst v1  }
0x53f: {  	v1 =	vmax.f32 v5, $0.0e+00;
	v5 =	vld [tilespmem:s18+$0xFFFFFFA0]  }
0x540: {  	v2 =	vadd.f32 v4, v2;
	[tilespmem:s10+$0xFFFFFE60] =	vst v1;
	v1 =	vmax.f32 v3, $0.0e+00;
	v3 =	vld [tilespmem:s20+$0xFFFFFFA0]  }
0x541: {  	v7 =	vadd.f32 v8, v7;
	v49 =	vld [tilespmem:s22+$0x0]  }
0x542: {  	v2 =	vmax.f32 v2, $0.0e+00;
	v6 =	vadd.f32 v6, v13;
	v50 =	vld [tilespmem:s26+$0x0];
	[tilespmem:s19+$0xFFFFFE90] =	vst v1  }
0x543: {  	[tilespmem:s10+$0xFFFFFEE0] =	vst v2;
	v7 =	vmax.f32 v7, $0.0e+00;
	v4 =	vld [tilespmem:s18+$0xFFFFFEA0]  }
0x544: {  	v2 =	vmax.f32 v6, $0.0e+00;
	[tilespmem:s10+$0xFFFFFF60] =	vst v7;
	v52 =	vld [tilespmem:s20+$0xFFFFFEA0]  }
0x545: {  	v7 =	vld [tilespmem:s26+$0xFFFFFEF0];
	[tilespmem:s19+$0xFFFFFF10] =	vst v2;
	v2 =	vadd.f32 v3, v5  }
0x546: {  	v56 =	vld [tilespmem:s22+$0xFFFFFF70]  }
0x547: {  	v57 =	vld [tilespmem:s26+$0xFFFFFF70];
	v2 =	vmax.f32 v2, $0.0e+00  }
0x548: {  	v1 =	vld [tilespmem:s22+$0xFFFFFE70];
	[tilespmem:s19+$0xFFFFFFA0] =	vst v2  }
0x549: {  	v4 =	vadd.f32 v52, v4;
	v2 =	vld [tilespmem:s18+$0xFFFFFFB0]  }
0x54a: {  	v54 =	vld [tilespmem:s20+$0xFFFFFFB0]  }
0x54b: {  	v5 =	vld [tilespmem:s18+$0xFFFFFF20];
	v4 =	vmax.f32 v4, $0.0e+00  }
0x54c: {  	[tilespmem:s19+$0xFFFFFEA0] =	vst v4;
	v4 =	vld [tilespmem:s20+$0xFFFFFF20]  }
0x54d: {  	v11 =	vadd.f32 v53, v11;
	v8 =	vld [tilespmem:s18+$0xFFFFFEB0]  }
0x54e: {  	v55 =	vld [tilespmem:s20+$0xFFFFFEB0]  }
0x54f: {  	v11 =	vmax.f32 v11, $0.0e+00;
	v6 =	vld [tilespmem:s26+$0xFFFFFE70];
	v2 =	vadd.f32 v54, v2  }
0x550: {  	[tilespmem:s19+$0xFFFFFE20] =	vst v11;
	v3 =	vld [tilespmem:s22+$0xFFFFFEF0]  }
0x551: {  	v4 =	vadd.f32 v4, v5;
	v5 =	vld [tilespmem:s18+$0xFFFFFE30];
	v2 =	vmax.f32 v2, $0.0e+00  }
0x552: {  	[tilespmem:s19+$0xFFFFFFB0] =	vst v2;
	v2 =	vld [tilespmem:s20+$0xFFFFFE30]  }
0x553: {  	v8 =	vadd.f32 v55, v8;
	v4 =	vmax.f32 v4, $0.0e+00;
	v58 =	vld [tilespmem:s18+$0xFFFFFFC0]  }
0x554: {  	v1 =	vadd.f32 v6, v1;
	[tilespmem:s19+$0xFFFFFF20] =	vst v4;
	v4 =	vld [tilespmem:s20+$0xFFFFFFC0]  }
0x555: {  	v6 =	vmax.f32 v8, $0.0e+00;
	v8 =	vld [tilespmem:s18+$0xFFFFFF30]  }
0x556: {  	v1 =	vmax.f32 v1, $0.0e+00;
	[tilespmem:s19+$0xFFFFFEB0] =	vst v6;
	v6 =	vld [tilespmem:s20+$0xFFFFFF30]  }
0x557: {  	[tilespmem:s10+$0xFFFFFE70] =	vst v1;
	v1 =	vld [tilespmem:s20+$0xFFFFFEC0];
	v2 =	vadd.f32 v2, v5  }
0x558: {  	v5 =	vld [tilespmem:s18+$0xFFFFFEC0]  }
0x559: {  	v59 =	vld [tilespmem:s22+$0xFFFFFE80];
	v4 =	vadd.f32 v4, v58;
	v2 =	vmax.f32 v2, $0.0e+00  }
0x55a: {  	[tilespmem:s19+$0xFFFFFE30] =	vst v2;
	v2 =	vld [tilespmem:s26+$0xFFFFFE80]  }
0x55b: {  	v6 =	vadd.f32 v6, v8;
	v4 =	vmax.f32 v4, $0.0e+00;
	v8 =	vld [tilespmem:s18+$0xFFFFFE40]  }
0x55c: {  	[tilespmem:s19+$0xFFFFFFC0] =	vst v4;
	v4 =	vld [tilespmem:s20+$0xFFFFFE40]  }
0x55d: {  	v1 =	vadd.f32 v1, v5;
	v5 =	vmax.f32 v6, $0.0e+00;
	v6 =	vld [tilespmem:s18+$0xFFFFFFD0]  }
0x55e: {  	[tilespmem:s19+$0xFFFFFF30] =	vst v5;
	v5 =	vld [tilespmem:s20+$0xFFFFFFD0]  }
0x55f: {  	v3 =	vadd.f32 v7, v3;
	v1 =	vmax.f32 v1, $0.0e+00;
	v7 =	vld [tilespmem:s18+$0xFFFFFF40]  }
0x560: {  	[tilespmem:s19+$0xFFFFFEC0] =	vst v1;
	v1 =	vld [tilespmem:s20+$0xFFFFFF40]  }
0x561: {  	v3 =	vmax.f32 v3, $0.0e+00;
	v4 =	vadd.f32 v4, v8;
	v8 =	vld [tilespmem:s18+$0xFFFFFED0]  }
0x562: {  	[tilespmem:s10+$0xFFFFFEF0] =	vst v3;
	v3 =	vld [tilespmem:s20+$0xFFFFFED0]  }
0x563: {  	v4 =	vmax.f32 v4, $0.0e+00;
	v5 =	vadd.f32 v5, v6;
	v6 =	vld [tilespmem:s22+$0xFFFFFF00]  }
0x564: {  	[tilespmem:s19+$0xFFFFFE40] =	vst v4;
	v4 =	vld [tilespmem:s26+$0xFFFFFF00]  }
0x565: {  	v1 =	vadd.f32 v1, v7;
	v7 =	vld [tilespmem:s18+$0xFFFFFE50];
	v5 =	vmax.f32 v5, $0.0e+00  }
0x566: {  	[tilespmem:s19+$0xFFFFFFD0] =	vst v5;
	v5 =	vld [tilespmem:s20+$0xFFFFFE50]  }
0x567: {  	v3 =	vadd.f32 v3, v8;
	v1 =	vmax.f32 v1, $0.0e+00;
	v8 =	vld [tilespmem:s18+$0xFFFFFFE0]  }
0x568: {  	[tilespmem:s19+$0xFFFFFF40] =	vst v1;
	v1 =	vld [tilespmem:s20+$0xFFFFFFE0]  }
0x569: {  	v3 =	vmax.f32 v3, $0.0e+00;
	v60 =	vld [tilespmem:s18+$0xFFFFFF50]  }
0x56a: {  	v9 =	vadd.f32 v50, v49;
	[tilespmem:s19+$0xFFFFFED0] =	vst v3;
	v3 =	vld [tilespmem:s20+$0xFFFFFF50]  }
0x56b: {  	v11 =	vadd.f32 v57, v56;
	v61 =	vld [tilespmem:s20+$0xFFFFFEE0]  }
0x56c: {  	v9 =	vmax.f32 v9, $0.0e+00;
	v2 =	vadd.f32 v2, v59;
	v5 =	vadd.f32 v5, v7;
	v7 =	vld [tilespmem:s18+$0xFFFFFEE0]  }
0x56d: {  	v11 =	vmax.f32 v11, $0.0e+00;
	[tilespmem:s10+$0x0] =	vst v9  }
0x56e: {  	[tilespmem:s10+$0xFFFFFF70] =	vst v11;
	v2 =	vmax.f32 v2, $0.0e+00;
	v1 =	vadd.f32 v1, v8  }
0x56f: {  	[tilespmem:s10+$0xFFFFFE80] =	vst v2;
	v5 =	vmax.f32 v5, $0.0e+00;
	v62 =	vadd.f32 v3, v60  }
0x570: {  	v11 =	vld [tilespmem:s26+$0xFFFFFF80];
	v4 =	vadd.f32 v4, v6;
	[tilespmem:s19+$0xFFFFFE50] =	vst v5;
	v1 =	vmax.f32 v1, $0.0e+00  }
0x571: {  	v8 =	vld [tilespmem:s22+$0xFFFFFF80];
	[tilespmem:s19+$0xFFFFFFE0] =	vst v1;
	v1 =	vadd.f32 v61, v7;
	v6 =	vmax.f32 v62, $0.0e+00  }
0x572: {  	v3 =	vld [tilespmem:s18+$0xFFFFFE60];
	v7 =	vmax.f32 v4, $0.0e+00;
	[tilespmem:s19+$0xFFFFFF50] =	vst v6  }
0x573: {  	v5 =	vld [tilespmem:s20+$0xFFFFFE60];
	[tilespmem:s10+$0xFFFFFF00] =	vst v7;
	v7 =	vmax.f32 v1, $0.0e+00  }
0x574: {  	v2 =	vld [tilespmem:s18+$0xFFFFFFF0];
	[tilespmem:s19+$0xFFFFFEE0] =	vst v7  }
0x575: {  	v4 =	vld [tilespmem:s20+$0xFFFFFFF0];
	s24 =	rddreg [dreg:$0x12]  }
0x576: {  	s17 =	simm.s32 $0x29F0;
	v6 =	vld [tilespmem:s18+$0xFFFFFF60];
	v1 =	vadd.f32 v11, v8;
	s25 =	rddreg [dreg:$0x13]  }
0x577: {  	s21 =	simm.s32 $0x67F0;
	s22 =	simm.s32 $0x4;
	v7 =	vld [tilespmem:s20+$0xFFFFFF60];
	s26 =	rddreg [dreg:$0x14]  }
.LBB2_16:
0x578: {  	v8 =	vld [tilespmem:s17+$0xFFFFFF90];
	v3 =	vadd.f32 v5, v3;
	s20 =	sadd.s32 $0x200, s20;
	v1 =	vmax.f32 v1, $0.0e+00  }
0x579: {  	v5 =	vld [tilespmem:s20+$0xFFFFFF90];
	[tilespmem:s10+$0xFFFFFF80] =	vst v1;
	s10 =	smov.u32 s19  }
0x57a: {  	v1 =	vld [tilespmem:s20+$0xFFFFFE10];
	v3 =	vmax.f32 v3, $0.0e+00;
	v2 =	vadd.f32 v4, v2  }
0x57b: {  	v4 =	vld [tilespmem:s17+$0xFFFFFE90];
	[tilespmem:s19+$0xFFFFFE60] =	vst v3  }
0x57c: {  	v3 =	vld [tilespmem:s20+$0xFFFFFE90];
	v6 =	vadd.f32 v7, v6;
	v2 =	vmax.f32 v2, $0.0e+00  }
0x57d: {  	v7 =	vld [tilespmem:s17+$0xFFFFFF10];
	[tilespmem:s19+$0xFFFFFFF0] =	vst v2  }
0x57e: {  	v2 =	vadd.f32 v5, v8;
	v5 =	vmax.f32 v6, $0.0e+00;
	v6 =	vld [tilespmem:s18+$0x0]  }
0x57f: {  	[tilespmem:s19+$0xFFFFFF60] =	vst v5;
	v5 =	vld [tilespmem:s21+$0x0]  }
0x580: {  	s22 =	sadd.s32 $0x4, s22;
	s19 =	sadd.s32 $0x200, s19;
	v8 =	vld [tilespmem:s20+$0xFFFFFF10];
	v2 =	vmax.f32 v2, $0.0e+00  }
0x581: {  	p0 =	slt.u32 s22, $0x3C;
	v9 =	vld [tilespmem:s17+$0xFFFFFE10];
	v3 =	vadd.f32 v3, v4;
	[tilespmem:s19+$0xFFFFFF90] =	vst v2  }
0x582: {  	v2 =	vld [tilespmem:s17+$0xFFFFFFA0]  }
0x583: {  	v3 =	vmax.f32 v3, $0.0e+00;
	v4 =	vld [tilespmem:s20+$0xFFFFFFA0]  }
0x584: {  	[tilespmem:s19+$0xFFFFFE90] =	vst v3;
	v3 =	vld [tilespmem:s18+$0xFFFFFE70];
	v5 =	vadd.f32 v5, v6  }
0x585: {  	v6 =	vld [tilespmem:s17+$0xFFFFFEA0];
	v7 =	vadd.f32 v8, v7  }
0x586: {  	v1 =	vadd.f32 v1, v9;
	v8 =	vld [tilespmem:s20+$0xFFFFFEA0];
	v5 =	vmax.f32 v5, $0.0e+00  }
0x587: {  	v7 =	vmax.f32 v7, $0.0e+00;
	v9 =	vld [tilespmem:s21+$0xFFFFFE70];
	[tilespmem:s10+$0x0] =	vst v5  }
0x588: {  	v1 =	vmax.f32 v1, $0.0e+00;
	[tilespmem:s19+$0xFFFFFF10] =	vst v7;
	v2 =	vadd.f32 v4, v2;
	v4 =	vld [tilespmem:s18+$0xFFFFFEF0]  }
0x589: {  	[tilespmem:s19+$0xFFFFFE10] =	vst v1;
	v1 =	vld [tilespmem:s17+$0xFFFFFF20]  }
0x58a: {  	v5 =	vld [tilespmem:s17+$0xFFFFFE20];
	v2 =	vmax.f32 v2, $0.0e+00  }
0x58b: {  	v7 =	vld [tilespmem:s20+$0xFFFFFE20];
	v6 =	vadd.f32 v8, v6;
	[tilespmem:s19+$0xFFFFFFA0] =	vst v2  }
0x58c: {  	v2 =	vld [tilespmem:s17+$0xFFFFFFB0];
	v3 =	vadd.f32 v9, v3  }
0x58d: {  	v6 =	vmax.f32 v6, $0.0e+00;
	v8 =	vld [tilespmem:s20+$0xFFFFFFB0]  }
0x58e: {  	[tilespmem:s19+$0xFFFFFEA0] =	vst v6;
	v6 =	vld [tilespmem:s20+$0xFFFFFF20];
	v3 =	vmax.f32 v3, $0.0e+00  }
0x58f: {  	v9 =	vld [tilespmem:s17+$0xFFFFFEB0];
	[tilespmem:s10+$0xFFFFFE70] =	vst v3  }
0x590: {  	v3 =	vadd.f32 v7, v5;
	v5 =	vld [tilespmem:s20+$0xFFFFFEB0]  }
0x591: {  	v7 =	vld [tilespmem:s21+$0xFFFFFEF0]  }
0x592: {  	v3 =	vmax.f32 v3, $0.0e+00;
	v2 =	vadd.f32 v8, v2;
	v8 =	vld [tilespmem:s18+$0xFFFFFF70]  }
0x593: {  	[tilespmem:s19+$0xFFFFFE20] =	vst v3;
	v1 =	vadd.f32 v6, v1;
	v3 =	vld [tilespmem:s21+$0xFFFFFF70]  }
0x594: {  	v6 =	vld [tilespmem:s17+$0xFFFFFE30];
	v2 =	vmax.f32 v2, $0.0e+00  }
0x595: {  	v10 =	vld [tilespmem:s20+$0xFFFFFE30];
	v5 =	vadd.f32 v5, v9;
	v1 =	vmax.f32 v1, $0.0e+00;
	[tilespmem:s19+$0xFFFFFFB0] =	vst v2  }
0x596: {  	[tilespmem:s19+$0xFFFFFF20] =	vst v1;
	v1 =	vld [tilespmem:s17+$0xFFFFFFC0];
	v2 =	vadd.f32 v7, v4  }
0x597: {  	v4 =	vmax.f32 v5, $0.0e+00;
	v5 =	vld [tilespmem:s20+$0xFFFFFFC0]  }
0x598: {  	[tilespmem:s19+$0xFFFFFEB0] =	vst v4;
	v4 =	vld [tilespmem:s17+$0xFFFFFF30];
	v2 =	vmax.f32 v2, $0.0e+00;
	v3 =	vadd.f32 v3, v8  }
0x599: {  	v7 =	vld [tilespmem:s20+$0xFFFFFF30];
	[tilespmem:s10+$0xFFFFFEF0] =	vst v2  }
0x59a: {  	v2 =	vadd.f32 v10, v6;
	v6 =	vld [tilespmem:s17+$0xFFFFFEC0];
	v3 =	vmax.f32 v3, $0.0e+00  }
0x59b: {  	v8 =	vld [tilespmem:s20+$0xFFFFFEC0];
	[tilespmem:s10+$0xFFFFFF70] =	vst v3  }
0x59c: {  	v2 =	vmax.f32 v2, $0.0e+00;
	v1 =	vadd.f32 v5, v1;
	v3 =	vld [tilespmem:s18+$0xFFFFFE80]  }
0x59d: {  	[tilespmem:s19+$0xFFFFFE30] =	vst v2;
	v2 =	vld [tilespmem:s21+$0xFFFFFE80]  }
0x59e: {  	v5 =	vld [tilespmem:s17+$0xFFFFFE40];
	v4 =	vadd.f32 v7, v4;
	v1 =	vmax.f32 v1, $0.0e+00  }
0x59f: {  	v7 =	vld [tilespmem:s20+$0xFFFFFE40];
	[tilespmem:s19+$0xFFFFFFC0] =	vst v1  }
0x5a0: {  	v1 =	vadd.f32 v8, v6;
	v4 =	vmax.f32 v4, $0.0e+00;
	v6 =	vld [tilespmem:s17+$0xFFFFFFD0]  }
0x5a1: {  	[tilespmem:s19+$0xFFFFFF30] =	vst v4;
	v4 =	vld [tilespmem:s20+$0xFFFFFFD0]  }
0x5a2: {  	v1 =	vmax.f32 v1, $0.0e+00;
	v8 =	vld [tilespmem:s17+$0xFFFFFF40];
	v2 =	vadd.f32 v2, v3  }
0x5a3: {  	[tilespmem:s19+$0xFFFFFEC0] =	vst v1;
	v1 =	vld [tilespmem:s20+$0xFFFFFF40]  }
0x5a4: {  	v3 =	vadd.f32 v7, v5;
	v5 =	vld [tilespmem:s17+$0xFFFFFED0];
	v2 =	vmax.f32 v2, $0.0e+00  }
0x5a5: {  	v7 =	vld [tilespmem:s20+$0xFFFFFED0];
	[tilespmem:s10+$0xFFFFFE80] =	vst v2  }
0x5a6: {  	v2 =	vmax.f32 v3, $0.0e+00;
	v3 =	vadd.f32 v4, v6;
	v4 =	vld [tilespmem:s18+$0xFFFFFF00]  }
0x5a7: {  	[tilespmem:s19+$0xFFFFFE40] =	vst v2;
	v2 =	vld [tilespmem:s21+$0xFFFFFF00]  }
0x5a8: {  	v6 =	vld [tilespmem:s17+$0xFFFFFE50];
	v1 =	vadd.f32 v1, v8;
	v3 =	vmax.f32 v3, $0.0e+00  }
0x5a9: {  	v8 =	vld [tilespmem:s20+$0xFFFFFE50];
	[tilespmem:s19+$0xFFFFFFD0] =	vst v3  }
0x5aa: {  	v3 =	vadd.f32 v7, v5;
	v1 =	vmax.f32 v1, $0.0e+00;
	v5 =	vld [tilespmem:s17+$0xFFFFFFE0]  }
0x5ab: {  	[tilespmem:s19+$0xFFFFFF40] =	vst v1;
	v1 =	vld [tilespmem:s20+$0xFFFFFFE0]  }
0x5ac: {  	v3 =	vmax.f32 v3, $0.0e+00;
	v7 =	vld [tilespmem:s17+$0xFFFFFF50];
	v2 =	vadd.f32 v2, v4  }
0x5ad: {  	[tilespmem:s19+$0xFFFFFED0] =	vst v3;
	v4 =	vld [tilespmem:s20+$0xFFFFFF50]  }
0x5ae: {  	v3 =	vadd.f32 v8, v6;
	v6 =	vld [tilespmem:s17+$0xFFFFFEE0];
	v2 =	vmax.f32 v2, $0.0e+00  }
0x5af: {  	v8 =	vld [tilespmem:s20+$0xFFFFFEE0];
	[tilespmem:s10+$0xFFFFFF00] =	vst v2  }
0x5b0: {  	v2 =	vmax.f32 v3, $0.0e+00;
	v1 =	vadd.f32 v1, v5;
	v9 =	vld [tilespmem:s18+$0xFFFFFF80];
	s18 =	smov.u32 s17  }
0x5b1: {  	[tilespmem:s19+$0xFFFFFE50] =	vst v2;
	v10 =	vld [tilespmem:s21+$0xFFFFFF80];
	s21 =	smov.u32 s20  }
0x5b2: {  	v3 =	vld [tilespmem:s17+$0xFFFFFE60];
	v2 =	vadd.f32 v4, v7;
	v1 =	vmax.f32 v1, $0.0e+00  }
.Ltmp7:
0x5b3: {  	v5 =	vld [tilespmem:s20+$0xFFFFFE60];
	[tilespmem:s19+$0xFFFFFFE0] =	vst v1;
	(pc) =	sbr.rel @p0 .LBB2_16-.Ltmp7, $4  }
0x5b4: {  	v1 =	vadd.f32 v8, v6;
	v4 =	vmax.f32 v2, $0.0e+00;
	v2 =	vld [tilespmem:s17+$0xFFFFFFF0]  }
0x5b5: {  	[tilespmem:s19+$0xFFFFFF50] =	vst v4;
	v4 =	vld [tilespmem:s20+$0xFFFFFFF0]  }
0x5b6: {  	v7 =	vmax.f32 v1, $0.0e+00;
	v6 =	vld [tilespmem:s17+$0xFFFFFF60];
	v1 =	vadd.f32 v10, v9  }
0x5b7: {  	s17 =	sadd.s32 $0x200, s17;
	[tilespmem:s19+$0xFFFFFEE0] =	vst v7;
	v7 =	vld [tilespmem:s20+$0xFFFFFF60]  }
0x5b8: {  	v3 =	vadd.f32 v5, v3;
	_ =	sdelay $0x1  }
0x5b9: {  	v3 =	vmax.f32 v3, $0.0e+00  }
0x5ba: {  	[tilespmem:s19+$0xFFFFFE60] =	vst v3  }
0x5bb: {  	v3 =	vadd.f32 v7, v6;
	v5 =	vld [tilespmem:s18+$0xFFFFFE70]  }
0x5bc: {  	v6 =	vld [tilespmem:s21+$0xFFFFFE70]  }
0x5bd: {  	v7 =	vld [tilespmem:s18+$0xFFFFFEF0];
	v3 =	vmax.f32 v3, $0.0e+00  }
0x5be: {  	[tilespmem:s19+$0xFFFFFF60] =	vst v3;
	v3 =	vld [tilespmem:s21+$0xFFFFFEF0]  }
0x5bf: {  	v2 =	vadd.f32 v4, v2;
	v4 =	vld [tilespmem:s18+$0xFFFFFF70]  }
0x5c0: {  	v8 =	vld [tilespmem:s21+$0xFFFFFF70]  }
0x5c1: {  	v2 =	vmax.f32 v2, $0.0e+00;
	v5 =	vadd.f32 v6, v5  }
0x5c2: {  	[tilespmem:s19+$0xFFFFFFF0] =	vst v2  }
0x5c3: {  	v2 =	vld [tilespmem:s18+$0x0];
	v5 =	vmax.f32 v5, $0.0e+00;
	v3 =	vadd.f32 v3, v7  }
0x5c4: {  	v6 =	vld [tilespmem:s21+$0x0];
	[tilespmem:s19+$0xFFFFFE70] =	vst v5  }
0x5c5: {  	v4 =	vadd.f32 v8, v4;
	v5 =	vld [tilespmem:s18+$0xFFFFFE80];
	v3 =	vmax.f32 v3, $0.0e+00  }
0x5c6: {  	[tilespmem:s19+$0xFFFFFEF0] =	vst v3;
	v3 =	vld [tilespmem:s21+$0xFFFFFE80]  }
0x5c7: {  	v4 =	vmax.f32 v4, $0.0e+00;
	v7 =	vld [tilespmem:s18+$0xFFFFFF00]  }
0x5c8: {  	[tilespmem:s19+$0xFFFFFF70] =	vst v4;
	v4 =	vld [tilespmem:s21+$0xFFFFFF00]  }
0x5c9: {  	v8 =	vld [tilespmem:s18+$0xFFFFFF80]  }
0x5ca: {  	v9 =	vld [tilespmem:s21+$0xFFFFFF80];
	_ =	sdelay $0x1  }
0x5cb: {  	v2 =	vadd.f32 v6, v2  }
0x5cc: {  	v1 =	vmax.f32 v1, $0.0e+00;
	v3 =	vadd.f32 v3, v5  }
0x5cd: {  	[tilespmem:s10+$0xFFFFFF80] =	vst v1;
	v1 =	vmax.f32 v2, $0.0e+00;
	v2 =	vadd.f32 v4, v7  }
0x5ce: {  	[tilespmem:s19+$0x0] =	vst v1;
	v1 =	vmax.f32 v3, $0.0e+00;
	v3 =	vadd.f32 v9, v8  }
0x5cf: {  	[tilespmem:s19+$0xFFFFFE80] =	vst v1;
	v1 =	vmax.f32 v2, $0.0e+00  }
0x5d0: {  	[tilespmem:s19+$0xFFFFFF00] =	vst v1;
	v1 =	vmax.f32 v3, $0.0e+00  }
0x5d1: {  	s22 =	simm.s32 $0x380;
	[tilespmem:s19+$0xFFFFFF80] =	vst v1  }
0x5d2: {  	[spmem:s2] =	stream.indirect.scatter.add.f32 [tilespmem:s0], [sflag:$0x4], $0x80, s22, s8, $0xb8;
	v63 =	vld [tilespmem:$0x0]  }
0x5d3: {  	_ =	swait.ge [sflag:s30], $0x2000  }
0x5d4: {  	[sflag:s30] =	ssyncset.done $0x0  }
0x5d5: {  	[sflag:s30] =	ssyncadd.s32 $0xFFFFE000  }
0x5d6: {  	_ =	swait.ge [sflag:s30], $0x2000  }
0x5d7: {  	[sflag:s30] =	ssyncset.done $0x0  }
0x5d8: {  	[sflag:s30] =	ssyncadd.s32 $0xFFFFE000  }
0x5d9: {  	_ =	swait.ge [sflag:s1], $0x2000  }
0x5da: {  	[sflag:s1] =	ssyncset.done $0x0  }
0x5db: {  	s22 =	simm.s32 $0x500;
	[sflag:s1] =	ssyncadd.s32 $0xFFFFE000  }
0x5dc: {  	s17 =	simm.s32 $0x4500;
	v1 =	vld [tilespmem:s22+$0x80]  }
0x5dd: {  	v2 =	vld [tilespmem:s17+$0x80];
	_ =	sdelay $0x4  }
0x5de: {  	v3 =	vld [tilespmem:s22+$0xFFFFFF80];
	v1 =	vadd.f32 v2, v1  }
0x5df: {  	v2 =	vld [tilespmem:s17+$0xFFFFFF80]  }
0x5e0: {  	s10 =	simm.s32 $0x8500;
	v4 =	vld [tilespmem:s17+$0xFFFFFF00];
	v1 =	vmax.f32 v1, $0.0e+00  }
0x5e1: {  	v5 =	vld [tilespmem:s22+$0xFFFFFF00];
	[tilespmem:s10+$0x80] =	vst v1  }
0x5e2: {  	v1 =	vld [tilespmem:s22+$0x90]  }
0x5e3: {  	v6 =	vld [tilespmem:s17+$0x90]  }
0x5e4: {  	v7 =	vld [tilespmem:s22+$0x0];
	v2 =	vadd.f32 v2, v3  }
0x5e5: {  	v3 =	vld [tilespmem:s17+$0x0]  }
0x5e6: {  	v4 =	vadd.f32 v4, v5;
	v2 =	vmax.f32 v2, $0.0e+00  }
0x5e7: {  	[tilespmem:s10+$0xFFFFFF80] =	vst v2  }
0x5e8: {  	v4 =	vmax.f32 v4, $0.0e+00;
	v2 =	vld [tilespmem:s22+$0xFFFFFF90];
	v1 =	vadd.f32 v6, v1  }
0x5e9: {  	[tilespmem:s10+$0xFFFFFF00] =	vst v4;
	v5 =	vld [tilespmem:s17+$0xFFFFFF90]  }
0x5ea: {  	v4 =	vld [tilespmem:s22+$0xFFFFFF10];
	v3 =	vadd.f32 v3, v7;
	v1 =	vmax.f32 v1, $0.0e+00  }
0x5eb: {  	v6 =	vld [tilespmem:s17+$0xFFFFFF10];
	[tilespmem:s10+$0x90] =	vst v1  }
0x5ec: {  	v1 =	vmax.f32 v3, $0.0e+00;
	v3 =	vld [tilespmem:s22+$0xA0]  }
0x5ed: {  	[tilespmem:s10+$0x0] =	vst v1;
	v1 =	vld [tilespmem:s17+$0xA0]  }
0x5ee: {  	v7 =	vld [tilespmem:s22+$0x10];
	v2 =	vadd.f32 v5, v2  }
0x5ef: {  	v5 =	vld [tilespmem:s17+$0x10]  }
0x5f0: {  	v2 =	vmax.f32 v2, $0.0e+00  }
0x5f1: {  	v4 =	vadd.f32 v6, v4;
	[tilespmem:s10+$0xFFFFFF90] =	vst v2  }
0x5f2: {  	v2 =	vld [tilespmem:s22+$0xFFFFFFA0];
	v1 =	vadd.f32 v1, v3  }
0x5f3: {  	v4 =	vmax.f32 v4, $0.0e+00;
	v3 =	vld [tilespmem:s17+$0xFFFFFFA0]  }
0x5f4: {  	[tilespmem:s10+$0xFFFFFF10] =	vst v4;
	v4 =	vadd.f32 v5, v7;
	v1 =	vmax.f32 v1, $0.0e+00  }
0x5f5: {  	[tilespmem:s10+$0xA0] =	vst v1  }
0x5f6: {  	v1 =	vmax.f32 v4, $0.0e+00;
	v4 =	vld [tilespmem:s22+$0xB0]  }
0x5f7: {  	[tilespmem:s10+$0x10] =	vst v1;
	v1 =	vld [tilespmem:s17+$0xB0]  }
0x5f8: {  	v2 =	vadd.f32 v3, v2;
	v3 =	vld [tilespmem:s22+$0x20]  }
0x5f9: {  	v7 =	vld [tilespmem:s17+$0x20]  }
0x5fa: {  	v6 =	vld [tilespmem:s17+$0xFFFFFF20];
	v2 =	vmax.f32 v2, $0.0e+00  }
0x5fb: {  	v5 =	vld [tilespmem:s22+$0xFFFFFF20];
	[tilespmem:s10+$0xFFFFFFA0] =	vst v2  }
0x5fc: {  	v2 =	vld [tilespmem:s22+$0xFFFFFFB0];
	v1 =	vadd.f32 v1, v4  }
0x5fd: {  	v4 =	vld [tilespmem:s17+$0xFFFFFFB0]  }
0x5fe: {  	v3 =	vadd.f32 v7, v3;
	v1 =	vmax.f32 v1, $0.0e+00  }
0x5ff: {  	[tilespmem:s10+$0xB0] =	vst v1  }
0x600: {  	v5 =	vadd.f32 v6, v5;
	v1 =	vmax.f32 v3, $0.0e+00;
	v3 =	vld [tilespmem:s22+$0xC0]  }
0x601: {  	[tilespmem:s10+$0x20] =	vst v1;
	v1 =	vld [tilespmem:s17+$0xC0]  }
0x602: {  	v5 =	vmax.f32 v5, $0.0e+00;
	v2 =	vadd.f32 v4, v2;
	v4 =	vld [tilespmem:s22+$0x30]  }
0x603: {  	[tilespmem:s10+$0xFFFFFF20] =	vst v5;
	v7 =	vld [tilespmem:s17+$0x30]  }
0x604: {  	v5 =	vld [tilespmem:s22+$0xFFFFFF30];
	v2 =	vmax.f32 v2, $0.0e+00  }
0x605: {  	v6 =	vld [tilespmem:s17+$0xFFFFFF30];
	[tilespmem:s10+$0xFFFFFFB0] =	vst v2  }
0x606: {  	v2 =	vld [tilespmem:s22+$0xFFFFFFC0];
	v1 =	vadd.f32 v1, v3  }
0x607: {  	v3 =	vld [tilespmem:s17+$0xFFFFFFC0]  }
0x608: {  	s20 =	simm.s32 $0x4700;
	v4 =	vadd.f32 v7, v4;
	v1 =	vmax.f32 v1, $0.0e+00  }
0x609: {  	v11 =	vld [tilespmem:s20+$0xFFFFFF00];
	[tilespmem:s10+$0xC0] =	vst v1  }
0x60a: {  	v1 =	vmax.f32 v4, $0.0e+00;
	v4 =	vld [tilespmem:s22+$0xD0]  }
0x60b: {  	v5 =	vadd.f32 v6, v5;
	[tilespmem:s10+$0x30] =	vst v1;
	v1 =	vld [tilespmem:s17+$0xD0]  }
0x60c: {  	v2 =	vadd.f32 v3, v2;
	v3 =	vld [tilespmem:s22+$0x40]  }
0x60d: {  	s19 =	simm.s32 $0x700;
	v5 =	vmax.f32 v5, $0.0e+00;
	v7 =	vld [tilespmem:s17+$0x40]  }
0x60e: {  	v51 =	vld [tilespmem:s19+$0xFFFFFF00];
	[tilespmem:s10+$0xFFFFFF30] =	vst v5  }
0x60f: {  	v5 =	vld [tilespmem:s22+$0xFFFFFF40]  }
0x610: {  	v6 =	vld [tilespmem:s17+$0xFFFFFF40];
	v1 =	vadd.f32 v1, v4  }
0x611: {  	v48 =	vld [tilespmem:s19+$0x80]  }
0x612: {  	v10 =	vld [tilespmem:s20+$0x80];
	v3 =	vadd.f32 v7, v3;
	v1 =	vmax.f32 v1, $0.0e+00  }
0x613: {  	v12 =	vld [tilespmem:s20+$0xFFFFFF80];
	v11 =	vadd.f32 v11, v51;
	[tilespmem:s10+$0xD0] =	vst v1  }
0x614: {  	v1 =	vmax.f32 v3, $0.0e+00;
	v3 =	vld [tilespmem:s22+$0xE0]  }
0x615: {  	s18 =	simm.s32 $0x8700;
	v11 =	vmax.f32 v11, $0.0e+00;
	v5 =	vadd.f32 v6, v5;
	[tilespmem:s10+$0x40] =	vst v1;
	v1 =	vld [tilespmem:s17+$0xE0]  }
0x616: {  	v13 =	vld [tilespmem:s19+$0x0];
	[tilespmem:s18+$0xFFFFFF00] =	vst v11;
	v2 =	vmax.f32 v2, $0.0e+00  }
0x617: {  	v11 =	vld [tilespmem:s19+$0xFFFFFF10];
	[tilespmem:s10+$0xFFFFFFC0] =	vst v2;
	v5 =	vmax.f32 v5, $0.0e+00  }
0x618: {  	v2 =	vld [tilespmem:s22+$0xFFFFFFD0];
	[tilespmem:s10+$0xFFFFFF40] =	vst v5  }
0x619: {  	v5 =	vld [tilespmem:s22+$0xFFFFFF50]  }
0x61a: {  	v6 =	vld [tilespmem:s17+$0xFFFFFF50];
	v1 =	vadd.f32 v1, v3  }
0x61b: {  	v3 =	vld [tilespmem:s19+$0xFFFFFF80]  }
0x61c: {  	v4 =	vld [tilespmem:s17+$0xFFFFFFD0];
	v1 =	vmax.f32 v1, $0.0e+00  }
0x61d: {  	v7 =	vld [tilespmem:s22+$0x50];
	[tilespmem:s10+$0xE0] =	vst v1;
	v1 =	vadd.f32 v10, v48  }
0x61e: {  	v8 =	vld [tilespmem:s17+$0x50]  }
0x61f: {  	v5 =	vadd.f32 v6, v5;
	v6 =	vld [tilespmem:s20+$0x0];
	v1 =	vmax.f32 v1, $0.0e+00  }
0x620: {  	v53 =	vld [tilespmem:s20+$0xFFFFFF10];
	v3 =	vadd.f32 v12, v3;
	[tilespmem:s18+$0x80] =	vst v1  }
0x621: {  	v1 =	vmax.f32 v5, $0.0e+00;
	v5 =	vld [tilespmem:s19+$0x90]  }
0x622: {  	v2 =	vadd.f32 v4, v2;
	[tilespmem:s10+$0xFFFFFF50] =	vst v1;
	v1 =	vmax.f32 v3, $0.0e+00;
	v3 =	vld [tilespmem:s20+$0x90]  }
0x623: {  	v7 =	vadd.f32 v8, v7;
	v49 =	vld [tilespmem:s22+$0xF0]  }
0x624: {  	v2 =	vmax.f32 v2, $0.0e+00;
	v6 =	vadd.f32 v6, v13;
	v50 =	vld [tilespmem:s17+$0xF0];
	[tilespmem:s18+$0xFFFFFF80] =	vst v1  }
0x625: {  	[tilespmem:s10+$0xFFFFFFD0] =	vst v2;
	v7 =	vmax.f32 v7, $0.0e+00;
	v4 =	vld [tilespmem:s19+$0xFFFFFF90]  }
0x626: {  	v2 =	vmax.f32 v6, $0.0e+00;
	[tilespmem:s10+$0x50] =	vst v7;
	v52 =	vld [tilespmem:s20+$0xFFFFFF90]  }
0x627: {  	v7 =	vld [tilespmem:s17+$0xFFFFFFE0];
	[tilespmem:s18+$0x0] =	vst v2;
	v2 =	vadd.f32 v3, v5  }
0x628: {  	v56 =	vld [tilespmem:s22+$0x60]  }
0x629: {  	v57 =	vld [tilespmem:s17+$0x60];
	v2 =	vmax.f32 v2, $0.0e+00  }
0x62a: {  	v1 =	vld [tilespmem:s22+$0xFFFFFF60];
	[tilespmem:s18+$0x90] =	vst v2  }
0x62b: {  	v4 =	vadd.f32 v52, v4;
	v2 =	vld [tilespmem:s19+$0xA0]  }
0x62c: {  	v54 =	vld [tilespmem:s20+$0xA0]  }
0x62d: {  	v5 =	vld [tilespmem:s19+$0x10];
	v4 =	vmax.f32 v4, $0.0e+00  }
0x62e: {  	[tilespmem:s18+$0xFFFFFF90] =	vst v4;
	v4 =	vld [tilespmem:s20+$0x10]  }
0x62f: {  	v11 =	vadd.f32 v53, v11;
	v8 =	vld [tilespmem:s19+$0xFFFFFFA0]  }
0x630: {  	v55 =	vld [tilespmem:s20+$0xFFFFFFA0]  }
0x631: {  	v11 =	vmax.f32 v11, $0.0e+00;
	v6 =	vld [tilespmem:s17+$0xFFFFFF60];
	v2 =	vadd.f32 v54, v2  }
0x632: {  	[tilespmem:s18+$0xFFFFFF10] =	vst v11;
	v3 =	vld [tilespmem:s22+$0xFFFFFFE0]  }
0x633: {  	v4 =	vadd.f32 v4, v5;
	v5 =	vld [tilespmem:s19+$0xFFFFFF20];
	v2 =	vmax.f32 v2, $0.0e+00  }
0x634: {  	[tilespmem:s18+$0xA0] =	vst v2;
	v2 =	vld [tilespmem:s20+$0xFFFFFF20]  }
0x635: {  	v8 =	vadd.f32 v55, v8;
	v4 =	vmax.f32 v4, $0.0e+00;
	v58 =	vld [tilespmem:s19+$0xB0]  }
0x636: {  	v1 =	vadd.f32 v6, v1;
	[tilespmem:s18+$0x10] =	vst v4;
	v4 =	vld [tilespmem:s20+$0xB0]  }
0x637: {  	v6 =	vmax.f32 v8, $0.0e+00;
	v8 =	vld [tilespmem:s19+$0x20]  }
0x638: {  	v1 =	vmax.f32 v1, $0.0e+00;
	[tilespmem:s18+$0xFFFFFFA0] =	vst v6;
	v6 =	vld [tilespmem:s20+$0x20]  }
0x639: {  	[tilespmem:s10+$0xFFFFFF60] =	vst v1;
	v1 =	vld [tilespmem:s20+$0xFFFFFFB0];
	v2 =	vadd.f32 v2, v5  }
0x63a: {  	v5 =	vld [tilespmem:s19+$0xFFFFFFB0]  }
0x63b: {  	v59 =	vld [tilespmem:s22+$0xFFFFFF70];
	v4 =	vadd.f32 v4, v58;
	v2 =	vmax.f32 v2, $0.0e+00  }
0x63c: {  	[tilespmem:s18+$0xFFFFFF20] =	vst v2;
	v2 =	vld [tilespmem:s17+$0xFFFFFF70]  }
0x63d: {  	v6 =	vadd.f32 v6, v8;
	v4 =	vmax.f32 v4, $0.0e+00;
	v8 =	vld [tilespmem:s19+$0xFFFFFF30]  }
0x63e: {  	[tilespmem:s18+$0xB0] =	vst v4;
	v4 =	vld [tilespmem:s20+$0xFFFFFF30]  }
0x63f: {  	v1 =	vadd.f32 v1, v5;
	v5 =	vmax.f32 v6, $0.0e+00;
	v6 =	vld [tilespmem:s19+$0xC0]  }
0x640: {  	[tilespmem:s18+$0x20] =	vst v5;
	v5 =	vld [tilespmem:s20+$0xC0]  }
0x641: {  	v3 =	vadd.f32 v7, v3;
	v1 =	vmax.f32 v1, $0.0e+00;
	v7 =	vld [tilespmem:s19+$0x30]  }
0x642: {  	[tilespmem:s18+$0xFFFFFFB0] =	vst v1;
	v1 =	vld [tilespmem:s20+$0x30]  }
0x643: {  	v3 =	vmax.f32 v3, $0.0e+00;
	v4 =	vadd.f32 v4, v8;
	v8 =	vld [tilespmem:s19+$0xFFFFFFC0]  }
0x644: {  	[tilespmem:s10+$0xFFFFFFE0] =	vst v3;
	v3 =	vld [tilespmem:s20+$0xFFFFFFC0]  }
0x645: {  	v4 =	vmax.f32 v4, $0.0e+00;
	v5 =	vadd.f32 v5, v6;
	v6 =	vld [tilespmem:s22+$0xFFFFFFF0]  }
0x646: {  	[tilespmem:s18+$0xFFFFFF30] =	vst v4;
	v4 =	vld [tilespmem:s17+$0xFFFFFFF0]  }
0x647: {  	v1 =	vadd.f32 v1, v7;
	v7 =	vld [tilespmem:s19+$0xFFFFFF40];
	v5 =	vmax.f32 v5, $0.0e+00  }
0x648: {  	[tilespmem:s18+$0xC0] =	vst v5;
	v5 =	vld [tilespmem:s20+$0xFFFFFF40]  }
0x649: {  	v3 =	vadd.f32 v3, v8;
	v1 =	vmax.f32 v1, $0.0e+00;
	v8 =	vld [tilespmem:s19+$0xD0]  }
0x64a: {  	[tilespmem:s18+$0x30] =	vst v1;
	v1 =	vld [tilespmem:s20+$0xD0]  }
0x64b: {  	v11 =	vadd.f32 v57, v56;
	v3 =	vmax.f32 v3, $0.0e+00;
	v60 =	vld [tilespmem:s19+$0x40]  }
0x64c: {  	[tilespmem:s18+$0xFFFFFFC0] =	vst v3;
	v3 =	vld [tilespmem:s20+$0x40]  }
0x64d: {  	v11 =	vmax.f32 v11, $0.0e+00;
	v61 =	vld [tilespmem:s20+$0xFFFFFFD0];
	v5 =	vadd.f32 v5, v7  }
0x64e: {  	v9 =	vadd.f32 v50, v49;
	[tilespmem:s10+$0x60] =	vst v11;
	v7 =	vld [tilespmem:s19+$0xFFFFFFD0]  }
0x64f: {  	v11 =	vld [tilespmem:s17+$0x70];
	v5 =	vmax.f32 v5, $0.0e+00;
	v1 =	vadd.f32 v1, v8  }
0x650: {  	v9 =	vmax.f32 v9, $0.0e+00;
	v2 =	vadd.f32 v2, v59;
	v8 =	vld [tilespmem:s22+$0x70];
	[tilespmem:s18+$0xFFFFFF40] =	vst v5  }
0x651: {  	[tilespmem:s10+$0xF0] =	vst v9;
	v62 =	vadd.f32 v3, v60;
	v3 =	vld [tilespmem:s19+$0xFFFFFF50];
	v1 =	vmax.f32 v1, $0.0e+00  }
0x652: {  	v2 =	vmax.f32 v2, $0.0e+00;
	v4 =	vadd.f32 v4, v6;
	v5 =	vld [tilespmem:s20+$0xFFFFFF50];
	[tilespmem:s18+$0xD0] =	vst v1  }
0x653: {  	[tilespmem:s10+$0xFFFFFF70] =	vst v2;
	v2 =	vadd.f32 v61, v7;
	v6 =	vmax.f32 v62, $0.0e+00;
	v1 =	vld [tilespmem:s19+$0xE0]  }
0x654: {  	v7 =	vmax.f32 v4, $0.0e+00;
	[tilespmem:s18+$0x40] =	vst v6;
	v4 =	vld [tilespmem:s20+$0xE0]  }
0x655: {  	[tilespmem:s10+$0xFFFFFFF0] =	vst v7;
	v7 =	vmax.f32 v2, $0.0e+00;
	v6 =	vld [tilespmem:s19+$0x50];
	v2 =	vadd.f32 v11, v8  }
0x656: {  	s21 =	simm.s32 $0x4700;
	s17 =	simm.s32 $0x900;
	s22 =	simm.s32 $0x4;
	[tilespmem:s18+$0xFFFFFFD0] =	vst v7;
	v7 =	vld [tilespmem:s20+$0x50]  }
.LBB2_18:
0x657: {  	v8 =	vld [tilespmem:s17+$0x80];
	v3 =	vadd.f32 v5, v3;
	s20 =	sadd.s32 $0x200, s20;
	v2 =	vmax.f32 v2, $0.0e+00  }
0x658: {  	v5 =	vld [tilespmem:s20+$0x80];
	[tilespmem:s10+$0x70] =	vst v2;
	s10 =	smov.u32 s18  }
0x659: {  	v2 =	vld [tilespmem:s20+$0xFFFFFF00];
	v3 =	vmax.f32 v3, $0.0e+00;
	v1 =	vadd.f32 v4, v1  }
0x65a: {  	v4 =	vld [tilespmem:s17+$0xFFFFFF80];
	[tilespmem:s18+$0xFFFFFF50] =	vst v3  }
0x65b: {  	v3 =	vld [tilespmem:s20+$0xFFFFFF80];
	v6 =	vadd.f32 v7, v6;
	v1 =	vmax.f32 v1, $0.0e+00  }
0x65c: {  	v7 =	vld [tilespmem:s17+$0x0];
	[tilespmem:s18+$0xE0] =	vst v1  }
0x65d: {  	v1 =	vadd.f32 v5, v8;
	v5 =	vmax.f32 v6, $0.0e+00;
	v6 =	vld [tilespmem:s19+$0xF0]  }
0x65e: {  	[tilespmem:s18+$0x50] =	vst v5;
	v5 =	vld [tilespmem:s21+$0xF0]  }
0x65f: {  	s22 =	sadd.s32 $0x4, s22;
	s18 =	sadd.s32 $0x200, s18;
	v8 =	vld [tilespmem:s20+$0x0];
	v1 =	vmax.f32 v1, $0.0e+00  }
0x660: {  	p0 =	slt.u32 s22, $0x3C;
	v9 =	vld [tilespmem:s17+$0xFFFFFF00];
	v3 =	vadd.f32 v3, v4;
	[tilespmem:s18+$0x80] =	vst v1  }
0x661: {  	v1 =	vld [tilespmem:s17+$0x90]  }
0x662: {  	v3 =	vmax.f32 v3, $0.0e+00;
	v4 =	vld [tilespmem:s20+$0x90]  }
0x663: {  	[tilespmem:s18+$0xFFFFFF80] =	vst v3;
	v3 =	vld [tilespmem:s19+$0xFFFFFF60];
	v5 =	vadd.f32 v5, v6  }
0x664: {  	v6 =	vld [tilespmem:s17+$0xFFFFFF90];
	v7 =	vadd.f32 v8, v7  }
0x665: {  	v2 =	vadd.f32 v2, v9;
	v8 =	vld [tilespmem:s20+$0xFFFFFF90];
	v5 =	vmax.f32 v5, $0.0e+00  }
0x666: {  	v7 =	vmax.f32 v7, $0.0e+00;
	v9 =	vld [tilespmem:s21+$0xFFFFFF60];
	[tilespmem:s10+$0xF0] =	vst v5  }
0x667: {  	v2 =	vmax.f32 v2, $0.0e+00;
	[tilespmem:s18+$0x0] =	vst v7;
	v1 =	vadd.f32 v4, v1;
	v4 =	vld [tilespmem:s19+$0xFFFFFFE0]  }
0x668: {  	[tilespmem:s18+$0xFFFFFF00] =	vst v2;
	v2 =	vld [tilespmem:s17+$0x10]  }
0x669: {  	v5 =	vld [tilespmem:s17+$0xFFFFFF10];
	v1 =	vmax.f32 v1, $0.0e+00  }
0x66a: {  	v7 =	vld [tilespmem:s20+$0xFFFFFF10];
	v6 =	vadd.f32 v8, v6;
	[tilespmem:s18+$0x90] =	vst v1  }
0x66b: {  	v1 =	vld [tilespmem:s17+$0xA0];
	v3 =	vadd.f32 v9, v3  }
0x66c: {  	v6 =	vmax.f32 v6, $0.0e+00;
	v8 =	vld [tilespmem:s20+$0xA0]  }
0x66d: {  	[tilespmem:s18+$0xFFFFFF90] =	vst v6;
	v6 =	vld [tilespmem:s20+$0x10];
	v3 =	vmax.f32 v3, $0.0e+00  }
0x66e: {  	v9 =	vld [tilespmem:s17+$0xFFFFFFA0];
	[tilespmem:s10+$0xFFFFFF60] =	vst v3  }
0x66f: {  	v3 =	vadd.f32 v7, v5;
	v5 =	vld [tilespmem:s20+$0xFFFFFFA0]  }
0x670: {  	v7 =	vld [tilespmem:s21+$0xFFFFFFE0]  }
0x671: {  	v3 =	vmax.f32 v3, $0.0e+00;
	v1 =	vadd.f32 v8, v1;
	v8 =	vld [tilespmem:s19+$0x60]  }
0x672: {  	[tilespmem:s18+$0xFFFFFF10] =	vst v3;
	v2 =	vadd.f32 v6, v2;
	v3 =	vld [tilespmem:s21+$0x60]  }
0x673: {  	v6 =	vld [tilespmem:s17+$0xFFFFFF20];
	v1 =	vmax.f32 v1, $0.0e+00  }
0x674: {  	v10 =	vld [tilespmem:s20+$0xFFFFFF20];
	v5 =	vadd.f32 v5, v9;
	v2 =	vmax.f32 v2, $0.0e+00;
	[tilespmem:s18+$0xA0] =	vst v1  }
0x675: {  	[tilespmem:s18+$0x10] =	vst v2;
	v1 =	vld [tilespmem:s17+$0xB0];
	v2 =	vadd.f32 v7, v4  }
0x676: {  	v4 =	vmax.f32 v5, $0.0e+00;
	v5 =	vld [tilespmem:s20+$0xB0]  }
0x677: {  	[tilespmem:s18+$0xFFFFFFA0] =	vst v4;
	v4 =	vld [tilespmem:s17+$0x20];
	v2 =	vmax.f32 v2, $0.0e+00;
	v3 =	vadd.f32 v3, v8  }
0x678: {  	v7 =	vld [tilespmem:s20+$0x20];
	[tilespmem:s10+$0xFFFFFFE0] =	vst v2  }
0x679: {  	v2 =	vadd.f32 v10, v6;
	v6 =	vld [tilespmem:s17+$0xFFFFFFB0];
	v3 =	vmax.f32 v3, $0.0e+00  }
0x67a: {  	v8 =	vld [tilespmem:s20+$0xFFFFFFB0];
	[tilespmem:s10+$0x60] =	vst v3  }
0x67b: {  	v2 =	vmax.f32 v2, $0.0e+00;
	v1 =	vadd.f32 v5, v1;
	v3 =	vld [tilespmem:s19+$0xFFFFFF70]  }
0x67c: {  	[tilespmem:s18+$0xFFFFFF20] =	vst v2;
	v2 =	vld [tilespmem:s21+$0xFFFFFF70]  }
0x67d: {  	v5 =	vld [tilespmem:s17+$0xFFFFFF30];
	v4 =	vadd.f32 v7, v4;
	v1 =	vmax.f32 v1, $0.0e+00  }
0x67e: {  	v7 =	vld [tilespmem:s20+$0xFFFFFF30];
	[tilespmem:s18+$0xB0] =	vst v1  }
0x67f: {  	v1 =	vadd.f32 v8, v6;
	v4 =	vmax.f32 v4, $0.0e+00;
	v6 =	vld [tilespmem:s17+$0xC0]  }
0x680: {  	[tilespmem:s18+$0x20] =	vst v4;
	v4 =	vld [tilespmem:s20+$0xC0]  }
0x681: {  	v1 =	vmax.f32 v1, $0.0e+00;
	v8 =	vld [tilespmem:s17+$0x30];
	v2 =	vadd.f32 v2, v3  }
0x682: {  	[tilespmem:s18+$0xFFFFFFB0] =	vst v1;
	v1 =	vld [tilespmem:s20+$0x30]  }
0x683: {  	v3 =	vadd.f32 v7, v5;
	v5 =	vld [tilespmem:s17+$0xFFFFFFC0];
	v2 =	vmax.f32 v2, $0.0e+00  }
0x684: {  	v7 =	vld [tilespmem:s20+$0xFFFFFFC0];
	[tilespmem:s10+$0xFFFFFF70] =	vst v2  }
0x685: {  	v2 =	vmax.f32 v3, $0.0e+00;
	v3 =	vadd.f32 v4, v6;
	v4 =	vld [tilespmem:s19+$0xFFFFFFF0]  }
0x686: {  	[tilespmem:s18+$0xFFFFFF30] =	vst v2;
	v2 =	vld [tilespmem:s21+$0xFFFFFFF0]  }
0x687: {  	v6 =	vld [tilespmem:s17+$0xFFFFFF40];
	v1 =	vadd.f32 v1, v8;
	v3 =	vmax.f32 v3, $0.0e+00  }
0x688: {  	v8 =	vld [tilespmem:s20+$0xFFFFFF40];
	[tilespmem:s18+$0xC0] =	vst v3  }
0x689: {  	v3 =	vadd.f32 v7, v5;
	v1 =	vmax.f32 v1, $0.0e+00;
	v5 =	vld [tilespmem:s17+$0xD0]  }
0x68a: {  	[tilespmem:s18+$0x30] =	vst v1;
	v1 =	vld [tilespmem:s20+$0xD0]  }
0x68b: {  	v3 =	vmax.f32 v3, $0.0e+00;
	v7 =	vld [tilespmem:s17+$0x40];
	v2 =	vadd.f32 v2, v4  }
0x68c: {  	[tilespmem:s18+$0xFFFFFFC0] =	vst v3;
	v4 =	vld [tilespmem:s20+$0x40]  }
0x68d: {  	v3 =	vadd.f32 v8, v6;
	v6 =	vld [tilespmem:s17+$0xFFFFFFD0];
	v2 =	vmax.f32 v2, $0.0e+00  }
0x68e: {  	v8 =	vld [tilespmem:s20+$0xFFFFFFD0];
	[tilespmem:s10+$0xFFFFFFF0] =	vst v2  }
0x68f: {  	v2 =	vmax.f32 v3, $0.0e+00;
	v1 =	vadd.f32 v1, v5;
	v9 =	vld [tilespmem:s19+$0x70];
	s19 =	smov.u32 s17  }
0x690: {  	[tilespmem:s18+$0xFFFFFF40] =	vst v2;
	v2 =	vld [tilespmem:s21+$0x70];
	s21 =	smov.u32 s20  }
0x691: {  	v3 =	vld [tilespmem:s17+$0xFFFFFF50];
	v4 =	vadd.f32 v4, v7;
	v1 =	vmax.f32 v1, $0.0e+00  }
.Ltmp8:
0x692: {  	v5 =	vld [tilespmem:s20+$0xFFFFFF50];
	[tilespmem:s18+$0xD0] =	vst v1;
	(pc) =	sbr.rel @p0 .LBB2_18-.Ltmp8, $4  }
0x693: {  	v6 =	vadd.f32 v8, v6;
	v4 =	vmax.f32 v4, $0.0e+00;
	v1 =	vld [tilespmem:s17+$0xE0]  }
0x694: {  	[tilespmem:s18+$0x40] =	vst v4;
	v4 =	vld [tilespmem:s20+$0xE0]  }
0x695: {  	v7 =	vmax.f32 v6, $0.0e+00;
	v6 =	vld [tilespmem:s17+$0x50];
	v2 =	vadd.f32 v2, v9  }
0x696: {  	s17 =	sadd.s32 $0x200, s17;
	[tilespmem:s18+$0xFFFFFFD0] =	vst v7;
	v7 =	vld [tilespmem:s20+$0x50]  }
0x697: {  	_ = 	snop  }
0x698: {  	v3 =	vadd.f32 v5, v3;
	_ =	sdelay $0x1  }
0x699: {  	v3 =	vmax.f32 v3, $0.0e+00  }
0x69a: {  	v54 =	vld [tilespmem:s19+$0xFFFFFFE0];
	[tilespmem:s18+$0xFFFFFF50] =	vst v3;
	v3 =	vadd.f32 v7, v6  }
0x69b: {  	v52 =	vld [tilespmem:s19+$0xFFFFFF60]  }
0x69c: {  	v53 =	vld [tilespmem:s21+$0xFFFFFF60];
	v3 =	vmax.f32 v3, $0.0e+00  }
0x69d: {  	[tilespmem:s18+$0x50] =	vst v3;
	v3 =	vld [tilespmem:s21+$0xFFFFFFE0]  }
0x69e: {  	v8 =	vld [tilespmem:s19+$0x60]  }
0x69f: {  	v1 =	vadd.f32 v4, v1;
	v9 =	vld [tilespmem:s21+$0x60];
	_ =	sdelay $0x1  }
0x6a0: {  	v1 =	vmax.f32 v1, $0.0e+00;
	v55 =	vadd.f32 v53, v52  }
0x6a1: {  	[tilespmem:s18+$0xE0] =	vst v1  }
0x6a2: {  	v57 =	vld [tilespmem:s19+$0xF0];
	v1 =	vmax.f32 v55, $0.0e+00;
	v3 =	vadd.f32 v3, v54  }
0x6a3: {  	v59 =	vld [tilespmem:s21+$0xF0];
	[tilespmem:s18+$0xFFFFFF60] =	vst v1;
	v56 =	vadd.f32 v9, v8  }
0x6a4: {  	v60 =	vld [tilespmem:s21+$0xFFFFFF70];
	v1 =	vmax.f32 v3, $0.0e+00  }
0x6a5: {  	v3 =	vld [tilespmem:s19+$0xFFFFFF70];
	[tilespmem:s18+$0xFFFFFFE0] =	vst v1;
	v1 =	vmax.f32 v56, $0.0e+00  }
0x6a6: {  	[tilespmem:s18+$0x60] =	vst v1;
	v1 =	vld [tilespmem:s19+$0xFFFFFFF0]  }
0x6a7: {  	v61 =	vld [tilespmem:s21+$0xFFFFFFF0]  }
0x6a8: {  	v58 =	vld [tilespmem:s19+$0x70]  }
0x6a9: {  	v62 =	vld [tilespmem:s21+$0x70];
	_ =	sdelay $0x1  }
0x6aa: {  	v5 =	vadd.f32 v59, v57  }
0x6ab: {  	v2 =	vmax.f32 v2, $0.0e+00;
	v3 =	vadd.f32 v60, v3  }
0x6ac: {  	[tilespmem:s10+$0x70] =	vst v2;
	v2 =	vmax.f32 v5, $0.0e+00;
	v1 =	vadd.f32 v61, v1  }
0x6ad: {  	[tilespmem:s18+$0xF0] =	vst v2;
	v2 =	vmax.f32 v3, $0.0e+00;
	v3 =	vadd.f32 v62, v58  }
0x6ae: {  	[tilespmem:s18+$0xFFFFFF70] =	vst v2;
	v1 =	vmax.f32 v1, $0.0e+00  }
0x6af: {  	[tilespmem:s18+$0xFFFFFFF0] =	vst v1;
	v1 =	vmax.f32 v3, $0.0e+00  }
0x6b0: {  	[tilespmem:s18+$0x70] =	vst v1;
	s18 =	simm.s32 $0x80  }
0x6b1: {  	[spmem:s2] =	stream.indirect.scatter.add.f32 [tilespmem:s5], [sflag:$0x3], $0x80, s18, s8, $0xb8;
	v63 =	vld [tilespmem:$0x0]  }
0x6b2: {  	_ =	swait.ge [sflag:s3], $0x2000  }
0x6b3: {  	[sflag:s3] =	ssyncset.done $0x0  }
0x6b4: {  	[sflag:s3] =	ssyncadd.s32 $0xFFFFE000  }
0x6b5: {  	_ =	swait.ge [sflag:s1], $0x2000  }
0x6b6: {  	[sflag:s1] =	ssyncset.done $0x0  }
0x6b7: {  	[sflag:s1] =	ssyncadd.s32 $0xFFFFE000  }
0x6b8: {  	s19 =	stileid.u32;
	[bflag:$0x0] =	sbarrier.arrive $0xFFFF  }
0x6b9: {  	s10 =	sshll.u32 s19, $0x6;
	s19 =	rddreg [dreg:$0xd]  }
0x6ba: {  	s10 =	sor.u32 $0x1C06, s10;
	s20 =	rddreg [dreg:$0x3];
	s17 =	sshrl.u32 s19, $0x3  }
0x6bb: {  	[hbm:s20], [sflag:s10] =	dma.local [spmem:s17], $0x400  }
0x6bc: {  	_ =	swait.ge [sflag:s6], $0x400  }
0x6bd: {  	[sflag:s6] =	ssyncset.done $0x0;
	s20 =	rddreg [dreg:$0xe]  }
0x6be: {  	s22 =	rddreg [dreg:$0x4];
	[sflag:s6] =	ssyncadd.s32 $0xFFFFFC00;
	s21 =	sshrl.u32 s20, $0x3  }
0x6bf: {  	[hbm:s22], [sflag:s10] =	dma.local [spmem:s21], $0x400  }
0x6c0: {  	_ =	swait.ge [sflag:s6], $0x400  }
0x6c1: {  	[sflag:s6] =	ssyncset.done $0x0;
	s21 =	rddreg [dreg:$0xf]  }
0x6c2: {  	s22 =	rddreg [dreg:$0x5];
	[sflag:s6] =	ssyncadd.s32 $0xFFFFFC00;
	s18 =	sshrl.u32 s21, $0x3  }
0x6c3: {  	[hbm:s22], [sflag:s10] =	dma.local [spmem:s18], $0x400  }
0x6c4: {  	_ =	swait.ge [sflag:s6], $0x400  }
0x6c5: {  	[sflag:s6] =	ssyncset.done $0x0;
	s22 =	rddreg [dreg:$0x10]  }
0x6c6: {  	s18 =	rddreg [dreg:$0x6];
	[sflag:s6] =	ssyncadd.s32 $0xFFFFFC00;
	s17 =	sshrl.u32 s22, $0x3  }
0x6c7: {  	[hbm:s18], [sflag:s10] =	dma.local [spmem:s17], $0x400  }
0x6c8: {  	_ =	swait.ge [sflag:s6], $0x400  }
0x6c9: {  	[sflag:s6] =	ssyncset.done $0x0  }
0x6ca: {  	s17 =	sshrl.u32 s23, $0x3;
	s18 =	rddreg [dreg:$0x7];
	[sflag:s6] =	ssyncadd.s32 $0xFFFFFC00  }
0x6cb: {  	[hbm:s18], [sflag:s10] =	dma.local [spmem:s17], $0x400  }
0x6cc: {  	_ =	swait.ge [sflag:s6], $0x400  }
0x6cd: {  	[sflag:s6] =	ssyncset.done $0x0  }
0x6ce: {  	s17 =	sshrl.u32 s24, $0x3;
	s18 =	rddreg [dreg:$0x8];
	[sflag:s6] =	ssyncadd.s32 $0xFFFFFC00  }
0x6cf: {  	[hbm:s18], [sflag:s10] =	dma.local [spmem:s17], $0x400  }
0x6d0: {  	_ =	swait.ge [sflag:s6], $0x400  }
0x6d1: {  	[sflag:s6] =	ssyncset.done $0x0  }
0x6d2: {  	s17 =	sshrl.u32 s25, $0x3;
	s18 =	rddreg [dreg:$0x9];
	[sflag:s6] =	ssyncadd.s32 $0xFFFFFC00  }
0x6d3: {  	[hbm:s18], [sflag:s10] =	dma.local [spmem:s17], $0x400  }
0x6d4: {  	_ =	swait.ge [sflag:s6], $0x400  }
0x6d5: {  	[sflag:s6] =	ssyncset.done $0x0  }
0x6d6: {  	s17 =	sshrl.u32 s26, $0x3;
	s18 =	rddreg [dreg:$0xa];
	[sflag:s6] =	ssyncadd.s32 $0xFFFFFC00  }
0x6d7: {  	[hbm:s18], [sflag:s10] =	dma.local [spmem:s17], $0x400  }
0x6d8: {  	_ =	swait.ge [sflag:s6], $0x400  }
0x6d9: {  	[sflag:s6] =	ssyncset.done $0x0;
	s18 =	rddreg [dreg:$0x15]  }
0x6da: {  	[sflag:s6] =	ssyncadd.s32 $0xFFFFFC00;
	s17 =	sshrl.u32 s18, $0x3;
	s18 =	rddreg [dreg:$0xb]  }
0x6db: {  	[hbm:s18], [sflag:s10] =	dma.local [spmem:s17], $0x400  }
0x6dc: {  	_ =	swait.ge [sflag:s6], $0x400  }
0x6dd: {  	[sflag:s6] =	ssyncset.done $0x0;
	s18 =	rddreg [dreg:$0x16]  }
0x6de: {  	[sflag:s6] =	ssyncadd.s32 $0xFFFFFC00;
	s17 =	sshrl.u32 s18, $0x3;
	s18 =	rddreg [dreg:$0xc]  }
0x6df: {  	[hbm:s18], [sflag:s10] =	dma.local [spmem:s17], $0x380  }
0x6e0: {  	_ =	swait.ge [sflag:s6], $0x380  }
0x6e1: {  	s10 =	rddreg [dreg:$0x1d]  }
0x6e2: {  	s18 =	rddreg [dreg:$0x1c];
	s17 =	sadd.s32 $0x1, s10  }
0x6e3: {  	p0 =	sne.s32 s17, s18  }
.Ltmp9:
0x6e4: {  	_ = 	snop;
	(pc) =	sbr.rel @p0 .LBB2_1-.Ltmp9, $3  }
0x6e5: {  	_ =	sdelay $0x1  }
0x6e6: {  	[sflag:s6] =	ssyncset.done $0x0  }
0x6e7: {  	[sflag:s6] =	ssyncadd.s32 $0xFFFFFC80  }
0x6e8: {  	_ =	sfence.sel $0x180000  }
0x6e9: {  	[bflag:$0x0] =	sbarrier.arrive $0xFFFF  }
0x6ea: {  	_ =	strace $0x90000047  }
0x6eb: {  	s0 =	stileid.u32;
	[bflag:$0x2] =	sbarrier.arrive $0xFFFF  }
0x6ec: {  	p0 =	sne.s32 s0, $0x0;
	s0 =	rddreg [dreg:$0x2]  }
0x6ed: {  	s0 =	sadd.s32 @!p0 $0x100000, s0  }
0x6ee: {  	[sflag:s0] =	ssyncadd.tile.s32 @!p0 $0x1;
	_ =	shalt  }
.Lfunc_end2:
_tile_overlayer_lowered:
.L_overlay_start_2:
0x6ef: {  	(tag) =	ssettag $0x2  }
0x6f0: {  	s0 =	rddreg [dreg:$0x0];
	s2 =	stileid.u32  }
0x6f1: {  	s1 =	rddreg [dreg:$0x1];
	p0 =	sne.s32 s2, $0x0  }
0x6f2: {  	s3 =	rddreg [dreg:$0x2];
	[bflag:$0x3] =	sbarrier.arrive $0xFFFF;
	s2 =	simm.s32 @!p0 $0x1C06  }
0x6f3: {  	[timem:s3], [sflag:s2] =	dma.local @!p0 [hbm:s0], s1  }
0x6f4: {  	s0 =	simm.s32 @!p0 $0x6  }
0x6f5: {  	_ =	swait.ge @!p0 [sflag:s0], s1  }
0x6f6: {  	s1 =	ssub.s32 @!p0 $0x0, s1;
	[sflag:s0] =	ssyncset.done @!p0 $0x0  }
0x6f7: {  	[sflag:s0] =	ssyncadd.s32 @!p0 s1  }
0x6f8: {  	[bflag:$0x3] =	sbarrier.arrive $0xFFFF  }
0x6f9: {  	_ =	shalt  }

</sc_bundles>
